<compile_context>
chip_gen: v7x
topology: tpu7x:2x2x1
jax: 0.10.2.dev20260603
libtpu: 0.0.44.dev20260713+nightly
codegen_flags: <defaults>
</compile_context>

<pallas_src>
import functools

import jax
import jax.numpy as jnp
from jax import lax
from jax.experimental import pallas as pl
from jax.experimental.pallas import tpu as pltpu
from jax.experimental.pallas import tpu_sc as plsc

NC = 2
NS = 16
NW = NC * NS
NBUF = 4
LANES = 16
RUN_PAD = 224


def _extract(ref, j):
    vec = ref[j // LANES, :]
    lane = lax.iota(jnp.int32, LANES)
    return jnp.max(jnp.where(lane == j % LANES, vec, 0))


def _gather_body(n_per_w, bsz, table_hbm, grow_hbm, rstart_hbm, posn_hbm,
                 meta_hbm, out_hbm, grow_v, rstart_v, posn_v, meta_v,
                 buf0, buf1, buf2, buf3, g0, g1, g2, g3, s0, s1, s2, s3):
    wid = lax.axis_index("s") * NC + lax.axis_index("c")
    base = wid * n_per_w
    bufs = (buf0, buf1, buf2, buf3)
    gsems = (g0, g1, g2, g3)
    ssems = (s0, s1, s2, s3)

    def gwait(b):
        pltpu.make_async_copy(table_hbm.at[pl.ds(0, 1)], bufs[b],
                              gsems[b]).wait()

    def swait_n(b, n):
        def one(i, carry):
            pltpu.make_async_copy(table_hbm.at[pl.ds(0, 1)], bufs[b],
                                  ssems[b]).wait()
            return carry
        lax.fori_loop(0, n, one, 0)

    def gather(r, b):
        row = _extract(grow_v, r)
        pltpu.async_copy(table_hbm.at[pl.ds(row, 1)], bufs[b], gsems[b])

    pltpu.sync_copy(grow_hbm.at[wid], grow_v)
    pltpu.sync_copy(rstart_hbm.at[wid], rstart_v)
    pltpu.sync_copy(posn_hbm.at[wid], posn_v)
    pltpu.sync_copy(meta_hbm.at[wid], meta_v)
    nruns = _extract(meta_v, 0)
    nr4 = ((nruns + NBUF - 1) // NBUF) * NBUF

    for r in range(NBUF - 1):
        gather(r, r)

    def step(r, b, carry):
        cnts = list(carry)
        bf = (b + NBUF - 1) % NBUF
        swait_n(bf, cnts[bf])
        gather(r + NBUF - 1, bf)
        gwait(b)
        k0 = _extract(rstart_v, r)
        k1 = _extract(rstart_v, r + 1)

        def one(k, carry2):
            p = base + _extract(posn_v, k)
            pltpu.async_copy(bufs[b],
                             out_hbm.at[p // bsz, pl.ds(p % bsz, 1)],
                             ssems[b])
            return carry2
        lax.fori_loop(k0, k1, one, 0)

        cnts[bf] = 0
        cnts[b] = k1 - k0
        return tuple(cnts)

    def ring_body(rp, carry):
        for b in range(NBUF):
            carry = step(rp + b, b, carry)
        return carry

    carry_out = pl.loop(0, nr4, step=NBUF,
                        init_carry=(jnp.int32(0),) * NBUF)(ring_body)

    for b in range(NBUF - 1):
        gwait(b)
    for b in range(NBUF):
        swait_n(b, carry_out[b])


def kernel(prefix, embedding_table):
    bsz, toks = prefix.shape
    vocab, dim = embedding_table.shape
    n_lookups = bsz * toks
    n_per_w = n_lookups // NW

    seg = jnp.asarray(prefix, jnp.int32).T.reshape(NW, n_per_w)
    offs = (jnp.arange(NW, dtype=jnp.int32) * vocab) // NW
    key = (seg - offs[:, None]) % vocab
    karange = jnp.arange(n_per_w, dtype=jnp.int32)
    spack = jnp.sort(key * 256 + karange[None, :], axis=1)
    keys_sorted = spack // 256
    order = spack % 256
    srt = (keys_sorted + offs[:, None]) % vocab
    first = jnp.concatenate(
        [jnp.ones((NW, 1), bool),
         keys_sorted[:, 1:] != keys_sorted[:, :-1]], axis=1)
    rid = jnp.cumsum(first, axis=1).astype(jnp.int32) - 1
    nruns = rid[:, -1] + 1

    rec = jnp.where(first, (rid << 16) | (srt << 8) | karange[None, :],
                    jnp.int32(1) << 30)
    srec = jnp.sort(rec, axis=1)
    pad_cols = RUN_PAD - n_per_w
    grow = jnp.concatenate(
        [(srec >> 8) & 255, jnp.zeros((NW, pad_cols), jnp.int32)], axis=1)
    rstart = jnp.concatenate(
        [srec & 255, jnp.full((NW, pad_cols), n_per_w, jnp.int32)], axis=1)
    run_valid = jnp.arange(RUN_PAD)[None, :] < nruns[:, None]
    grow = jnp.where(run_valid, grow, srt[:, -1:])
    rstart = jnp.where(run_valid, rstart, n_per_w)

    n_pos = ((n_per_w + LANES - 1) // LANES) * LANES
    posn = jnp.zeros((NW, n_pos), jnp.int32).at[:, :n_per_w].set(order)
    grow = grow.reshape(NW, RUN_PAD // LANES, LANES)
    rstart = rstart.reshape(NW, RUN_PAD // LANES, LANES)
    posn = posn.reshape(NW, n_pos // LANES, LANES)
    meta = jnp.zeros((NW, LANES), jnp.int32).at[:, 0].set(nruns)
    meta = meta.reshape(NW, 1, LANES)

    mesh = plsc.VectorSubcoreMesh(core_axis_name="c", subcore_axis_name="s")
    sc_gather = pl.kernel(
        functools.partial(_gather_body, n_per_w, bsz),
        out_type=jax.ShapeDtypeStruct((toks, bsz, dim), jnp.float32),
        mesh=mesh,
        compiler_params=pltpu.CompilerParams(use_tc_tiling_on_sc=True,
                                             needs_layout_passes=False),
        scratch_types=(
            [pltpu.VMEM((RUN_PAD // LANES, LANES), jnp.int32),
             pltpu.VMEM((RUN_PAD // LANES, LANES), jnp.int32),
             pltpu.VMEM((n_pos // LANES, LANES), jnp.int32),
             pltpu.VMEM((1, LANES), jnp.int32)]
            + [pltpu.VMEM((1, dim), jnp.float32) for _ in range(NBUF)]
            + [pltpu.SemaphoreType.DMA for _ in range(2 * NBUF)]
        ),
    )
    out = sc_gather(embedding_table, grow, rstart, posn, meta)
    return jnp.swapaxes(out, 0, 1)

# --- scband reference (transcript-rebuilt; emitter-appended) ---
"""Pipeline reference for scband-prefix-encoder-84782654423643 (READ-ONLY COPY).

The authoritative reference and input builder live on the scoring server;
editing this copy changes nothing except your own understanding.
"""

import jax, jax.numpy as jnp
import numpy as np

N_LAYER = 12
N_EMBD = 768
VIRTUAL_TOKENS = 100
ROW_DIM = N_LAYER * 3 * N_EMBD  # 27648


def setup_inputs(seed: int = 0) -> dict:
    key = jax.random.key(seed)
    k1, k2 = jax.random.split(key)
    prefix = jax.random.randint(k1, (64, VIRTUAL_TOKENS), 0, VIRTUAL_TOKENS, dtype=jnp.int64 if jax.config.jax_enable_x64 else jnp.int32)
    embedding_table = jax.random.normal(k2, (VIRTUAL_TOKENS, ROW_DIM), dtype=jnp.float32)
    return {"prefix": prefix, "embedding_table": embedding_table}


def reference(prefix, embedding_table):
    # PrefixEncoder.forward with prefix_projection=False: plain embedding lookup
    prefix_token = jnp.take(embedding_table, prefix, axis=0)
    return prefix_token

if __name__ == "__main__":
    import jax
    _d = setup_inputs()
    print(jax.jit(kernel)(*tuple(_d.values())))

</pallas_src>

<mosaic_0001>
#map = affine_map<(d0, d1) -> (0, 0)>
#map1 = affine_map<(d0, d1) -> (0, 0, 0)>
module attributes {stable_mosaic.version = 14 : i64} {
  func.func @_gather_body(%arg0: i32, %arg1: i32, %arg2: memref<100x27648xf32, #tpu.memory_space<hbm>>, %arg3: memref<32x14x16xi32, #tpu.memory_space<hbm>>, %arg4: memref<32x14x16xi32, #tpu.memory_space<hbm>>, %arg5: memref<32x13x16xi32, #tpu.memory_space<hbm>>, %arg6: memref<32x1x16xi32, #tpu.memory_space<hbm>>, %arg7: memref<100x64x27648xf32, #tpu.memory_space<hbm>>, %arg8: memref<14x16xi32, #tpu.memory_space<vmem>>, %arg9: memref<14x16xi32, #tpu.memory_space<vmem>>, %arg10: memref<13x16xi32, #tpu.memory_space<vmem>>, %arg11: memref<1x16xi32, #tpu.memory_space<vmem>>, %arg12: memref<1x27648xf32, #tpu.memory_space<vmem>>, %arg13: memref<1x27648xf32, #tpu.memory_space<vmem>>, %arg14: memref<1x27648xf32, #tpu.memory_space<vmem>>, %arg15: memref<1x27648xf32, #tpu.memory_space<vmem>>, %arg16: memref<!tpu.dma_semaphore, #tpu.memory_space<semaphore_mem>>, %arg17: memref<!tpu.dma_semaphore, #tpu.memory_space<semaphore_mem>>, %arg18: memref<!tpu.dma_semaphore, #tpu.memory_space<semaphore_mem>>, %arg19: memref<!tpu.dma_semaphore, #tpu.memory_space<semaphore_mem>>, %arg20: memref<!tpu.dma_semaphore, #tpu.memory_space<semaphore_mem>>, %arg21: memref<!tpu.dma_semaphore, #tpu.memory_space<semaphore_mem>>, %arg22: memref<!tpu.dma_semaphore, #tpu.memory_space<semaphore_mem>>, %arg23: memref<!tpu.dma_semaphore, #tpu.memory_space<semaphore_mem>>) attributes {dimension_semantics = [#tpu.dimension_semantics<core_parallel>, #tpu.dimension_semantics<subcore_parallel>], iteration_bounds = array<i64: 2, 16>, scalar_prefetch = 0 : i64, scratch_operands = 16 : i64, tpu.core_type = #tpu.core_type<sc_vector_subcore>, window_params = [{transform_indices = #map}, {transform_indices = #map1}, {transform_indices = #map1}, {transform_indices = #map1}, {transform_indices = #map1}, {transform_indices = #map1}]} {
    %mul3A = arith.constant 2 : i32
    %mul3A_0 = arith.muli %arg1, %mul3A : i32
    %add3A = arith.addi %mul3A_0, %arg0 : i32
    %mul3A_1 = arith.constant 200 : i32
    %mul3A_2 = arith.muli %add3A, %mul3A_1 : i32
    "tpu.region"() ({
      %run_scoped3A = tpu.sem_alloc : memref<!tpu.dma_semaphore, #tpu.memory_space<semaphore_mem>>
      %dma_start3A_188 = arith.constant 0 : i32
      %dma_start3A_189 = arith.constant 0 : i32
      %dma_start3A_190 = tpu.memref_slice %arg3[%add3A, %dma_start3A_188, %dma_start3A_189] : memref<32x14x16xi32, #tpu.memory_space<hbm>> -> memref<1x14x16xi32, #tpu.memory_space<hbm>>
      %dma_start3A_191 = tpu.memref_squeeze %dma_start3A_190 : memref<1x14x16xi32, #tpu.memory_space<hbm>> -> memref<14x16xi32, #tpu.memory_space<hbm>>
      %dma_start3A_192 = arith.constant 0 : i32
      %dma_start3A_193 = arith.constant 0 : i32
      %dma_start3A_194 = tpu.memref_slice %arg3[%add3A, %dma_start3A_192, %dma_start3A_193] : memref<32x14x16xi32, #tpu.memory_space<hbm>> -> memref<1x14x16xi32, #tpu.memory_space<hbm>>
      %dma_start3A_195 = tpu.memref_squeeze %dma_start3A_194 : memref<1x14x16xi32, #tpu.memory_space<hbm>> -> memref<14x16xi32, #tpu.memory_space<hbm>>
      tpu.enqueue_dma source(%dma_start3A_195 : memref<14x16xi32, #tpu.memory_space<hbm>>) target(%arg8 : memref<14x16xi32, #tpu.memory_space<vmem>>) target_semaphore(%run_scoped3A : memref<!tpu.dma_semaphore, #tpu.memory_space<semaphore_mem>>)
      %dma_wait3A_196 = arith.constant 0 : i32
      %dma_wait3A_197 = arith.constant 0 : i32
      %dma_wait3A_198 = tpu.memref_slice %arg3[%add3A, %dma_wait3A_196, %dma_wait3A_197] : memref<32x14x16xi32, #tpu.memory_space<hbm>> -> memref<1x14x16xi32, #tpu.memory_space<hbm>>
      %dma_wait3A_199 = tpu.memref_squeeze %dma_wait3A_198 : memref<1x14x16xi32, #tpu.memory_space<hbm>> -> memref<14x16xi32, #tpu.memory_space<hbm>>
      %dma_wait3A_200 = arith.constant 0 : i32
      %dma_wait3A_201 = arith.constant 0 : i32
      %dma_wait3A_202 = tpu.memref_slice %arg3[%add3A, %dma_wait3A_200, %dma_wait3A_201] : memref<32x14x16xi32, #tpu.memory_space<hbm>> -> memref<1x14x16xi32, #tpu.memory_space<hbm>>
      %dma_wait3A_203 = tpu.memref_squeeze %dma_wait3A_202 : memref<1x14x16xi32, #tpu.memory_space<hbm>> -> memref<14x16xi32, #tpu.memory_space<hbm>>
      tpu.wait_dma2 semaphore(%run_scoped3A : memref<!tpu.dma_semaphore, #tpu.memory_space<semaphore_mem>>) src(%dma_wait3A_203 : memref<14x16xi32, #tpu.memory_space<hbm>>) dst(%arg8 : memref<14x16xi32, #tpu.memory_space<vmem>>)
      tpu.yield
    }) : () -> ()
    "tpu.region"() ({
      %run_scoped3A = tpu.sem_alloc : memref<!tpu.dma_semaphore, #tpu.memory_space<semaphore_mem>>
      %dma_start3A_188 = arith.constant 0 : i32
      %dma_start3A_189 = arith.constant 0 : i32
      %dma_start3A_190 = tpu.memref_slice %arg4[%add3A, %dma_start3A_188, %dma_start3A_189] : memref<32x14x16xi32, #tpu.memory_space<hbm>> -> memref<1x14x16xi32, #tpu.memory_space<hbm>>
      %dma_start3A_191 = tpu.memref_squeeze %dma_start3A_190 : memref<1x14x16xi32, #tpu.memory_space<hbm>> -> memref<14x16xi32, #tpu.memory_space<hbm>>
      %dma_start3A_192 = arith.constant 0 : i32
      %dma_start3A_193 = arith.constant 0 : i32
      %dma_start3A_194 = tpu.memref_slice %arg4[%add3A, %dma_start3A_192, %dma_start3A_193] : memref<32x14x16xi32, #tpu.memory_space<hbm>> -> memref<1x14x16xi32, #tpu.memory_space<hbm>>
      %dma_start3A_195 = tpu.memref_squeeze %dma_start3A_194 : memref<1x14x16xi32, #tpu.memory_space<hbm>> -> memref<14x16xi32, #tpu.memory_space<hbm>>
      tpu.enqueue_dma source(%dma_start3A_195 : memref<14x16xi32, #tpu.memory_space<hbm>>) target(%arg9 : memref<14x16xi32, #tpu.memory_space<vmem>>) target_semaphore(%run_scoped3A : memref<!tpu.dma_semaphore, #tpu.memory_space<semaphore_mem>>)
      %dma_wait3A_196 = arith.constant 0 : i32
      %dma_wait3A_197 = arith.constant 0 : i32
      %dma_wait3A_198 = tpu.memref_slice %arg4[%add3A, %dma_wait3A_196, %dma_wait3A_197] : memref<32x14x16xi32, #tpu.memory_space<hbm>> -> memref<1x14x16xi32, #tpu.memory_space<hbm>>
      %dma_wait3A_199 = tpu.memref_squeeze %dma_wait3A_198 : memref<1x14x16xi32, #tpu.memory_space<hbm>> -> memref<14x16xi32, #tpu.memory_space<hbm>>
      %dma_wait3A_200 = arith.constant 0 : i32
      %dma_wait3A_201 = arith.constant 0 : i32
      %dma_wait3A_202 = tpu.memref_slice %arg4[%add3A, %dma_wait3A_200, %dma_wait3A_201] : memref<32x14x16xi32, #tpu.memory_space<hbm>> -> memref<1x14x16xi32, #tpu.memory_space<hbm>>
      %dma_wait3A_203 = tpu.memref_squeeze %dma_wait3A_202 : memref<1x14x16xi32, #tpu.memory_space<hbm>> -> memref<14x16xi32, #tpu.memory_space<hbm>>
      tpu.wait_dma2 semaphore(%run_scoped3A : memref<!tpu.dma_semaphore, #tpu.memory_space<semaphore_mem>>) src(%dma_wait3A_203 : memref<14x16xi32, #tpu.memory_space<hbm>>) dst(%arg9 : memref<14x16xi32, #tpu.memory_space<vmem>>)
      tpu.yield
    }) : () -> ()
    "tpu.region"() ({
      %run_scoped3A = tpu.sem_alloc : memref<!tpu.dma_semaphore, #tpu.memory_space<semaphore_mem>>
      %dma_start3A_188 = arith.constant 0 : i32
      %dma_start3A_189 = arith.constant 0 : i32
      %dma_start3A_190 = tpu.memref_slice %arg5[%add3A, %dma_start3A_188, %dma_start3A_189] : memref<32x13x16xi32, #tpu.memory_space<hbm>> -> memref<1x13x16xi32, #tpu.memory_space<hbm>>
      %dma_start3A_191 = tpu.memref_squeeze %dma_start3A_190 : memref<1x13x16xi32, #tpu.memory_space<hbm>> -> memref<13x16xi32, #tpu.memory_space<hbm>>
      %dma_start3A_192 = arith.constant 0 : i32
      %dma_start3A_193 = arith.constant 0 : i32
      %dma_start3A_194 = tpu.memref_slice %arg5[%add3A, %dma_start3A_192, %dma_start3A_193] : memref<32x13x16xi32, #tpu.memory_space<hbm>> -> memref<1x13x16xi32, #tpu.memory_space<hbm>>
      %dma_start3A_195 = tpu.memref_squeeze %dma_start3A_194 : memref<1x13x16xi32, #tpu.memory_space<hbm>> -> memref<13x16xi32, #tpu.memory_space<hbm>>
      tpu.enqueue_dma source(%dma_start3A_195 : memref<13x16xi32, #tpu.memory_space<hbm>>) target(%arg10 : memref<13x16xi32, #tpu.memory_space<vmem>>) target_semaphore(%run_scoped3A : memref<!tpu.dma_semaphore, #tpu.memory_space<semaphore_mem>>)
      %dma_wait3A_196 = arith.constant 0 : i32
      %dma_wait3A_197 = arith.constant 0 : i32
      %dma_wait3A_198 = tpu.memref_slice %arg5[%add3A, %dma_wait3A_196, %dma_wait3A_197] : memref<32x13x16xi32, #tpu.memory_space<hbm>> -> memref<1x13x16xi32, #tpu.memory_space<hbm>>
      %dma_wait3A_199 = tpu.memref_squeeze %dma_wait3A_198 : memref<1x13x16xi32, #tpu.memory_space<hbm>> -> memref<13x16xi32, #tpu.memory_space<hbm>>
      %dma_wait3A_200 = arith.constant 0 : i32
      %dma_wait3A_201 = arith.constant 0 : i32
      %dma_wait3A_202 = tpu.memref_slice %arg5[%add3A, %dma_wait3A_200, %dma_wait3A_201] : memref<32x13x16xi32, #tpu.memory_space<hbm>> -> memref<1x13x16xi32, #tpu.memory_space<hbm>>
      %dma_wait3A_203 = tpu.memref_squeeze %dma_wait3A_202 : memref<1x13x16xi32, #tpu.memory_space<hbm>> -> memref<13x16xi32, #tpu.memory_space<hbm>>
      tpu.wait_dma2 semaphore(%run_scoped3A : memref<!tpu.dma_semaphore, #tpu.memory_space<semaphore_mem>>) src(%dma_wait3A_203 : memref<13x16xi32, #tpu.memory_space<hbm>>) dst(%arg10 : memref<13x16xi32, #tpu.memory_space<vmem>>)
      tpu.yield
    }) : () -> ()
    "tpu.region"() ({
      %run_scoped3A = tpu.sem_alloc : memref<!tpu.dma_semaphore, #tpu.memory_space<semaphore_mem>>
      %dma_start3A_188 = arith.constant 0 : i32
      %dma_start3A_189 = arith.constant 0 : i32
      %dma_start3A_190 = tpu.memref_slice %arg6[%add3A, %dma_start3A_188, %dma_start3A_189] : memref<32x1x16xi32, #tpu.memory_space<hbm>> -> memref<1x1x16xi32, #tpu.memory_space<hbm>>
      %dma_start3A_191 = tpu.memref_squeeze %dma_start3A_190 : memref<1x1x16xi32, #tpu.memory_space<hbm>> -> memref<1x16xi32, #tpu.memory_space<hbm>>
      %dma_start3A_192 = arith.constant 0 : i32
      %dma_start3A_193 = arith.constant 0 : i32
      %dma_start3A_194 = tpu.memref_slice %arg6[%add3A, %dma_start3A_192, %dma_start3A_193] : memref<32x1x16xi32, #tpu.memory_space<hbm>> -> memref<1x1x16xi32, #tpu.memory_space<hbm>>
      %dma_start3A_195 = tpu.memref_squeeze %dma_start3A_194 : memref<1x1x16xi32, #tpu.memory_space<hbm>> -> memref<1x16xi32, #tpu.memory_space<hbm>>
      tpu.enqueue_dma source(%dma_start3A_195 : memref<1x16xi32, #tpu.memory_space<hbm>>) target(%arg11 : memref<1x16xi32, #tpu.memory_space<vmem>>) target_semaphore(%run_scoped3A : memref<!tpu.dma_semaphore, #tpu.memory_space<semaphore_mem>>)
      %dma_wait3A_196 = arith.constant 0 : i32
      %dma_wait3A_197 = arith.constant 0 : i32
      %dma_wait3A_198 = tpu.memref_slice %arg6[%add3A, %dma_wait3A_196, %dma_wait3A_197] : memref<32x1x16xi32, #tpu.memory_space<hbm>> -> memref<1x1x16xi32, #tpu.memory_space<hbm>>
      %dma_wait3A_199 = tpu.memref_squeeze %dma_wait3A_198 : memref<1x1x16xi32, #tpu.memory_space<hbm>> -> memref<1x16xi32, #tpu.memory_space<hbm>>
      %dma_wait3A_200 = arith.constant 0 : i32
      %dma_wait3A_201 = arith.constant 0 : i32
      %dma_wait3A_202 = tpu.memref_slice %arg6[%add3A, %dma_wait3A_200, %dma_wait3A_201] : memref<32x1x16xi32, #tpu.memory_space<hbm>> -> memref<1x1x16xi32, #tpu.memory_space<hbm>>
      %dma_wait3A_203 = tpu.memref_squeeze %dma_wait3A_202 : memref<1x1x16xi32, #tpu.memory_space<hbm>> -> memref<1x16xi32, #tpu.memory_space<hbm>>
      tpu.wait_dma2 semaphore(%run_scoped3A : memref<!tpu.dma_semaphore, #tpu.memory_space<semaphore_mem>>) src(%dma_wait3A_203 : memref<1x16xi32, #tpu.memory_space<hbm>>) dst(%arg11 : memref<1x16xi32, #tpu.memory_space<vmem>>)
      tpu.yield
    }) : () -> ()
    %get3A = arith.constant 0 : i32
    %get3A_3 = arith.index_cast %get3A : i32 to index
    %get3A_4 = arith.constant 0 : index
    %get3A_5 = tpu.vector_load %arg11[%get3A_3, %get3A_4] {strides = array<i32>} : memref<1x16xi32, #tpu.memory_space<vmem>>, vector<16xi32>,
    %iota3A = tpu.iota {dimensions = array<i32: 0>} : vector<16xi32>
    %eq3A = arith.constant 0 : i32
    %eq3A_6 = vector.broadcast %eq3A : i32 to vector<16xi32>
    %eq3A_7 = arith.cmpi eq, %iota3A, %eq3A_6 : vector<16xi32>
    %jit3A = arith.constant 0 : i32
    %broadcast_in_dim3A = vector.broadcast %jit3A : i32 to vector<16xi32>
    %select_n3A = arith.select %eq3A_7, %get3A_5, %broadcast_in_dim3A : vector<16xi1>, vector<16xi32>
    %reduce_max3A = arith.constant true
    %reduce_max3A_8 = vector.broadcast %reduce_max3A : i1 to vector<16xi1>
    %reduce_max3A_9 = arith.constant -2147483648 : i32
    %reduce_max3A_10 = vector.broadcast %reduce_max3A_9 : i32 to vector<16xi32>
    %reduce_max3A_11 = arith.xori %select_n3A, %reduce_max3A_10 : vector<16xi32>
    %reduce_max3A_12 = tpu.scan <max>, %reduce_max3A_11 masked %reduce_max3A_8 : vector<16xi32>, vector<16xi1> -> vector<16xi32>
    %reduce_max3A_13 = arith.xori %reduce_max3A_12, %reduce_max3A_10 : vector<16xi32>
    %reduce_max3A_14 = vector.extract %reduce_max3A_13[15] : i32 from vector<16xi32>
    %add3A_15 = arith.constant 4 : i32
    %add3A_16 = arith.addi %reduce_max3A_14, %add3A_15 : i32
    %sub3A = arith.constant 1 : i32
    %sub3A_17 = arith.subi %add3A_16, %sub3A : i32
    %jit3A_18 = arith.constant 4 : i32
    %div3A = arith.divsi %sub3A_17, %jit3A_18 : i32
    %sign3A = arith.constant 0 : i32
    %sign3A_19 = arith.cmpi sgt, %sub3A_17, %sign3A : i32
    %sign3A_20 = arith.extui %sign3A_19 : i1 to i32
    %sign3A_21 = arith.constant 0 : i32
    %sign3A_22 = arith.cmpi slt, %sub3A_17, %sign3A_21 : i32
    %sign3A_23 = arith.extui %sign3A_22 : i1 to i32
    %sign3A_24 = arith.subi %sign3A_20, %sign3A_23 : i32
    %sign3A_25 = arith.constant 0 : i32
    %sign3A_26 = arith.cmpi sgt, %jit3A_18, %sign3A_25 : i32
    %sign3A_27 = arith.extui %sign3A_26 : i1 to i32
    %sign3A_28 = arith.constant 0 : i32
    %sign3A_29 = arith.cmpi slt, %jit3A_18, %sign3A_28 : i32
    %sign3A_30 = arith.extui %sign3A_29 : i1 to i32
    %sign3A_31 = arith.subi %sign3A_27, %sign3A_30 : i32
    %ne3A = arith.cmpi ne, %sign3A_24, %sign3A_31 : i32
    %rem3A = arith.remsi %sub3A_17, %jit3A_18 : i32
    %ne3A_32 = arith.constant 0 : i32
    %ne3A_33 = arith.cmpi ne, %rem3A, %ne3A_32 : i32
    %and3A = arith.andi %ne3A, %ne3A_33 : i1
    %sub3A_34 = arith.constant 1 : i32
    %sub3A_35 = arith.subi %div3A, %sub3A_34 : i32
    %select_n3A_36 = arith.select %and3A, %sub3A_35, %div3A : i32
    %mul3A_37 = arith.constant 4 : i32
    %mul3A_38 = arith.muli %select_n3A_36, %mul3A_37 : i32
    %get3A_39 = arith.constant 0 : i32
    %get3A_40 = arith.index_cast %get3A_39 : i32 to index
    %get3A_41 = arith.constant 0 : index
    %get3A_42 = tpu.vector_load %arg8[%get3A_40, %get3A_41] {strides = array<i32>} : memref<14x16xi32, #tpu.memory_space<vmem>>, vector<16xi32>,
    %iota3A_43 = tpu.iota {dimensions = array<i32: 0>} : vector<16xi32>
    %eq3A_44 = arith.constant 0 : i32
    %eq3A_45 = vector.broadcast %eq3A_44 : i32 to vector<16xi32>
    %eq3A_46 = arith.cmpi eq, %iota3A_43, %eq3A_45 : vector<16xi32>
    %jit3A_47 = arith.constant 0 : i32
    %broadcast_in_dim3A_48 = vector.broadcast %jit3A_47 : i32 to vector<16xi32>
    %select_n3A_49 = arith.select %eq3A_46, %get3A_42, %broadcast_in_dim3A_48 : vector<16xi1>, vector<16xi32>
    %reduce_max3A_50 = arith.constant true
    %reduce_max3A_51 = vector.broadcast %reduce_max3A_50 : i1 to vector<16xi1>
    %reduce_max3A_52 = arith.constant -2147483648 : i32
    %reduce_max3A_53 = vector.broadcast %reduce_max3A_52 : i32 to vector<16xi32>
    %reduce_max3A_54 = arith.xori %select_n3A_49, %reduce_max3A_53 : vector<16xi32>
    %reduce_max3A_55 = tpu.scan <max>, %reduce_max3A_54 masked %reduce_max3A_51 : vector<16xi32>, vector<16xi1> -> vector<16xi32>
    %reduce_max3A_56 = arith.xori %reduce_max3A_55, %reduce_max3A_53 : vector<16xi32>
    %reduce_max3A_57 = vector.extract %reduce_max3A_56[15] : i32 from vector<16xi32>
    %dma_start3A = arith.constant 0 : i32
    %dma_start3A_58 = tpu.memref_slice %arg2[%reduce_max3A_57, %dma_start3A] : memref<100x27648xf32, #tpu.memory_space<hbm>> -> memref<1x27648xf32, #tpu.memory_space<hbm>>
    %dma_start3A_59 = arith.constant 0 : i32
    %dma_start3A_60 = tpu.memref_slice %arg2[%reduce_max3A_57, %dma_start3A_59] : memref<100x27648xf32, #tpu.memory_space<hbm>> -> memref<1x27648xf32, #tpu.memory_space<hbm>>
    tpu.enqueue_dma source(%dma_start3A_60 : memref<1x27648xf32, #tpu.memory_space<hbm>>) target(%arg12 : memref<1x27648xf32, #tpu.memory_space<vmem>>) target_semaphore(%arg16 : memref<!tpu.dma_semaphore, #tpu.memory_space<semaphore_mem>>)
    %get3A_61 = arith.constant 0 : i32
    %get3A_62 = arith.index_cast %get3A_61 : i32 to index
    %get3A_63 = arith.constant 0 : index
    %get3A_64 = tpu.vector_load %arg8[%get3A_62, %get3A_63] {strides = array<i32>} : memref<14x16xi32, #tpu.memory_space<vmem>>, vector<16xi32>,
    %iota3A_65 = tpu.iota {dimensions = array<i32: 0>} : vector<16xi32>
    %eq3A_66 = arith.constant 1 : i32
    %eq3A_67 = vector.broadcast %eq3A_66 : i32 to vector<16xi32>
    %eq3A_68 = arith.cmpi eq, %iota3A_65, %eq3A_67 : vector<16xi32>
    %jit3A_69 = arith.constant 0 : i32
    %broadcast_in_dim3A_70 = vector.broadcast %jit3A_69 : i32 to vector<16xi32>
    %select_n3A_71 = arith.select %eq3A_68, %get3A_64, %broadcast_in_dim3A_70 : vector<16xi1>, vector<16xi32>
    %reduce_max3A_72 = arith.constant true
    %reduce_max3A_73 = vector.broadcast %reduce_max3A_72 : i1 to vector<16xi1>
    %reduce_max3A_74 = arith.constant -2147483648 : i32
    %reduce_max3A_75 = vector.broadcast %reduce_max3A_74 : i32 to vector<16xi32>
    %reduce_max3A_76 = arith.xori %select_n3A_71, %reduce_max3A_75 : vector<16xi32>
    %reduce_max3A_77 = tpu.scan <max>, %reduce_max3A_76 masked %reduce_max3A_73 : vector<16xi32>, vector<16xi1> -> vector<16xi32>
    %reduce_max3A_78 = arith.xori %reduce_max3A_77, %reduce_max3A_75 : vector<16xi32>
    %reduce_max3A_79 = vector.extract %reduce_max3A_78[15] : i32 from vector<16xi32>
    %dma_start3A_80 = arith.constant 0 : i32
    %dma_start3A_81 = tpu.memref_slice %arg2[%reduce_max3A_79, %dma_start3A_80] : memref<100x27648xf32, #tpu.memory_space<hbm>> -> memref<1x27648xf32, #tpu.memory_space<hbm>>
    %dma_start3A_82 = arith.constant 0 : i32
    %dma_start3A_83 = tpu.memref_slice %arg2[%reduce_max3A_79, %dma_start3A_82] : memref<100x27648xf32, #tpu.memory_space<hbm>> -> memref<1x27648xf32, #tpu.memory_space<hbm>>
    tpu.enqueue_dma source(%dma_start3A_83 : memref<1x27648xf32, #tpu.memory_space<hbm>>) target(%arg13 : memref<1x27648xf32, #tpu.memory_space<vmem>>) target_semaphore(%arg17 : memref<!tpu.dma_semaphore, #tpu.memory_space<semaphore_mem>>)
    %get3A_84 = arith.constant 0 : i32
    %get3A_85 = arith.index_cast %get3A_84 : i32 to index
    %get3A_86 = arith.constant 0 : index
    %get3A_87 = tpu.vector_load %arg8[%get3A_85, %get3A_86] {strides = array<i32>} : memref<14x16xi32, #tpu.memory_space<vmem>>, vector<16xi32>,
    %iota3A_88 = tpu.iota {dimensions = array<i32: 0>} : vector<16xi32>
    %eq3A_89 = arith.constant 2 : i32
    %eq3A_90 = vector.broadcast %eq3A_89 : i32 to vector<16xi32>
    %eq3A_91 = arith.cmpi eq, %iota3A_88, %eq3A_90 : vector<16xi32>
    %jit3A_92 = arith.constant 0 : i32
    %broadcast_in_dim3A_93 = vector.broadcast %jit3A_92 : i32 to vector<16xi32>
    %select_n3A_94 = arith.select %eq3A_91, %get3A_87, %broadcast_in_dim3A_93 : vector<16xi1>, vector<16xi32>
    %reduce_max3A_95 = arith.constant true
    %reduce_max3A_96 = vector.broadcast %reduce_max3A_95 : i1 to vector<16xi1>
    %reduce_max3A_97 = arith.constant -2147483648 : i32
    %reduce_max3A_98 = vector.broadcast %reduce_max3A_97 : i32 to vector<16xi32>
    %reduce_max3A_99 = arith.xori %select_n3A_94, %reduce_max3A_98 : vector<16xi32>
    %reduce_max3A_100 = tpu.scan <max>, %reduce_max3A_99 masked %reduce_max3A_96 : vector<16xi32>, vector<16xi1> -> vector<16xi32>
    %reduce_max3A_101 = arith.xori %reduce_max3A_100, %reduce_max3A_98 : vector<16xi32>
    %reduce_max3A_102 = vector.extract %reduce_max3A_101[15] : i32 from vector<16xi32>
    %dma_start3A_103 = arith.constant 0 : i32
    %dma_start3A_104 = tpu.memref_slice %arg2[%reduce_max3A_102, %dma_start3A_103] : memref<100x27648xf32, #tpu.memory_space<hbm>> -> memref<1x27648xf32, #tpu.memory_space<hbm>>
    %dma_start3A_105 = arith.constant 0 : i32
    %dma_start3A_106 = tpu.memref_slice %arg2[%reduce_max3A_102, %dma_start3A_105] : memref<100x27648xf32, #tpu.memory_space<hbm>> -> memref<1x27648xf32, #tpu.memory_space<hbm>>
    tpu.enqueue_dma source(%dma_start3A_106 : memref<1x27648xf32, #tpu.memory_space<hbm>>) target(%arg14 : memref<1x27648xf32, #tpu.memory_space<vmem>>) target_semaphore(%arg18 : memref<!tpu.dma_semaphore, #tpu.memory_space<semaphore_mem>>)
    %sub3A_107 = arith.constant 0 : i32
    %sub3A_108 = arith.subi %mul3A_38, %sub3A_107 : i32
    %sub3A_109 = arith.constant 4 : i32
    %sub3A_110 = arith.constant 1 : i32
    %sub3A_111 = arith.subi %sub3A_109, %sub3A_110 : i32
    %add3A_112 = arith.addi %sub3A_108, %sub3A_111 : i32
    %div3A_113 = arith.constant 4 : i32
    %div3A_114 = arith.divsi %add3A_112, %div3A_113 : i32
    %while3A = arith.constant 4 : i32
    %while3A_115 = arith.constant 0 : i32
    %while3A_116 = arith.constant 0 : i32
    %while3A_117 = arith.constant 0 : i32
    %while3A_118 = arith.constant 0 : i32
    %while3A_119 = arith.constant 0 : i32
    %while3A_120 = arith.constant 0 : i32
    %while3A_121 = arith.subi %div3A_114, %while3A_116 : i32
    %while3A_122 = arith.addi %while3A_116, %while3A_121 : i32
    %while3A_123 = arith.constant 1 : i32
    %while3A_124 = arith.divsi %while3A_121, %while3A_123 : i32
    %while3A_125 = arith.muli %while3A_124, %while3A_123 : i32
    %while3A_126 = arith.addi %while3A_116, %while3A_125 : i32
    %while3A_127 = arith.constant 1 : i32
    %while3A_128:4 = scf.for %while3A_188 = %while3A_116 to %while3A_126 step %while3A_127 iter_args(%while3A_189 = %while3A_117, %while3A_190 = %while3A_118, %while3A_191 = %while3A_119, %while3A_192 = %while3A_120) -> (i32, i32, i32, i32)  : i32 {
      %mul3A_193 = arith.muli %while3A_188, %while3A : i32
      %add3A_194 = arith.addi %while3A_115, %mul3A_193 : i32
      %add3A_195 = arith.constant 0 : i32
      %add3A_196 = arith.addi %add3A_194, %add3A_195 : i32
      %while3A_197 = arith.constant 0 : i32
      %while3A_198 = arith.constant 0 : i32
      %while3A_199 = arith.subi %while3A_192, %while3A_198 : i32
      %while3A_200 = arith.addi %while3A_198, %while3A_199 : i32
      %while3A_201 = arith.constant 1 : i32
      %while3A_202 = arith.divsi %while3A_199, %while3A_201 : i32
      %while3A_203 = arith.muli %while3A_202, %while3A_201 : i32
      %while3A_204 = arith.addi %while3A_198, %while3A_203 : i32
      %while3A_205 = arith.constant 1 : i32
      scf.for %while3A_1033 = %while3A_198 to %while3A_204 step %while3A_205  : i32 {
        %dma_wait3A_1034 = arith.constant 0 : i32
        %dma_wait3A_1035 = arith.constant 0 : i32
        %dma_wait3A_1036 = tpu.memref_slice %arg2[%dma_wait3A_1034, %dma_wait3A_1035] : memref<100x27648xf32, #tpu.memory_space<hbm>> -> memref<1x27648xf32, #tpu.memory_space<hbm>>
        %dma_wait3A_1037 = arith.constant 0 : i32
        %dma_wait3A_1038 = arith.constant 0 : i32
        %dma_wait3A_1039 = tpu.memref_slice %arg2[%dma_wait3A_1037, %dma_wait3A_1038] : memref<100x27648xf32, #tpu.memory_space<hbm>> -> memref<1x27648xf32, #tpu.memory_space<hbm>>
        tpu.wait_dma2 semaphore(%arg23 : memref<!tpu.dma_semaphore, #tpu.memory_space<semaphore_mem>>) src(%dma_wait3A_1039 : memref<1x27648xf32, #tpu.memory_space<hbm>>) dst(%arg15 : memref<1x27648xf32, #tpu.memory_space<vmem>>)
      }
      %while3A_206 = arith.constant 1 : i32
      scf.for %while3A_1033 = %while3A_204 to %while3A_200 step %while3A_206  : i32 {
        %dma_wait3A_1034 = arith.constant 0 : i32
        %dma_wait3A_1035 = arith.constant 0 : i32
        %dma_wait3A_1036 = tpu.memref_slice %arg2[%dma_wait3A_1034, %dma_wait3A_1035] : memref<100x27648xf32, #tpu.memory_space<hbm>> -> memref<1x27648xf32, #tpu.memory_space<hbm>>
        %dma_wait3A_1037 = arith.constant 0 : i32
        %dma_wait3A_1038 = arith.constant 0 : i32
        %dma_wait3A_1039 = tpu.memref_slice %arg2[%dma_wait3A_1037, %dma_wait3A_1038] : memref<100x27648xf32, #tpu.memory_space<hbm>> -> memref<1x27648xf32, #tpu.memory_space<hbm>>
        tpu.wait_dma2 semaphore(%arg23 : memref<!tpu.dma_semaphore, #tpu.memory_space<semaphore_mem>>) src(%dma_wait3A_1039 : memref<1x27648xf32, #tpu.memory_space<hbm>>) dst(%arg15 : memref<1x27648xf32, #tpu.memory_space<vmem>>)
      }
      %add3A_207 = arith.constant 4 : i32
      %add3A_208 = arith.addi %add3A_196, %add3A_207 : i32
      %sub3A_209 = arith.constant 1 : i32
      %sub3A_210 = arith.subi %add3A_208, %sub3A_209 : i32
      %jit3A_211 = arith.constant 16 : i32
      %div3A_212 = arith.divsi %sub3A_210, %jit3A_211 : i32
      %sign3A_213 = arith.constant 0 : i32
      %sign3A_214 = arith.cmpi sgt, %sub3A_210, %sign3A_213 : i32
      %sign3A_215 = arith.extui %sign3A_214 : i1 to i32
      %sign3A_216 = arith.constant 0 : i32
      %sign3A_217 = arith.cmpi slt, %sub3A_210, %sign3A_216 : i32
      %sign3A_218 = arith.extui %sign3A_217 : i1 to i32
      %sign3A_219 = arith.subi %sign3A_215, %sign3A_218 : i32
      %sign3A_220 = arith.constant 0 : i32
      %sign3A_221 = arith.cmpi sgt, %jit3A_211, %sign3A_220 : i32
      %sign3A_222 = arith.extui %sign3A_221 : i1 to i32
      %sign3A_223 = arith.constant 0 : i32
      %sign3A_224 = arith.cmpi slt, %jit3A_211, %sign3A_223 : i32
      %sign3A_225 = arith.extui %sign3A_224 : i1 to i32
      %sign3A_226 = arith.subi %sign3A_222, %sign3A_225 : i32
      %ne3A_227 = arith.cmpi ne, %sign3A_219, %sign3A_226 : i32
      %rem3A_228 = arith.remsi %sub3A_210, %jit3A_211 : i32
      %ne3A_229 = arith.constant 0 : i32
      %ne3A_230 = arith.cmpi ne, %rem3A_228, %ne3A_229 : i32
      %and3A_231 = arith.andi %ne3A_227, %ne3A_230 : i1
      %sub3A_232 = arith.constant 1 : i32
      %sub3A_233 = arith.subi %div3A_212, %sub3A_232 : i32
      %select_n3A_234 = arith.select %and3A_231, %sub3A_233, %div3A_212 : i32
      %get3A_235 = arith.index_cast %select_n3A_234 : i32 to index
      %get3A_236 = arith.constant 0 : index
      %get3A_237 = tpu.vector_load %arg8[%get3A_235, %get3A_236] {strides = array<i32>} : memref<14x16xi32, #tpu.memory_space<vmem>>, vector<16xi32>,
      %iota3A_238 = tpu.iota {dimensions = array<i32: 0>} : vector<16xi32>
      %jit3A_239 = arith.constant 16 : i32
      %eq3A_240 = arith.constant 0 : i32
      %eq3A_241 = arith.cmpi eq, %jit3A_239, %eq3A_240 : i32
      %jit3A_242 = arith.constant 1 : i32
      %select_n3A_243 = arith.select %eq3A_241, %jit3A_242, %jit3A_239 : i32
      %rem3A_244 = arith.remsi %sub3A_210, %select_n3A_243 : i32
      %ne3A_245 = arith.constant 0 : i32
      %ne3A_246 = arith.cmpi ne, %rem3A_244, %ne3A_245 : i32
      %lt3A = arith.constant 0 : i32
      %lt3A_247 = arith.cmpi slt, %rem3A_244, %lt3A : i32
      %lt3A_248 = arith.constant 0 : i32
      %lt3A_249 = arith.cmpi slt, %select_n3A_243, %lt3A_248 : i32
      %ne3A_250 = arith.xori %lt3A_247, %lt3A_249 : i1
      %and3A_251 = arith.andi %ne3A_250, %ne3A_246 : i1
      %add3A_252 = arith.addi %rem3A_244, %select_n3A_243 : i32
      %select_n3A_253 = arith.select %and3A_251, %add3A_252, %rem3A_244 : i32
      %eq3A_254 = vector.broadcast %select_n3A_253 : i32 to vector<16xi32>
      %eq3A_255 = arith.cmpi eq, %iota3A_238, %eq3A_254 : vector<16xi32>
      %jit3A_256 = arith.constant 0 : i32
      %broadcast_in_dim3A_257 = vector.broadcast %jit3A_256 : i32 to vector<16xi32>
      %select_n3A_258 = arith.select %eq3A_255, %get3A_237, %broadcast_in_dim3A_257 : vector<16xi1>, vector<16xi32>
      %reduce_max3A_259 = arith.constant true
      %reduce_max3A_260 = vector.broadcast %reduce_max3A_259 : i1 to vector<16xi1>
      %reduce_max3A_261 = arith.constant -2147483648 : i32
      %reduce_max3A_262 = vector.broadcast %reduce_max3A_261 : i32 to vector<16xi32>
      %reduce_max3A_263 = arith.xori %select_n3A_258, %reduce_max3A_262 : vector<16xi32>
      %reduce_max3A_264 = tpu.scan <max>, %reduce_max3A_263 masked %reduce_max3A_260 : vector<16xi32>, vector<16xi1> -> vector<16xi32>
      %reduce_max3A_265 = arith.xori %reduce_max3A_264, %reduce_max3A_262 : vector<16xi32>
      %reduce_max3A_266 = vector.extract %reduce_max3A_265[15] : i32 from vector<16xi32>
      %dma_start3A_267 = arith.constant 0 : i32
      %dma_start3A_268 = tpu.memref_slice %arg2[%reduce_max3A_266, %dma_start3A_267] : memref<100x27648xf32, #tpu.memory_space<hbm>> -> memref<1x27648xf32, #tpu.memory_space<hbm>>
      %dma_start3A_269 = arith.constant 0 : i32
      %dma_start3A_270 = tpu.memref_slice %arg2[%reduce_max3A_266, %dma_start3A_269] : memref<100x27648xf32, #tpu.memory_space<hbm>> -> memref<1x27648xf32, #tpu.memory_space<hbm>>
      tpu.enqueue_dma source(%dma_start3A_270 : memref<1x27648xf32, #tpu.memory_space<hbm>>) target(%arg15 : memref<1x27648xf32, #tpu.memory_space<vmem>>) target_semaphore(%arg19 : memref<!tpu.dma_semaphore, #tpu.memory_space<semaphore_mem>>)
      %dma_wait3A_271 = arith.constant 0 : i32
      %dma_wait3A_272 = arith.constant 0 : i32
      %dma_wait3A_273 = tpu.memref_slice %arg2[%dma_wait3A_271, %dma_wait3A_272] : memref<100x27648xf32, #tpu.memory_space<hbm>> -> memref<1x27648xf32, #tpu.memory_space<hbm>>
      %dma_wait3A_274 = arith.constant 0 : i32
      %dma_wait3A_275 = arith.constant 0 : i32
      %dma_wait3A_276 = tpu.memref_slice %arg2[%dma_wait3A_274, %dma_wait3A_275] : memref<100x27648xf32, #tpu.memory_space<hbm>> -> memref<1x27648xf32, #tpu.memory_space<hbm>>
      tpu.wait_dma2 semaphore(%arg16 : memref<!tpu.dma_semaphore, #tpu.memory_space<semaphore_mem>>) src(%dma_wait3A_276 : memref<1x27648xf32, #tpu.memory_space<hbm>>) dst(%arg12 : memref<1x27648xf32, #tpu.memory_space<vmem>>)
      %jit3A_277 = arith.constant 16 : i32
      %div3A_278 = arith.divsi %add3A_196, %jit3A_277 : i32
      %sign3A_279 = arith.constant 0 : i32
      %sign3A_280 = arith.cmpi sgt, %add3A_196, %sign3A_279 : i32
      %sign3A_281 = arith.extui %sign3A_280 : i1 to i32
      %sign3A_282 = arith.constant 0 : i32
      %sign3A_283 = arith.cmpi slt, %add3A_196, %sign3A_282 : i32
      %sign3A_284 = arith.extui %sign3A_283 : i1 to i32
      %sign3A_285 = arith.subi %sign3A_281, %sign3A_284 : i32
      %sign3A_286 = arith.constant 0 : i32
      %sign3A_287 = arith.cmpi sgt, %jit3A_277, %sign3A_286 : i32
      %sign3A_288 = arith.extui %sign3A_287 : i1 to i32
      %sign3A_289 = arith.constant 0 : i32
      %sign3A_290 = arith.cmpi slt, %jit3A_277, %sign3A_289 : i32
      %sign3A_291 = arith.extui %sign3A_290 : i1 to i32
      %sign3A_292 = arith.subi %sign3A_288, %sign3A_291 : i32
      %ne3A_293 = arith.cmpi ne, %sign3A_285, %sign3A_292 : i32
      %rem3A_294 = arith.remsi %add3A_196, %jit3A_277 : i32
      %ne3A_295 = arith.constant 0 : i32
      %ne3A_296 = arith.cmpi ne, %rem3A_294, %ne3A_295 : i32
      %and3A_297 = arith.andi %ne3A_293, %ne3A_296 : i1
      %sub3A_298 = arith.constant 1 : i32
      %sub3A_299 = arith.subi %div3A_278, %sub3A_298 : i32
      %select_n3A_300 = arith.select %and3A_297, %sub3A_299, %div3A_278 : i32
      %get3A_301 = arith.index_cast %select_n3A_300 : i32 to index
      %get3A_302 = arith.constant 0 : index
      %get3A_303 = tpu.vector_load %arg9[%get3A_301, %get3A_302] {strides = array<i32>} : memref<14x16xi32, #tpu.memory_space<vmem>>, vector<16xi32>,
      %iota3A_304 = tpu.iota {dimensions = array<i32: 0>} : vector<16xi32>
      %jit3A_305 = arith.constant 16 : i32
      %eq3A_306 = arith.constant 0 : i32
      %eq3A_307 = arith.cmpi eq, %jit3A_305, %eq3A_306 : i32
      %jit3A_308 = arith.constant 1 : i32
      %select_n3A_309 = arith.select %eq3A_307, %jit3A_308, %jit3A_305 : i32
      %rem3A_310 = arith.remsi %add3A_196, %select_n3A_309 : i32
      %ne3A_311 = arith.constant 0 : i32
      %ne3A_312 = arith.cmpi ne, %rem3A_310, %ne3A_311 : i32
      %lt3A_313 = arith.constant 0 : i32
      %lt3A_314 = arith.cmpi slt, %rem3A_310, %lt3A_313 : i32
      %lt3A_315 = arith.constant 0 : i32
      %lt3A_316 = arith.cmpi slt, %select_n3A_309, %lt3A_315 : i32
      %ne3A_317 = arith.xori %lt3A_314, %lt3A_316 : i1
      %and3A_318 = arith.andi %ne3A_317, %ne3A_312 : i1
      %add3A_319 = arith.addi %rem3A_310, %select_n3A_309 : i32
      %select_n3A_320 = arith.select %and3A_318, %add3A_319, %rem3A_310 : i32
      %eq3A_321 = vector.broadcast %select_n3A_320 : i32 to vector<16xi32>
      %eq3A_322 = arith.cmpi eq, %iota3A_304, %eq3A_321 : vector<16xi32>
      %jit3A_323 = arith.constant 0 : i32
      %broadcast_in_dim3A_324 = vector.broadcast %jit3A_323 : i32 to vector<16xi32>
      %select_n3A_325 = arith.select %eq3A_322, %get3A_303, %broadcast_in_dim3A_324 : vector<16xi1>, vector<16xi32>
      %reduce_max3A_326 = arith.constant true
      %reduce_max3A_327 = vector.broadcast %reduce_max3A_326 : i1 to vector<16xi1>
      %reduce_max3A_328 = arith.constant -2147483648 : i32
      %reduce_max3A_329 = vector.broadcast %reduce_max3A_328 : i32 to vector<16xi32>
      %reduce_max3A_330 = arith.xori %select_n3A_325, %reduce_max3A_329 : vector<16xi32>
      %reduce_max3A_331 = tpu.scan <max>, %reduce_max3A_330 masked %reduce_max3A_327 : vector<16xi32>, vector<16xi1> -> vector<16xi32>
      %reduce_max3A_332 = arith.xori %reduce_max3A_331, %reduce_max3A_329 : vector<16xi32>
      %reduce_max3A_333 = vector.extract %reduce_max3A_332[15] : i32 from vector<16xi32>
      %add3A_334 = arith.constant 1 : i32
      %add3A_335 = arith.addi %add3A_196, %add3A_334 : i32
      %jit3A_336 = arith.constant 16 : i32
      %div3A_337 = arith.divsi %add3A_335, %jit3A_336 : i32
      %sign3A_338 = arith.constant 0 : i32
      %sign3A_339 = arith.cmpi sgt, %add3A_335, %sign3A_338 : i32
      %sign3A_340 = arith.extui %sign3A_339 : i1 to i32
      %sign3A_341 = arith.constant 0 : i32
      %sign3A_342 = arith.cmpi slt, %add3A_335, %sign3A_341 : i32
      %sign3A_343 = arith.extui %sign3A_342 : i1 to i32
      %sign3A_344 = arith.subi %sign3A_340, %sign3A_343 : i32
      %sign3A_345 = arith.constant 0 : i32
      %sign3A_346 = arith.cmpi sgt, %jit3A_336, %sign3A_345 : i32
      %sign3A_347 = arith.extui %sign3A_346 : i1 to i32
      %sign3A_348 = arith.constant 0 : i32
      %sign3A_349 = arith.cmpi slt, %jit3A_336, %sign3A_348 : i32
      %sign3A_350 = arith.extui %sign3A_349 : i1 to i32
      %sign3A_351 = arith.subi %sign3A_347, %sign3A_350 : i32
      %ne3A_352 = arith.cmpi ne, %sign3A_344, %sign3A_351 : i32
      %rem3A_353 = arith.remsi %add3A_335, %jit3A_336 : i32
      %ne3A_354 = arith.constant 0 : i32
      %ne3A_355 = arith.cmpi ne, %rem3A_353, %ne3A_354 : i32
      %and3A_356 = arith.andi %ne3A_352, %ne3A_355 : i1
      %sub3A_357 = arith.constant 1 : i32
      %sub3A_358 = arith.subi %div3A_337, %sub3A_357 : i32
      %select_n3A_359 = arith.select %and3A_356, %sub3A_358, %div3A_337 : i32
      %get3A_360 = arith.index_cast %select_n3A_359 : i32 to index
      %get3A_361 = arith.constant 0 : index
      %get3A_362 = tpu.vector_load %arg9[%get3A_360, %get3A_361] {strides = array<i32>} : memref<14x16xi32, #tpu.memory_space<vmem>>, vector<16xi32>,
      %iota3A_363 = tpu.iota {dimensions = array<i32: 0>} : vector<16xi32>
      %jit3A_364 = arith.constant 16 : i32
      %eq3A_365 = arith.constant 0 : i32
      %eq3A_366 = arith.cmpi eq, %jit3A_364, %eq3A_365 : i32
      %jit3A_367 = arith.constant 1 : i32
      %select_n3A_368 = arith.select %eq3A_366, %jit3A_367, %jit3A_364 : i32
      %rem3A_369 = arith.remsi %add3A_335, %select_n3A_368 : i32
      %ne3A_370 = arith.constant 0 : i32
      %ne3A_371 = arith.cmpi ne, %rem3A_369, %ne3A_370 : i32
      %lt3A_372 = arith.constant 0 : i32
      %lt3A_373 = arith.cmpi slt, %rem3A_369, %lt3A_372 : i32
      %lt3A_374 = arith.constant 0 : i32
      %lt3A_375 = arith.cmpi slt, %select_n3A_368, %lt3A_374 : i32
      %ne3A_376 = arith.xori %lt3A_373, %lt3A_375 : i1
      %and3A_377 = arith.andi %ne3A_376, %ne3A_371 : i1
      %add3A_378 = arith.addi %rem3A_369, %select_n3A_368 : i32
      %select_n3A_379 = arith.select %and3A_377, %add3A_378, %rem3A_369 : i32
      %eq3A_380 = vector.broadcast %select_n3A_379 : i32 to vector<16xi32>
      %eq3A_381 = arith.cmpi eq, %iota3A_363, %eq3A_380 : vector<16xi32>
      %jit3A_382 = arith.constant 0 : i32
      %broadcast_in_dim3A_383 = vector.broadcast %jit3A_382 : i32 to vector<16xi32>
      %select_n3A_384 = arith.select %eq3A_381, %get3A_362, %broadcast_in_dim3A_383 : vector<16xi1>, vector<16xi32>
      %reduce_max3A_385 = arith.constant true
      %reduce_max3A_386 = vector.broadcast %reduce_max3A_385 : i1 to vector<16xi1>
      %reduce_max3A_387 = arith.constant -2147483648 : i32
      %reduce_max3A_388 = vector.broadcast %reduce_max3A_387 : i32 to vector<16xi32>
      %reduce_max3A_389 = arith.xori %select_n3A_384, %reduce_max3A_388 : vector<16xi32>
      %reduce_max3A_390 = tpu.scan <max>, %reduce_max3A_389 masked %reduce_max3A_386 : vector<16xi32>, vector<16xi1> -> vector<16xi32>
      %reduce_max3A_391 = arith.xori %reduce_max3A_390, %reduce_max3A_388 : vector<16xi32>
      %reduce_max3A_392 = vector.extract %reduce_max3A_391[15] : i32 from vector<16xi32>
      %while3A_393 = arith.constant 0 : i32
      %while3A_394 = arith.subi %reduce_max3A_392, %reduce_max3A_333 : i32
      %while3A_395 = arith.addi %reduce_max3A_333, %while3A_394 : i32
      %while3A_396 = arith.constant 1 : i32
      %while3A_397 = arith.divsi %while3A_394, %while3A_396 : i32
      %while3A_398 = arith.muli %while3A_397, %while3A_396 : i32
      %while3A_399 = arith.addi %reduce_max3A_333, %while3A_398 : i32
      %while3A_400 = arith.constant 1 : i32
      scf.for %while3A_1033 = %reduce_max3A_333 to %while3A_399 step %while3A_400  : i32 {
        %jit3A_1034 = arith.constant 16 : i32
        %div3A_1035 = arith.divsi %while3A_1033, %jit3A_1034 : i32
        %sign3A_1036 = arith.constant 0 : i32
        %sign3A_1037 = arith.cmpi sgt, %while3A_1033, %sign3A_1036 : i32
        %sign3A_1038 = arith.extui %sign3A_1037 : i1 to i32
        %sign3A_1039 = arith.constant 0 : i32
        %sign3A_1040 = arith.cmpi slt, %while3A_1033, %sign3A_1039 : i32
        %sign3A_1041 = arith.extui %sign3A_1040 : i1 to i32
        %sign3A_1042 = arith.subi %sign3A_1038, %sign3A_1041 : i32
        %sign3A_1043 = arith.constant 0 : i32
        %sign3A_1044 = arith.cmpi sgt, %jit3A_1034, %sign3A_1043 : i32
        %sign3A_1045 = arith.extui %sign3A_1044 : i1 to i32
        %sign3A_1046 = arith.constant 0 : i32
        %sign3A_1047 = arith.cmpi slt, %jit3A_1034, %sign3A_1046 : i32
        %sign3A_1048 = arith.extui %sign3A_1047 : i1 to i32
        %sign3A_1049 = arith.subi %sign3A_1045, %sign3A_1048 : i32
        %ne3A_1050 = arith.cmpi ne, %sign3A_1042, %sign3A_1049 : i32
        %rem3A_1051 = arith.remsi %while3A_1033, %jit3A_1034 : i32
        %ne3A_1052 = arith.constant 0 : i32
        %ne3A_1053 = arith.cmpi ne, %rem3A_1051, %ne3A_1052 : i32
        %and3A_1054 = arith.andi %ne3A_1050, %ne3A_1053 : i1
        %sub3A_1055 = arith.constant 1 : i32
        %sub3A_1056 = arith.subi %div3A_1035, %sub3A_1055 : i32
        %select_n3A_1057 = arith.select %and3A_1054, %sub3A_1056, %div3A_1035 : i32
        %get3A_1058 = arith.index_cast %select_n3A_1057 : i32 to index
        %get3A_1059 = arith.constant 0 : index
        %get3A_1060 = tpu.vector_load %arg10[%get3A_1058, %get3A_1059] {strides = array<i32>} : memref<13x16xi32, #tpu.memory_space<vmem>>, vector<16xi32>,
        %iota3A_1061 = tpu.iota {dimensions = array<i32: 0>} : vector<16xi32>
        %jit3A_1062 = arith.constant 16 : i32
        %eq3A_1063 = arith.constant 0 : i32
        %eq3A_1064 = arith.cmpi eq, %jit3A_1062, %eq3A_1063 : i32
        %jit3A_1065 = arith.constant 1 : i32
        %select_n3A_1066 = arith.select %eq3A_1064, %jit3A_1065, %jit3A_1062 : i32
        %rem3A_1067 = arith.remsi %while3A_1033, %select_n3A_1066 : i32
        %ne3A_1068 = arith.constant 0 : i32
        %ne3A_1069 = arith.cmpi ne, %rem3A_1067, %ne3A_1068 : i32
        %lt3A_1070 = arith.constant 0 : i32
        %lt3A_1071 = arith.cmpi slt, %rem3A_1067, %lt3A_1070 : i32
        %lt3A_1072 = arith.constant 0 : i32
        %lt3A_1073 = arith.cmpi slt, %select_n3A_1066, %lt3A_1072 : i32
        %ne3A_1074 = arith.xori %lt3A_1071, %lt3A_1073 : i1
        %and3A_1075 = arith.andi %ne3A_1074, %ne3A_1069 : i1
        %add3A_1076 = arith.addi %rem3A_1067, %select_n3A_1066 : i32
        %select_n3A_1077 = arith.select %and3A_1075, %add3A_1076, %rem3A_1067 : i32
        %eq3A_1078 = vector.broadcast %select_n3A_1077 : i32 to vector<16xi32>
        %eq3A_1079 = arith.cmpi eq, %iota3A_1061, %eq3A_1078 : vector<16xi32>
        %jit3A_1080 = arith.constant 0 : i32
        %broadcast_in_dim3A_1081 = vector.broadcast %jit3A_1080 : i32 to vector<16xi32>
        %select_n3A_1082 = arith.select %eq3A_1079, %get3A_1060, %broadcast_in_dim3A_1081 : vector<16xi1>, vector<16xi32>
        %reduce_max3A_1083 = arith.constant true
        %reduce_max3A_1084 = vector.broadcast %reduce_max3A_1083 : i1 to vector<16xi1>
        %reduce_max3A_1085 = arith.constant -2147483648 : i32
        %reduce_max3A_1086 = vector.broadcast %reduce_max3A_1085 : i32 to vector<16xi32>
        %reduce_max3A_1087 = arith.xori %select_n3A_1082, %reduce_max3A_1086 : vector<16xi32>
        %reduce_max3A_1088 = tpu.scan <max>, %reduce_max3A_1087 masked %reduce_max3A_1084 : vector<16xi32>, vector<16xi1> -> vector<16xi32>
        %reduce_max3A_1089 = arith.xori %reduce_max3A_1088, %reduce_max3A_1086 : vector<16xi32>
        %reduce_max3A_1090 = vector.extract %reduce_max3A_1089[15] : i32 from vector<16xi32>
        %add3A_1091 = arith.addi %mul3A_2, %reduce_max3A_1090 : i32
        %jit3A_1092 = arith.constant 64 : i32
        %div3A_1093 = arith.divsi %add3A_1091, %jit3A_1092 : i32
        %sign3A_1094 = arith.constant 0 : i32
        %sign3A_1095 = arith.cmpi sgt, %add3A_1091, %sign3A_1094 : i32
        %sign3A_1096 = arith.extui %sign3A_1095 : i1 to i32
        %sign3A_1097 = arith.constant 0 : i32
        %sign3A_1098 = arith.cmpi slt, %add3A_1091, %sign3A_1097 : i32
        %sign3A_1099 = arith.extui %sign3A_1098 : i1 to i32
        %sign3A_1100 = arith.subi %sign3A_1096, %sign3A_1099 : i32
        %sign3A_1101 = arith.constant 0 : i32
        %sign3A_1102 = arith.cmpi sgt, %jit3A_1092, %sign3A_1101 : i32
        %sign3A_1103 = arith.extui %sign3A_1102 : i1 to i32
        %sign3A_1104 = arith.constant 0 : i32
        %sign3A_1105 = arith.cmpi slt, %jit3A_1092, %sign3A_1104 : i32
        %sign3A_1106 = arith.extui %sign3A_1105 : i1 to i32
        %sign3A_1107 = arith.subi %sign3A_1103, %sign3A_1106 : i32
        %ne3A_1108 = arith.cmpi ne, %sign3A_1100, %sign3A_1107 : i32
        %rem3A_1109 = arith.remsi %add3A_1091, %jit3A_1092 : i32
        %ne3A_1110 = arith.constant 0 : i32
        %ne3A_1111 = arith.cmpi ne, %rem3A_1109, %ne3A_1110 : i32
        %and3A_1112 = arith.andi %ne3A_1108, %ne3A_1111 : i1
        %sub3A_1113 = arith.constant 1 : i32
        %sub3A_1114 = arith.subi %div3A_1093, %sub3A_1113 : i32
        %select_n3A_1115 = arith.select %and3A_1112, %sub3A_1114, %div3A_1093 : i32
        %jit3A_1116 = arith.constant 64 : i32
        %eq3A_1117 = arith.constant 0 : i32
        %eq3A_1118 = arith.cmpi eq, %jit3A_1116, %eq3A_1117 : i32
        %jit3A_1119 = arith.constant 1 : i32
        %select_n3A_1120 = arith.select %eq3A_1118, %jit3A_1119, %jit3A_1116 : i32
        %rem3A_1121 = arith.remsi %add3A_1091, %select_n3A_1120 : i32
        %ne3A_1122 = arith.constant 0 : i32
        %ne3A_1123 = arith.cmpi ne, %rem3A_1121, %ne3A_1122 : i32
        %lt3A_1124 = arith.constant 0 : i32
        %lt3A_1125 = arith.cmpi slt, %rem3A_1121, %lt3A_1124 : i32
        %lt3A_1126 = arith.constant 0 : i32
        %lt3A_1127 = arith.cmpi slt, %select_n3A_1120, %lt3A_1126 : i32
        %ne3A_1128 = arith.xori %lt3A_1125, %lt3A_1127 : i1
        %and3A_1129 = arith.andi %ne3A_1128, %ne3A_1123 : i1
        %add3A_1130 = arith.addi %rem3A_1121, %select_n3A_1120 : i32
        %select_n3A_1131 = arith.select %and3A_1129, %add3A_1130, %rem3A_1121 : i32
        %dma_start3A_1132 = arith.constant 0 : i32
        %dma_start3A_1133 = tpu.memref_slice %arg7[%select_n3A_1115, %select_n3A_1131, %dma_start3A_1132] : memref<100x64x27648xf32, #tpu.memory_space<hbm>> -> memref<1x1x27648xf32, #tpu.memory_space<hbm>>
        %dma_start3A_1134 = tpu.memref_squeeze %dma_start3A_1133 : memref<1x1x27648xf32, #tpu.memory_space<hbm>> -> memref<1x27648xf32, #tpu.memory_space<hbm>>
        %dma_start3A_1135 = arith.constant 0 : i32
        %dma_start3A_1136 = tpu.memref_slice %arg7[%select_n3A_1115, %select_n3A_1131, %dma_start3A_1135] : memref<100x64x27648xf32, #tpu.memory_space<hbm>> -> memref<1x1x27648xf32, #tpu.memory_space<hbm>>
        %dma_start3A_1137 = tpu.memref_squeeze %dma_start3A_1136 : memref<1x1x27648xf32, #tpu.memory_space<hbm>> -> memref<1x27648xf32, #tpu.memory_space<hbm>>
        tpu.enqueue_dma source(%arg12 : memref<1x27648xf32, #tpu.memory_space<vmem>>) target(%dma_start3A_1137 : memref<1x27648xf32, #tpu.memory_space<hbm>>) target_semaphore(%arg20 : memref<!tpu.dma_semaphore, #tpu.memory_space<semaphore_mem>>)
      }
      %while3A_401 = arith.constant 1 : i32
      scf.for %while3A_1033 = %while3A_399 to %while3A_395 step %while3A_401  : i32 {
        %jit3A_1034 = arith.constant 16 : i32
        %div3A_1035 = arith.divsi %while3A_1033, %jit3A_1034 : i32
        %sign3A_1036 = arith.constant 0 : i32
        %sign3A_1037 = arith.cmpi sgt, %while3A_1033, %sign3A_1036 : i32
        %sign3A_1038 = arith.extui %sign3A_1037 : i1 to i32
        %sign3A_1039 = arith.constant 0 : i32
        %sign3A_1040 = arith.cmpi slt, %while3A_1033, %sign3A_1039 : i32
        %sign3A_1041 = arith.extui %sign3A_1040 : i1 to i32
        %sign3A_1042 = arith.subi %sign3A_1038, %sign3A_1041 : i32
        %sign3A_1043 = arith.constant 0 : i32
        %sign3A_1044 = arith.cmpi sgt, %jit3A_1034, %sign3A_1043 : i32
        %sign3A_1045 = arith.extui %sign3A_1044 : i1 to i32
        %sign3A_1046 = arith.constant 0 : i32
        %sign3A_1047 = arith.cmpi slt, %jit3A_1034, %sign3A_1046 : i32
        %sign3A_1048 = arith.extui %sign3A_1047 : i1 to i32
        %sign3A_1049 = arith.subi %sign3A_1045, %sign3A_1048 : i32
        %ne3A_1050 = arith.cmpi ne, %sign3A_1042, %sign3A_1049 : i32
        %rem3A_1051 = arith.remsi %while3A_1033, %jit3A_1034 : i32
        %ne3A_1052 = arith.constant 0 : i32
        %ne3A_1053 = arith.cmpi ne, %rem3A_1051, %ne3A_1052 : i32
        %and3A_1054 = arith.andi %ne3A_1050, %ne3A_1053 : i1
        %sub3A_1055 = arith.constant 1 : i32
        %sub3A_1056 = arith.subi %div3A_1035, %sub3A_1055 : i32
        %select_n3A_1057 = arith.select %and3A_1054, %sub3A_1056, %div3A_1035 : i32
        %get3A_1058 = arith.index_cast %select_n3A_1057 : i32 to index
        %get3A_1059 = arith.constant 0 : index
        %get3A_1060 = tpu.vector_load %arg10[%get3A_1058, %get3A_1059] {strides = array<i32>} : memref<13x16xi32, #tpu.memory_space<vmem>>, vector<16xi32>,
        %iota3A_1061 = tpu.iota {dimensions = array<i32: 0>} : vector<16xi32>
        %jit3A_1062 = arith.constant 16 : i32
        %eq3A_1063 = arith.constant 0 : i32
        %eq3A_1064 = arith.cmpi eq, %jit3A_1062, %eq3A_1063 : i32
        %jit3A_1065 = arith.constant 1 : i32
        %select_n3A_1066 = arith.select %eq3A_1064, %jit3A_1065, %jit3A_1062 : i32
        %rem3A_1067 = arith.remsi %while3A_1033, %select_n3A_1066 : i32
        %ne3A_1068 = arith.constant 0 : i32
        %ne3A_1069 = arith.cmpi ne, %rem3A_1067, %ne3A_1068 : i32
        %lt3A_1070 = arith.constant 0 : i32
        %lt3A_1071 = arith.cmpi slt, %rem3A_1067, %lt3A_1070 : i32
        %lt3A_1072 = arith.constant 0 : i32
        %lt3A_1073 = arith.cmpi slt, %select_n3A_1066, %lt3A_1072 : i32
        %ne3A_1074 = arith.xori %lt3A_1071, %lt3A_1073 : i1
        %and3A_1075 = arith.andi %ne3A_1074, %ne3A_1069 : i1
        %add3A_1076 = arith.addi %rem3A_1067, %select_n3A_1066 : i32
        %select_n3A_1077 = arith.select %and3A_1075, %add3A_1076, %rem3A_1067 : i32
        %eq3A_1078 = vector.broadcast %select_n3A_1077 : i32 to vector<16xi32>
        %eq3A_1079 = arith.cmpi eq, %iota3A_1061, %eq3A_1078 : vector<16xi32>
        %jit3A_1080 = arith.constant 0 : i32
        %broadcast_in_dim3A_1081 = vector.broadcast %jit3A_1080 : i32 to vector<16xi32>
        %select_n3A_1082 = arith.select %eq3A_1079, %get3A_1060, %broadcast_in_dim3A_1081 : vector<16xi1>, vector<16xi32>
        %reduce_max3A_1083 = arith.constant true
        %reduce_max3A_1084 = vector.broadcast %reduce_max3A_1083 : i1 to vector<16xi1>
        %reduce_max3A_1085 = arith.constant -2147483648 : i32
        %reduce_max3A_1086 = vector.broadcast %reduce_max3A_1085 : i32 to vector<16xi32>
        %reduce_max3A_1087 = arith.xori %select_n3A_1082, %reduce_max3A_1086 : vector<16xi32>
        %reduce_max3A_1088 = tpu.scan <max>, %reduce_max3A_1087 masked %reduce_max3A_1084 : vector<16xi32>, vector<16xi1> -> vector<16xi32>
        %reduce_max3A_1089 = arith.xori %reduce_max3A_1088, %reduce_max3A_1086 : vector<16xi32>
        %reduce_max3A_1090 = vector.extract %reduce_max3A_1089[15] : i32 from vector<16xi32>
        %add3A_1091 = arith.addi %mul3A_2, %reduce_max3A_1090 : i32
        %jit3A_1092 = arith.constant 64 : i32
        %div3A_1093 = arith.divsi %add3A_1091, %jit3A_1092 : i32
        %sign3A_1094 = arith.constant 0 : i32
        %sign3A_1095 = arith.cmpi sgt, %add3A_1091, %sign3A_1094 : i32
        %sign3A_1096 = arith.extui %sign3A_1095 : i1 to i32
        %sign3A_1097 = arith.constant 0 : i32
        %sign3A_1098 = arith.cmpi slt, %add3A_1091, %sign3A_1097 : i32
        %sign3A_1099 = arith.extui %sign3A_1098 : i1 to i32
        %sign3A_1100 = arith.subi %sign3A_1096, %sign3A_1099 : i32
        %sign3A_1101 = arith.constant 0 : i32
        %sign3A_1102 = arith.cmpi sgt, %jit3A_1092, %sign3A_1101 : i32
        %sign3A_1103 = arith.extui %sign3A_1102 : i1 to i32
        %sign3A_1104 = arith.constant 0 : i32
        %sign3A_1105 = arith.cmpi slt, %jit3A_1092, %sign3A_1104 : i32
        %sign3A_1106 = arith.extui %sign3A_1105 : i1 to i32
        %sign3A_1107 = arith.subi %sign3A_1103, %sign3A_1106 : i32
        %ne3A_1108 = arith.cmpi ne, %sign3A_1100, %sign3A_1107 : i32
        %rem3A_1109 = arith.remsi %add3A_1091, %jit3A_1092 : i32
        %ne3A_1110 = arith.constant 0 : i32
        %ne3A_1111 = arith.cmpi ne, %rem3A_1109, %ne3A_1110 : i32
        %and3A_1112 = arith.andi %ne3A_1108, %ne3A_1111 : i1
        %sub3A_1113 = arith.constant 1 : i32
        %sub3A_1114 = arith.subi %div3A_1093, %sub3A_1113 : i32
        %select_n3A_1115 = arith.select %and3A_1112, %sub3A_1114, %div3A_1093 : i32
        %jit3A_1116 = arith.constant 64 : i32
        %eq3A_1117 = arith.constant 0 : i32
        %eq3A_1118 = arith.cmpi eq, %jit3A_1116, %eq3A_1117 : i32
        %jit3A_1119 = arith.constant 1 : i32
        %select_n3A_1120 = arith.select %eq3A_1118, %jit3A_1119, %jit3A_1116 : i32
        %rem3A_1121 = arith.remsi %add3A_1091, %select_n3A_1120 : i32
        %ne3A_1122 = arith.constant 0 : i32
        %ne3A_1123 = arith.cmpi ne, %rem3A_1121, %ne3A_1122 : i32
        %lt3A_1124 = arith.constant 0 : i32
        %lt3A_1125 = arith.cmpi slt, %rem3A_1121, %lt3A_1124 : i32
        %lt3A_1126 = arith.constant 0 : i32
        %lt3A_1127 = arith.cmpi slt, %select_n3A_1120, %lt3A_1126 : i32
        %ne3A_1128 = arith.xori %lt3A_1125, %lt3A_1127 : i1
        %and3A_1129 = arith.andi %ne3A_1128, %ne3A_1123 : i1
        %add3A_1130 = arith.addi %rem3A_1121, %select_n3A_1120 : i32
        %select_n3A_1131 = arith.select %and3A_1129, %add3A_1130, %rem3A_1121 : i32
        %dma_start3A_1132 = arith.constant 0 : i32
        %dma_start3A_1133 = tpu.memref_slice %arg7[%select_n3A_1115, %select_n3A_1131, %dma_start3A_1132] : memref<100x64x27648xf32, #tpu.memory_space<hbm>> -> memref<1x1x27648xf32, #tpu.memory_space<hbm>>
        %dma_start3A_1134 = tpu.memref_squeeze %dma_start3A_1133 : memref<1x1x27648xf32, #tpu.memory_space<hbm>> -> memref<1x27648xf32, #tpu.memory_space<hbm>>
        %dma_start3A_1135 = arith.constant 0 : i32
        %dma_start3A_1136 = tpu.memref_slice %arg7[%select_n3A_1115, %select_n3A_1131, %dma_start3A_1135] : memref<100x64x27648xf32, #tpu.memory_space<hbm>> -> memref<1x1x27648xf32, #tpu.memory_space<hbm>>
        %dma_start3A_1137 = tpu.memref_squeeze %dma_start3A_1136 : memref<1x1x27648xf32, #tpu.memory_space<hbm>> -> memref<1x27648xf32, #tpu.memory_space<hbm>>
        tpu.enqueue_dma source(%arg12 : memref<1x27648xf32, #tpu.memory_space<vmem>>) target(%dma_start3A_1137 : memref<1x27648xf32, #tpu.memory_space<hbm>>) target_semaphore(%arg20 : memref<!tpu.dma_semaphore, #tpu.memory_space<semaphore_mem>>)
      }
      %sub3A_402 = arith.subi %reduce_max3A_392, %reduce_max3A_333 : i32
      %add3A_403 = arith.constant 1 : i32
      %add3A_404 = arith.addi %add3A_194, %add3A_403 : i32
      %while3A_405 = arith.constant 0 : i32
      %while3A_406 = arith.constant 0 : i32
      %while3A_407 = arith.subi %sub3A_402, %while3A_406 : i32
      %while3A_408 = arith.addi %while3A_406, %while3A_407 : i32
      %while3A_409 = arith.constant 1 : i32
      %while3A_410 = arith.divsi %while3A_407, %while3A_409 : i32
      %while3A_411 = arith.muli %while3A_410, %while3A_409 : i32
      %while3A_412 = arith.addi %while3A_406, %while3A_411 : i32
      %while3A_413 = arith.constant 1 : i32
      scf.for %while3A_1033 = %while3A_406 to %while3A_412 step %while3A_413  : i32 {
        %dma_wait3A_1034 = arith.constant 0 : i32
        %dma_wait3A_1035 = arith.constant 0 : i32
        %dma_wait3A_1036 = tpu.memref_slice %arg2[%dma_wait3A_1034, %dma_wait3A_1035] : memref<100x27648xf32, #tpu.memory_space<hbm>> -> memref<1x27648xf32, #tpu.memory_space<hbm>>
        %dma_wait3A_1037 = arith.constant 0 : i32
        %dma_wait3A_1038 = arith.constant 0 : i32
        %dma_wait3A_1039 = tpu.memref_slice %arg2[%dma_wait3A_1037, %dma_wait3A_1038] : memref<100x27648xf32, #tpu.memory_space<hbm>> -> memref<1x27648xf32, #tpu.memory_space<hbm>>
        tpu.wait_dma2 semaphore(%arg20 : memref<!tpu.dma_semaphore, #tpu.memory_space<semaphore_mem>>) src(%dma_wait3A_1039 : memref<1x27648xf32, #tpu.memory_space<hbm>>) dst(%arg12 : memref<1x27648xf32, #tpu.memory_space<vmem>>)
      }
      %while3A_414 = arith.constant 1 : i32
      scf.for %while3A_1033 = %while3A_412 to %while3A_408 step %while3A_414  : i32 {
        %dma_wait3A_1034 = arith.constant 0 : i32
        %dma_wait3A_1035 = arith.constant 0 : i32
        %dma_wait3A_1036 = tpu.memref_slice %arg2[%dma_wait3A_1034, %dma_wait3A_1035] : memref<100x27648xf32, #tpu.memory_space<hbm>> -> memref<1x27648xf32, #tpu.memory_space<hbm>>
        %dma_wait3A_1037 = arith.constant 0 : i32
        %dma_wait3A_1038 = arith.constant 0 : i32
        %dma_wait3A_1039 = tpu.memref_slice %arg2[%dma_wait3A_1037, %dma_wait3A_1038] : memref<100x27648xf32, #tpu.memory_space<hbm>> -> memref<1x27648xf32, #tpu.memory_space<hbm>>
        tpu.wait_dma2 semaphore(%arg20 : memref<!tpu.dma_semaphore, #tpu.memory_space<semaphore_mem>>) src(%dma_wait3A_1039 : memref<1x27648xf32, #tpu.memory_space<hbm>>) dst(%arg12 : memref<1x27648xf32, #tpu.memory_space<vmem>>)
      }
      %add3A_415 = arith.constant 4 : i32
      %add3A_416 = arith.addi %add3A_404, %add3A_415 : i32
      %sub3A_417 = arith.constant 1 : i32
      %sub3A_418 = arith.subi %add3A_416, %sub3A_417 : i32
      %jit3A_419 = arith.constant 16 : i32
      %div3A_420 = arith.divsi %sub3A_418, %jit3A_419 : i32
      %sign3A_421 = arith.constant 0 : i32
      %sign3A_422 = arith.cmpi sgt, %sub3A_418, %sign3A_421 : i32
      %sign3A_423 = arith.extui %sign3A_422 : i1 to i32
      %sign3A_424 = arith.constant 0 : i32
      %sign3A_425 = arith.cmpi slt, %sub3A_418, %sign3A_424 : i32
      %sign3A_426 = arith.extui %sign3A_425 : i1 to i32
      %sign3A_427 = arith.subi %sign3A_423, %sign3A_426 : i32
      %sign3A_428 = arith.constant 0 : i32
      %sign3A_429 = arith.cmpi sgt, %jit3A_419, %sign3A_428 : i32
      %sign3A_430 = arith.extui %sign3A_429 : i1 to i32
      %sign3A_431 = arith.constant 0 : i32
      %sign3A_432 = arith.cmpi slt, %jit3A_419, %sign3A_431 : i32
      %sign3A_433 = arith.extui %sign3A_432 : i1 to i32
      %sign3A_434 = arith.subi %sign3A_430, %sign3A_433 : i32
      %ne3A_435 = arith.cmpi ne, %sign3A_427, %sign3A_434 : i32
      %rem3A_436 = arith.remsi %sub3A_418, %jit3A_419 : i32
      %ne3A_437 = arith.constant 0 : i32
      %ne3A_438 = arith.cmpi ne, %rem3A_436, %ne3A_437 : i32
      %and3A_439 = arith.andi %ne3A_435, %ne3A_438 : i1
      %sub3A_440 = arith.constant 1 : i32
      %sub3A_441 = arith.subi %div3A_420, %sub3A_440 : i32
      %select_n3A_442 = arith.select %and3A_439, %sub3A_441, %div3A_420 : i32
      %get3A_443 = arith.index_cast %select_n3A_442 : i32 to index
      %get3A_444 = arith.constant 0 : index
      %get3A_445 = tpu.vector_load %arg8[%get3A_443, %get3A_444] {strides = array<i32>} : memref<14x16xi32, #tpu.memory_space<vmem>>, vector<16xi32>,
      %iota3A_446 = tpu.iota {dimensions = array<i32: 0>} : vector<16xi32>
      %jit3A_447 = arith.constant 16 : i32
      %eq3A_448 = arith.constant 0 : i32
      %eq3A_449 = arith.cmpi eq, %jit3A_447, %eq3A_448 : i32
      %jit3A_450 = arith.constant 1 : i32
      %select_n3A_451 = arith.select %eq3A_449, %jit3A_450, %jit3A_447 : i32
      %rem3A_452 = arith.remsi %sub3A_418, %select_n3A_451 : i32
      %ne3A_453 = arith.constant 0 : i32
      %ne3A_454 = arith.cmpi ne, %rem3A_452, %ne3A_453 : i32
      %lt3A_455 = arith.constant 0 : i32
      %lt3A_456 = arith.cmpi slt, %rem3A_452, %lt3A_455 : i32
      %lt3A_457 = arith.constant 0 : i32
      %lt3A_458 = arith.cmpi slt, %select_n3A_451, %lt3A_457 : i32
      %ne3A_459 = arith.xori %lt3A_456, %lt3A_458 : i1
      %and3A_460 = arith.andi %ne3A_459, %ne3A_454 : i1
      %add3A_461 = arith.addi %rem3A_452, %select_n3A_451 : i32
      %select_n3A_462 = arith.select %and3A_460, %add3A_461, %rem3A_452 : i32
      %eq3A_463 = vector.broadcast %select_n3A_462 : i32 to vector<16xi32>
      %eq3A_464 = arith.cmpi eq, %iota3A_446, %eq3A_463 : vector<16xi32>
      %jit3A_465 = arith.constant 0 : i32
      %broadcast_in_dim3A_466 = vector.broadcast %jit3A_465 : i32 to vector<16xi32>
      %select_n3A_467 = arith.select %eq3A_464, %get3A_445, %broadcast_in_dim3A_466 : vector<16xi1>, vector<16xi32>
      %reduce_max3A_468 = arith.constant true
      %reduce_max3A_469 = vector.broadcast %reduce_max3A_468 : i1 to vector<16xi1>
      %reduce_max3A_470 = arith.constant -2147483648 : i32
      %reduce_max3A_471 = vector.broadcast %reduce_max3A_470 : i32 to vector<16xi32>
      %reduce_max3A_472 = arith.xori %select_n3A_467, %reduce_max3A_471 : vector<16xi32>
      %reduce_max3A_473 = tpu.scan <max>, %reduce_max3A_472 masked %reduce_max3A_469 : vector<16xi32>, vector<16xi1> -> vector<16xi32>
      %reduce_max3A_474 = arith.xori %reduce_max3A_473, %reduce_max3A_471 : vector<16xi32>
      %reduce_max3A_475 = vector.extract %reduce_max3A_474[15] : i32 from vector<16xi32>
      %dma_start3A_476 = arith.constant 0 : i32
      %dma_start3A_477 = tpu.memref_slice %arg2[%reduce_max3A_475, %dma_start3A_476] : memref<100x27648xf32, #tpu.memory_space<hbm>> -> memref<1x27648xf32, #tpu.memory_space<hbm>>
      %dma_start3A_478 = arith.constant 0 : i32
      %dma_start3A_479 = tpu.memref_slice %arg2[%reduce_max3A_475, %dma_start3A_478] : memref<100x27648xf32, #tpu.memory_space<hbm>> -> memref<1x27648xf32, #tpu.memory_space<hbm>>
      tpu.enqueue_dma source(%dma_start3A_479 : memref<1x27648xf32, #tpu.memory_space<hbm>>) target(%arg12 : memref<1x27648xf32, #tpu.memory_space<vmem>>) target_semaphore(%arg16 : memref<!tpu.dma_semaphore, #tpu.memory_space<semaphore_mem>>)
      %dma_wait3A_480 = arith.constant 0 : i32
      %dma_wait3A_481 = arith.constant 0 : i32
      %dma_wait3A_482 = tpu.memref_slice %arg2[%dma_wait3A_480, %dma_wait3A_481] : memref<100x27648xf32, #tpu.memory_space<hbm>> -> memref<1x27648xf32, #tpu.memory_space<hbm>>
      %dma_wait3A_483 = arith.constant 0 : i32
      %dma_wait3A_484 = arith.constant 0 : i32
      %dma_wait3A_485 = tpu.memref_slice %arg2[%dma_wait3A_483, %dma_wait3A_484] : memref<100x27648xf32, #tpu.memory_space<hbm>> -> memref<1x27648xf32, #tpu.memory_space<hbm>>
      tpu.wait_dma2 semaphore(%arg17 : memref<!tpu.dma_semaphore, #tpu.memory_space<semaphore_mem>>) src(%dma_wait3A_485 : memref<1x27648xf32, #tpu.memory_space<hbm>>) dst(%arg13 : memref<1x27648xf32, #tpu.memory_space<vmem>>)
      %jit3A_486 = arith.constant 16 : i32
      %div3A_487 = arith.divsi %add3A_404, %jit3A_486 : i32
      %sign3A_488 = arith.constant 0 : i32
      %sign3A_489 = arith.cmpi sgt, %add3A_404, %sign3A_488 : i32
      %sign3A_490 = arith.extui %sign3A_489 : i1 to i32
      %sign3A_491 = arith.constant 0 : i32
      %sign3A_492 = arith.cmpi slt, %add3A_404, %sign3A_491 : i32
      %sign3A_493 = arith.extui %sign3A_492 : i1 to i32
      %sign3A_494 = arith.subi %sign3A_490, %sign3A_493 : i32
      %sign3A_495 = arith.constant 0 : i32
      %sign3A_496 = arith.cmpi sgt, %jit3A_486, %sign3A_495 : i32
      %sign3A_497 = arith.extui %sign3A_496 : i1 to i32
      %sign3A_498 = arith.constant 0 : i32
      %sign3A_499 = arith.cmpi slt, %jit3A_486, %sign3A_498 : i32
      %sign3A_500 = arith.extui %sign3A_499 : i1 to i32
      %sign3A_501 = arith.subi %sign3A_497, %sign3A_500 : i32
      %ne3A_502 = arith.cmpi ne, %sign3A_494, %sign3A_501 : i32
      %rem3A_503 = arith.remsi %add3A_404, %jit3A_486 : i32
      %ne3A_504 = arith.constant 0 : i32
      %ne3A_505 = arith.cmpi ne, %rem3A_503, %ne3A_504 : i32
      %and3A_506 = arith.andi %ne3A_502, %ne3A_505 : i1
      %sub3A_507 = arith.constant 1 : i32
      %sub3A_508 = arith.subi %div3A_487, %sub3A_507 : i32
      %select_n3A_509 = arith.select %and3A_506, %sub3A_508, %div3A_487 : i32
      %get3A_510 = arith.index_cast %select_n3A_509 : i32 to index
      %get3A_511 = arith.constant 0 : index
      %get3A_512 = tpu.vector_load %arg9[%get3A_510, %get3A_511] {strides = array<i32>} : memref<14x16xi32, #tpu.memory_space<vmem>>, vector<16xi32>,
      %iota3A_513 = tpu.iota {dimensions = array<i32: 0>} : vector<16xi32>
      %jit3A_514 = arith.constant 16 : i32
      %eq3A_515 = arith.constant 0 : i32
      %eq3A_516 = arith.cmpi eq, %jit3A_514, %eq3A_515 : i32
      %jit3A_517 = arith.constant 1 : i32
      %select_n3A_518 = arith.select %eq3A_516, %jit3A_517, %jit3A_514 : i32
      %rem3A_519 = arith.remsi %add3A_404, %select_n3A_518 : i32
      %ne3A_520 = arith.constant 0 : i32
      %ne3A_521 = arith.cmpi ne, %rem3A_519, %ne3A_520 : i32
      %lt3A_522 = arith.constant 0 : i32
      %lt3A_523 = arith.cmpi slt, %rem3A_519, %lt3A_522 : i32
      %lt3A_524 = arith.constant 0 : i32
      %lt3A_525 = arith.cmpi slt, %select_n3A_518, %lt3A_524 : i32
      %ne3A_526 = arith.xori %lt3A_523, %lt3A_525 : i1
      %and3A_527 = arith.andi %ne3A_526, %ne3A_521 : i1
      %add3A_528 = arith.addi %rem3A_519, %select_n3A_518 : i32
      %select_n3A_529 = arith.select %and3A_527, %add3A_528, %rem3A_519 : i32
      %eq3A_530 = vector.broadcast %select_n3A_529 : i32 to vector<16xi32>
      %eq3A_531 = arith.cmpi eq, %iota3A_513, %eq3A_530 : vector<16xi32>
      %jit3A_532 = arith.constant 0 : i32
      %broadcast_in_dim3A_533 = vector.broadcast %jit3A_532 : i32 to vector<16xi32>
      %select_n3A_534 = arith.select %eq3A_531, %get3A_512, %broadcast_in_dim3A_533 : vector<16xi1>, vector<16xi32>
      %reduce_max3A_535 = arith.constant true
      %reduce_max3A_536 = vector.broadcast %reduce_max3A_535 : i1 to vector<16xi1>
      %reduce_max3A_537 = arith.constant -2147483648 : i32
      %reduce_max3A_538 = vector.broadcast %reduce_max3A_537 : i32 to vector<16xi32>
      %reduce_max3A_539 = arith.xori %select_n3A_534, %reduce_max3A_538 : vector<16xi32>
      %reduce_max3A_540 = tpu.scan <max>, %reduce_max3A_539 masked %reduce_max3A_536 : vector<16xi32>, vector<16xi1> -> vector<16xi32>
      %reduce_max3A_541 = arith.xori %reduce_max3A_540, %reduce_max3A_538 : vector<16xi32>
      %reduce_max3A_542 = vector.extract %reduce_max3A_541[15] : i32 from vector<16xi32>
      %add3A_543 = arith.constant 1 : i32
      %add3A_544 = arith.addi %add3A_404, %add3A_543 : i32
      %jit3A_545 = arith.constant 16 : i32
      %div3A_546 = arith.divsi %add3A_544, %jit3A_545 : i32
      %sign3A_547 = arith.constant 0 : i32
      %sign3A_548 = arith.cmpi sgt, %add3A_544, %sign3A_547 : i32
      %sign3A_549 = arith.extui %sign3A_548 : i1 to i32
      %sign3A_550 = arith.constant 0 : i32
      %sign3A_551 = arith.cmpi slt, %add3A_544, %sign3A_550 : i32
      %sign3A_552 = arith.extui %sign3A_551 : i1 to i32
      %sign3A_553 = arith.subi %sign3A_549, %sign3A_552 : i32
      %sign3A_554 = arith.constant 0 : i32
      %sign3A_555 = arith.cmpi sgt, %jit3A_545, %sign3A_554 : i32
      %sign3A_556 = arith.extui %sign3A_555 : i1 to i32
      %sign3A_557 = arith.constant 0 : i32
      %sign3A_558 = arith.cmpi slt, %jit3A_545, %sign3A_557 : i32
      %sign3A_559 = arith.extui %sign3A_558 : i1 to i32
      %sign3A_560 = arith.subi %sign3A_556, %sign3A_559 : i32
      %ne3A_561 = arith.cmpi ne, %sign3A_553, %sign3A_560 : i32
      %rem3A_562 = arith.remsi %add3A_544, %jit3A_545 : i32
      %ne3A_563 = arith.constant 0 : i32
      %ne3A_564 = arith.cmpi ne, %rem3A_562, %ne3A_563 : i32
      %and3A_565 = arith.andi %ne3A_561, %ne3A_564 : i1
      %sub3A_566 = arith.constant 1 : i32
      %sub3A_567 = arith.subi %div3A_546, %sub3A_566 : i32
      %select_n3A_568 = arith.select %and3A_565, %sub3A_567, %div3A_546 : i32
      %get3A_569 = arith.index_cast %select_n3A_568 : i32 to index
      %get3A_570 = arith.constant 0 : index
      %get3A_571 = tpu.vector_load %arg9[%get3A_569, %get3A_570] {strides = array<i32>} : memref<14x16xi32, #tpu.memory_space<vmem>>, vector<16xi32>,
      %iota3A_572 = tpu.iota {dimensions = array<i32: 0>} : vector<16xi32>
      %jit3A_573 = arith.constant 16 : i32
      %eq3A_574 = arith.constant 0 : i32
      %eq3A_575 = arith.cmpi eq, %jit3A_573, %eq3A_574 : i32
      %jit3A_576 = arith.constant 1 : i32
      %select_n3A_577 = arith.select %eq3A_575, %jit3A_576, %jit3A_573 : i32
      %rem3A_578 = arith.remsi %add3A_544, %select_n3A_577 : i32
      %ne3A_579 = arith.constant 0 : i32
      %ne3A_580 = arith.cmpi ne, %rem3A_578, %ne3A_579 : i32
      %lt3A_581 = arith.constant 0 : i32
      %lt3A_582 = arith.cmpi slt, %rem3A_578, %lt3A_581 : i32
      %lt3A_583 = arith.constant 0 : i32
      %lt3A_584 = arith.cmpi slt, %select_n3A_577, %lt3A_583 : i32
      %ne3A_585 = arith.xori %lt3A_582, %lt3A_584 : i1
      %and3A_586 = arith.andi %ne3A_585, %ne3A_580 : i1
      %add3A_587 = arith.addi %rem3A_578, %select_n3A_577 : i32
      %select_n3A_588 = arith.select %and3A_586, %add3A_587, %rem3A_578 : i32
      %eq3A_589 = vector.broadcast %select_n3A_588 : i32 to vector<16xi32>
      %eq3A_590 = arith.cmpi eq, %iota3A_572, %eq3A_589 : vector<16xi32>
      %jit3A_591 = arith.constant 0 : i32
      %broadcast_in_dim3A_592 = vector.broadcast %jit3A_591 : i32 to vector<16xi32>
      %select_n3A_593 = arith.select %eq3A_590, %get3A_571, %broadcast_in_dim3A_592 : vector<16xi1>, vector<16xi32>
      %reduce_max3A_594 = arith.constant true
      %reduce_max3A_595 = vector.broadcast %reduce_max3A_594 : i1 to vector<16xi1>
      %reduce_max3A_596 = arith.constant -2147483648 : i32
      %reduce_max3A_597 = vector.broadcast %reduce_max3A_596 : i32 to vector<16xi32>
      %reduce_max3A_598 = arith.xori %select_n3A_593, %reduce_max3A_597 : vector<16xi32>
      %reduce_max3A_599 = tpu.scan <max>, %reduce_max3A_598 masked %reduce_max3A_595 : vector<16xi32>, vector<16xi1> -> vector<16xi32>
      %reduce_max3A_600 = arith.xori %reduce_max3A_599, %reduce_max3A_597 : vector<16xi32>
      %reduce_max3A_601 = vector.extract %reduce_max3A_600[15] : i32 from vector<16xi32>
      %while3A_602 = arith.constant 0 : i32
      %while3A_603 = arith.subi %reduce_max3A_601, %reduce_max3A_542 : i32
      %while3A_604 = arith.addi %reduce_max3A_542, %while3A_603 : i32
      %while3A_605 = arith.constant 1 : i32
      %while3A_606 = arith.divsi %while3A_603, %while3A_605 : i32
      %while3A_607 = arith.muli %while3A_606, %while3A_605 : i32
      %while3A_608 = arith.addi %reduce_max3A_542, %while3A_607 : i32
      %while3A_609 = arith.constant 1 : i32
      scf.for %while3A_1033 = %reduce_max3A_542 to %while3A_608 step %while3A_609  : i32 {
        %jit3A_1034 = arith.constant 16 : i32
        %div3A_1035 = arith.divsi %while3A_1033, %jit3A_1034 : i32
        %sign3A_1036 = arith.constant 0 : i32
        %sign3A_1037 = arith.cmpi sgt, %while3A_1033, %sign3A_1036 : i32
        %sign3A_1038 = arith.extui %sign3A_1037 : i1 to i32
        %sign3A_1039 = arith.constant 0 : i32
        %sign3A_1040 = arith.cmpi slt, %while3A_1033, %sign3A_1039 : i32
        %sign3A_1041 = arith.extui %sign3A_1040 : i1 to i32
        %sign3A_1042 = arith.subi %sign3A_1038, %sign3A_1041 : i32
        %sign3A_1043 = arith.constant 0 : i32
        %sign3A_1044 = arith.cmpi sgt, %jit3A_1034, %sign3A_1043 : i32
        %sign3A_1045 = arith.extui %sign3A_1044 : i1 to i32
        %sign3A_1046 = arith.constant 0 : i32
        %sign3A_1047 = arith.cmpi slt, %jit3A_1034, %sign3A_1046 : i32
        %sign3A_1048 = arith.extui %sign3A_1047 : i1 to i32
        %sign3A_1049 = arith.subi %sign3A_1045, %sign3A_1048 : i32
        %ne3A_1050 = arith.cmpi ne, %sign3A_1042, %sign3A_1049 : i32
        %rem3A_1051 = arith.remsi %while3A_1033, %jit3A_1034 : i32
        %ne3A_1052 = arith.constant 0 : i32
        %ne3A_1053 = arith.cmpi ne, %rem3A_1051, %ne3A_1052 : i32
        %and3A_1054 = arith.andi %ne3A_1050, %ne3A_1053 : i1
        %sub3A_1055 = arith.constant 1 : i32
        %sub3A_1056 = arith.subi %div3A_1035, %sub3A_1055 : i32
        %select_n3A_1057 = arith.select %and3A_1054, %sub3A_1056, %div3A_1035 : i32
        %get3A_1058 = arith.index_cast %select_n3A_1057 : i32 to index
        %get3A_1059 = arith.constant 0 : index
        %get3A_1060 = tpu.vector_load %arg10[%get3A_1058, %get3A_1059] {strides = array<i32>} : memref<13x16xi32, #tpu.memory_space<vmem>>, vector<16xi32>,
        %iota3A_1061 = tpu.iota {dimensions = array<i32: 0>} : vector<16xi32>
        %jit3A_1062 = arith.constant 16 : i32
        %eq3A_1063 = arith.constant 0 : i32
        %eq3A_1064 = arith.cmpi eq, %jit3A_1062, %eq3A_1063 : i32
        %jit3A_1065 = arith.constant 1 : i32
        %select_n3A_1066 = arith.select %eq3A_1064, %jit3A_1065, %jit3A_1062 : i32
        %rem3A_1067 = arith.remsi %while3A_1033, %select_n3A_1066 : i32
        %ne3A_1068 = arith.constant 0 : i32
        %ne3A_1069 = arith.cmpi ne, %rem3A_1067, %ne3A_1068 : i32
        %lt3A_1070 = arith.constant 0 : i32
        %lt3A_1071 = arith.cmpi slt, %rem3A_1067, %lt3A_1070 : i32
        %lt3A_1072 = arith.constant 0 : i32
        %lt3A_1073 = arith.cmpi slt, %select_n3A_1066, %lt3A_1072 : i32
        %ne3A_1074 = arith.xori %lt3A_1071, %lt3A_1073 : i1
        %and3A_1075 = arith.andi %ne3A_1074, %ne3A_1069 : i1
        %add3A_1076 = arith.addi %rem3A_1067, %select_n3A_1066 : i32
        %select_n3A_1077 = arith.select %and3A_1075, %add3A_1076, %rem3A_1067 : i32
        %eq3A_1078 = vector.broadcast %select_n3A_1077 : i32 to vector<16xi32>
        %eq3A_1079 = arith.cmpi eq, %iota3A_1061, %eq3A_1078 : vector<16xi32>
        %jit3A_1080 = arith.constant 0 : i32
        %broadcast_in_dim3A_1081 = vector.broadcast %jit3A_1080 : i32 to vector<16xi32>
        %select_n3A_1082 = arith.select %eq3A_1079, %get3A_1060, %broadcast_in_dim3A_1081 : vector<16xi1>, vector<16xi32>
        %reduce_max3A_1083 = arith.constant true
        %reduce_max3A_1084 = vector.broadcast %reduce_max3A_1083 : i1 to vector<16xi1>
        %reduce_max3A_1085 = arith.constant -2147483648 : i32
        %reduce_max3A_1086 = vector.broadcast %reduce_max3A_1085 : i32 to vector<16xi32>
        %reduce_max3A_1087 = arith.xori %select_n3A_1082, %reduce_max3A_1086 : vector<16xi32>
        %reduce_max3A_1088 = tpu.scan <max>, %reduce_max3A_1087 masked %reduce_max3A_1084 : vector<16xi32>, vector<16xi1> -> vector<16xi32>
        %reduce_max3A_1089 = arith.xori %reduce_max3A_1088, %reduce_max3A_1086 : vector<16xi32>
        %reduce_max3A_1090 = vector.extract %reduce_max3A_1089[15] : i32 from vector<16xi32>
        %add3A_1091 = arith.addi %mul3A_2, %reduce_max3A_1090 : i32
        %jit3A_1092 = arith.constant 64 : i32
        %div3A_1093 = arith.divsi %add3A_1091, %jit3A_1092 : i32
        %sign3A_1094 = arith.constant 0 : i32
        %sign3A_1095 = arith.cmpi sgt, %add3A_1091, %sign3A_1094 : i32
        %sign3A_1096 = arith.extui %sign3A_1095 : i1 to i32
        %sign3A_1097 = arith.constant 0 : i32
        %sign3A_1098 = arith.cmpi slt, %add3A_1091, %sign3A_1097 : i32
        %sign3A_1099 = arith.extui %sign3A_1098 : i1 to i32
        %sign3A_1100 = arith.subi %sign3A_1096, %sign3A_1099 : i32
        %sign3A_1101 = arith.constant 0 : i32
        %sign3A_1102 = arith.cmpi sgt, %jit3A_1092, %sign3A_1101 : i32
        %sign3A_1103 = arith.extui %sign3A_1102 : i1 to i32
        %sign3A_1104 = arith.constant 0 : i32
        %sign3A_1105 = arith.cmpi slt, %jit3A_1092, %sign3A_1104 : i32
        %sign3A_1106 = arith.extui %sign3A_1105 : i1 to i32
        %sign3A_1107 = arith.subi %sign3A_1103, %sign3A_1106 : i32
        %ne3A_1108 = arith.cmpi ne, %sign3A_1100, %sign3A_1107 : i32
        %rem3A_1109 = arith.remsi %add3A_1091, %jit3A_1092 : i32
        %ne3A_1110 = arith.constant 0 : i32
        %ne3A_1111 = arith.cmpi ne, %rem3A_1109, %ne3A_1110 : i32
        %and3A_1112 = arith.andi %ne3A_1108, %ne3A_1111 : i1
        %sub3A_1113 = arith.constant 1 : i32
        %sub3A_1114 = arith.subi %div3A_1093, %sub3A_1113 : i32
        %select_n3A_1115 = arith.select %and3A_1112, %sub3A_1114, %div3A_1093 : i32
        %jit3A_1116 = arith.constant 64 : i32
        %eq3A_1117 = arith.constant 0 : i32
        %eq3A_1118 = arith.cmpi eq, %jit3A_1116, %eq3A_1117 : i32
        %jit3A_1119 = arith.constant 1 : i32
        %select_n3A_1120 = arith.select %eq3A_1118, %jit3A_1119, %jit3A_1116 : i32
        %rem3A_1121 = arith.remsi %add3A_1091, %select_n3A_1120 : i32
        %ne3A_1122 = arith.constant 0 : i32
        %ne3A_1123 = arith.cmpi ne, %rem3A_1121, %ne3A_1122 : i32
        %lt3A_1124 = arith.constant 0 : i32
        %lt3A_1125 = arith.cmpi slt, %rem3A_1121, %lt3A_1124 : i32
        %lt3A_1126 = arith.constant 0 : i32
        %lt3A_1127 = arith.cmpi slt, %select_n3A_1120, %lt3A_1126 : i32
        %ne3A_1128 = arith.xori %lt3A_1125, %lt3A_1127 : i1
        %and3A_1129 = arith.andi %ne3A_1128, %ne3A_1123 : i1
        %add3A_1130 = arith.addi %rem3A_1121, %select_n3A_1120 : i32
        %select_n3A_1131 = arith.select %and3A_1129, %add3A_1130, %rem3A_1121 : i32
        %dma_start3A_1132 = arith.constant 0 : i32
        %dma_start3A_1133 = tpu.memref_slice %arg7[%select_n3A_1115, %select_n3A_1131, %dma_start3A_1132] : memref<100x64x27648xf32, #tpu.memory_space<hbm>> -> memref<1x1x27648xf32, #tpu.memory_space<hbm>>
        %dma_start3A_1134 = tpu.memref_squeeze %dma_start3A_1133 : memref<1x1x27648xf32, #tpu.memory_space<hbm>> -> memref<1x27648xf32, #tpu.memory_space<hbm>>
        %dma_start3A_1135 = arith.constant 0 : i32
        %dma_start3A_1136 = tpu.memref_slice %arg7[%select_n3A_1115, %select_n3A_1131, %dma_start3A_1135] : memref<100x64x27648xf32, #tpu.memory_space<hbm>> -> memref<1x1x27648xf32, #tpu.memory_space<hbm>>
        %dma_start3A_1137 = tpu.memref_squeeze %dma_start3A_1136 : memref<1x1x27648xf32, #tpu.memory_space<hbm>> -> memref<1x27648xf32, #tpu.memory_space<hbm>>
        tpu.enqueue_dma source(%arg13 : memref<1x27648xf32, #tpu.memory_space<vmem>>) target(%dma_start3A_1137 : memref<1x27648xf32, #tpu.memory_space<hbm>>) target_semaphore(%arg21 : memref<!tpu.dma_semaphore, #tpu.memory_space<semaphore_mem>>)
      }
      %while3A_610 = arith.constant 1 : i32
      scf.for %while3A_1033 = %while3A_608 to %while3A_604 step %while3A_610  : i32 {
        %jit3A_1034 = arith.constant 16 : i32
        %div3A_1035 = arith.divsi %while3A_1033, %jit3A_1034 : i32
        %sign3A_1036 = arith.constant 0 : i32
        %sign3A_1037 = arith.cmpi sgt, %while3A_1033, %sign3A_1036 : i32
        %sign3A_1038 = arith.extui %sign3A_1037 : i1 to i32
        %sign3A_1039 = arith.constant 0 : i32
        %sign3A_1040 = arith.cmpi slt, %while3A_1033, %sign3A_1039 : i32
        %sign3A_1041 = arith.extui %sign3A_1040 : i1 to i32
        %sign3A_1042 = arith.subi %sign3A_1038, %sign3A_1041 : i32
        %sign3A_1043 = arith.constant 0 : i32
        %sign3A_1044 = arith.cmpi sgt, %jit3A_1034, %sign3A_1043 : i32
        %sign3A_1045 = arith.extui %sign3A_1044 : i1 to i32
        %sign3A_1046 = arith.constant 0 : i32
        %sign3A_1047 = arith.cmpi slt, %jit3A_1034, %sign3A_1046 : i32
        %sign3A_1048 = arith.extui %sign3A_1047 : i1 to i32
        %sign3A_1049 = arith.subi %sign3A_1045, %sign3A_1048 : i32
        %ne3A_1050 = arith.cmpi ne, %sign3A_1042, %sign3A_1049 : i32
        %rem3A_1051 = arith.remsi %while3A_1033, %jit3A_1034 : i32
        %ne3A_1052 = arith.constant 0 : i32
        %ne3A_1053 = arith.cmpi ne, %rem3A_1051, %ne3A_1052 : i32
        %and3A_1054 = arith.andi %ne3A_1050, %ne3A_1053 : i1
        %sub3A_1055 = arith.constant 1 : i32
        %sub3A_1056 = arith.subi %div3A_1035, %sub3A_1055 : i32
        %select_n3A_1057 = arith.select %and3A_1054, %sub3A_1056, %div3A_1035 : i32
        %get3A_1058 = arith.index_cast %select_n3A_1057 : i32 to index
        %get3A_1059 = arith.constant 0 : index
        %get3A_1060 = tpu.vector_load %arg10[%get3A_1058, %get3A_1059] {strides = array<i32>} : memref<13x16xi32, #tpu.memory_space<vmem>>, vector<16xi32>,
        %iota3A_1061 = tpu.iota {dimensions = array<i32: 0>} : vector<16xi32>
        %jit3A_1062 = arith.constant 16 : i32
        %eq3A_1063 = arith.constant 0 : i32
        %eq3A_1064 = arith.cmpi eq, %jit3A_1062, %eq3A_1063 : i32
        %jit3A_1065 = arith.constant 1 : i32
        %select_n3A_1066 = arith.select %eq3A_1064, %jit3A_1065, %jit3A_1062 : i32
        %rem3A_1067 = arith.remsi %while3A_1033, %select_n3A_1066 : i32
        %ne3A_1068 = arith.constant 0 : i32
        %ne3A_1069 = arith.cmpi ne, %rem3A_1067, %ne3A_1068 : i32
        %lt3A_1070 = arith.constant 0 : i32
        %lt3A_1071 = arith.cmpi slt, %rem3A_1067, %lt3A_1070 : i32
        %lt3A_1072 = arith.constant 0 : i32
        %lt3A_1073 = arith.cmpi slt, %select_n3A_1066, %lt3A_1072 : i32
        %ne3A_1074 = arith.xori %lt3A_1071, %lt3A_1073 : i1
        %and3A_1075 = arith.andi %ne3A_1074, %ne3A_1069 : i1
        %add3A_1076 = arith.addi %rem3A_1067, %select_n3A_1066 : i32
        %select_n3A_1077 = arith.select %and3A_1075, %add3A_1076, %rem3A_1067 : i32
        %eq3A_1078 = vector.broadcast %select_n3A_1077 : i32 to vector<16xi32>
        %eq3A_1079 = arith.cmpi eq, %iota3A_1061, %eq3A_1078 : vector<16xi32>
        %jit3A_1080 = arith.constant 0 : i32
        %broadcast_in_dim3A_1081 = vector.broadcast %jit3A_1080 : i32 to vector<16xi32>
        %select_n3A_1082 = arith.select %eq3A_1079, %get3A_1060, %broadcast_in_dim3A_1081 : vector<16xi1>, vector<16xi32>
        %reduce_max3A_1083 = arith.constant true
        %reduce_max3A_1084 = vector.broadcast %reduce_max3A_1083 : i1 to vector<16xi1>
        %reduce_max3A_1085 = arith.constant -2147483648 : i32
        %reduce_max3A_1086 = vector.broadcast %reduce_max3A_1085 : i32 to vector<16xi32>
        %reduce_max3A_1087 = arith.xori %select_n3A_1082, %reduce_max3A_1086 : vector<16xi32>
        %reduce_max3A_1088 = tpu.scan <max>, %reduce_max3A_1087 masked %reduce_max3A_1084 : vector<16xi32>, vector<16xi1> -> vector<16xi32>
        %reduce_max3A_1089 = arith.xori %reduce_max3A_1088, %reduce_max3A_1086 : vector<16xi32>
        %reduce_max3A_1090 = vector.extract %reduce_max3A_1089[15] : i32 from vector<16xi32>
        %add3A_1091 = arith.addi %mul3A_2, %reduce_max3A_1090 : i32
        %jit3A_1092 = arith.constant 64 : i32
        %div3A_1093 = arith.divsi %add3A_1091, %jit3A_1092 : i32
        %sign3A_1094 = arith.constant 0 : i32
        %sign3A_1095 = arith.cmpi sgt, %add3A_1091, %sign3A_1094 : i32
        %sign3A_1096 = arith.extui %sign3A_1095 : i1 to i32
        %sign3A_1097 = arith.constant 0 : i32
        %sign3A_1098 = arith.cmpi slt, %add3A_1091, %sign3A_1097 : i32
        %sign3A_1099 = arith.extui %sign3A_1098 : i1 to i32
        %sign3A_1100 = arith.subi %sign3A_1096, %sign3A_1099 : i32
        %sign3A_1101 = arith.constant 0 : i32
        %sign3A_1102 = arith.cmpi sgt, %jit3A_1092, %sign3A_1101 : i32
        %sign3A_1103 = arith.extui %sign3A_1102 : i1 to i32
        %sign3A_1104 = arith.constant 0 : i32
        %sign3A_1105 = arith.cmpi slt, %jit3A_1092, %sign3A_1104 : i32
        %sign3A_1106 = arith.extui %sign3A_1105 : i1 to i32
        %sign3A_1107 = arith.subi %sign3A_1103, %sign3A_1106 : i32
        %ne3A_1108 = arith.cmpi ne, %sign3A_1100, %sign3A_1107 : i32
        %rem3A_1109 = arith.remsi %add3A_1091, %jit3A_1092 : i32
        %ne3A_1110 = arith.constant 0 : i32
        %ne3A_1111 = arith.cmpi ne, %rem3A_1109, %ne3A_1110 : i32
        %and3A_1112 = arith.andi %ne3A_1108, %ne3A_1111 : i1
        %sub3A_1113 = arith.constant 1 : i32
        %sub3A_1114 = arith.subi %div3A_1093, %sub3A_1113 : i32
        %select_n3A_1115 = arith.select %and3A_1112, %sub3A_1114, %div3A_1093 : i32
        %jit3A_1116 = arith.constant 64 : i32
        %eq3A_1117 = arith.constant 0 : i32
        %eq3A_1118 = arith.cmpi eq, %jit3A_1116, %eq3A_1117 : i32
        %jit3A_1119 = arith.constant 1 : i32
        %select_n3A_1120 = arith.select %eq3A_1118, %jit3A_1119, %jit3A_1116 : i32
        %rem3A_1121 = arith.remsi %add3A_1091, %select_n3A_1120 : i32
        %ne3A_1122 = arith.constant 0 : i32
        %ne3A_1123 = arith.cmpi ne, %rem3A_1121, %ne3A_1122 : i32
        %lt3A_1124 = arith.constant 0 : i32
        %lt3A_1125 = arith.cmpi slt, %rem3A_1121, %lt3A_1124 : i32
        %lt3A_1126 = arith.constant 0 : i32
        %lt3A_1127 = arith.cmpi slt, %select_n3A_1120, %lt3A_1126 : i32
        %ne3A_1128 = arith.xori %lt3A_1125, %lt3A_1127 : i1
        %and3A_1129 = arith.andi %ne3A_1128, %ne3A_1123 : i1
        %add3A_1130 = arith.addi %rem3A_1121, %select_n3A_1120 : i32
        %select_n3A_1131 = arith.select %and3A_1129, %add3A_1130, %rem3A_1121 : i32
        %dma_start3A_1132 = arith.constant 0 : i32
        %dma_start3A_1133 = tpu.memref_slice %arg7[%select_n3A_1115, %select_n3A_1131, %dma_start3A_1132] : memref<100x64x27648xf32, #tpu.memory_space<hbm>> -> memref<1x1x27648xf32, #tpu.memory_space<hbm>>
        %dma_start3A_1134 = tpu.memref_squeeze %dma_start3A_1133 : memref<1x1x27648xf32, #tpu.memory_space<hbm>> -> memref<1x27648xf32, #tpu.memory_space<hbm>>
        %dma_start3A_1135 = arith.constant 0 : i32
        %dma_start3A_1136 = tpu.memref_slice %arg7[%select_n3A_1115, %select_n3A_1131, %dma_start3A_1135] : memref<100x64x27648xf32, #tpu.memory_space<hbm>> -> memref<1x1x27648xf32, #tpu.memory_space<hbm>>
        %dma_start3A_1137 = tpu.memref_squeeze %dma_start3A_1136 : memref<1x1x27648xf32, #tpu.memory_space<hbm>> -> memref<1x27648xf32, #tpu.memory_space<hbm>>
        tpu.enqueue_dma source(%arg13 : memref<1x27648xf32, #tpu.memory_space<vmem>>) target(%dma_start3A_1137 : memref<1x27648xf32, #tpu.memory_space<hbm>>) target_semaphore(%arg21 : memref<!tpu.dma_semaphore, #tpu.memory_space<semaphore_mem>>)
      }
      %sub3A_611 = arith.subi %reduce_max3A_601, %reduce_max3A_542 : i32
      %add3A_612 = arith.constant 2 : i32
      %add3A_613 = arith.addi %add3A_194, %add3A_612 : i32
      %while3A_614 = arith.constant 0 : i32
      %while3A_615 = arith.constant 0 : i32
      %while3A_616 = arith.subi %sub3A_611, %while3A_615 : i32
      %while3A_617 = arith.addi %while3A_615, %while3A_616 : i32
      %while3A_618 = arith.constant 1 : i32
      %while3A_619 = arith.divsi %while3A_616, %while3A_618 : i32
      %while3A_620 = arith.muli %while3A_619, %while3A_618 : i32
      %while3A_621 = arith.addi %while3A_615, %while3A_620 : i32
      %while3A_622 = arith.constant 1 : i32
      scf.for %while3A_1033 = %while3A_615 to %while3A_621 step %while3A_622  : i32 {
        %dma_wait3A_1034 = arith.constant 0 : i32
        %dma_wait3A_1035 = arith.constant 0 : i32
        %dma_wait3A_1036 = tpu.memref_slice %arg2[%dma_wait3A_1034, %dma_wait3A_1035] : memref<100x27648xf32, #tpu.memory_space<hbm>> -> memref<1x27648xf32, #tpu.memory_space<hbm>>
        %dma_wait3A_1037 = arith.constant 0 : i32
        %dma_wait3A_1038 = arith.constant 0 : i32
        %dma_wait3A_1039 = tpu.memref_slice %arg2[%dma_wait3A_1037, %dma_wait3A_1038] : memref<100x27648xf32, #tpu.memory_space<hbm>> -> memref<1x27648xf32, #tpu.memory_space<hbm>>
        tpu.wait_dma2 semaphore(%arg21 : memref<!tpu.dma_semaphore, #tpu.memory_space<semaphore_mem>>) src(%dma_wait3A_1039 : memref<1x27648xf32, #tpu.memory_space<hbm>>) dst(%arg13 : memref<1x27648xf32, #tpu.memory_space<vmem>>)
      }
      %while3A_623 = arith.constant 1 : i32
      scf.for %while3A_1033 = %while3A_621 to %while3A_617 step %while3A_623  : i32 {
        %dma_wait3A_1034 = arith.constant 0 : i32
        %dma_wait3A_1035 = arith.constant 0 : i32
        %dma_wait3A_1036 = tpu.memref_slice %arg2[%dma_wait3A_1034, %dma_wait3A_1035] : memref<100x27648xf32, #tpu.memory_space<hbm>> -> memref<1x27648xf32, #tpu.memory_space<hbm>>
        %dma_wait3A_1037 = arith.constant 0 : i32
        %dma_wait3A_1038 = arith.constant 0 : i32
        %dma_wait3A_1039 = tpu.memref_slice %arg2[%dma_wait3A_1037, %dma_wait3A_1038] : memref<100x27648xf32, #tpu.memory_space<hbm>> -> memref<1x27648xf32, #tpu.memory_space<hbm>>
        tpu.wait_dma2 semaphore(%arg21 : memref<!tpu.dma_semaphore, #tpu.memory_space<semaphore_mem>>) src(%dma_wait3A_1039 : memref<1x27648xf32, #tpu.memory_space<hbm>>) dst(%arg13 : memref<1x27648xf32, #tpu.memory_space<vmem>>)
      }
      %add3A_624 = arith.constant 4 : i32
      %add3A_625 = arith.addi %add3A_613, %add3A_624 : i32
      %sub3A_626 = arith.constant 1 : i32
      %sub3A_627 = arith.subi %add3A_625, %sub3A_626 : i32
      %jit3A_628 = arith.constant 16 : i32
      %div3A_629 = arith.divsi %sub3A_627, %jit3A_628 : i32
      %sign3A_630 = arith.constant 0 : i32
      %sign3A_631 = arith.cmpi sgt, %sub3A_627, %sign3A_630 : i32
      %sign3A_632 = arith.extui %sign3A_631 : i1 to i32
      %sign3A_633 = arith.constant 0 : i32
      %sign3A_634 = arith.cmpi slt, %sub3A_627, %sign3A_633 : i32
      %sign3A_635 = arith.extui %sign3A_634 : i1 to i32
      %sign3A_636 = arith.subi %sign3A_632, %sign3A_635 : i32
      %sign3A_637 = arith.constant 0 : i32
      %sign3A_638 = arith.cmpi sgt, %jit3A_628, %sign3A_637 : i32
      %sign3A_639 = arith.extui %sign3A_638 : i1 to i32
      %sign3A_640 = arith.constant 0 : i32
      %sign3A_641 = arith.cmpi slt, %jit3A_628, %sign3A_640 : i32
      %sign3A_642 = arith.extui %sign3A_641 : i1 to i32
      %sign3A_643 = arith.subi %sign3A_639, %sign3A_642 : i32
      %ne3A_644 = arith.cmpi ne, %sign3A_636, %sign3A_643 : i32
      %rem3A_645 = arith.remsi %sub3A_627, %jit3A_628 : i32
      %ne3A_646 = arith.constant 0 : i32
      %ne3A_647 = arith.cmpi ne, %rem3A_645, %ne3A_646 : i32
      %and3A_648 = arith.andi %ne3A_644, %ne3A_647 : i1
      %sub3A_649 = arith.constant 1 : i32
      %sub3A_650 = arith.subi %div3A_629, %sub3A_649 : i32
      %select_n3A_651 = arith.select %and3A_648, %sub3A_650, %div3A_629 : i32
      %get3A_652 = arith.index_cast %select_n3A_651 : i32 to index
      %get3A_653 = arith.constant 0 : index
      %get3A_654 = tpu.vector_load %arg8[%get3A_652, %get3A_653] {strides = array<i32>} : memref<14x16xi32, #tpu.memory_space<vmem>>, vector<16xi32>,
      %iota3A_655 = tpu.iota {dimensions = array<i32: 0>} : vector<16xi32>
      %jit3A_656 = arith.constant 16 : i32
      %eq3A_657 = arith.constant 0 : i32
      %eq3A_658 = arith.cmpi eq, %jit3A_656, %eq3A_657 : i32
      %jit3A_659 = arith.constant 1 : i32
      %select_n3A_660 = arith.select %eq3A_658, %jit3A_659, %jit3A_656 : i32
      %rem3A_661 = arith.remsi %sub3A_627, %select_n3A_660 : i32
      %ne3A_662 = arith.constant 0 : i32
      %ne3A_663 = arith.cmpi ne, %rem3A_661, %ne3A_662 : i32
      %lt3A_664 = arith.constant 0 : i32
      %lt3A_665 = arith.cmpi slt, %rem3A_661, %lt3A_664 : i32
      %lt3A_666 = arith.constant 0 : i32
      %lt3A_667 = arith.cmpi slt, %select_n3A_660, %lt3A_666 : i32
      %ne3A_668 = arith.xori %lt3A_665, %lt3A_667 : i1
      %and3A_669 = arith.andi %ne3A_668, %ne3A_663 : i1
      %add3A_670 = arith.addi %rem3A_661, %select_n3A_660 : i32
      %select_n3A_671 = arith.select %and3A_669, %add3A_670, %rem3A_661 : i32
      %eq3A_672 = vector.broadcast %select_n3A_671 : i32 to vector<16xi32>
      %eq3A_673 = arith.cmpi eq, %iota3A_655, %eq3A_672 : vector<16xi32>
      %jit3A_674 = arith.constant 0 : i32
      %broadcast_in_dim3A_675 = vector.broadcast %jit3A_674 : i32 to vector<16xi32>
      %select_n3A_676 = arith.select %eq3A_673, %get3A_654, %broadcast_in_dim3A_675 : vector<16xi1>, vector<16xi32>
      %reduce_max3A_677 = arith.constant true
      %reduce_max3A_678 = vector.broadcast %reduce_max3A_677 : i1 to vector<16xi1>
      %reduce_max3A_679 = arith.constant -2147483648 : i32
      %reduce_max3A_680 = vector.broadcast %reduce_max3A_679 : i32 to vector<16xi32>
      %reduce_max3A_681 = arith.xori %select_n3A_676, %reduce_max3A_680 : vector<16xi32>
      %reduce_max3A_682 = tpu.scan <max>, %reduce_max3A_681 masked %reduce_max3A_678 : vector<16xi32>, vector<16xi1> -> vector<16xi32>
      %reduce_max3A_683 = arith.xori %reduce_max3A_682, %reduce_max3A_680 : vector<16xi32>
      %reduce_max3A_684 = vector.extract %reduce_max3A_683[15] : i32 from vector<16xi32>
      %dma_start3A_685 = arith.constant 0 : i32
      %dma_start3A_686 = tpu.memref_slice %arg2[%reduce_max3A_684, %dma_start3A_685] : memref<100x27648xf32, #tpu.memory_space<hbm>> -> memref<1x27648xf32, #tpu.memory_space<hbm>>
      %dma_start3A_687 = arith.constant 0 : i32
      %dma_start3A_688 = tpu.memref_slice %arg2[%reduce_max3A_684, %dma_start3A_687] : memref<100x27648xf32, #tpu.memory_space<hbm>> -> memref<1x27648xf32, #tpu.memory_space<hbm>>
      tpu.enqueue_dma source(%dma_start3A_688 : memref<1x27648xf32, #tpu.memory_space<hbm>>) target(%arg13 : memref<1x27648xf32, #tpu.memory_space<vmem>>) target_semaphore(%arg17 : memref<!tpu.dma_semaphore, #tpu.memory_space<semaphore_mem>>)
      %dma_wait3A_689 = arith.constant 0 : i32
      %dma_wait3A_690 = arith.constant 0 : i32
      %dma_wait3A_691 = tpu.memref_slice %arg2[%dma_wait3A_689, %dma_wait3A_690] : memref<100x27648xf32, #tpu.memory_space<hbm>> -> memref<1x27648xf32, #tpu.memory_space<hbm>>
      %dma_wait3A_692 = arith.constant 0 : i32
      %dma_wait3A_693 = arith.constant 0 : i32
      %dma_wait3A_694 = tpu.memref_slice %arg2[%dma_wait3A_692, %dma_wait3A_693] : memref<100x27648xf32, #tpu.memory_space<hbm>> -> memref<1x27648xf32, #tpu.memory_space<hbm>>
      tpu.wait_dma2 semaphore(%arg18 : memref<!tpu.dma_semaphore, #tpu.memory_space<semaphore_mem>>) src(%dma_wait3A_694 : memref<1x27648xf32, #tpu.memory_space<hbm>>) dst(%arg14 : memref<1x27648xf32, #tpu.memory_space<vmem>>)
      %jit3A_695 = arith.constant 16 : i32
      %div3A_696 = arith.divsi %add3A_613, %jit3A_695 : i32
      %sign3A_697 = arith.constant 0 : i32
      %sign3A_698 = arith.cmpi sgt, %add3A_613, %sign3A_697 : i32
      %sign3A_699 = arith.extui %sign3A_698 : i1 to i32
      %sign3A_700 = arith.constant 0 : i32
      %sign3A_701 = arith.cmpi slt, %add3A_613, %sign3A_700 : i32
      %sign3A_702 = arith.extui %sign3A_701 : i1 to i32
      %sign3A_703 = arith.subi %sign3A_699, %sign3A_702 : i32
      %sign3A_704 = arith.constant 0 : i32
      %sign3A_705 = arith.cmpi sgt, %jit3A_695, %sign3A_704 : i32
      %sign3A_706 = arith.extui %sign3A_705 : i1 to i32
      %sign3A_707 = arith.constant 0 : i32
      %sign3A_708 = arith.cmpi slt, %jit3A_695, %sign3A_707 : i32
      %sign3A_709 = arith.extui %sign3A_708 : i1 to i32
      %sign3A_710 = arith.subi %sign3A_706, %sign3A_709 : i32
      %ne3A_711 = arith.cmpi ne, %sign3A_703, %sign3A_710 : i32
      %rem3A_712 = arith.remsi %add3A_613, %jit3A_695 : i32
      %ne3A_713 = arith.constant 0 : i32
      %ne3A_714 = arith.cmpi ne, %rem3A_712, %ne3A_713 : i32
      %and3A_715 = arith.andi %ne3A_711, %ne3A_714 : i1
      %sub3A_716 = arith.constant 1 : i32
      %sub3A_717 = arith.subi %div3A_696, %sub3A_716 : i32
      %select_n3A_718 = arith.select %and3A_715, %sub3A_717, %div3A_696 : i32
      %get3A_719 = arith.index_cast %select_n3A_718 : i32 to index
      %get3A_720 = arith.constant 0 : index
      %get3A_721 = tpu.vector_load %arg9[%get3A_719, %get3A_720] {strides = array<i32>} : memref<14x16xi32, #tpu.memory_space<vmem>>, vector<16xi32>,
      %iota3A_722 = tpu.iota {dimensions = array<i32: 0>} : vector<16xi32>
      %jit3A_723 = arith.constant 16 : i32
      %eq3A_724 = arith.constant 0 : i32
      %eq3A_725 = arith.cmpi eq, %jit3A_723, %eq3A_724 : i32
      %jit3A_726 = arith.constant 1 : i32
      %select_n3A_727 = arith.select %eq3A_725, %jit3A_726, %jit3A_723 : i32
      %rem3A_728 = arith.remsi %add3A_613, %select_n3A_727 : i32
      %ne3A_729 = arith.constant 0 : i32
      %ne3A_730 = arith.cmpi ne, %rem3A_728, %ne3A_729 : i32
      %lt3A_731 = arith.constant 0 : i32
      %lt3A_732 = arith.cmpi slt, %rem3A_728, %lt3A_731 : i32
      %lt3A_733 = arith.constant 0 : i32
      %lt3A_734 = arith.cmpi slt, %select_n3A_727, %lt3A_733 : i32
      %ne3A_735 = arith.xori %lt3A_732, %lt3A_734 : i1
      %and3A_736 = arith.andi %ne3A_735, %ne3A_730 : i1
      %add3A_737 = arith.addi %rem3A_728, %select_n3A_727 : i32
      %select_n3A_738 = arith.select %and3A_736, %add3A_737, %rem3A_728 : i32
      %eq3A_739 = vector.broadcast %select_n3A_738 : i32 to vector<16xi32>
      %eq3A_740 = arith.cmpi eq, %iota3A_722, %eq3A_739 : vector<16xi32>
      %jit3A_741 = arith.constant 0 : i32
      %broadcast_in_dim3A_742 = vector.broadcast %jit3A_741 : i32 to vector<16xi32>
      %select_n3A_743 = arith.select %eq3A_740, %get3A_721, %broadcast_in_dim3A_742 : vector<16xi1>, vector<16xi32>
      %reduce_max3A_744 = arith.constant true
      %reduce_max3A_745 = vector.broadcast %reduce_max3A_744 : i1 to vector<16xi1>
      %reduce_max3A_746 = arith.constant -2147483648 : i32
      %reduce_max3A_747 = vector.broadcast %reduce_max3A_746 : i32 to vector<16xi32>
      %reduce_max3A_748 = arith.xori %select_n3A_743, %reduce_max3A_747 : vector<16xi32>
      %reduce_max3A_749 = tpu.scan <max>, %reduce_max3A_748 masked %reduce_max3A_745 : vector<16xi32>, vector<16xi1> -> vector<16xi32>
      %reduce_max3A_750 = arith.xori %reduce_max3A_749, %reduce_max3A_747 : vector<16xi32>
      %reduce_max3A_751 = vector.extract %reduce_max3A_750[15] : i32 from vector<16xi32>
      %add3A_752 = arith.constant 1 : i32
      %add3A_753 = arith.addi %add3A_613, %add3A_752 : i32
      %jit3A_754 = arith.constant 16 : i32
      %div3A_755 = arith.divsi %add3A_753, %jit3A_754 : i32
      %sign3A_756 = arith.constant 0 : i32
      %sign3A_757 = arith.cmpi sgt, %add3A_753, %sign3A_756 : i32
      %sign3A_758 = arith.extui %sign3A_757 : i1 to i32
      %sign3A_759 = arith.constant 0 : i32
      %sign3A_760 = arith.cmpi slt, %add3A_753, %sign3A_759 : i32
      %sign3A_761 = arith.extui %sign3A_760 : i1 to i32
      %sign3A_762 = arith.subi %sign3A_758, %sign3A_761 : i32
      %sign3A_763 = arith.constant 0 : i32
      %sign3A_764 = arith.cmpi sgt, %jit3A_754, %sign3A_763 : i32
      %sign3A_765 = arith.extui %sign3A_764 : i1 to i32
      %sign3A_766 = arith.constant 0 : i32
      %sign3A_767 = arith.cmpi slt, %jit3A_754, %sign3A_766 : i32
      %sign3A_768 = arith.extui %sign3A_767 : i1 to i32
      %sign3A_769 = arith.subi %sign3A_765, %sign3A_768 : i32
      %ne3A_770 = arith.cmpi ne, %sign3A_762, %sign3A_769 : i32
      %rem3A_771 = arith.remsi %add3A_753, %jit3A_754 : i32
      %ne3A_772 = arith.constant 0 : i32
      %ne3A_773 = arith.cmpi ne, %rem3A_771, %ne3A_772 : i32
      %and3A_774 = arith.andi %ne3A_770, %ne3A_773 : i1
      %sub3A_775 = arith.constant 1 : i32
      %sub3A_776 = arith.subi %div3A_755, %sub3A_775 : i32
      %select_n3A_777 = arith.select %and3A_774, %sub3A_776, %div3A_755 : i32
      %get3A_778 = arith.index_cast %select_n3A_777 : i32 to index
      %get3A_779 = arith.constant 0 : index
      %get3A_780 = tpu.vector_load %arg9[%get3A_778, %get3A_779] {strides = array<i32>} : memref<14x16xi32, #tpu.memory_space<vmem>>, vector<16xi32>,
      %iota3A_781 = tpu.iota {dimensions = array<i32: 0>} : vector<16xi32>
      %jit3A_782 = arith.constant 16 : i32
      %eq3A_783 = arith.constant 0 : i32
      %eq3A_784 = arith.cmpi eq, %jit3A_782, %eq3A_783 : i32
      %jit3A_785 = arith.constant 1 : i32
      %select_n3A_786 = arith.select %eq3A_784, %jit3A_785, %jit3A_782 : i32
      %rem3A_787 = arith.remsi %add3A_753, %select_n3A_786 : i32
      %ne3A_788 = arith.constant 0 : i32
      %ne3A_789 = arith.cmpi ne, %rem3A_787, %ne3A_788 : i32
      %lt3A_790 = arith.constant 0 : i32
      %lt3A_791 = arith.cmpi slt, %rem3A_787, %lt3A_790 : i32
      %lt3A_792 = arith.constant 0 : i32
      %lt3A_793 = arith.cmpi slt, %select_n3A_786, %lt3A_792 : i32
      %ne3A_794 = arith.xori %lt3A_791, %lt3A_793 : i1
      %and3A_795 = arith.andi %ne3A_794, %ne3A_789 : i1
      %add3A_796 = arith.addi %rem3A_787, %select_n3A_786 : i32
      %select_n3A_797 = arith.select %and3A_795, %add3A_796, %rem3A_787 : i32
      %eq3A_798 = vector.broadcast %select_n3A_797 : i32 to vector<16xi32>
      %eq3A_799 = arith.cmpi eq, %iota3A_781, %eq3A_798 : vector<16xi32>
      %jit3A_800 = arith.constant 0 : i32
      %broadcast_in_dim3A_801 = vector.broadcast %jit3A_800 : i32 to vector<16xi32>
      %select_n3A_802 = arith.select %eq3A_799, %get3A_780, %broadcast_in_dim3A_801 : vector<16xi1>, vector<16xi32>
      %reduce_max3A_803 = arith.constant true
      %reduce_max3A_804 = vector.broadcast %reduce_max3A_803 : i1 to vector<16xi1>
      %reduce_max3A_805 = arith.constant -2147483648 : i32
      %reduce_max3A_806 = vector.broadcast %reduce_max3A_805 : i32 to vector<16xi32>
      %reduce_max3A_807 = arith.xori %select_n3A_802, %reduce_max3A_806 : vector<16xi32>
      %reduce_max3A_808 = tpu.scan <max>, %reduce_max3A_807 masked %reduce_max3A_804 : vector<16xi32>, vector<16xi1> -> vector<16xi32>
      %reduce_max3A_809 = arith.xori %reduce_max3A_808, %reduce_max3A_806 : vector<16xi32>
      %reduce_max3A_810 = vector.extract %reduce_max3A_809[15] : i32 from vector<16xi32>
      %while3A_811 = arith.constant 0 : i32
      %while3A_812 = arith.subi %reduce_max3A_810, %reduce_max3A_751 : i32
      %while3A_813 = arith.addi %reduce_max3A_751, %while3A_812 : i32
      %while3A_814 = arith.constant 1 : i32
      %while3A_815 = arith.divsi %while3A_812, %while3A_814 : i32
      %while3A_816 = arith.muli %while3A_815, %while3A_814 : i32
      %while3A_817 = arith.addi %reduce_max3A_751, %while3A_816 : i32
      %while3A_818 = arith.constant 1 : i32
      scf.for %while3A_1033 = %reduce_max3A_751 to %while3A_817 step %while3A_818  : i32 {
        %jit3A_1034 = arith.constant 16 : i32
        %div3A_1035 = arith.divsi %while3A_1033, %jit3A_1034 : i32
        %sign3A_1036 = arith.constant 0 : i32
        %sign3A_1037 = arith.cmpi sgt, %while3A_1033, %sign3A_1036 : i32
        %sign3A_1038 = arith.extui %sign3A_1037 : i1 to i32
        %sign3A_1039 = arith.constant 0 : i32
        %sign3A_1040 = arith.cmpi slt, %while3A_1033, %sign3A_1039 : i32
        %sign3A_1041 = arith.extui %sign3A_1040 : i1 to i32
        %sign3A_1042 = arith.subi %sign3A_1038, %sign3A_1041 : i32
        %sign3A_1043 = arith.constant 0 : i32
        %sign3A_1044 = arith.cmpi sgt, %jit3A_1034, %sign3A_1043 : i32
        %sign3A_1045 = arith.extui %sign3A_1044 : i1 to i32
        %sign3A_1046 = arith.constant 0 : i32
        %sign3A_1047 = arith.cmpi slt, %jit3A_1034, %sign3A_1046 : i32
        %sign3A_1048 = arith.extui %sign3A_1047 : i1 to i32
        %sign3A_1049 = arith.subi %sign3A_1045, %sign3A_1048 : i32
        %ne3A_1050 = arith.cmpi ne, %sign3A_1042, %sign3A_1049 : i32
        %rem3A_1051 = arith.remsi %while3A_1033, %jit3A_1034 : i32
        %ne3A_1052 = arith.constant 0 : i32
        %ne3A_1053 = arith.cmpi ne, %rem3A_1051, %ne3A_1052 : i32
        %and3A_1054 = arith.andi %ne3A_1050, %ne3A_1053 : i1
        %sub3A_1055 = arith.constant 1 : i32
        %sub3A_1056 = arith.subi %div3A_1035, %sub3A_1055 : i32
        %select_n3A_1057 = arith.select %and3A_1054, %sub3A_1056, %div3A_1035 : i32
        %get3A_1058 = arith.index_cast %select_n3A_1057 : i32 to index
        %get3A_1059 = arith.constant 0 : index
        %get3A_1060 = tpu.vector_load %arg10[%get3A_1058, %get3A_1059] {strides = array<i32>} : memref<13x16xi32, #tpu.memory_space<vmem>>, vector<16xi32>,
        %iota3A_1061 = tpu.iota {dimensions = array<i32: 0>} : vector<16xi32>
        %jit3A_1062 = arith.constant 16 : i32
        %eq3A_1063 = arith.constant 0 : i32
        %eq3A_1064 = arith.cmpi eq, %jit3A_1062, %eq3A_1063 : i32
        %jit3A_1065 = arith.constant 1 : i32
        %select_n3A_1066 = arith.select %eq3A_1064, %jit3A_1065, %jit3A_1062 : i32
        %rem3A_1067 = arith.remsi %while3A_1033, %select_n3A_1066 : i32
        %ne3A_1068 = arith.constant 0 : i32
        %ne3A_1069 = arith.cmpi ne, %rem3A_1067, %ne3A_1068 : i32
        %lt3A_1070 = arith.constant 0 : i32
        %lt3A_1071 = arith.cmpi slt, %rem3A_1067, %lt3A_1070 : i32
        %lt3A_1072 = arith.constant 0 : i32
        %lt3A_1073 = arith.cmpi slt, %select_n3A_1066, %lt3A_1072 : i32
        %ne3A_1074 = arith.xori %lt3A_1071, %lt3A_1073 : i1
        %and3A_1075 = arith.andi %ne3A_1074, %ne3A_1069 : i1
        %add3A_1076 = arith.addi %rem3A_1067, %select_n3A_1066 : i32
        %select_n3A_1077 = arith.select %and3A_1075, %add3A_1076, %rem3A_1067 : i32
        %eq3A_1078 = vector.broadcast %select_n3A_1077 : i32 to vector<16xi32>
        %eq3A_1079 = arith.cmpi eq, %iota3A_1061, %eq3A_1078 : vector<16xi32>
        %jit3A_1080 = arith.constant 0 : i32
        %broadcast_in_dim3A_1081 = vector.broadcast %jit3A_1080 : i32 to vector<16xi32>
        %select_n3A_1082 = arith.select %eq3A_1079, %get3A_1060, %broadcast_in_dim3A_1081 : vector<16xi1>, vector<16xi32>
        %reduce_max3A_1083 = arith.constant true
        %reduce_max3A_1084 = vector.broadcast %reduce_max3A_1083 : i1 to vector<16xi1>
        %reduce_max3A_1085 = arith.constant -2147483648 : i32
        %reduce_max3A_1086 = vector.broadcast %reduce_max3A_1085 : i32 to vector<16xi32>
        %reduce_max3A_1087 = arith.xori %select_n3A_1082, %reduce_max3A_1086 : vector<16xi32>
        %reduce_max3A_1088 = tpu.scan <max>, %reduce_max3A_1087 masked %reduce_max3A_1084 : vector<16xi32>, vector<16xi1> -> vector<16xi32>
        %reduce_max3A_1089 = arith.xori %reduce_max3A_1088, %reduce_max3A_1086 : vector<16xi32>
        %reduce_max3A_1090 = vector.extract %reduce_max3A_1089[15] : i32 from vector<16xi32>
        %add3A_1091 = arith.addi %mul3A_2, %reduce_max3A_1090 : i32
        %jit3A_1092 = arith.constant 64 : i32
        %div3A_1093 = arith.divsi %add3A_1091, %jit3A_1092 : i32
        %sign3A_1094 = arith.constant 0 : i32
        %sign3A_1095 = arith.cmpi sgt, %add3A_1091, %sign3A_1094 : i32
        %sign3A_1096 = arith.extui %sign3A_1095 : i1 to i32
        %sign3A_1097 = arith.constant 0 : i32
        %sign3A_1098 = arith.cmpi slt, %add3A_1091, %sign3A_1097 : i32
        %sign3A_1099 = arith.extui %sign3A_1098 : i1 to i32
        %sign3A_1100 = arith.subi %sign3A_1096, %sign3A_1099 : i32
        %sign3A_1101 = arith.constant 0 : i32
        %sign3A_1102 = arith.cmpi sgt, %jit3A_1092, %sign3A_1101 : i32
        %sign3A_1103 = arith.extui %sign3A_1102 : i1 to i32
        %sign3A_1104 = arith.constant 0 : i32
        %sign3A_1105 = arith.cmpi slt, %jit3A_1092, %sign3A_1104 : i32
        %sign3A_1106 = arith.extui %sign3A_1105 : i1 to i32
        %sign3A_1107 = arith.subi %sign3A_1103, %sign3A_1106 : i32
        %ne3A_1108 = arith.cmpi ne, %sign3A_1100, %sign3A_1107 : i32
        %rem3A_1109 = arith.remsi %add3A_1091, %jit3A_1092 : i32
        %ne3A_1110 = arith.constant 0 : i32
        %ne3A_1111 = arith.cmpi ne, %rem3A_1109, %ne3A_1110 : i32
        %and3A_1112 = arith.andi %ne3A_1108, %ne3A_1111 : i1
        %sub3A_1113 = arith.constant 1 : i32
        %sub3A_1114 = arith.subi %div3A_1093, %sub3A_1113 : i32
        %select_n3A_1115 = arith.select %and3A_1112, %sub3A_1114, %div3A_1093 : i32
        %jit3A_1116 = arith.constant 64 : i32
        %eq3A_1117 = arith.constant 0 : i32
        %eq3A_1118 = arith.cmpi eq, %jit3A_1116, %eq3A_1117 : i32
        %jit3A_1119 = arith.constant 1 : i32
        %select_n3A_1120 = arith.select %eq3A_1118, %jit3A_1119, %jit3A_1116 : i32
        %rem3A_1121 = arith.remsi %add3A_1091, %select_n3A_1120 : i32
        %ne3A_1122 = arith.constant 0 : i32
        %ne3A_1123 = arith.cmpi ne, %rem3A_1121, %ne3A_1122 : i32
        %lt3A_1124 = arith.constant 0 : i32
        %lt3A_1125 = arith.cmpi slt, %rem3A_1121, %lt3A_1124 : i32
        %lt3A_1126 = arith.constant 0 : i32
        %lt3A_1127 = arith.cmpi slt, %select_n3A_1120, %lt3A_1126 : i32
        %ne3A_1128 = arith.xori %lt3A_1125, %lt3A_1127 : i1
        %and3A_1129 = arith.andi %ne3A_1128, %ne3A_1123 : i1
        %add3A_1130 = arith.addi %rem3A_1121, %select_n3A_1120 : i32
        %select_n3A_1131 = arith.select %and3A_1129, %add3A_1130, %rem3A_1121 : i32
        %dma_start3A_1132 = arith.constant 0 : i32
        %dma_start3A_1133 = tpu.memref_slice %arg7[%select_n3A_1115, %select_n3A_1131, %dma_start3A_1132] : memref<100x64x27648xf32, #tpu.memory_space<hbm>> -> memref<1x1x27648xf32, #tpu.memory_space<hbm>>
        %dma_start3A_1134 = tpu.memref_squeeze %dma_start3A_1133 : memref<1x1x27648xf32, #tpu.memory_space<hbm>> -> memref<1x27648xf32, #tpu.memory_space<hbm>>
        %dma_start3A_1135 = arith.constant 0 : i32
        %dma_start3A_1136 = tpu.memref_slice %arg7[%select_n3A_1115, %select_n3A_1131, %dma_start3A_1135] : memref<100x64x27648xf32, #tpu.memory_space<hbm>> -> memref<1x1x27648xf32, #tpu.memory_space<hbm>>
        %dma_start3A_1137 = tpu.memref_squeeze %dma_start3A_1136 : memref<1x1x27648xf32, #tpu.memory_space<hbm>> -> memref<1x27648xf32, #tpu.memory_space<hbm>>
        tpu.enqueue_dma source(%arg14 : memref<1x27648xf32, #tpu.memory_space<vmem>>) target(%dma_start3A_1137 : memref<1x27648xf32, #tpu.memory_space<hbm>>) target_semaphore(%arg22 : memref<!tpu.dma_semaphore, #tpu.memory_space<semaphore_mem>>)
      }
      %while3A_819 = arith.constant 1 : i32
      scf.for %while3A_1033 = %while3A_817 to %while3A_813 step %while3A_819  : i32 {
        %jit3A_1034 = arith.constant 16 : i32
        %div3A_1035 = arith.divsi %while3A_1033, %jit3A_1034 : i32
        %sign3A_1036 = arith.constant 0 : i32
        %sign3A_1037 = arith.cmpi sgt, %while3A_1033, %sign3A_1036 : i32
        %sign3A_1038 = arith.extui %sign3A_1037 : i1 to i32
        %sign3A_1039 = arith.constant 0 : i32
        %sign3A_1040 = arith.cmpi slt, %while3A_1033, %sign3A_1039 : i32
        %sign3A_1041 = arith.extui %sign3A_1040 : i1 to i32
        %sign3A_1042 = arith.subi %sign3A_1038, %sign3A_1041 : i32
        %sign3A_1043 = arith.constant 0 : i32
        %sign3A_1044 = arith.cmpi sgt, %jit3A_1034, %sign3A_1043 : i32
        %sign3A_1045 = arith.extui %sign3A_1044 : i1 to i32
        %sign3A_1046 = arith.constant 0 : i32
        %sign3A_1047 = arith.cmpi slt, %jit3A_1034, %sign3A_1046 : i32
        %sign3A_1048 = arith.extui %sign3A_1047 : i1 to i32
        %sign3A_1049 = arith.subi %sign3A_1045, %sign3A_1048 : i32
        %ne3A_1050 = arith.cmpi ne, %sign3A_1042, %sign3A_1049 : i32
        %rem3A_1051 = arith.remsi %while3A_1033, %jit3A_1034 : i32
        %ne3A_1052 = arith.constant 0 : i32
        %ne3A_1053 = arith.cmpi ne, %rem3A_1051, %ne3A_1052 : i32
        %and3A_1054 = arith.andi %ne3A_1050, %ne3A_1053 : i1
        %sub3A_1055 = arith.constant 1 : i32
        %sub3A_1056 = arith.subi %div3A_1035, %sub3A_1055 : i32
        %select_n3A_1057 = arith.select %and3A_1054, %sub3A_1056, %div3A_1035 : i32
        %get3A_1058 = arith.index_cast %select_n3A_1057 : i32 to index
        %get3A_1059 = arith.constant 0 : index
        %get3A_1060 = tpu.vector_load %arg10[%get3A_1058, %get3A_1059] {strides = array<i32>} : memref<13x16xi32, #tpu.memory_space<vmem>>, vector<16xi32>,
        %iota3A_1061 = tpu.iota {dimensions = array<i32: 0>} : vector<16xi32>
        %jit3A_1062 = arith.constant 16 : i32
        %eq3A_1063 = arith.constant 0 : i32
        %eq3A_1064 = arith.cmpi eq, %jit3A_1062, %eq3A_1063 : i32
        %jit3A_1065 = arith.constant 1 : i32
        %select_n3A_1066 = arith.select %eq3A_1064, %jit3A_1065, %jit3A_1062 : i32
        %rem3A_1067 = arith.remsi %while3A_1033, %select_n3A_1066 : i32
        %ne3A_1068 = arith.constant 0 : i32
        %ne3A_1069 = arith.cmpi ne, %rem3A_1067, %ne3A_1068 : i32
        %lt3A_1070 = arith.constant 0 : i32
        %lt3A_1071 = arith.cmpi slt, %rem3A_1067, %lt3A_1070 : i32
        %lt3A_1072 = arith.constant 0 : i32
        %lt3A_1073 = arith.cmpi slt, %select_n3A_1066, %lt3A_1072 : i32
        %ne3A_1074 = arith.xori %lt3A_1071, %lt3A_1073 : i1
        %and3A_1075 = arith.andi %ne3A_1074, %ne3A_1069 : i1
        %add3A_1076 = arith.addi %rem3A_1067, %select_n3A_1066 : i32
        %select_n3A_1077 = arith.select %and3A_1075, %add3A_1076, %rem3A_1067 : i32
        %eq3A_1078 = vector.broadcast %select_n3A_1077 : i32 to vector<16xi32>
        %eq3A_1079 = arith.cmpi eq, %iota3A_1061, %eq3A_1078 : vector<16xi32>
        %jit3A_1080 = arith.constant 0 : i32
        %broadcast_in_dim3A_1081 = vector.broadcast %jit3A_1080 : i32 to vector<16xi32>
        %select_n3A_1082 = arith.select %eq3A_1079, %get3A_1060, %broadcast_in_dim3A_1081 : vector<16xi1>, vector<16xi32>
        %reduce_max3A_1083 = arith.constant true
        %reduce_max3A_1084 = vector.broadcast %reduce_max3A_1083 : i1 to vector<16xi1>
        %reduce_max3A_1085 = arith.constant -2147483648 : i32
        %reduce_max3A_1086 = vector.broadcast %reduce_max3A_1085 : i32 to vector<16xi32>
        %reduce_max3A_1087 = arith.xori %select_n3A_1082, %reduce_max3A_1086 : vector<16xi32>
        %reduce_max3A_1088 = tpu.scan <max>, %reduce_max3A_1087 masked %reduce_max3A_1084 : vector<16xi32>, vector<16xi1> -> vector<16xi32>
        %reduce_max3A_1089 = arith.xori %reduce_max3A_1088, %reduce_max3A_1086 : vector<16xi32>
        %reduce_max3A_1090 = vector.extract %reduce_max3A_1089[15] : i32 from vector<16xi32>
        %add3A_1091 = arith.addi %mul3A_2, %reduce_max3A_1090 : i32
        %jit3A_1092 = arith.constant 64 : i32
        %div3A_1093 = arith.divsi %add3A_1091, %jit3A_1092 : i32
        %sign3A_1094 = arith.constant 0 : i32
        %sign3A_1095 = arith.cmpi sgt, %add3A_1091, %sign3A_1094 : i32
        %sign3A_1096 = arith.extui %sign3A_1095 : i1 to i32
        %sign3A_1097 = arith.constant 0 : i32
        %sign3A_1098 = arith.cmpi slt, %add3A_1091, %sign3A_1097 : i32
        %sign3A_1099 = arith.extui %sign3A_1098 : i1 to i32
        %sign3A_1100 = arith.subi %sign3A_1096, %sign3A_1099 : i32
        %sign3A_1101 = arith.constant 0 : i32
        %sign3A_1102 = arith.cmpi sgt, %jit3A_1092, %sign3A_1101 : i32
        %sign3A_1103 = arith.extui %sign3A_1102 : i1 to i32
        %sign3A_1104 = arith.constant 0 : i32
        %sign3A_1105 = arith.cmpi slt, %jit3A_1092, %sign3A_1104 : i32
        %sign3A_1106 = arith.extui %sign3A_1105 : i1 to i32
        %sign3A_1107 = arith.subi %sign3A_1103, %sign3A_1106 : i32
        %ne3A_1108 = arith.cmpi ne, %sign3A_1100, %sign3A_1107 : i32
        %rem3A_1109 = arith.remsi %add3A_1091, %jit3A_1092 : i32
        %ne3A_1110 = arith.constant 0 : i32
        %ne3A_1111 = arith.cmpi ne, %rem3A_1109, %ne3A_1110 : i32
        %and3A_1112 = arith.andi %ne3A_1108, %ne3A_1111 : i1
        %sub3A_1113 = arith.constant 1 : i32
        %sub3A_1114 = arith.subi %div3A_1093, %sub3A_1113 : i32
        %select_n3A_1115 = arith.select %and3A_1112, %sub3A_1114, %div3A_1093 : i32
        %jit3A_1116 = arith.constant 64 : i32
        %eq3A_1117 = arith.constant 0 : i32
        %eq3A_1118 = arith.cmpi eq, %jit3A_1116, %eq3A_1117 : i32
        %jit3A_1119 = arith.constant 1 : i32
        %select_n3A_1120 = arith.select %eq3A_1118, %jit3A_1119, %jit3A_1116 : i32
        %rem3A_1121 = arith.remsi %add3A_1091, %select_n3A_1120 : i32
        %ne3A_1122 = arith.constant 0 : i32
        %ne3A_1123 = arith.cmpi ne, %rem3A_1121, %ne3A_1122 : i32
        %lt3A_1124 = arith.constant 0 : i32
        %lt3A_1125 = arith.cmpi slt, %rem3A_1121, %lt3A_1124 : i32
        %lt3A_1126 = arith.constant 0 : i32
        %lt3A_1127 = arith.cmpi slt, %select_n3A_1120, %lt3A_1126 : i32
        %ne3A_1128 = arith.xori %lt3A_1125, %lt3A_1127 : i1
        %and3A_1129 = arith.andi %ne3A_1128, %ne3A_1123 : i1
        %add3A_1130 = arith.addi %rem3A_1121, %select_n3A_1120 : i32
        %select_n3A_1131 = arith.select %and3A_1129, %add3A_1130, %rem3A_1121 : i32
        %dma_start3A_1132 = arith.constant 0 : i32
        %dma_start3A_1133 = tpu.memref_slice %arg7[%select_n3A_1115, %select_n3A_1131, %dma_start3A_1132] : memref<100x64x27648xf32, #tpu.memory_space<hbm>> -> memref<1x1x27648xf32, #tpu.memory_space<hbm>>
        %dma_start3A_1134 = tpu.memref_squeeze %dma_start3A_1133 : memref<1x1x27648xf32, #tpu.memory_space<hbm>> -> memref<1x27648xf32, #tpu.memory_space<hbm>>
        %dma_start3A_1135 = arith.constant 0 : i32
        %dma_start3A_1136 = tpu.memref_slice %arg7[%select_n3A_1115, %select_n3A_1131, %dma_start3A_1135] : memref<100x64x27648xf32, #tpu.memory_space<hbm>> -> memref<1x1x27648xf32, #tpu.memory_space<hbm>>
        %dma_start3A_1137 = tpu.memref_squeeze %dma_start3A_1136 : memref<1x1x27648xf32, #tpu.memory_space<hbm>> -> memref<1x27648xf32, #tpu.memory_space<hbm>>
        tpu.enqueue_dma source(%arg14 : memref<1x27648xf32, #tpu.memory_space<vmem>>) target(%dma_start3A_1137 : memref<1x27648xf32, #tpu.memory_space<hbm>>) target_semaphore(%arg22 : memref<!tpu.dma_semaphore, #tpu.memory_space<semaphore_mem>>)
      }
      %sub3A_820 = arith.subi %reduce_max3A_810, %reduce_max3A_751 : i32
      %add3A_821 = arith.constant 3 : i32
      %add3A_822 = arith.addi %add3A_194, %add3A_821 : i32
      %while3A_823 = arith.constant 0 : i32
      %while3A_824 = arith.constant 0 : i32
      %while3A_825 = arith.subi %sub3A_820, %while3A_824 : i32
      %while3A_826 = arith.addi %while3A_824, %while3A_825 : i32
      %while3A_827 = arith.constant 1 : i32
      %while3A_828 = arith.divsi %while3A_825, %while3A_827 : i32
      %while3A_829 = arith.muli %while3A_828, %while3A_827 : i32
      %while3A_830 = arith.addi %while3A_824, %while3A_829 : i32
      %while3A_831 = arith.constant 1 : i32
      scf.for %while3A_1033 = %while3A_824 to %while3A_830 step %while3A_831  : i32 {
        %dma_wait3A_1034 = arith.constant 0 : i32
        %dma_wait3A_1035 = arith.constant 0 : i32
        %dma_wait3A_1036 = tpu.memref_slice %arg2[%dma_wait3A_1034, %dma_wait3A_1035] : memref<100x27648xf32, #tpu.memory_space<hbm>> -> memref<1x27648xf32, #tpu.memory_space<hbm>>
        %dma_wait3A_1037 = arith.constant 0 : i32
        %dma_wait3A_1038 = arith.constant 0 : i32
        %dma_wait3A_1039 = tpu.memref_slice %arg2[%dma_wait3A_1037, %dma_wait3A_1038] : memref<100x27648xf32, #tpu.memory_space<hbm>> -> memref<1x27648xf32, #tpu.memory_space<hbm>>
        tpu.wait_dma2 semaphore(%arg22 : memref<!tpu.dma_semaphore, #tpu.memory_space<semaphore_mem>>) src(%dma_wait3A_1039 : memref<1x27648xf32, #tpu.memory_space<hbm>>) dst(%arg14 : memref<1x27648xf32, #tpu.memory_space<vmem>>)
      }
      %while3A_832 = arith.constant 1 : i32
      scf.for %while3A_1033 = %while3A_830 to %while3A_826 step %while3A_832  : i32 {
        %dma_wait3A_1034 = arith.constant 0 : i32
        %dma_wait3A_1035 = arith.constant 0 : i32
        %dma_wait3A_1036 = tpu.memref_slice %arg2[%dma_wait3A_1034, %dma_wait3A_1035] : memref<100x27648xf32, #tpu.memory_space<hbm>> -> memref<1x27648xf32, #tpu.memory_space<hbm>>
        %dma_wait3A_1037 = arith.constant 0 : i32
        %dma_wait3A_1038 = arith.constant 0 : i32
        %dma_wait3A_1039 = tpu.memref_slice %arg2[%dma_wait3A_1037, %dma_wait3A_1038] : memref<100x27648xf32, #tpu.memory_space<hbm>> -> memref<1x27648xf32, #tpu.memory_space<hbm>>
        tpu.wait_dma2 semaphore(%arg22 : memref<!tpu.dma_semaphore, #tpu.memory_space<semaphore_mem>>) src(%dma_wait3A_1039 : memref<1x27648xf32, #tpu.memory_space<hbm>>) dst(%arg14 : memref<1x27648xf32, #tpu.memory_space<vmem>>)
      }
      %add3A_833 = arith.constant 4 : i32
      %add3A_834 = arith.addi %add3A_822, %add3A_833 : i32
      %sub3A_835 = arith.constant 1 : i32
      %sub3A_836 = arith.subi %add3A_834, %sub3A_835 : i32
      %jit3A_837 = arith.constant 16 : i32
      %div3A_838 = arith.divsi %sub3A_836, %jit3A_837 : i32
      %sign3A_839 = arith.constant 0 : i32
      %sign3A_840 = arith.cmpi sgt, %sub3A_836, %sign3A_839 : i32
      %sign3A_841 = arith.extui %sign3A_840 : i1 to i32
      %sign3A_842 = arith.constant 0 : i32
      %sign3A_843 = arith.cmpi slt, %sub3A_836, %sign3A_842 : i32
      %sign3A_844 = arith.extui %sign3A_843 : i1 to i32
      %sign3A_845 = arith.subi %sign3A_841, %sign3A_844 : i32
      %sign3A_846 = arith.constant 0 : i32
      %sign3A_847 = arith.cmpi sgt, %jit3A_837, %sign3A_846 : i32
      %sign3A_848 = arith.extui %sign3A_847 : i1 to i32
      %sign3A_849 = arith.constant 0 : i32
      %sign3A_850 = arith.cmpi slt, %jit3A_837, %sign3A_849 : i32
      %sign3A_851 = arith.extui %sign3A_850 : i1 to i32
      %sign3A_852 = arith.subi %sign3A_848, %sign3A_851 : i32
      %ne3A_853 = arith.cmpi ne, %sign3A_845, %sign3A_852 : i32
      %rem3A_854 = arith.remsi %sub3A_836, %jit3A_837 : i32
      %ne3A_855 = arith.constant 0 : i32
      %ne3A_856 = arith.cmpi ne, %rem3A_854, %ne3A_855 : i32
      %and3A_857 = arith.andi %ne3A_853, %ne3A_856 : i1
      %sub3A_858 = arith.constant 1 : i32
      %sub3A_859 = arith.subi %div3A_838, %sub3A_858 : i32
      %select_n3A_860 = arith.select %and3A_857, %sub3A_859, %div3A_838 : i32
      %get3A_861 = arith.index_cast %select_n3A_860 : i32 to index
      %get3A_862 = arith.constant 0 : index
      %get3A_863 = tpu.vector_load %arg8[%get3A_861, %get3A_862] {strides = array<i32>} : memref<14x16xi32, #tpu.memory_space<vmem>>, vector<16xi32>,
      %iota3A_864 = tpu.iota {dimensions = array<i32: 0>} : vector<16xi32>
      %jit3A_865 = arith.constant 16 : i32
      %eq3A_866 = arith.constant 0 : i32
      %eq3A_867 = arith.cmpi eq, %jit3A_865, %eq3A_866 : i32
      %jit3A_868 = arith.constant 1 : i32
      %select_n3A_869 = arith.select %eq3A_867, %jit3A_868, %jit3A_865 : i32
      %rem3A_870 = arith.remsi %sub3A_836, %select_n3A_869 : i32
      %ne3A_871 = arith.constant 0 : i32
      %ne3A_872 = arith.cmpi ne, %rem3A_870, %ne3A_871 : i32
      %lt3A_873 = arith.constant 0 : i32
      %lt3A_874 = arith.cmpi slt, %rem3A_870, %lt3A_873 : i32
      %lt3A_875 = arith.constant 0 : i32
      %lt3A_876 = arith.cmpi slt, %select_n3A_869, %lt3A_875 : i32
      %ne3A_877 = arith.xori %lt3A_874, %lt3A_876 : i1
      %and3A_878 = arith.andi %ne3A_877, %ne3A_872 : i1
      %add3A_879 = arith.addi %rem3A_870, %select_n3A_869 : i32
      %select_n3A_880 = arith.select %and3A_878, %add3A_879, %rem3A_870 : i32
      %eq3A_881 = vector.broadcast %select_n3A_880 : i32 to vector<16xi32>
      %eq3A_882 = arith.cmpi eq, %iota3A_864, %eq3A_881 : vector<16xi32>
      %jit3A_883 = arith.constant 0 : i32
      %broadcast_in_dim3A_884 = vector.broadcast %jit3A_883 : i32 to vector<16xi32>
      %select_n3A_885 = arith.select %eq3A_882, %get3A_863, %broadcast_in_dim3A_884 : vector<16xi1>, vector<16xi32>
      %reduce_max3A_886 = arith.constant true
      %reduce_max3A_887 = vector.broadcast %reduce_max3A_886 : i1 to vector<16xi1>
      %reduce_max3A_888 = arith.constant -2147483648 : i32
      %reduce_max3A_889 = vector.broadcast %reduce_max3A_888 : i32 to vector<16xi32>
      %reduce_max3A_890 = arith.xori %select_n3A_885, %reduce_max3A_889 : vector<16xi32>
      %reduce_max3A_891 = tpu.scan <max>, %reduce_max3A_890 masked %reduce_max3A_887 : vector<16xi32>, vector<16xi1> -> vector<16xi32>
      %reduce_max3A_892 = arith.xori %reduce_max3A_891, %reduce_max3A_889 : vector<16xi32>
      %reduce_max3A_893 = vector.extract %reduce_max3A_892[15] : i32 from vector<16xi32>
      %dma_start3A_894 = arith.constant 0 : i32
      %dma_start3A_895 = tpu.memref_slice %arg2[%reduce_max3A_893, %dma_start3A_894] : memref<100x27648xf32, #tpu.memory_space<hbm>> -> memref<1x27648xf32, #tpu.memory_space<hbm>>
      %dma_start3A_896 = arith.constant 0 : i32
      %dma_start3A_897 = tpu.memref_slice %arg2[%reduce_max3A_893, %dma_start3A_896] : memref<100x27648xf32, #tpu.memory_space<hbm>> -> memref<1x27648xf32, #tpu.memory_space<hbm>>
      tpu.enqueue_dma source(%dma_start3A_897 : memref<1x27648xf32, #tpu.memory_space<hbm>>) target(%arg14 : memref<1x27648xf32, #tpu.memory_space<vmem>>) target_semaphore(%arg18 : memref<!tpu.dma_semaphore, #tpu.memory_space<semaphore_mem>>)
      %dma_wait3A_898 = arith.constant 0 : i32
      %dma_wait3A_899 = arith.constant 0 : i32
      %dma_wait3A_900 = tpu.memref_slice %arg2[%dma_wait3A_898, %dma_wait3A_899] : memref<100x27648xf32, #tpu.memory_space<hbm>> -> memref<1x27648xf32, #tpu.memory_space<hbm>>
      %dma_wait3A_901 = arith.constant 0 : i32
      %dma_wait3A_902 = arith.constant 0 : i32
      %dma_wait3A_903 = tpu.memref_slice %arg2[%dma_wait3A_901, %dma_wait3A_902] : memref<100x27648xf32, #tpu.memory_space<hbm>> -> memref<1x27648xf32, #tpu.memory_space<hbm>>
      tpu.wait_dma2 semaphore(%arg19 : memref<!tpu.dma_semaphore, #tpu.memory_space<semaphore_mem>>) src(%dma_wait3A_903 : memref<1x27648xf32, #tpu.memory_space<hbm>>) dst(%arg15 : memref<1x27648xf32, #tpu.memory_space<vmem>>)
      %jit3A_904 = arith.constant 16 : i32
      %div3A_905 = arith.divsi %add3A_822, %jit3A_904 : i32
      %sign3A_906 = arith.constant 0 : i32
      %sign3A_907 = arith.cmpi sgt, %add3A_822, %sign3A_906 : i32
      %sign3A_908 = arith.extui %sign3A_907 : i1 to i32
      %sign3A_909 = arith.constant 0 : i32
      %sign3A_910 = arith.cmpi slt, %add3A_822, %sign3A_909 : i32
      %sign3A_911 = arith.extui %sign3A_910 : i1 to i32
      %sign3A_912 = arith.subi %sign3A_908, %sign3A_911 : i32
      %sign3A_913 = arith.constant 0 : i32
      %sign3A_914 = arith.cmpi sgt, %jit3A_904, %sign3A_913 : i32
      %sign3A_915 = arith.extui %sign3A_914 : i1 to i32
      %sign3A_916 = arith.constant 0 : i32
      %sign3A_917 = arith.cmpi slt, %jit3A_904, %sign3A_916 : i32
      %sign3A_918 = arith.extui %sign3A_917 : i1 to i32
      %sign3A_919 = arith.subi %sign3A_915, %sign3A_918 : i32
      %ne3A_920 = arith.cmpi ne, %sign3A_912, %sign3A_919 : i32
      %rem3A_921 = arith.remsi %add3A_822, %jit3A_904 : i32
      %ne3A_922 = arith.constant 0 : i32
      %ne3A_923 = arith.cmpi ne, %rem3A_921, %ne3A_922 : i32
      %and3A_924 = arith.andi %ne3A_920, %ne3A_923 : i1
      %sub3A_925 = arith.constant 1 : i32
      %sub3A_926 = arith.subi %div3A_905, %sub3A_925 : i32
      %select_n3A_927 = arith.select %and3A_924, %sub3A_926, %div3A_905 : i32
      %get3A_928 = arith.index_cast %select_n3A_927 : i32 to index
      %get3A_929 = arith.constant 0 : index
      %get3A_930 = tpu.vector_load %arg9[%get3A_928, %get3A_929] {strides = array<i32>} : memref<14x16xi32, #tpu.memory_space<vmem>>, vector<16xi32>,
      %iota3A_931 = tpu.iota {dimensions = array<i32: 0>} : vector<16xi32>
      %jit3A_932 = arith.constant 16 : i32
      %eq3A_933 = arith.constant 0 : i32
      %eq3A_934 = arith.cmpi eq, %jit3A_932, %eq3A_933 : i32
      %jit3A_935 = arith.constant 1 : i32
      %select_n3A_936 = arith.select %eq3A_934, %jit3A_935, %jit3A_932 : i32
      %rem3A_937 = arith.remsi %add3A_822, %select_n3A_936 : i32
      %ne3A_938 = arith.constant 0 : i32
      %ne3A_939 = arith.cmpi ne, %rem3A_937, %ne3A_938 : i32
      %lt3A_940 = arith.constant 0 : i32
      %lt3A_941 = arith.cmpi slt, %rem3A_937, %lt3A_940 : i32
      %lt3A_942 = arith.constant 0 : i32
      %lt3A_943 = arith.cmpi slt, %select_n3A_936, %lt3A_942 : i32
      %ne3A_944 = arith.xori %lt3A_941, %lt3A_943 : i1
      %and3A_945 = arith.andi %ne3A_944, %ne3A_939 : i1
      %add3A_946 = arith.addi %rem3A_937, %select_n3A_936 : i32
      %select_n3A_947 = arith.select %and3A_945, %add3A_946, %rem3A_937 : i32
      %eq3A_948 = vector.broadcast %select_n3A_947 : i32 to vector<16xi32>
      %eq3A_949 = arith.cmpi eq, %iota3A_931, %eq3A_948 : vector<16xi32>
      %jit3A_950 = arith.constant 0 : i32
      %broadcast_in_dim3A_951 = vector.broadcast %jit3A_950 : i32 to vector<16xi32>
      %select_n3A_952 = arith.select %eq3A_949, %get3A_930, %broadcast_in_dim3A_951 : vector<16xi1>, vector<16xi32>
      %reduce_max3A_953 = arith.constant true
      %reduce_max3A_954 = vector.broadcast %reduce_max3A_953 : i1 to vector<16xi1>
      %reduce_max3A_955 = arith.constant -2147483648 : i32
      %reduce_max3A_956 = vector.broadcast %reduce_max3A_955 : i32 to vector<16xi32>
      %reduce_max3A_957 = arith.xori %select_n3A_952, %reduce_max3A_956 : vector<16xi32>
      %reduce_max3A_958 = tpu.scan <max>, %reduce_max3A_957 masked %reduce_max3A_954 : vector<16xi32>, vector<16xi1> -> vector<16xi32>
      %reduce_max3A_959 = arith.xori %reduce_max3A_958, %reduce_max3A_956 : vector<16xi32>
      %reduce_max3A_960 = vector.extract %reduce_max3A_959[15] : i32 from vector<16xi32>
      %add3A_961 = arith.constant 1 : i32
      %add3A_962 = arith.addi %add3A_822, %add3A_961 : i32
      %jit3A_963 = arith.constant 16 : i32
      %div3A_964 = arith.divsi %add3A_962, %jit3A_963 : i32
      %sign3A_965 = arith.constant 0 : i32
      %sign3A_966 = arith.cmpi sgt, %add3A_962, %sign3A_965 : i32
      %sign3A_967 = arith.extui %sign3A_966 : i1 to i32
      %sign3A_968 = arith.constant 0 : i32
      %sign3A_969 = arith.cmpi slt, %add3A_962, %sign3A_968 : i32
      %sign3A_970 = arith.extui %sign3A_969 : i1 to i32
      %sign3A_971 = arith.subi %sign3A_967, %sign3A_970 : i32
      %sign3A_972 = arith.constant 0 : i32
      %sign3A_973 = arith.cmpi sgt, %jit3A_963, %sign3A_972 : i32
      %sign3A_974 = arith.extui %sign3A_973 : i1 to i32
      %sign3A_975 = arith.constant 0 : i32
      %sign3A_976 = arith.cmpi slt, %jit3A_963, %sign3A_975 : i32
      %sign3A_977 = arith.extui %sign3A_976 : i1 to i32
      %sign3A_978 = arith.subi %sign3A_974, %sign3A_977 : i32
      %ne3A_979 = arith.cmpi ne, %sign3A_971, %sign3A_978 : i32
      %rem3A_980 = arith.remsi %add3A_962, %jit3A_963 : i32
      %ne3A_981 = arith.constant 0 : i32
      %ne3A_982 = arith.cmpi ne, %rem3A_980, %ne3A_981 : i32
      %and3A_983 = arith.andi %ne3A_979, %ne3A_982 : i1
      %sub3A_984 = arith.constant 1 : i32
      %sub3A_985 = arith.subi %div3A_964, %sub3A_984 : i32
      %select_n3A_986 = arith.select %and3A_983, %sub3A_985, %div3A_964 : i32
      %get3A_987 = arith.index_cast %select_n3A_986 : i32 to index
      %get3A_988 = arith.constant 0 : index
      %get3A_989 = tpu.vector_load %arg9[%get3A_987, %get3A_988] {strides = array<i32>} : memref<14x16xi32, #tpu.memory_space<vmem>>, vector<16xi32>,
      %iota3A_990 = tpu.iota {dimensions = array<i32: 0>} : vector<16xi32>
      %jit3A_991 = arith.constant 16 : i32
      %eq3A_992 = arith.constant 0 : i32
      %eq3A_993 = arith.cmpi eq, %jit3A_991, %eq3A_992 : i32
      %jit3A_994 = arith.constant 1 : i32
      %select_n3A_995 = arith.select %eq3A_993, %jit3A_994, %jit3A_991 : i32
      %rem3A_996 = arith.remsi %add3A_962, %select_n3A_995 : i32
      %ne3A_997 = arith.constant 0 : i32
      %ne3A_998 = arith.cmpi ne, %rem3A_996, %ne3A_997 : i32
      %lt3A_999 = arith.constant 0 : i32
      %lt3A_1000 = arith.cmpi slt, %rem3A_996, %lt3A_999 : i32
      %lt3A_1001 = arith.constant 0 : i32
      %lt3A_1002 = arith.cmpi slt, %select_n3A_995, %lt3A_1001 : i32
      %ne3A_1003 = arith.xori %lt3A_1000, %lt3A_1002 : i1
      %and3A_1004 = arith.andi %ne3A_1003, %ne3A_998 : i1
      %add3A_1005 = arith.addi %rem3A_996, %select_n3A_995 : i32
      %select_n3A_1006 = arith.select %and3A_1004, %add3A_1005, %rem3A_996 : i32
      %eq3A_1007 = vector.broadcast %select_n3A_1006 : i32 to vector<16xi32>
      %eq3A_1008 = arith.cmpi eq, %iota3A_990, %eq3A_1007 : vector<16xi32>
      %jit3A_1009 = arith.constant 0 : i32
      %broadcast_in_dim3A_1010 = vector.broadcast %jit3A_1009 : i32 to vector<16xi32>
      %select_n3A_1011 = arith.select %eq3A_1008, %get3A_989, %broadcast_in_dim3A_1010 : vector<16xi1>, vector<16xi32>
      %reduce_max3A_1012 = arith.constant true
      %reduce_max3A_1013 = vector.broadcast %reduce_max3A_1012 : i1 to vector<16xi1>
      %reduce_max3A_1014 = arith.constant -2147483648 : i32
      %reduce_max3A_1015 = vector.broadcast %reduce_max3A_1014 : i32 to vector<16xi32>
      %reduce_max3A_1016 = arith.xori %select_n3A_1011, %reduce_max3A_1015 : vector<16xi32>
      %reduce_max3A_1017 = tpu.scan <max>, %reduce_max3A_1016 masked %reduce_max3A_1013 : vector<16xi32>, vector<16xi1> -> vector<16xi32>
      %reduce_max3A_1018 = arith.xori %reduce_max3A_1017, %reduce_max3A_1015 : vector<16xi32>
      %reduce_max3A_1019 = vector.extract %reduce_max3A_1018[15] : i32 from vector<16xi32>
      %while3A_1020 = arith.constant 0 : i32
      %while3A_1021 = arith.subi %reduce_max3A_1019, %reduce_max3A_960 : i32
      %while3A_1022 = arith.addi %reduce_max3A_960, %while3A_1021 : i32
      %while3A_1023 = arith.constant 1 : i32
      %while3A_1024 = arith.divsi %while3A_1021, %while3A_1023 : i32
      %while3A_1025 = arith.muli %while3A_1024, %while3A_1023 : i32
      %while3A_1026 = arith.addi %reduce_max3A_960, %while3A_1025 : i32
      %while3A_1027 = arith.constant 1 : i32
      scf.for %while3A_1033 = %reduce_max3A_960 to %while3A_1026 step %while3A_1027  : i32 {
        %jit3A_1034 = arith.constant 16 : i32
        %div3A_1035 = arith.divsi %while3A_1033, %jit3A_1034 : i32
        %sign3A_1036 = arith.constant 0 : i32
        %sign3A_1037 = arith.cmpi sgt, %while3A_1033, %sign3A_1036 : i32
        %sign3A_1038 = arith.extui %sign3A_1037 : i1 to i32
        %sign3A_1039 = arith.constant 0 : i32
        %sign3A_1040 = arith.cmpi slt, %while3A_1033, %sign3A_1039 : i32
        %sign3A_1041 = arith.extui %sign3A_1040 : i1 to i32
        %sign3A_1042 = arith.subi %sign3A_1038, %sign3A_1041 : i32
        %sign3A_1043 = arith.constant 0 : i32
        %sign3A_1044 = arith.cmpi sgt, %jit3A_1034, %sign3A_1043 : i32
        %sign3A_1045 = arith.extui %sign3A_1044 : i1 to i32
        %sign3A_1046 = arith.constant 0 : i32
        %sign3A_1047 = arith.cmpi slt, %jit3A_1034, %sign3A_1046 : i32
        %sign3A_1048 = arith.extui %sign3A_1047 : i1 to i32
        %sign3A_1049 = arith.subi %sign3A_1045, %sign3A_1048 : i32
        %ne3A_1050 = arith.cmpi ne, %sign3A_1042, %sign3A_1049 : i32
        %rem3A_1051 = arith.remsi %while3A_1033, %jit3A_1034 : i32
        %ne3A_1052 = arith.constant 0 : i32
        %ne3A_1053 = arith.cmpi ne, %rem3A_1051, %ne3A_1052 : i32
        %and3A_1054 = arith.andi %ne3A_1050, %ne3A_1053 : i1
        %sub3A_1055 = arith.constant 1 : i32
        %sub3A_1056 = arith.subi %div3A_1035, %sub3A_1055 : i32
        %select_n3A_1057 = arith.select %and3A_1054, %sub3A_1056, %div3A_1035 : i32
        %get3A_1058 = arith.index_cast %select_n3A_1057 : i32 to index
        %get3A_1059 = arith.constant 0 : index
        %get3A_1060 = tpu.vector_load %arg10[%get3A_1058, %get3A_1059] {strides = array<i32>} : memref<13x16xi32, #tpu.memory_space<vmem>>, vector<16xi32>,
        %iota3A_1061 = tpu.iota {dimensions = array<i32: 0>} : vector<16xi32>
        %jit3A_1062 = arith.constant 16 : i32
        %eq3A_1063 = arith.constant 0 : i32
        %eq3A_1064 = arith.cmpi eq, %jit3A_1062, %eq3A_1063 : i32
        %jit3A_1065 = arith.constant 1 : i32
        %select_n3A_1066 = arith.select %eq3A_1064, %jit3A_1065, %jit3A_1062 : i32
        %rem3A_1067 = arith.remsi %while3A_1033, %select_n3A_1066 : i32
        %ne3A_1068 = arith.constant 0 : i32
        %ne3A_1069 = arith.cmpi ne, %rem3A_1067, %ne3A_1068 : i32
        %lt3A_1070 = arith.constant 0 : i32
        %lt3A_1071 = arith.cmpi slt, %rem3A_1067, %lt3A_1070 : i32
        %lt3A_1072 = arith.constant 0 : i32
        %lt3A_1073 = arith.cmpi slt, %select_n3A_1066, %lt3A_1072 : i32
        %ne3A_1074 = arith.xori %lt3A_1071, %lt3A_1073 : i1
        %and3A_1075 = arith.andi %ne3A_1074, %ne3A_1069 : i1
        %add3A_1076 = arith.addi %rem3A_1067, %select_n3A_1066 : i32
        %select_n3A_1077 = arith.select %and3A_1075, %add3A_1076, %rem3A_1067 : i32
        %eq3A_1078 = vector.broadcast %select_n3A_1077 : i32 to vector<16xi32>
        %eq3A_1079 = arith.cmpi eq, %iota3A_1061, %eq3A_1078 : vector<16xi32>
        %jit3A_1080 = arith.constant 0 : i32
        %broadcast_in_dim3A_1081 = vector.broadcast %jit3A_1080 : i32 to vector<16xi32>
        %select_n3A_1082 = arith.select %eq3A_1079, %get3A_1060, %broadcast_in_dim3A_1081 : vector<16xi1>, vector<16xi32>
        %reduce_max3A_1083 = arith.constant true
        %reduce_max3A_1084 = vector.broadcast %reduce_max3A_1083 : i1 to vector<16xi1>
        %reduce_max3A_1085 = arith.constant -2147483648 : i32
        %reduce_max3A_1086 = vector.broadcast %reduce_max3A_1085 : i32 to vector<16xi32>
        %reduce_max3A_1087 = arith.xori %select_n3A_1082, %reduce_max3A_1086 : vector<16xi32>
        %reduce_max3A_1088 = tpu.scan <max>, %reduce_max3A_1087 masked %reduce_max3A_1084 : vector<16xi32>, vector<16xi1> -> vector<16xi32>
        %reduce_max3A_1089 = arith.xori %reduce_max3A_1088, %reduce_max3A_1086 : vector<16xi32>
        %reduce_max3A_1090 = vector.extract %reduce_max3A_1089[15] : i32 from vector<16xi32>
        %add3A_1091 = arith.addi %mul3A_2, %reduce_max3A_1090 : i32
        %jit3A_1092 = arith.constant 64 : i32
        %div3A_1093 = arith.divsi %add3A_1091, %jit3A_1092 : i32
        %sign3A_1094 = arith.constant 0 : i32
        %sign3A_1095 = arith.cmpi sgt, %add3A_1091, %sign3A_1094 : i32
        %sign3A_1096 = arith.extui %sign3A_1095 : i1 to i32
        %sign3A_1097 = arith.constant 0 : i32
        %sign3A_1098 = arith.cmpi slt, %add3A_1091, %sign3A_1097 : i32
        %sign3A_1099 = arith.extui %sign3A_1098 : i1 to i32
        %sign3A_1100 = arith.subi %sign3A_1096, %sign3A_1099 : i32
        %sign3A_1101 = arith.constant 0 : i32
        %sign3A_1102 = arith.cmpi sgt, %jit3A_1092, %sign3A_1101 : i32
        %sign3A_1103 = arith.extui %sign3A_1102 : i1 to i32
        %sign3A_1104 = arith.constant 0 : i32
        %sign3A_1105 = arith.cmpi slt, %jit3A_1092, %sign3A_1104 : i32
        %sign3A_1106 = arith.extui %sign3A_1105 : i1 to i32
        %sign3A_1107 = arith.subi %sign3A_1103, %sign3A_1106 : i32
        %ne3A_1108 = arith.cmpi ne, %sign3A_1100, %sign3A_1107 : i32
        %rem3A_1109 = arith.remsi %add3A_1091, %jit3A_1092 : i32
        %ne3A_1110 = arith.constant 0 : i32
        %ne3A_1111 = arith.cmpi ne, %rem3A_1109, %ne3A_1110 : i32
        %and3A_1112 = arith.andi %ne3A_1108, %ne3A_1111 : i1
        %sub3A_1113 = arith.constant 1 : i32
        %sub3A_1114 = arith.subi %div3A_1093, %sub3A_1113 : i32
        %select_n3A_1115 = arith.select %and3A_1112, %sub3A_1114, %div3A_1093 : i32
        %jit3A_1116 = arith.constant 64 : i32
        %eq3A_1117 = arith.constant 0 : i32
        %eq3A_1118 = arith.cmpi eq, %jit3A_1116, %eq3A_1117 : i32
        %jit3A_1119 = arith.constant 1 : i32
        %select_n3A_1120 = arith.select %eq3A_1118, %jit3A_1119, %jit3A_1116 : i32
        %rem3A_1121 = arith.remsi %add3A_1091, %select_n3A_1120 : i32
        %ne3A_1122 = arith.constant 0 : i32
        %ne3A_1123 = arith.cmpi ne, %rem3A_1121, %ne3A_1122 : i32
        %lt3A_1124 = arith.constant 0 : i32
        %lt3A_1125 = arith.cmpi slt, %rem3A_1121, %lt3A_1124 : i32
        %lt3A_1126 = arith.constant 0 : i32
        %lt3A_1127 = arith.cmpi slt, %select_n3A_1120, %lt3A_1126 : i32
        %ne3A_1128 = arith.xori %lt3A_1125, %lt3A_1127 : i1
        %and3A_1129 = arith.andi %ne3A_1128, %ne3A_1123 : i1
        %add3A_1130 = arith.addi %rem3A_1121, %select_n3A_1120 : i32
        %select_n3A_1131 = arith.select %and3A_1129, %add3A_1130, %rem3A_1121 : i32
        %dma_start3A_1132 = arith.constant 0 : i32
        %dma_start3A_1133 = tpu.memref_slice %arg7[%select_n3A_1115, %select_n3A_1131, %dma_start3A_1132] : memref<100x64x27648xf32, #tpu.memory_space<hbm>> -> memref<1x1x27648xf32, #tpu.memory_space<hbm>>
        %dma_start3A_1134 = tpu.memref_squeeze %dma_start3A_1133 : memref<1x1x27648xf32, #tpu.memory_space<hbm>> -> memref<1x27648xf32, #tpu.memory_space<hbm>>
        %dma_start3A_1135 = arith.constant 0 : i32
        %dma_start3A_1136 = tpu.memref_slice %arg7[%select_n3A_1115, %select_n3A_1131, %dma_start3A_1135] : memref<100x64x27648xf32, #tpu.memory_space<hbm>> -> memref<1x1x27648xf32, #tpu.memory_space<hbm>>
        %dma_start3A_1137 = tpu.memref_squeeze %dma_start3A_1136 : memref<1x1x27648xf32, #tpu.memory_space<hbm>> -> memref<1x27648xf32, #tpu.memory_space<hbm>>
        tpu.enqueue_dma source(%arg15 : memref<1x27648xf32, #tpu.memory_space<vmem>>) target(%dma_start3A_1137 : memref<1x27648xf32, #tpu.memory_space<hbm>>) target_semaphore(%arg23 : memref<!tpu.dma_semaphore, #tpu.memory_space<semaphore_mem>>)
      }
      %while3A_1028 = arith.constant 1 : i32
      scf.for %while3A_1033 = %while3A_1026 to %while3A_1022 step %while3A_1028  : i32 {
        %jit3A_1034 = arith.constant 16 : i32
        %div3A_1035 = arith.divsi %while3A_1033, %jit3A_1034 : i32
        %sign3A_1036 = arith.constant 0 : i32
        %sign3A_1037 = arith.cmpi sgt, %while3A_1033, %sign3A_1036 : i32
        %sign3A_1038 = arith.extui %sign3A_1037 : i1 to i32
        %sign3A_1039 = arith.constant 0 : i32
        %sign3A_1040 = arith.cmpi slt, %while3A_1033, %sign3A_1039 : i32
        %sign3A_1041 = arith.extui %sign3A_1040 : i1 to i32
        %sign3A_1042 = arith.subi %sign3A_1038, %sign3A_1041 : i32
        %sign3A_1043 = arith.constant 0 : i32
        %sign3A_1044 = arith.cmpi sgt, %jit3A_1034, %sign3A_1043 : i32
        %sign3A_1045 = arith.extui %sign3A_1044 : i1 to i32
        %sign3A_1046 = arith.constant 0 : i32
        %sign3A_1047 = arith.cmpi slt, %jit3A_1034, %sign3A_1046 : i32
        %sign3A_1048 = arith.extui %sign3A_1047 : i1 to i32
        %sign3A_1049 = arith.subi %sign3A_1045, %sign3A_1048 : i32
        %ne3A_1050 = arith.cmpi ne, %sign3A_1042, %sign3A_1049 : i32
        %rem3A_1051 = arith.remsi %while3A_1033, %jit3A_1034 : i32
        %ne3A_1052 = arith.constant 0 : i32
        %ne3A_1053 = arith.cmpi ne, %rem3A_1051, %ne3A_1052 : i32
        %and3A_1054 = arith.andi %ne3A_1050, %ne3A_1053 : i1
        %sub3A_1055 = arith.constant 1 : i32
        %sub3A_1056 = arith.subi %div3A_1035, %sub3A_1055 : i32
        %select_n3A_1057 = arith.select %and3A_1054, %sub3A_1056, %div3A_1035 : i32
        %get3A_1058 = arith.index_cast %select_n3A_1057 : i32 to index
        %get3A_1059 = arith.constant 0 : index
        %get3A_1060 = tpu.vector_load %arg10[%get3A_1058, %get3A_1059] {strides = array<i32>} : memref<13x16xi32, #tpu.memory_space<vmem>>, vector<16xi32>,
        %iota3A_1061 = tpu.iota {dimensions = array<i32: 0>} : vector<16xi32>
        %jit3A_1062 = arith.constant 16 : i32
        %eq3A_1063 = arith.constant 0 : i32
        %eq3A_1064 = arith.cmpi eq, %jit3A_1062, %eq3A_1063 : i32
        %jit3A_1065 = arith.constant 1 : i32
        %select_n3A_1066 = arith.select %eq3A_1064, %jit3A_1065, %jit3A_1062 : i32
        %rem3A_1067 = arith.remsi %while3A_1033, %select_n3A_1066 : i32
        %ne3A_1068 = arith.constant 0 : i32
        %ne3A_1069 = arith.cmpi ne, %rem3A_1067, %ne3A_1068 : i32
        %lt3A_1070 = arith.constant 0 : i32
        %lt3A_1071 = arith.cmpi slt, %rem3A_1067, %lt3A_1070 : i32
        %lt3A_1072 = arith.constant 0 : i32
        %lt3A_1073 = arith.cmpi slt, %select_n3A_1066, %lt3A_1072 : i32
        %ne3A_1074 = arith.xori %lt3A_1071, %lt3A_1073 : i1
        %and3A_1075 = arith.andi %ne3A_1074, %ne3A_1069 : i1
        %add3A_1076 = arith.addi %rem3A_1067, %select_n3A_1066 : i32
        %select_n3A_1077 = arith.select %and3A_1075, %add3A_1076, %rem3A_1067 : i32
        %eq3A_1078 = vector.broadcast %select_n3A_1077 : i32 to vector<16xi32>
        %eq3A_1079 = arith.cmpi eq, %iota3A_1061, %eq3A_1078 : vector<16xi32>
        %jit3A_1080 = arith.constant 0 : i32
        %broadcast_in_dim3A_1081 = vector.broadcast %jit3A_1080 : i32 to vector<16xi32>
        %select_n3A_1082 = arith.select %eq3A_1079, %get3A_1060, %broadcast_in_dim3A_1081 : vector<16xi1>, vector<16xi32>
        %reduce_max3A_1083 = arith.constant true
        %reduce_max3A_1084 = vector.broadcast %reduce_max3A_1083 : i1 to vector<16xi1>
        %reduce_max3A_1085 = arith.constant -2147483648 : i32
        %reduce_max3A_1086 = vector.broadcast %reduce_max3A_1085 : i32 to vector<16xi32>
        %reduce_max3A_1087 = arith.xori %select_n3A_1082, %reduce_max3A_1086 : vector<16xi32>
        %reduce_max3A_1088 = tpu.scan <max>, %reduce_max3A_1087 masked %reduce_max3A_1084 : vector<16xi32>, vector<16xi1> -> vector<16xi32>
        %reduce_max3A_1089 = arith.xori %reduce_max3A_1088, %reduce_max3A_1086 : vector<16xi32>
        %reduce_max3A_1090 = vector.extract %reduce_max3A_1089[15] : i32 from vector<16xi32>
        %add3A_1091 = arith.addi %mul3A_2, %reduce_max3A_1090 : i32
        %jit3A_1092 = arith.constant 64 : i32
        %div3A_1093 = arith.divsi %add3A_1091, %jit3A_1092 : i32
        %sign3A_1094 = arith.constant 0 : i32
        %sign3A_1095 = arith.cmpi sgt, %add3A_1091, %sign3A_1094 : i32
        %sign3A_1096 = arith.extui %sign3A_1095 : i1 to i32
        %sign3A_1097 = arith.constant 0 : i32
        %sign3A_1098 = arith.cmpi slt, %add3A_1091, %sign3A_1097 : i32
        %sign3A_1099 = arith.extui %sign3A_1098 : i1 to i32
        %sign3A_1100 = arith.subi %sign3A_1096, %sign3A_1099 : i32
        %sign3A_1101 = arith.constant 0 : i32
        %sign3A_1102 = arith.cmpi sgt, %jit3A_1092, %sign3A_1101 : i32
        %sign3A_1103 = arith.extui %sign3A_1102 : i1 to i32
        %sign3A_1104 = arith.constant 0 : i32
        %sign3A_1105 = arith.cmpi slt, %jit3A_1092, %sign3A_1104 : i32
        %sign3A_1106 = arith.extui %sign3A_1105 : i1 to i32
        %sign3A_1107 = arith.subi %sign3A_1103, %sign3A_1106 : i32
        %ne3A_1108 = arith.cmpi ne, %sign3A_1100, %sign3A_1107 : i32
        %rem3A_1109 = arith.remsi %add3A_1091, %jit3A_1092 : i32
        %ne3A_1110 = arith.constant 0 : i32
        %ne3A_1111 = arith.cmpi ne, %rem3A_1109, %ne3A_1110 : i32
        %and3A_1112 = arith.andi %ne3A_1108, %ne3A_1111 : i1
        %sub3A_1113 = arith.constant 1 : i32
        %sub3A_1114 = arith.subi %div3A_1093, %sub3A_1113 : i32
        %select_n3A_1115 = arith.select %and3A_1112, %sub3A_1114, %div3A_1093 : i32
        %jit3A_1116 = arith.constant 64 : i32
        %eq3A_1117 = arith.constant 0 : i32
        %eq3A_1118 = arith.cmpi eq, %jit3A_1116, %eq3A_1117 : i32
        %jit3A_1119 = arith.constant 1 : i32
        %select_n3A_1120 = arith.select %eq3A_1118, %jit3A_1119, %jit3A_1116 : i32
        %rem3A_1121 = arith.remsi %add3A_1091, %select_n3A_1120 : i32
        %ne3A_1122 = arith.constant 0 : i32
        %ne3A_1123 = arith.cmpi ne, %rem3A_1121, %ne3A_1122 : i32
        %lt3A_1124 = arith.constant 0 : i32
        %lt3A_1125 = arith.cmpi slt, %rem3A_1121, %lt3A_1124 : i32
        %lt3A_1126 = arith.constant 0 : i32
        %lt3A_1127 = arith.cmpi slt, %select_n3A_1120, %lt3A_1126 : i32
        %ne3A_1128 = arith.xori %lt3A_1125, %lt3A_1127 : i1
        %and3A_1129 = arith.andi %ne3A_1128, %ne3A_1123 : i1
        %add3A_1130 = arith.addi %rem3A_1121, %select_n3A_1120 : i32
        %select_n3A_1131 = arith.select %and3A_1129, %add3A_1130, %rem3A_1121 : i32
        %dma_start3A_1132 = arith.constant 0 : i32
        %dma_start3A_1133 = tpu.memref_slice %arg7[%select_n3A_1115, %select_n3A_1131, %dma_start3A_1132] : memref<100x64x27648xf32, #tpu.memory_space<hbm>> -> memref<1x1x27648xf32, #tpu.memory_space<hbm>>
        %dma_start3A_1134 = tpu.memref_squeeze %dma_start3A_1133 : memref<1x1x27648xf32, #tpu.memory_space<hbm>> -> memref<1x27648xf32, #tpu.memory_space<hbm>>
        %dma_start3A_1135 = arith.constant 0 : i32
        %dma_start3A_1136 = tpu.memref_slice %arg7[%select_n3A_1115, %select_n3A_1131, %dma_start3A_1135] : memref<100x64x27648xf32, #tpu.memory_space<hbm>> -> memref<1x1x27648xf32, #tpu.memory_space<hbm>>
        %dma_start3A_1137 = tpu.memref_squeeze %dma_start3A_1136 : memref<1x1x27648xf32, #tpu.memory_space<hbm>> -> memref<1x27648xf32, #tpu.memory_space<hbm>>
        tpu.enqueue_dma source(%arg15 : memref<1x27648xf32, #tpu.memory_space<vmem>>) target(%dma_start3A_1137 : memref<1x27648xf32, #tpu.memory_space<hbm>>) target_semaphore(%arg23 : memref<!tpu.dma_semaphore, #tpu.memory_space<semaphore_mem>>)
      }
      %sub3A_1029 = arith.subi %reduce_max3A_1019, %reduce_max3A_960 : i32
      %while3A_1030 = arith.constant 0 : i32
      %while3A_1031 = arith.constant 0 : i32
      %while3A_1032 = arith.constant 0 : i32
      scf.yield %while3A_1030, %while3A_1031, %while3A_1032, %sub3A_1029 : i32, i32, i32, i32
    }
    %while3A_129 = arith.constant 1 : i32
    %while3A_130:4 = scf.for %while3A_188 = %while3A_126 to %while3A_122 step %while3A_129 iter_args(%while3A_189 = %while3A_128#0, %while3A_190 = %while3A_128#1, %while3A_191 = %while3A_128#2, %while3A_192 = %while3A_128#3) -> (i32, i32, i32, i32)  : i32 {
      %mul3A_193 = arith.muli %while3A_188, %while3A : i32
      %add3A_194 = arith.addi %while3A_115, %mul3A_193 : i32
      %add3A_195 = arith.constant 0 : i32
      %add3A_196 = arith.addi %add3A_194, %add3A_195 : i32
      %while3A_197 = arith.constant 0 : i32
      %while3A_198 = arith.constant 0 : i32
      %while3A_199 = arith.subi %while3A_192, %while3A_198 : i32
      %while3A_200 = arith.addi %while3A_198, %while3A_199 : i32
      %while3A_201 = arith.constant 1 : i32
      %while3A_202 = arith.divsi %while3A_199, %while3A_201 : i32
      %while3A_203 = arith.muli %while3A_202, %while3A_201 : i32
      %while3A_204 = arith.addi %while3A_198, %while3A_203 : i32
      %while3A_205 = arith.constant 1 : i32
      scf.for %while3A_1033 = %while3A_198 to %while3A_204 step %while3A_205  : i32 {
        %dma_wait3A_1034 = arith.constant 0 : i32
        %dma_wait3A_1035 = arith.constant 0 : i32
        %dma_wait3A_1036 = tpu.memref_slice %arg2[%dma_wait3A_1034, %dma_wait3A_1035] : memref<100x27648xf32, #tpu.memory_space<hbm>> -> memref<1x27648xf32, #tpu.memory_space<hbm>>
        %dma_wait3A_1037 = arith.constant 0 : i32
        %dma_wait3A_1038 = arith.constant 0 : i32
        %dma_wait3A_1039 = tpu.memref_slice %arg2[%dma_wait3A_1037, %dma_wait3A_1038] : memref<100x27648xf32, #tpu.memory_space<hbm>> -> memref<1x27648xf32, #tpu.memory_space<hbm>>
        tpu.wait_dma2 semaphore(%arg23 : memref<!tpu.dma_semaphore, #tpu.memory_space<semaphore_mem>>) src(%dma_wait3A_1039 : memref<1x27648xf32, #tpu.memory_space<hbm>>) dst(%arg15 : memref<1x27648xf32, #tpu.memory_space<vmem>>)
      }
      %while3A_206 = arith.constant 1 : i32
      scf.for %while3A_1033 = %while3A_204 to %while3A_200 step %while3A_206  : i32 {
        %dma_wait3A_1034 = arith.constant 0 : i32
        %dma_wait3A_1035 = arith.constant 0 : i32
        %dma_wait3A_1036 = tpu.memref_slice %arg2[%dma_wait3A_1034, %dma_wait3A_1035] : memref<100x27648xf32, #tpu.memory_space<hbm>> -> memref<1x27648xf32, #tpu.memory_space<hbm>>
        %dma_wait3A_1037 = arith.constant 0 : i32
        %dma_wait3A_1038 = arith.constant 0 : i32
        %dma_wait3A_1039 = tpu.memref_slice %arg2[%dma_wait3A_1037, %dma_wait3A_1038] : memref<100x27648xf32, #tpu.memory_space<hbm>> -> memref<1x27648xf32, #tpu.memory_space<hbm>>
        tpu.wait_dma2 semaphore(%arg23 : memref<!tpu.dma_semaphore, #tpu.memory_space<semaphore_mem>>) src(%dma_wait3A_1039 : memref<1x27648xf32, #tpu.memory_space<hbm>>) dst(%arg15 : memref<1x27648xf32, #tpu.memory_space<vmem>>)
      }
      %add3A_207 = arith.constant 4 : i32
      %add3A_208 = arith.addi %add3A_196, %add3A_207 : i32
      %sub3A_209 = arith.constant 1 : i32
      %sub3A_210 = arith.subi %add3A_208, %sub3A_209 : i32
      %jit3A_211 = arith.constant 16 : i32
      %div3A_212 = arith.divsi %sub3A_210, %jit3A_211 : i32
      %sign3A_213 = arith.constant 0 : i32
      %sign3A_214 = arith.cmpi sgt, %sub3A_210, %sign3A_213 : i32
      %sign3A_215 = arith.extui %sign3A_214 : i1 to i32
      %sign3A_216 = arith.constant 0 : i32
      %sign3A_217 = arith.cmpi slt, %sub3A_210, %sign3A_216 : i32
      %sign3A_218 = arith.extui %sign3A_217 : i1 to i32
      %sign3A_219 = arith.subi %sign3A_215, %sign3A_218 : i32
      %sign3A_220 = arith.constant 0 : i32
      %sign3A_221 = arith.cmpi sgt, %jit3A_211, %sign3A_220 : i32
      %sign3A_222 = arith.extui %sign3A_221 : i1 to i32
      %sign3A_223 = arith.constant 0 : i32
      %sign3A_224 = arith.cmpi slt, %jit3A_211, %sign3A_223 : i32
      %sign3A_225 = arith.extui %sign3A_224 : i1 to i32
      %sign3A_226 = arith.subi %sign3A_222, %sign3A_225 : i32
      %ne3A_227 = arith.cmpi ne, %sign3A_219, %sign3A_226 : i32
      %rem3A_228 = arith.remsi %sub3A_210, %jit3A_211 : i32
      %ne3A_229 = arith.constant 0 : i32
      %ne3A_230 = arith.cmpi ne, %rem3A_228, %ne3A_229 : i32
      %and3A_231 = arith.andi %ne3A_227, %ne3A_230 : i1
      %sub3A_232 = arith.constant 1 : i32
      %sub3A_233 = arith.subi %div3A_212, %sub3A_232 : i32
      %select_n3A_234 = arith.select %and3A_231, %sub3A_233, %div3A_212 : i32
      %get3A_235 = arith.index_cast %select_n3A_234 : i32 to index
      %get3A_236 = arith.constant 0 : index
      %get3A_237 = tpu.vector_load %arg8[%get3A_235, %get3A_236] {strides = array<i32>} : memref<14x16xi32, #tpu.memory_space<vmem>>, vector<16xi32>,
      %iota3A_238 = tpu.iota {dimensions = array<i32: 0>} : vector<16xi32>
      %jit3A_239 = arith.constant 16 : i32
      %eq3A_240 = arith.constant 0 : i32
      %eq3A_241 = arith.cmpi eq, %jit3A_239, %eq3A_240 : i32
      %jit3A_242 = arith.constant 1 : i32
      %select_n3A_243 = arith.select %eq3A_241, %jit3A_242, %jit3A_239 : i32
      %rem3A_244 = arith.remsi %sub3A_210, %select_n3A_243 : i32
      %ne3A_245 = arith.constant 0 : i32
      %ne3A_246 = arith.cmpi ne, %rem3A_244, %ne3A_245 : i32
      %lt3A = arith.constant 0 : i32
      %lt3A_247 = arith.cmpi slt, %rem3A_244, %lt3A : i32
      %lt3A_248 = arith.constant 0 : i32
      %lt3A_249 = arith.cmpi slt, %select_n3A_243, %lt3A_248 : i32
      %ne3A_250 = arith.xori %lt3A_247, %lt3A_249 : i1
      %and3A_251 = arith.andi %ne3A_250, %ne3A_246 : i1
      %add3A_252 = arith.addi %rem3A_244, %select_n3A_243 : i32
      %select_n3A_253 = arith.select %and3A_251, %add3A_252, %rem3A_244 : i32
      %eq3A_254 = vector.broadcast %select_n3A_253 : i32 to vector<16xi32>
      %eq3A_255 = arith.cmpi eq, %iota3A_238, %eq3A_254 : vector<16xi32>
      %jit3A_256 = arith.constant 0 : i32
      %broadcast_in_dim3A_257 = vector.broadcast %jit3A_256 : i32 to vector<16xi32>
      %select_n3A_258 = arith.select %eq3A_255, %get3A_237, %broadcast_in_dim3A_257 : vector<16xi1>, vector<16xi32>
      %reduce_max3A_259 = arith.constant true
      %reduce_max3A_260 = vector.broadcast %reduce_max3A_259 : i1 to vector<16xi1>
      %reduce_max3A_261 = arith.constant -2147483648 : i32
      %reduce_max3A_262 = vector.broadcast %reduce_max3A_261 : i32 to vector<16xi32>
      %reduce_max3A_263 = arith.xori %select_n3A_258, %reduce_max3A_262 : vector<16xi32>
      %reduce_max3A_264 = tpu.scan <max>, %reduce_max3A_263 masked %reduce_max3A_260 : vector<16xi32>, vector<16xi1> -> vector<16xi32>
      %reduce_max3A_265 = arith.xori %reduce_max3A_264, %reduce_max3A_262 : vector<16xi32>
      %reduce_max3A_266 = vector.extract %reduce_max3A_265[15] : i32 from vector<16xi32>
      %dma_start3A_267 = arith.constant 0 : i32
      %dma_start3A_268 = tpu.memref_slice %arg2[%reduce_max3A_266, %dma_start3A_267] : memref<100x27648xf32, #tpu.memory_space<hbm>> -> memref<1x27648xf32, #tpu.memory_space<hbm>>
      %dma_start3A_269 = arith.constant 0 : i32
      %dma_start3A_270 = tpu.memref_slice %arg2[%reduce_max3A_266, %dma_start3A_269] : memref<100x27648xf32, #tpu.memory_space<hbm>> -> memref<1x27648xf32, #tpu.memory_space<hbm>>
      tpu.enqueue_dma source(%dma_start3A_270 : memref<1x27648xf32, #tpu.memory_space<hbm>>) target(%arg15 : memref<1x27648xf32, #tpu.memory_space<vmem>>) target_semaphore(%arg19 : memref<!tpu.dma_semaphore, #tpu.memory_space<semaphore_mem>>)
      %dma_wait3A_271 = arith.constant 0 : i32
      %dma_wait3A_272 = arith.constant 0 : i32
      %dma_wait3A_273 = tpu.memref_slice %arg2[%dma_wait3A_271, %dma_wait3A_272] : memref<100x27648xf32, #tpu.memory_space<hbm>> -> memref<1x27648xf32, #tpu.memory_space<hbm>>
      %dma_wait3A_274 = arith.constant 0 : i32
      %dma_wait3A_275 = arith.constant 0 : i32
      %dma_wait3A_276 = tpu.memref_slice %arg2[%dma_wait3A_274, %dma_wait3A_275] : memref<100x27648xf32, #tpu.memory_space<hbm>> -> memref<1x27648xf32, #tpu.memory_space<hbm>>
      tpu.wait_dma2 semaphore(%arg16 : memref<!tpu.dma_semaphore, #tpu.memory_space<semaphore_mem>>) src(%dma_wait3A_276 : memref<1x27648xf32, #tpu.memory_space<hbm>>) dst(%arg12 : memref<1x27648xf32, #tpu.memory_space<vmem>>)
      %jit3A_277 = arith.constant 16 : i32
      %div3A_278 = arith.divsi %add3A_196, %jit3A_277 : i32
      %sign3A_279 = arith.constant 0 : i32
      %sign3A_280 = arith.cmpi sgt, %add3A_196, %sign3A_279 : i32
      %sign3A_281 = arith.extui %sign3A_280 : i1 to i32
      %sign3A_282 = arith.constant 0 : i32
      %sign3A_283 = arith.cmpi slt, %add3A_196, %sign3A_282 : i32
      %sign3A_284 = arith.extui %sign3A_283 : i1 to i32
      %sign3A_285 = arith.subi %sign3A_281, %sign3A_284 : i32
      %sign3A_286 = arith.constant 0 : i32
      %sign3A_287 = arith.cmpi sgt, %jit3A_277, %sign3A_286 : i32
      %sign3A_288 = arith.extui %sign3A_287 : i1 to i32
      %sign3A_289 = arith.constant 0 : i32
      %sign3A_290 = arith.cmpi slt, %jit3A_277, %sign3A_289 : i32
      %sign3A_291 = arith.extui %sign3A_290 : i1 to i32
      %sign3A_292 = arith.subi %sign3A_288, %sign3A_291 : i32
      %ne3A_293 = arith.cmpi ne, %sign3A_285, %sign3A_292 : i32
      %rem3A_294 = arith.remsi %add3A_196, %jit3A_277 : i32
      %ne3A_295 = arith.constant 0 : i32
      %ne3A_296 = arith.cmpi ne, %rem3A_294, %ne3A_295 : i32
      %and3A_297 = arith.andi %ne3A_293, %ne3A_296 : i1
      %sub3A_298 = arith.constant 1 : i32
      %sub3A_299 = arith.subi %div3A_278, %sub3A_298 : i32
      %select_n3A_300 = arith.select %and3A_297, %sub3A_299, %div3A_278 : i32
      %get3A_301 = arith.index_cast %select_n3A_300 : i32 to index
      %get3A_302 = arith.constant 0 : index
      %get3A_303 = tpu.vector_load %arg9[%get3A_301, %get3A_302] {strides = array<i32>} : memref<14x16xi32, #tpu.memory_space<vmem>>, vector<16xi32>,
      %iota3A_304 = tpu.iota {dimensions = array<i32: 0>} : vector<16xi32>
      %jit3A_305 = arith.constant 16 : i32
      %eq3A_306 = arith.constant 0 : i32
      %eq3A_307 = arith.cmpi eq, %jit3A_305, %eq3A_306 : i32
      %jit3A_308 = arith.constant 1 : i32
      %select_n3A_309 = arith.select %eq3A_307, %jit3A_308, %jit3A_305 : i32
      %rem3A_310 = arith.remsi %add3A_196, %select_n3A_309 : i32
      %ne3A_311 = arith.constant 0 : i32
      %ne3A_312 = arith.cmpi ne, %rem3A_310, %ne3A_311 : i32
      %lt3A_313 = arith.constant 0 : i32
      %lt3A_314 = arith.cmpi slt, %rem3A_310, %lt3A_313 : i32
      %lt3A_315 = arith.constant 0 : i32
      %lt3A_316 = arith.cmpi slt, %select_n3A_309, %lt3A_315 : i32
      %ne3A_317 = arith.xori %lt3A_314, %lt3A_316 : i1
      %and3A_318 = arith.andi %ne3A_317, %ne3A_312 : i1
      %add3A_319 = arith.addi %rem3A_310, %select_n3A_309 : i32
      %select_n3A_320 = arith.select %and3A_318, %add3A_319, %rem3A_310 : i32
      %eq3A_321 = vector.broadcast %select_n3A_320 : i32 to vector<16xi32>
      %eq3A_322 = arith.cmpi eq, %iota3A_304, %eq3A_321 : vector<16xi32>
      %jit3A_323 = arith.constant 0 : i32
      %broadcast_in_dim3A_324 = vector.broadcast %jit3A_323 : i32 to vector<16xi32>
      %select_n3A_325 = arith.select %eq3A_322, %get3A_303, %broadcast_in_dim3A_324 : vector<16xi1>, vector<16xi32>
      %reduce_max3A_326 = arith.constant true
      %reduce_max3A_327 = vector.broadcast %reduce_max3A_326 : i1 to vector<16xi1>
      %reduce_max3A_328 = arith.constant -2147483648 : i32
      %reduce_max3A_329 = vector.broadcast %reduce_max3A_328 : i32 to vector<16xi32>
      %reduce_max3A_330 = arith.xori %select_n3A_325, %reduce_max3A_329 : vector<16xi32>
      %reduce_max3A_331 = tpu.scan <max>, %reduce_max3A_330 masked %reduce_max3A_327 : vector<16xi32>, vector<16xi1> -> vector<16xi32>
      %reduce_max3A_332 = arith.xori %reduce_max3A_331, %reduce_max3A_329 : vector<16xi32>
      %reduce_max3A_333 = vector.extract %reduce_max3A_332[15] : i32 from vector<16xi32>
      %add3A_334 = arith.constant 1 : i32
      %add3A_335 = arith.addi %add3A_196, %add3A_334 : i32
      %jit3A_336 = arith.constant 16 : i32
      %div3A_337 = arith.divsi %add3A_335, %jit3A_336 : i32
      %sign3A_338 = arith.constant 0 : i32
      %sign3A_339 = arith.cmpi sgt, %add3A_335, %sign3A_338 : i32
      %sign3A_340 = arith.extui %sign3A_339 : i1 to i32
      %sign3A_341 = arith.constant 0 : i32
      %sign3A_342 = arith.cmpi slt, %add3A_335, %sign3A_341 : i32
      %sign3A_343 = arith.extui %sign3A_342 : i1 to i32
      %sign3A_344 = arith.subi %sign3A_340, %sign3A_343 : i32
      %sign3A_345 = arith.constant 0 : i32
      %sign3A_346 = arith.cmpi sgt, %jit3A_336, %sign3A_345 : i32
      %sign3A_347 = arith.extui %sign3A_346 : i1 to i32
      %sign3A_348 = arith.constant 0 : i32
      %sign3A_349 = arith.cmpi slt, %jit3A_336, %sign3A_348 : i32
      %sign3A_350 = arith.extui %sign3A_349 : i1 to i32
      %sign3A_351 = arith.subi %sign3A_347, %sign3A_350 : i32
      %ne3A_352 = arith.cmpi ne, %sign3A_344, %sign3A_351 : i32
      %rem3A_353 = arith.remsi %add3A_335, %jit3A_336 : i32
      %ne3A_354 = arith.constant 0 : i32
      %ne3A_355 = arith.cmpi ne, %rem3A_353, %ne3A_354 : i32
      %and3A_356 = arith.andi %ne3A_352, %ne3A_355 : i1
      %sub3A_357 = arith.constant 1 : i32
      %sub3A_358 = arith.subi %div3A_337, %sub3A_357 : i32
      %select_n3A_359 = arith.select %and3A_356, %sub3A_358, %div3A_337 : i32
      %get3A_360 = arith.index_cast %select_n3A_359 : i32 to index
      %get3A_361 = arith.constant 0 : index
      %get3A_362 = tpu.vector_load %arg9[%get3A_360, %get3A_361] {strides = array<i32>} : memref<14x16xi32, #tpu.memory_space<vmem>>, vector<16xi32>,
      %iota3A_363 = tpu.iota {dimensions = array<i32: 0>} : vector<16xi32>
      %jit3A_364 = arith.constant 16 : i32
      %eq3A_365 = arith.constant 0 : i32
      %eq3A_366 = arith.cmpi eq, %jit3A_364, %eq3A_365 : i32
      %jit3A_367 = arith.constant 1 : i32
      %select_n3A_368 = arith.select %eq3A_366, %jit3A_367, %jit3A_364 : i32
      %rem3A_369 = arith.remsi %add3A_335, %select_n3A_368 : i32
      %ne3A_370 = arith.constant 0 : i32
      %ne3A_371 = arith.cmpi ne, %rem3A_369, %ne3A_370 : i32
      %lt3A_372 = arith.constant 0 : i32
      %lt3A_373 = arith.cmpi slt, %rem3A_369, %lt3A_372 : i32
      %lt3A_374 = arith.constant 0 : i32
      %lt3A_375 = arith.cmpi slt, %select_n3A_368, %lt3A_374 : i32
      %ne3A_376 = arith.xori %lt3A_373, %lt3A_375 : i1
      %and3A_377 = arith.andi %ne3A_376, %ne3A_371 : i1
      %add3A_378 = arith.addi %rem3A_369, %select_n3A_368 : i32
      %select_n3A_379 = arith.select %and3A_377, %add3A_378, %rem3A_369 : i32
      %eq3A_380 = vector.broadcast %select_n3A_379 : i32 to vector<16xi32>
      %eq3A_381 = arith.cmpi eq, %iota3A_363, %eq3A_380 : vector<16xi32>
      %jit3A_382 = arith.constant 0 : i32
      %broadcast_in_dim3A_383 = vector.broadcast %jit3A_382 : i32 to vector<16xi32>
      %select_n3A_384 = arith.select %eq3A_381, %get3A_362, %broadcast_in_dim3A_383 : vector<16xi1>, vector<16xi32>
      %reduce_max3A_385 = arith.constant true
      %reduce_max3A_386 = vector.broadcast %reduce_max3A_385 : i1 to vector<16xi1>
      %reduce_max3A_387 = arith.constant -2147483648 : i32
      %reduce_max3A_388 = vector.broadcast %reduce_max3A_387 : i32 to vector<16xi32>
      %reduce_max3A_389 = arith.xori %select_n3A_384, %reduce_max3A_388 : vector<16xi32>
      %reduce_max3A_390 = tpu.scan <max>, %reduce_max3A_389 masked %reduce_max3A_386 : vector<16xi32>, vector<16xi1> -> vector<16xi32>
      %reduce_max3A_391 = arith.xori %reduce_max3A_390, %reduce_max3A_388 : vector<16xi32>
      %reduce_max3A_392 = vector.extract %reduce_max3A_391[15] : i32 from vector<16xi32>
      %while3A_393 = arith.constant 0 : i32
      %while3A_394 = arith.subi %reduce_max3A_392, %reduce_max3A_333 : i32
      %while3A_395 = arith.addi %reduce_max3A_333, %while3A_394 : i32
      %while3A_396 = arith.constant 1 : i32
      %while3A_397 = arith.divsi %while3A_394, %while3A_396 : i32
      %while3A_398 = arith.muli %while3A_397, %while3A_396 : i32
      %while3A_399 = arith.addi %reduce_max3A_333, %while3A_398 : i32
      %while3A_400 = arith.constant 1 : i32
      scf.for %while3A_1033 = %reduce_max3A_333 to %while3A_399 step %while3A_400  : i32 {
        %jit3A_1034 = arith.constant 16 : i32
        %div3A_1035 = arith.divsi %while3A_1033, %jit3A_1034 : i32
        %sign3A_1036 = arith.constant 0 : i32
        %sign3A_1037 = arith.cmpi sgt, %while3A_1033, %sign3A_1036 : i32
        %sign3A_1038 = arith.extui %sign3A_1037 : i1 to i32
        %sign3A_1039 = arith.constant 0 : i32
        %sign3A_1040 = arith.cmpi slt, %while3A_1033, %sign3A_1039 : i32
        %sign3A_1041 = arith.extui %sign3A_1040 : i1 to i32
        %sign3A_1042 = arith.subi %sign3A_1038, %sign3A_1041 : i32
        %sign3A_1043 = arith.constant 0 : i32
        %sign3A_1044 = arith.cmpi sgt, %jit3A_1034, %sign3A_1043 : i32
        %sign3A_1045 = arith.extui %sign3A_1044 : i1 to i32
        %sign3A_1046 = arith.constant 0 : i32
        %sign3A_1047 = arith.cmpi slt, %jit3A_1034, %sign3A_1046 : i32
        %sign3A_1048 = arith.extui %sign3A_1047 : i1 to i32
        %sign3A_1049 = arith.subi %sign3A_1045, %sign3A_1048 : i32
        %ne3A_1050 = arith.cmpi ne, %sign3A_1042, %sign3A_1049 : i32
        %rem3A_1051 = arith.remsi %while3A_1033, %jit3A_1034 : i32
        %ne3A_1052 = arith.constant 0 : i32
        %ne3A_1053 = arith.cmpi ne, %rem3A_1051, %ne3A_1052 : i32
        %and3A_1054 = arith.andi %ne3A_1050, %ne3A_1053 : i1
        %sub3A_1055 = arith.constant 1 : i32
        %sub3A_1056 = arith.subi %div3A_1035, %sub3A_1055 : i32
        %select_n3A_1057 = arith.select %and3A_1054, %sub3A_1056, %div3A_1035 : i32
        %get3A_1058 = arith.index_cast %select_n3A_1057 : i32 to index
        %get3A_1059 = arith.constant 0 : index
        %get3A_1060 = tpu.vector_load %arg10[%get3A_1058, %get3A_1059] {strides = array<i32>} : memref<13x16xi32, #tpu.memory_space<vmem>>, vector<16xi32>,
        %iota3A_1061 = tpu.iota {dimensions = array<i32: 0>} : vector<16xi32>
        %jit3A_1062 = arith.constant 16 : i32
        %eq3A_1063 = arith.constant 0 : i32
        %eq3A_1064 = arith.cmpi eq, %jit3A_1062, %eq3A_1063 : i32
        %jit3A_1065 = arith.constant 1 : i32
        %select_n3A_1066 = arith.select %eq3A_1064, %jit3A_1065, %jit3A_1062 : i32
        %rem3A_1067 = arith.remsi %while3A_1033, %select_n3A_1066 : i32
        %ne3A_1068 = arith.constant 0 : i32
        %ne3A_1069 = arith.cmpi ne, %rem3A_1067, %ne3A_1068 : i32
        %lt3A_1070 = arith.constant 0 : i32
        %lt3A_1071 = arith.cmpi slt, %rem3A_1067, %lt3A_1070 : i32
        %lt3A_1072 = arith.constant 0 : i32
        %lt3A_1073 = arith.cmpi slt, %select_n3A_1066, %lt3A_1072 : i32
        %ne3A_1074 = arith.xori %lt3A_1071, %lt3A_1073 : i1
        %and3A_1075 = arith.andi %ne3A_1074, %ne3A_1069 : i1
        %add3A_1076 = arith.addi %rem3A_1067, %select_n3A_1066 : i32
        %select_n3A_1077 = arith.select %and3A_1075, %add3A_1076, %rem3A_1067 : i32
        %eq3A_1078 = vector.broadcast %select_n3A_1077 : i32 to vector<16xi32>
        %eq3A_1079 = arith.cmpi eq, %iota3A_1061, %eq3A_1078 : vector<16xi32>
        %jit3A_1080 = arith.constant 0 : i32
        %broadcast_in_dim3A_1081 = vector.broadcast %jit3A_1080 : i32 to vector<16xi32>
        %select_n3A_1082 = arith.select %eq3A_1079, %get3A_1060, %broadcast_in_dim3A_1081 : vector<16xi1>, vector<16xi32>
        %reduce_max3A_1083 = arith.constant true
        %reduce_max3A_1084 = vector.broadcast %reduce_max3A_1083 : i1 to vector<16xi1>
        %reduce_max3A_1085 = arith.constant -2147483648 : i32
        %reduce_max3A_1086 = vector.broadcast %reduce_max3A_1085 : i32 to vector<16xi32>
        %reduce_max3A_1087 = arith.xori %select_n3A_1082, %reduce_max3A_1086 : vector<16xi32>
        %reduce_max3A_1088 = tpu.scan <max>, %reduce_max3A_1087 masked %reduce_max3A_1084 : vector<16xi32>, vector<16xi1> -> vector<16xi32>
        %reduce_max3A_1089 = arith.xori %reduce_max3A_1088, %reduce_max3A_1086 : vector<16xi32>
        %reduce_max3A_1090 = vector.extract %reduce_max3A_1089[15] : i32 from vector<16xi32>
        %add3A_1091 = arith.addi %mul3A_2, %reduce_max3A_1090 : i32
        %jit3A_1092 = arith.constant 64 : i32
        %div3A_1093 = arith.divsi %add3A_1091, %jit3A_1092 : i32
        %sign3A_1094 = arith.constant 0 : i32
        %sign3A_1095 = arith.cmpi sgt, %add3A_1091, %sign3A_1094 : i32
        %sign3A_1096 = arith.extui %sign3A_1095 : i1 to i32
        %sign3A_1097 = arith.constant 0 : i32
        %sign3A_1098 = arith.cmpi slt, %add3A_1091, %sign3A_1097 : i32
        %sign3A_1099 = arith.extui %sign3A_1098 : i1 to i32
        %sign3A_1100 = arith.subi %sign3A_1096, %sign3A_1099 : i32
        %sign3A_1101 = arith.constant 0 : i32
        %sign3A_1102 = arith.cmpi sgt, %jit3A_1092, %sign3A_1101 : i32
        %sign3A_1103 = arith.extui %sign3A_1102 : i1 to i32
        %sign3A_1104 = arith.constant 0 : i32
        %sign3A_1105 = arith.cmpi slt, %jit3A_1092, %sign3A_1104 : i32
        %sign3A_1106 = arith.extui %sign3A_1105 : i1 to i32
        %sign3A_1107 = arith.subi %sign3A_1103, %sign3A_1106 : i32
        %ne3A_1108 = arith.cmpi ne, %sign3A_1100, %sign3A_1107 : i32
        %rem3A_1109 = arith.remsi %add3A_1091, %jit3A_1092 : i32
        %ne3A_1110 = arith.constant 0 : i32
        %ne3A_1111 = arith.cmpi ne, %rem3A_1109, %ne3A_1110 : i32
        %and3A_1112 = arith.andi %ne3A_1108, %ne3A_1111 : i1
        %sub3A_1113 = arith.constant 1 : i32
        %sub3A_1114 = arith.subi %div3A_1093, %sub3A_1113 : i32
        %select_n3A_1115 = arith.select %and3A_1112, %sub3A_1114, %div3A_1093 : i32
        %jit3A_1116 = arith.constant 64 : i32
        %eq3A_1117 = arith.constant 0 : i32
        %eq3A_1118 = arith.cmpi eq, %jit3A_1116, %eq3A_1117 : i32
        %jit3A_1119 = arith.constant 1 : i32
        %select_n3A_1120 = arith.select %eq3A_1118, %jit3A_1119, %jit3A_1116 : i32
        %rem3A_1121 = arith.remsi %add3A_1091, %select_n3A_1120 : i32
        %ne3A_1122 = arith.constant 0 : i32
        %ne3A_1123 = arith.cmpi ne, %rem3A_1121, %ne3A_1122 : i32
        %lt3A_1124 = arith.constant 0 : i32
        %lt3A_1125 = arith.cmpi slt, %rem3A_1121, %lt3A_1124 : i32
        %lt3A_1126 = arith.constant 0 : i32
        %lt3A_1127 = arith.cmpi slt, %select_n3A_1120, %lt3A_1126 : i32
        %ne3A_1128 = arith.xori %lt3A_1125, %lt3A_1127 : i1
        %and3A_1129 = arith.andi %ne3A_1128, %ne3A_1123 : i1
        %add3A_1130 = arith.addi %rem3A_1121, %select_n3A_1120 : i32
        %select_n3A_1131 = arith.select %and3A_1129, %add3A_1130, %rem3A_1121 : i32
        %dma_start3A_1132 = arith.constant 0 : i32
        %dma_start3A_1133 = tpu.memref_slice %arg7[%select_n3A_1115, %select_n3A_1131, %dma_start3A_1132] : memref<100x64x27648xf32, #tpu.memory_space<hbm>> -> memref<1x1x27648xf32, #tpu.memory_space<hbm>>
        %dma_start3A_1134 = tpu.memref_squeeze %dma_start3A_1133 : memref<1x1x27648xf32, #tpu.memory_space<hbm>> -> memref<1x27648xf32, #tpu.memory_space<hbm>>
        %dma_start3A_1135 = arith.constant 0 : i32
        %dma_start3A_1136 = tpu.memref_slice %arg7[%select_n3A_1115, %select_n3A_1131, %dma_start3A_1135] : memref<100x64x27648xf32, #tpu.memory_space<hbm>> -> memref<1x1x27648xf32, #tpu.memory_space<hbm>>
        %dma_start3A_1137 = tpu.memref_squeeze %dma_start3A_1136 : memref<1x1x27648xf32, #tpu.memory_space<hbm>> -> memref<1x27648xf32, #tpu.memory_space<hbm>>
        tpu.enqueue_dma source(%arg12 : memref<1x27648xf32, #tpu.memory_space<vmem>>) target(%dma_start3A_1137 : memref<1x27648xf32, #tpu.memory_space<hbm>>) target_semaphore(%arg20 : memref<!tpu.dma_semaphore, #tpu.memory_space<semaphore_mem>>)
      }
      %while3A_401 = arith.constant 1 : i32
      scf.for %while3A_1033 = %while3A_399 to %while3A_395 step %while3A_401  : i32 {
        %jit3A_1034 = arith.constant 16 : i32
        %div3A_1035 = arith.divsi %while3A_1033, %jit3A_1034 : i32
        %sign3A_1036 = arith.constant 0 : i32
        %sign3A_1037 = arith.cmpi sgt, %while3A_1033, %sign3A_1036 : i32
        %sign3A_1038 = arith.extui %sign3A_1037 : i1 to i32
        %sign3A_1039 = arith.constant 0 : i32
        %sign3A_1040 = arith.cmpi slt, %while3A_1033, %sign3A_1039 : i32
        %sign3A_1041 = arith.extui %sign3A_1040 : i1 to i32
        %sign3A_1042 = arith.subi %sign3A_1038, %sign3A_1041 : i32
        %sign3A_1043 = arith.constant 0 : i32
        %sign3A_1044 = arith.cmpi sgt, %jit3A_1034, %sign3A_1043 : i32
        %sign3A_1045 = arith.extui %sign3A_1044 : i1 to i32
        %sign3A_1046 = arith.constant 0 : i32
        %sign3A_1047 = arith.cmpi slt, %jit3A_1034, %sign3A_1046 : i32
        %sign3A_1048 = arith.extui %sign3A_1047 : i1 to i32
        %sign3A_1049 = arith.subi %sign3A_1045, %sign3A_1048 : i32
        %ne3A_1050 = arith.cmpi ne, %sign3A_1042, %sign3A_1049 : i32
        %rem3A_1051 = arith.remsi %while3A_1033, %jit3A_1034 : i32
        %ne3A_1052 = arith.constant 0 : i32
        %ne3A_1053 = arith.cmpi ne, %rem3A_1051, %ne3A_1052 : i32
        %and3A_1054 = arith.andi %ne3A_1050, %ne3A_1053 : i1
        %sub3A_1055 = arith.constant 1 : i32
        %sub3A_1056 = arith.subi %div3A_1035, %sub3A_1055 : i32
        %select_n3A_1057 = arith.select %and3A_1054, %sub3A_1056, %div3A_1035 : i32
        %get3A_1058 = arith.index_cast %select_n3A_1057 : i32 to index
        %get3A_1059 = arith.constant 0 : index
        %get3A_1060 = tpu.vector_load %arg10[%get3A_1058, %get3A_1059] {strides = array<i32>} : memref<13x16xi32, #tpu.memory_space<vmem>>, vector<16xi32>,
        %iota3A_1061 = tpu.iota {dimensions = array<i32: 0>} : vector<16xi32>
        %jit3A_1062 = arith.constant 16 : i32
        %eq3A_1063 = arith.constant 0 : i32
        %eq3A_1064 = arith.cmpi eq, %jit3A_1062, %eq3A_1063 : i32
        %jit3A_1065 = arith.constant 1 : i32
        %select_n3A_1066 = arith.select %eq3A_1064, %jit3A_1065, %jit3A_1062 : i32
        %rem3A_1067 = arith.remsi %while3A_1033, %select_n3A_1066 : i32
        %ne3A_1068 = arith.constant 0 : i32
        %ne3A_1069 = arith.cmpi ne, %rem3A_1067, %ne3A_1068 : i32
        %lt3A_1070 = arith.constant 0 : i32
        %lt3A_1071 = arith.cmpi slt, %rem3A_1067, %lt3A_1070 : i32
        %lt3A_1072 = arith.constant 0 : i32
        %lt3A_1073 = arith.cmpi slt, %select_n3A_1066, %lt3A_1072 : i32
        %ne3A_1074 = arith.xori %lt3A_1071, %lt3A_1073 : i1
        %and3A_1075 = arith.andi %ne3A_1074, %ne3A_1069 : i1
        %add3A_1076 = arith.addi %rem3A_1067, %select_n3A_1066 : i32
        %select_n3A_1077 = arith.select %and3A_1075, %add3A_1076, %rem3A_1067 : i32
        %eq3A_1078 = vector.broadcast %select_n3A_1077 : i32 to vector<16xi32>
        %eq3A_1079 = arith.cmpi eq, %iota3A_1061, %eq3A_1078 : vector<16xi32>
        %jit3A_1080 = arith.constant 0 : i32
        %broadcast_in_dim3A_1081 = vector.broadcast %jit3A_1080 : i32 to vector<16xi32>
        %select_n3A_1082 = arith.select %eq3A_1079, %get3A_1060, %broadcast_in_dim3A_1081 : vector<16xi1>, vector<16xi32>
        %reduce_max3A_1083 = arith.constant true
        %reduce_max3A_1084 = vector.broadcast %reduce_max3A_1083 : i1 to vector<16xi1>
        %reduce_max3A_1085 = arith.constant -2147483648 : i32
        %reduce_max3A_1086 = vector.broadcast %reduce_max3A_1085 : i32 to vector<16xi32>
        %reduce_max3A_1087 = arith.xori %select_n3A_1082, %reduce_max3A_1086 : vector<16xi32>
        %reduce_max3A_1088 = tpu.scan <max>, %reduce_max3A_1087 masked %reduce_max3A_1084 : vector<16xi32>, vector<16xi1> -> vector<16xi32>
        %reduce_max3A_1089 = arith.xori %reduce_max3A_1088, %reduce_max3A_1086 : vector<16xi32>
        %reduce_max3A_1090 = vector.extract %reduce_max3A_1089[15] : i32 from vector<16xi32>
        %add3A_1091 = arith.addi %mul3A_2, %reduce_max3A_1090 : i32
        %jit3A_1092 = arith.constant 64 : i32
        %div3A_1093 = arith.divsi %add3A_1091, %jit3A_1092 : i32
        %sign3A_1094 = arith.constant 0 : i32
        %sign3A_1095 = arith.cmpi sgt, %add3A_1091, %sign3A_1094 : i32
        %sign3A_1096 = arith.extui %sign3A_1095 : i1 to i32
        %sign3A_1097 = arith.constant 0 : i32
        %sign3A_1098 = arith.cmpi slt, %add3A_1091, %sign3A_1097 : i32
        %sign3A_1099 = arith.extui %sign3A_1098 : i1 to i32
        %sign3A_1100 = arith.subi %sign3A_1096, %sign3A_1099 : i32
        %sign3A_1101 = arith.constant 0 : i32
        %sign3A_1102 = arith.cmpi sgt, %jit3A_1092, %sign3A_1101 : i32
        %sign3A_1103 = arith.extui %sign3A_1102 : i1 to i32
        %sign3A_1104 = arith.constant 0 : i32
        %sign3A_1105 = arith.cmpi slt, %jit3A_1092, %sign3A_1104 : i32
        %sign3A_1106 = arith.extui %sign3A_1105 : i1 to i32
        %sign3A_1107 = arith.subi %sign3A_1103, %sign3A_1106 : i32
        %ne3A_1108 = arith.cmpi ne, %sign3A_1100, %sign3A_1107 : i32
        %rem3A_1109 = arith.remsi %add3A_1091, %jit3A_1092 : i32
        %ne3A_1110 = arith.constant 0 : i32
        %ne3A_1111 = arith.cmpi ne, %rem3A_1109, %ne3A_1110 : i32
        %and3A_1112 = arith.andi %ne3A_1108, %ne3A_1111 : i1
        %sub3A_1113 = arith.constant 1 : i32
        %sub3A_1114 = arith.subi %div3A_1093, %sub3A_1113 : i32
        %select_n3A_1115 = arith.select %and3A_1112, %sub3A_1114, %div3A_1093 : i32
        %jit3A_1116 = arith.constant 64 : i32
        %eq3A_1117 = arith.constant 0 : i32
        %eq3A_1118 = arith.cmpi eq, %jit3A_1116, %eq3A_1117 : i32
        %jit3A_1119 = arith.constant 1 : i32
        %select_n3A_1120 = arith.select %eq3A_1118, %jit3A_1119, %jit3A_1116 : i32
        %rem3A_1121 = arith.remsi %add3A_1091, %select_n3A_1120 : i32
        %ne3A_1122 = arith.constant 0 : i32
        %ne3A_1123 = arith.cmpi ne, %rem3A_1121, %ne3A_1122 : i32
        %lt3A_1124 = arith.constant 0 : i32
        %lt3A_1125 = arith.cmpi slt, %rem3A_1121, %lt3A_1124 : i32
        %lt3A_1126 = arith.constant 0 : i32
        %lt3A_1127 = arith.cmpi slt, %select_n3A_1120, %lt3A_1126 : i32
        %ne3A_1128 = arith.xori %lt3A_1125, %lt3A_1127 : i1
        %and3A_1129 = arith.andi %ne3A_1128, %ne3A_1123 : i1
        %add3A_1130 = arith.addi %rem3A_1121, %select_n3A_1120 : i32
        %select_n3A_1131 = arith.select %and3A_1129, %add3A_1130, %rem3A_1121 : i32
        %dma_start3A_1132 = arith.constant 0 : i32
        %dma_start3A_1133 = tpu.memref_slice %arg7[%select_n3A_1115, %select_n3A_1131, %dma_start3A_1132] : memref<100x64x27648xf32, #tpu.memory_space<hbm>> -> memref<1x1x27648xf32, #tpu.memory_space<hbm>>
        %dma_start3A_1134 = tpu.memref_squeeze %dma_start3A_1133 : memref<1x1x27648xf32, #tpu.memory_space<hbm>> -> memref<1x27648xf32, #tpu.memory_space<hbm>>
        %dma_start3A_1135 = arith.constant 0 : i32
        %dma_start3A_1136 = tpu.memref_slice %arg7[%select_n3A_1115, %select_n3A_1131, %dma_start3A_1135] : memref<100x64x27648xf32, #tpu.memory_space<hbm>> -> memref<1x1x27648xf32, #tpu.memory_space<hbm>>
        %dma_start3A_1137 = tpu.memref_squeeze %dma_start3A_1136 : memref<1x1x27648xf32, #tpu.memory_space<hbm>> -> memref<1x27648xf32, #tpu.memory_space<hbm>>
        tpu.enqueue_dma source(%arg12 : memref<1x27648xf32, #tpu.memory_space<vmem>>) target(%dma_start3A_1137 : memref<1x27648xf32, #tpu.memory_space<hbm>>) target_semaphore(%arg20 : memref<!tpu.dma_semaphore, #tpu.memory_space<semaphore_mem>>)
      }
      %sub3A_402 = arith.subi %reduce_max3A_392, %reduce_max3A_333 : i32
      %add3A_403 = arith.constant 1 : i32
      %add3A_404 = arith.addi %add3A_194, %add3A_403 : i32
      %while3A_405 = arith.constant 0 : i32
      %while3A_406 = arith.constant 0 : i32
      %while3A_407 = arith.subi %sub3A_402, %while3A_406 : i32
      %while3A_408 = arith.addi %while3A_406, %while3A_407 : i32
      %while3A_409 = arith.constant 1 : i32
      %while3A_410 = arith.divsi %while3A_407, %while3A_409 : i32
      %while3A_411 = arith.muli %while3A_410, %while3A_409 : i32
      %while3A_412 = arith.addi %while3A_406, %while3A_411 : i32
      %while3A_413 = arith.constant 1 : i32
      scf.for %while3A_1033 = %while3A_406 to %while3A_412 step %while3A_413  : i32 {
        %dma_wait3A_1034 = arith.constant 0 : i32
        %dma_wait3A_1035 = arith.constant 0 : i32
        %dma_wait3A_1036 = tpu.memref_slice %arg2[%dma_wait3A_1034, %dma_wait3A_1035] : memref<100x27648xf32, #tpu.memory_space<hbm>> -> memref<1x27648xf32, #tpu.memory_space<hbm>>
        %dma_wait3A_1037 = arith.constant 0 : i32
        %dma_wait3A_1038 = arith.constant 0 : i32
        %dma_wait3A_1039 = tpu.memref_slice %arg2[%dma_wait3A_1037, %dma_wait3A_1038] : memref<100x27648xf32, #tpu.memory_space<hbm>> -> memref<1x27648xf32, #tpu.memory_space<hbm>>
        tpu.wait_dma2 semaphore(%arg20 : memref<!tpu.dma_semaphore, #tpu.memory_space<semaphore_mem>>) src(%dma_wait3A_1039 : memref<1x27648xf32, #tpu.memory_space<hbm>>) dst(%arg12 : memref<1x27648xf32, #tpu.memory_space<vmem>>)
      }
      %while3A_414 = arith.constant 1 : i32
      scf.for %while3A_1033 = %while3A_412 to %while3A_408 step %while3A_414  : i32 {
        %dma_wait3A_1034 = arith.constant 0 : i32
        %dma_wait3A_1035 = arith.constant 0 : i32
        %dma_wait3A_1036 = tpu.memref_slice %arg2[%dma_wait3A_1034, %dma_wait3A_1035] : memref<100x27648xf32, #tpu.memory_space<hbm>> -> memref<1x27648xf32, #tpu.memory_space<hbm>>
        %dma_wait3A_1037 = arith.constant 0 : i32
        %dma_wait3A_1038 = arith.constant 0 : i32
        %dma_wait3A_1039 = tpu.memref_slice %arg2[%dma_wait3A_1037, %dma_wait3A_1038] : memref<100x27648xf32, #tpu.memory_space<hbm>> -> memref<1x27648xf32, #tpu.memory_space<hbm>>
        tpu.wait_dma2 semaphore(%arg20 : memref<!tpu.dma_semaphore, #tpu.memory_space<semaphore_mem>>) src(%dma_wait3A_1039 : memref<1x27648xf32, #tpu.memory_space<hbm>>) dst(%arg12 : memref<1x27648xf32, #tpu.memory_space<vmem>>)
      }
      %add3A_415 = arith.constant 4 : i32
      %add3A_416 = arith.addi %add3A_404, %add3A_415 : i32
      %sub3A_417 = arith.constant 1 : i32
      %sub3A_418 = arith.subi %add3A_416, %sub3A_417 : i32
      %jit3A_419 = arith.constant 16 : i32
      %div3A_420 = arith.divsi %sub3A_418, %jit3A_419 : i32
      %sign3A_421 = arith.constant 0 : i32
      %sign3A_422 = arith.cmpi sgt, %sub3A_418, %sign3A_421 : i32
      %sign3A_423 = arith.extui %sign3A_422 : i1 to i32
      %sign3A_424 = arith.constant 0 : i32
      %sign3A_425 = arith.cmpi slt, %sub3A_418, %sign3A_424 : i32
      %sign3A_426 = arith.extui %sign3A_425 : i1 to i32
      %sign3A_427 = arith.subi %sign3A_423, %sign3A_426 : i32
      %sign3A_428 = arith.constant 0 : i32
      %sign3A_429 = arith.cmpi sgt, %jit3A_419, %sign3A_428 : i32
      %sign3A_430 = arith.extui %sign3A_429 : i1 to i32
      %sign3A_431 = arith.constant 0 : i32
      %sign3A_432 = arith.cmpi slt, %jit3A_419, %sign3A_431 : i32
      %sign3A_433 = arith.extui %sign3A_432 : i1 to i32
      %sign3A_434 = arith.subi %sign3A_430, %sign3A_433 : i32
      %ne3A_435 = arith.cmpi ne, %sign3A_427, %sign3A_434 : i32
      %rem3A_436 = arith.remsi %sub3A_418, %jit3A_419 : i32
      %ne3A_437 = arith.constant 0 : i32
      %ne3A_438 = arith.cmpi ne, %rem3A_436, %ne3A_437 : i32
      %and3A_439 = arith.andi %ne3A_435, %ne3A_438 : i1
      %sub3A_440 = arith.constant 1 : i32
      %sub3A_441 = arith.subi %div3A_420, %sub3A_440 : i32
      %select_n3A_442 = arith.select %and3A_439, %sub3A_441, %div3A_420 : i32
      %get3A_443 = arith.index_cast %select_n3A_442 : i32 to index
      %get3A_444 = arith.constant 0 : index
      %get3A_445 = tpu.vector_load %arg8[%get3A_443, %get3A_444] {strides = array<i32>} : memref<14x16xi32, #tpu.memory_space<vmem>>, vector<16xi32>,
      %iota3A_446 = tpu.iota {dimensions = array<i32: 0>} : vector<16xi32>
      %jit3A_447 = arith.constant 16 : i32
      %eq3A_448 = arith.constant 0 : i32
      %eq3A_449 = arith.cmpi eq, %jit3A_447, %eq3A_448 : i32
      %jit3A_450 = arith.constant 1 : i32
      %select_n3A_451 = arith.select %eq3A_449, %jit3A_450, %jit3A_447 : i32
      %rem3A_452 = arith.remsi %sub3A_418, %select_n3A_451 : i32
      %ne3A_453 = arith.constant 0 : i32
      %ne3A_454 = arith.cmpi ne, %rem3A_452, %ne3A_453 : i32
      %lt3A_455 = arith.constant 0 : i32
      %lt3A_456 = arith.cmpi slt, %rem3A_452, %lt3A_455 : i32
      %lt3A_457 = arith.constant 0 : i32
      %lt3A_458 = arith.cmpi slt, %select_n3A_451, %lt3A_457 : i32
      %ne3A_459 = arith.xori %lt3A_456, %lt3A_458 : i1
      %and3A_460 = arith.andi %ne3A_459, %ne3A_454 : i1
      %add3A_461 = arith.addi %rem3A_452, %select_n3A_451 : i32
      %select_n3A_462 = arith.select %and3A_460, %add3A_461, %rem3A_452 : i32
      %eq3A_463 = vector.broadcast %select_n3A_462 : i32 to vector<16xi32>
      %eq3A_464 = arith.cmpi eq, %iota3A_446, %eq3A_463 : vector<16xi32>
      %jit3A_465 = arith.constant 0 : i32
      %broadcast_in_dim3A_466 = vector.broadcast %jit3A_465 : i32 to vector<16xi32>
      %select_n3A_467 = arith.select %eq3A_464, %get3A_445, %broadcast_in_dim3A_466 : vector<16xi1>, vector<16xi32>
      %reduce_max3A_468 = arith.constant true
      %reduce_max3A_469 = vector.broadcast %reduce_max3A_468 : i1 to vector<16xi1>
      %reduce_max3A_470 = arith.constant -2147483648 : i32
      %reduce_max3A_471 = vector.broadcast %reduce_max3A_470 : i32 to vector<16xi32>
      %reduce_max3A_472 = arith.xori %select_n3A_467, %reduce_max3A_471 : vector<16xi32>
      %reduce_max3A_473 = tpu.scan <max>, %reduce_max3A_472 masked %reduce_max3A_469 : vector<16xi32>, vector<16xi1> -> vector<16xi32>
      %reduce_max3A_474 = arith.xori %reduce_max3A_473, %reduce_max3A_471 : vector<16xi32>
      %reduce_max3A_475 = vector.extract %reduce_max3A_474[15] : i32 from vector<16xi32>
      %dma_start3A_476 = arith.constant 0 : i32
      %dma_start3A_477 = tpu.memref_slice %arg2[%reduce_max3A_475, %dma_start3A_476] : memref<100x27648xf32, #tpu.memory_space<hbm>> -> memref<1x27648xf32, #tpu.memory_space<hbm>>
      %dma_start3A_478 = arith.constant 0 : i32
      %dma_start3A_479 = tpu.memref_slice %arg2[%reduce_max3A_475, %dma_start3A_478] : memref<100x27648xf32, #tpu.memory_space<hbm>> -> memref<1x27648xf32, #tpu.memory_space<hbm>>
      tpu.enqueue_dma source(%dma_start3A_479 : memref<1x27648xf32, #tpu.memory_space<hbm>>) target(%arg12 : memref<1x27648xf32, #tpu.memory_space<vmem>>) target_semaphore(%arg16 : memref<!tpu.dma_semaphore, #tpu.memory_space<semaphore_mem>>)
      %dma_wait3A_480 = arith.constant 0 : i32
      %dma_wait3A_481 = arith.constant 0 : i32
      %dma_wait3A_482 = tpu.memref_slice %arg2[%dma_wait3A_480, %dma_wait3A_481] : memref<100x27648xf32, #tpu.memory_space<hbm>> -> memref<1x27648xf32, #tpu.memory_space<hbm>>
      %dma_wait3A_483 = arith.constant 0 : i32
      %dma_wait3A_484 = arith.constant 0 : i32
      %dma_wait3A_485 = tpu.memref_slice %arg2[%dma_wait3A_483, %dma_wait3A_484] : memref<100x27648xf32, #tpu.memory_space<hbm>> -> memref<1x27648xf32, #tpu.memory_space<hbm>>
      tpu.wait_dma2 semaphore(%arg17 : memref<!tpu.dma_semaphore, #tpu.memory_space<semaphore_mem>>) src(%dma_wait3A_485 : memref<1x27648xf32, #tpu.memory_space<hbm>>) dst(%arg13 : memref<1x27648xf32, #tpu.memory_space<vmem>>)
      %jit3A_486 = arith.constant 16 : i32
      %div3A_487 = arith.divsi %add3A_404, %jit3A_486 : i32
      %sign3A_488 = arith.constant 0 : i32
      %sign3A_489 = arith.cmpi sgt, %add3A_404, %sign3A_488 : i32
      %sign3A_490 = arith.extui %sign3A_489 : i1 to i32
      %sign3A_491 = arith.constant 0 : i32
      %sign3A_492 = arith.cmpi slt, %add3A_404, %sign3A_491 : i32
      %sign3A_493 = arith.extui %sign3A_492 : i1 to i32
      %sign3A_494 = arith.subi %sign3A_490, %sign3A_493 : i32
      %sign3A_495 = arith.constant 0 : i32
      %sign3A_496 = arith.cmpi sgt, %jit3A_486, %sign3A_495 : i32
      %sign3A_497 = arith.extui %sign3A_496 : i1 to i32
      %sign3A_498 = arith.constant 0 : i32
      %sign3A_499 = arith.cmpi slt, %jit3A_486, %sign3A_498 : i32
      %sign3A_500 = arith.extui %sign3A_499 : i1 to i32
      %sign3A_501 = arith.subi %sign3A_497, %sign3A_500 : i32
      %ne3A_502 = arith.cmpi ne, %sign3A_494, %sign3A_501 : i32
      %rem3A_503 = arith.remsi %add3A_404, %jit3A_486 : i32
      %ne3A_504 = arith.constant 0 : i32
      %ne3A_505 = arith.cmpi ne, %rem3A_503, %ne3A_504 : i32
      %and3A_506 = arith.andi %ne3A_502, %ne3A_505 : i1
      %sub3A_507 = arith.constant 1 : i32
      %sub3A_508 = arith.subi %div3A_487, %sub3A_507 : i32
      %select_n3A_509 = arith.select %and3A_506, %sub3A_508, %div3A_487 : i32
      %get3A_510 = arith.index_cast %select_n3A_509 : i32 to index
      %get3A_511 = arith.constant 0 : index
      %get3A_512 = tpu.vector_load %arg9[%get3A_510, %get3A_511] {strides = array<i32>} : memref<14x16xi32, #tpu.memory_space<vmem>>, vector<16xi32>,
      %iota3A_513 = tpu.iota {dimensions = array<i32: 0>} : vector<16xi32>
      %jit3A_514 = arith.constant 16 : i32
      %eq3A_515 = arith.constant 0 : i32
      %eq3A_516 = arith.cmpi eq, %jit3A_514, %eq3A_515 : i32
      %jit3A_517 = arith.constant 1 : i32
      %select_n3A_518 = arith.select %eq3A_516, %jit3A_517, %jit3A_514 : i32
      %rem3A_519 = arith.remsi %add3A_404, %select_n3A_518 : i32
      %ne3A_520 = arith.constant 0 : i32
      %ne3A_521 = arith.cmpi ne, %rem3A_519, %ne3A_520 : i32
      %lt3A_522 = arith.constant 0 : i32
      %lt3A_523 = arith.cmpi slt, %rem3A_519, %lt3A_522 : i32
      %lt3A_524 = arith.constant 0 : i32
      %lt3A_525 = arith.cmpi slt, %select_n3A_518, %lt3A_524 : i32
      %ne3A_526 = arith.xori %lt3A_523, %lt3A_525 : i1
      %and3A_527 = arith.andi %ne3A_526, %ne3A_521 : i1
      %add3A_528 = arith.addi %rem3A_519, %select_n3A_518 : i32
      %select_n3A_529 = arith.select %and3A_527, %add3A_528, %rem3A_519 : i32
      %eq3A_530 = vector.broadcast %select_n3A_529 : i32 to vector<16xi32>
      %eq3A_531 = arith.cmpi eq, %iota3A_513, %eq3A_530 : vector<16xi32>
      %jit3A_532 = arith.constant 0 : i32
      %broadcast_in_dim3A_533 = vector.broadcast %jit3A_532 : i32 to vector<16xi32>
      %select_n3A_534 = arith.select %eq3A_531, %get3A_512, %broadcast_in_dim3A_533 : vector<16xi1>, vector<16xi32>
      %reduce_max3A_535 = arith.constant true
      %reduce_max3A_536 = vector.broadcast %reduce_max3A_535 : i1 to vector<16xi1>
      %reduce_max3A_537 = arith.constant -2147483648 : i32
      %reduce_max3A_538 = vector.broadcast %reduce_max3A_537 : i32 to vector<16xi32>
      %reduce_max3A_539 = arith.xori %select_n3A_534, %reduce_max3A_538 : vector<16xi32>
      %reduce_max3A_540 = tpu.scan <max>, %reduce_max3A_539 masked %reduce_max3A_536 : vector<16xi32>, vector<16xi1> -> vector<16xi32>
      %reduce_max3A_541 = arith.xori %reduce_max3A_540, %reduce_max3A_538 : vector<16xi32>
      %reduce_max3A_542 = vector.extract %reduce_max3A_541[15] : i32 from vector<16xi32>
      %add3A_543 = arith.constant 1 : i32
      %add3A_544 = arith.addi %add3A_404, %add3A_543 : i32
      %jit3A_545 = arith.constant 16 : i32
      %div3A_546 = arith.divsi %add3A_544, %jit3A_545 : i32
      %sign3A_547 = arith.constant 0 : i32
      %sign3A_548 = arith.cmpi sgt, %add3A_544, %sign3A_547 : i32
      %sign3A_549 = arith.extui %sign3A_548 : i1 to i32
      %sign3A_550 = arith.constant 0 : i32
      %sign3A_551 = arith.cmpi slt, %add3A_544, %sign3A_550 : i32
      %sign3A_552 = arith.extui %sign3A_551 : i1 to i32
      %sign3A_553 = arith.subi %sign3A_549, %sign3A_552 : i32
      %sign3A_554 = arith.constant 0 : i32
      %sign3A_555 = arith.cmpi sgt, %jit3A_545, %sign3A_554 : i32
      %sign3A_556 = arith.extui %sign3A_555 : i1 to i32
      %sign3A_557 = arith.constant 0 : i32
      %sign3A_558 = arith.cmpi slt, %jit3A_545, %sign3A_557 : i32
      %sign3A_559 = arith.extui %sign3A_558 : i1 to i32
      %sign3A_560 = arith.subi %sign3A_556, %sign3A_559 : i32
      %ne3A_561 = arith.cmpi ne, %sign3A_553, %sign3A_560 : i32
      %rem3A_562 = arith.remsi %add3A_544, %jit3A_545 : i32
      %ne3A_563 = arith.constant 0 : i32
      %ne3A_564 = arith.cmpi ne, %rem3A_562, %ne3A_563 : i32
      %and3A_565 = arith.andi %ne3A_561, %ne3A_564 : i1
      %sub3A_566 = arith.constant 1 : i32
      %sub3A_567 = arith.subi %div3A_546, %sub3A_566 : i32
      %select_n3A_568 = arith.select %and3A_565, %sub3A_567, %div3A_546 : i32
      %get3A_569 = arith.index_cast %select_n3A_568 : i32 to index
      %get3A_570 = arith.constant 0 : index
      %get3A_571 = tpu.vector_load %arg9[%get3A_569, %get3A_570] {strides = array<i32>} : memref<14x16xi32, #tpu.memory_space<vmem>>, vector<16xi32>,
      %iota3A_572 = tpu.iota {dimensions = array<i32: 0>} : vector<16xi32>
      %jit3A_573 = arith.constant 16 : i32
      %eq3A_574 = arith.constant 0 : i32
      %eq3A_575 = arith.cmpi eq, %jit3A_573, %eq3A_574 : i32
      %jit3A_576 = arith.constant 1 : i32
      %select_n3A_577 = arith.select %eq3A_575, %jit3A_576, %jit3A_573 : i32
      %rem3A_578 = arith.remsi %add3A_544, %select_n3A_577 : i32
      %ne3A_579 = arith.constant 0 : i32
      %ne3A_580 = arith.cmpi ne, %rem3A_578, %ne3A_579 : i32
      %lt3A_581 = arith.constant 0 : i32
      %lt3A_582 = arith.cmpi slt, %rem3A_578, %lt3A_581 : i32
      %lt3A_583 = arith.constant 0 : i32
      %lt3A_584 = arith.cmpi slt, %select_n3A_577, %lt3A_583 : i32
      %ne3A_585 = arith.xori %lt3A_582, %lt3A_584 : i1
      %and3A_586 = arith.andi %ne3A_585, %ne3A_580 : i1
      %add3A_587 = arith.addi %rem3A_578, %select_n3A_577 : i32
      %select_n3A_588 = arith.select %and3A_586, %add3A_587, %rem3A_578 : i32
      %eq3A_589 = vector.broadcast %select_n3A_588 : i32 to vector<16xi32>
      %eq3A_590 = arith.cmpi eq, %iota3A_572, %eq3A_589 : vector<16xi32>
      %jit3A_591 = arith.constant 0 : i32
      %broadcast_in_dim3A_592 = vector.broadcast %jit3A_591 : i32 to vector<16xi32>
      %select_n3A_593 = arith.select %eq3A_590, %get3A_571, %broadcast_in_dim3A_592 : vector<16xi1>, vector<16xi32>
      %reduce_max3A_594 = arith.constant true
      %reduce_max3A_595 = vector.broadcast %reduce_max3A_594 : i1 to vector<16xi1>
      %reduce_max3A_596 = arith.constant -2147483648 : i32
      %reduce_max3A_597 = vector.broadcast %reduce_max3A_596 : i32 to vector<16xi32>
      %reduce_max3A_598 = arith.xori %select_n3A_593, %reduce_max3A_597 : vector<16xi32>
      %reduce_max3A_599 = tpu.scan <max>, %reduce_max3A_598 masked %reduce_max3A_595 : vector<16xi32>, vector<16xi1> -> vector<16xi32>
      %reduce_max3A_600 = arith.xori %reduce_max3A_599, %reduce_max3A_597 : vector<16xi32>
      %reduce_max3A_601 = vector.extract %reduce_max3A_600[15] : i32 from vector<16xi32>
      %while3A_602 = arith.constant 0 : i32
      %while3A_603 = arith.subi %reduce_max3A_601, %reduce_max3A_542 : i32
      %while3A_604 = arith.addi %reduce_max3A_542, %while3A_603 : i32
      %while3A_605 = arith.constant 1 : i32
      %while3A_606 = arith.divsi %while3A_603, %while3A_605 : i32
      %while3A_607 = arith.muli %while3A_606, %while3A_605 : i32
      %while3A_608 = arith.addi %reduce_max3A_542, %while3A_607 : i32
      %while3A_609 = arith.constant 1 : i32
      scf.for %while3A_1033 = %reduce_max3A_542 to %while3A_608 step %while3A_609  : i32 {
        %jit3A_1034 = arith.constant 16 : i32
        %div3A_1035 = arith.divsi %while3A_1033, %jit3A_1034 : i32
        %sign3A_1036 = arith.constant 0 : i32
        %sign3A_1037 = arith.cmpi sgt, %while3A_1033, %sign3A_1036 : i32
        %sign3A_1038 = arith.extui %sign3A_1037 : i1 to i32
        %sign3A_1039 = arith.constant 0 : i32
        %sign3A_1040 = arith.cmpi slt, %while3A_1033, %sign3A_1039 : i32
        %sign3A_1041 = arith.extui %sign3A_1040 : i1 to i32
        %sign3A_1042 = arith.subi %sign3A_1038, %sign3A_1041 : i32
        %sign3A_1043 = arith.constant 0 : i32
        %sign3A_1044 = arith.cmpi sgt, %jit3A_1034, %sign3A_1043 : i32
        %sign3A_1045 = arith.extui %sign3A_1044 : i1 to i32
        %sign3A_1046 = arith.constant 0 : i32
        %sign3A_1047 = arith.cmpi slt, %jit3A_1034, %sign3A_1046 : i32
        %sign3A_1048 = arith.extui %sign3A_1047 : i1 to i32
        %sign3A_1049 = arith.subi %sign3A_1045, %sign3A_1048 : i32
        %ne3A_1050 = arith.cmpi ne, %sign3A_1042, %sign3A_1049 : i32
        %rem3A_1051 = arith.remsi %while3A_1033, %jit3A_1034 : i32
        %ne3A_1052 = arith.constant 0 : i32
        %ne3A_1053 = arith.cmpi ne, %rem3A_1051, %ne3A_1052 : i32
        %and3A_1054 = arith.andi %ne3A_1050, %ne3A_1053 : i1
        %sub3A_1055 = arith.constant 1 : i32
        %sub3A_1056 = arith.subi %div3A_1035, %sub3A_1055 : i32
        %select_n3A_1057 = arith.select %and3A_1054, %sub3A_1056, %div3A_1035 : i32
        %get3A_1058 = arith.index_cast %select_n3A_1057 : i32 to index
        %get3A_1059 = arith.constant 0 : index
        %get3A_1060 = tpu.vector_load %arg10[%get3A_1058, %get3A_1059] {strides = array<i32>} : memref<13x16xi32, #tpu.memory_space<vmem>>, vector<16xi32>,
        %iota3A_1061 = tpu.iota {dimensions = array<i32: 0>} : vector<16xi32>
        %jit3A_1062 = arith.constant 16 : i32
        %eq3A_1063 = arith.constant 0 : i32
        %eq3A_1064 = arith.cmpi eq, %jit3A_1062, %eq3A_1063 : i32
        %jit3A_1065 = arith.constant 1 : i32
        %select_n3A_1066 = arith.select %eq3A_1064, %jit3A_1065, %jit3A_1062 : i32
        %rem3A_1067 = arith.remsi %while3A_1033, %select_n3A_1066 : i32
        %ne3A_1068 = arith.constant 0 : i32
        %ne3A_1069 = arith.cmpi ne, %rem3A_1067, %ne3A_1068 : i32
        %lt3A_1070 = arith.constant 0 : i32
        %lt3A_1071 = arith.cmpi slt, %rem3A_1067, %lt3A_1070 : i32
        %lt3A_1072 = arith.constant 0 : i32
        %lt3A_1073 = arith.cmpi slt, %select_n3A_1066, %lt3A_1072 : i32
        %ne3A_1074 = arith.xori %lt3A_1071, %lt3A_1073 : i1
        %and3A_1075 = arith.andi %ne3A_1074, %ne3A_1069 : i1
        %add3A_1076 = arith.addi %rem3A_1067, %select_n3A_1066 : i32
        %select_n3A_1077 = arith.select %and3A_1075, %add3A_1076, %rem3A_1067 : i32
        %eq3A_1078 = vector.broadcast %select_n3A_1077 : i32 to vector<16xi32>
        %eq3A_1079 = arith.cmpi eq, %iota3A_1061, %eq3A_1078 : vector<16xi32>
        %jit3A_1080 = arith.constant 0 : i32
        %broadcast_in_dim3A_1081 = vector.broadcast %jit3A_1080 : i32 to vector<16xi32>
        %select_n3A_1082 = arith.select %eq3A_1079, %get3A_1060, %broadcast_in_dim3A_1081 : vector<16xi1>, vector<16xi32>
        %reduce_max3A_1083 = arith.constant true
        %reduce_max3A_1084 = vector.broadcast %reduce_max3A_1083 : i1 to vector<16xi1>
        %reduce_max3A_1085 = arith.constant -2147483648 : i32
        %reduce_max3A_1086 = vector.broadcast %reduce_max3A_1085 : i32 to vector<16xi32>
        %reduce_max3A_1087 = arith.xori %select_n3A_1082, %reduce_max3A_1086 : vector<16xi32>
        %reduce_max3A_1088 = tpu.scan <max>, %reduce_max3A_1087 masked %reduce_max3A_1084 : vector<16xi32>, vector<16xi1> -> vector<16xi32>
        %reduce_max3A_1089 = arith.xori %reduce_max3A_1088, %reduce_max3A_1086 : vector<16xi32>
        %reduce_max3A_1090 = vector.extract %reduce_max3A_1089[15] : i32 from vector<16xi32>
        %add3A_1091 = arith.addi %mul3A_2, %reduce_max3A_1090 : i32
        %jit3A_1092 = arith.constant 64 : i32
        %div3A_1093 = arith.divsi %add3A_1091, %jit3A_1092 : i32
        %sign3A_1094 = arith.constant 0 : i32
        %sign3A_1095 = arith.cmpi sgt, %add3A_1091, %sign3A_1094 : i32
        %sign3A_1096 = arith.extui %sign3A_1095 : i1 to i32
        %sign3A_1097 = arith.constant 0 : i32
        %sign3A_1098 = arith.cmpi slt, %add3A_1091, %sign3A_1097 : i32
        %sign3A_1099 = arith.extui %sign3A_1098 : i1 to i32
        %sign3A_1100 = arith.subi %sign3A_1096, %sign3A_1099 : i32
        %sign3A_1101 = arith.constant 0 : i32
        %sign3A_1102 = arith.cmpi sgt, %jit3A_1092, %sign3A_1101 : i32
        %sign3A_1103 = arith.extui %sign3A_1102 : i1 to i32
        %sign3A_1104 = arith.constant 0 : i32
        %sign3A_1105 = arith.cmpi slt, %jit3A_1092, %sign3A_1104 : i32
        %sign3A_1106 = arith.extui %sign3A_1105 : i1 to i32
        %sign3A_1107 = arith.subi %sign3A_1103, %sign3A_1106 : i32
        %ne3A_1108 = arith.cmpi ne, %sign3A_1100, %sign3A_1107 : i32
        %rem3A_1109 = arith.remsi %add3A_1091, %jit3A_1092 : i32
        %ne3A_1110 = arith.constant 0 : i32
        %ne3A_1111 = arith.cmpi ne, %rem3A_1109, %ne3A_1110 : i32
        %and3A_1112 = arith.andi %ne3A_1108, %ne3A_1111 : i1
        %sub3A_1113 = arith.constant 1 : i32
        %sub3A_1114 = arith.subi %div3A_1093, %sub3A_1113 : i32
        %select_n3A_1115 = arith.select %and3A_1112, %sub3A_1114, %div3A_1093 : i32
        %jit3A_1116 = arith.constant 64 : i32
        %eq3A_1117 = arith.constant 0 : i32
        %eq3A_1118 = arith.cmpi eq, %jit3A_1116, %eq3A_1117 : i32
        %jit3A_1119 = arith.constant 1 : i32
        %select_n3A_1120 = arith.select %eq3A_1118, %jit3A_1119, %jit3A_1116 : i32
        %rem3A_1121 = arith.remsi %add3A_1091, %select_n3A_1120 : i32
        %ne3A_1122 = arith.constant 0 : i32
        %ne3A_1123 = arith.cmpi ne, %rem3A_1121, %ne3A_1122 : i32
        %lt3A_1124 = arith.constant 0 : i32
        %lt3A_1125 = arith.cmpi slt, %rem3A_1121, %lt3A_1124 : i32
        %lt3A_1126 = arith.constant 0 : i32
        %lt3A_1127 = arith.cmpi slt, %select_n3A_1120, %lt3A_1126 : i32
        %ne3A_1128 = arith.xori %lt3A_1125, %lt3A_1127 : i1
        %and3A_1129 = arith.andi %ne3A_1128, %ne3A_1123 : i1
        %add3A_1130 = arith.addi %rem3A_1121, %select_n3A_1120 : i32
        %select_n3A_1131 = arith.select %and3A_1129, %add3A_1130, %rem3A_1121 : i32
        %dma_start3A_1132 = arith.constant 0 : i32
        %dma_start3A_1133 = tpu.memref_slice %arg7[%select_n3A_1115, %select_n3A_1131, %dma_start3A_1132] : memref<100x64x27648xf32, #tpu.memory_space<hbm>> -> memref<1x1x27648xf32, #tpu.memory_space<hbm>>
        %dma_start3A_1134 = tpu.memref_squeeze %dma_start3A_1133 : memref<1x1x27648xf32, #tpu.memory_space<hbm>> -> memref<1x27648xf32, #tpu.memory_space<hbm>>
        %dma_start3A_1135 = arith.constant 0 : i32
        %dma_start3A_1136 = tpu.memref_slice %arg7[%select_n3A_1115, %select_n3A_1131, %dma_start3A_1135] : memref<100x64x27648xf32, #tpu.memory_space<hbm>> -> memref<1x1x27648xf32, #tpu.memory_space<hbm>>
        %dma_start3A_1137 = tpu.memref_squeeze %dma_start3A_1136 : memref<1x1x27648xf32, #tpu.memory_space<hbm>> -> memref<1x27648xf32, #tpu.memory_space<hbm>>
        tpu.enqueue_dma source(%arg13 : memref<1x27648xf32, #tpu.memory_space<vmem>>) target(%dma_start3A_1137 : memref<1x27648xf32, #tpu.memory_space<hbm>>) target_semaphore(%arg21 : memref<!tpu.dma_semaphore, #tpu.memory_space<semaphore_mem>>)
      }
      %while3A_610 = arith.constant 1 : i32
      scf.for %while3A_1033 = %while3A_608 to %while3A_604 step %while3A_610  : i32 {
        %jit3A_1034 = arith.constant 16 : i32
        %div3A_1035 = arith.divsi %while3A_1033, %jit3A_1034 : i32
        %sign3A_1036 = arith.constant 0 : i32
        %sign3A_1037 = arith.cmpi sgt, %while3A_1033, %sign3A_1036 : i32
        %sign3A_1038 = arith.extui %sign3A_1037 : i1 to i32
        %sign3A_1039 = arith.constant 0 : i32
        %sign3A_1040 = arith.cmpi slt, %while3A_1033, %sign3A_1039 : i32
        %sign3A_1041 = arith.extui %sign3A_1040 : i1 to i32
        %sign3A_1042 = arith.subi %sign3A_1038, %sign3A_1041 : i32
        %sign3A_1043 = arith.constant 0 : i32
        %sign3A_1044 = arith.cmpi sgt, %jit3A_1034, %sign3A_1043 : i32
        %sign3A_1045 = arith.extui %sign3A_1044 : i1 to i32
        %sign3A_1046 = arith.constant 0 : i32
        %sign3A_1047 = arith.cmpi slt, %jit3A_1034, %sign3A_1046 : i32
        %sign3A_1048 = arith.extui %sign3A_1047 : i1 to i32
        %sign3A_1049 = arith.subi %sign3A_1045, %sign3A_1048 : i32
        %ne3A_1050 = arith.cmpi ne, %sign3A_1042, %sign3A_1049 : i32
        %rem3A_1051 = arith.remsi %while3A_1033, %jit3A_1034 : i32
        %ne3A_1052 = arith.constant 0 : i32
        %ne3A_1053 = arith.cmpi ne, %rem3A_1051, %ne3A_1052 : i32
        %and3A_1054 = arith.andi %ne3A_1050, %ne3A_1053 : i1
        %sub3A_1055 = arith.constant 1 : i32
        %sub3A_1056 = arith.subi %div3A_1035, %sub3A_1055 : i32
        %select_n3A_1057 = arith.select %and3A_1054, %sub3A_1056, %div3A_1035 : i32
        %get3A_1058 = arith.index_cast %select_n3A_1057 : i32 to index
        %get3A_1059 = arith.constant 0 : index
        %get3A_1060 = tpu.vector_load %arg10[%get3A_1058, %get3A_1059] {strides = array<i32>} : memref<13x16xi32, #tpu.memory_space<vmem>>, vector<16xi32>,
        %iota3A_1061 = tpu.iota {dimensions = array<i32: 0>} : vector<16xi32>
        %jit3A_1062 = arith.constant 16 : i32
        %eq3A_1063 = arith.constant 0 : i32
        %eq3A_1064 = arith.cmpi eq, %jit3A_1062, %eq3A_1063 : i32
        %jit3A_1065 = arith.constant 1 : i32
        %select_n3A_1066 = arith.select %eq3A_1064, %jit3A_1065, %jit3A_1062 : i32
        %rem3A_1067 = arith.remsi %while3A_1033, %select_n3A_1066 : i32
        %ne3A_1068 = arith.constant 0 : i32
        %ne3A_1069 = arith.cmpi ne, %rem3A_1067, %ne3A_1068 : i32
        %lt3A_1070 = arith.constant 0 : i32
        %lt3A_1071 = arith.cmpi slt, %rem3A_1067, %lt3A_1070 : i32
        %lt3A_1072 = arith.constant 0 : i32
        %lt3A_1073 = arith.cmpi slt, %select_n3A_1066, %lt3A_1072 : i32
        %ne3A_1074 = arith.xori %lt3A_1071, %lt3A_1073 : i1
        %and3A_1075 = arith.andi %ne3A_1074, %ne3A_1069 : i1
        %add3A_1076 = arith.addi %rem3A_1067, %select_n3A_1066 : i32
        %select_n3A_1077 = arith.select %and3A_1075, %add3A_1076, %rem3A_1067 : i32
        %eq3A_1078 = vector.broadcast %select_n3A_1077 : i32 to vector<16xi32>
        %eq3A_1079 = arith.cmpi eq, %iota3A_1061, %eq3A_1078 : vector<16xi32>
        %jit3A_1080 = arith.constant 0 : i32
        %broadcast_in_dim3A_1081 = vector.broadcast %jit3A_1080 : i32 to vector<16xi32>
        %select_n3A_1082 = arith.select %eq3A_1079, %get3A_1060, %broadcast_in_dim3A_1081 : vector<16xi1>, vector<16xi32>
        %reduce_max3A_1083 = arith.constant true
        %reduce_max3A_1084 = vector.broadcast %reduce_max3A_1083 : i1 to vector<16xi1>
        %reduce_max3A_1085 = arith.constant -2147483648 : i32
        %reduce_max3A_1086 = vector.broadcast %reduce_max3A_1085 : i32 to vector<16xi32>
        %reduce_max3A_1087 = arith.xori %select_n3A_1082, %reduce_max3A_1086 : vector<16xi32>
        %reduce_max3A_1088 = tpu.scan <max>, %reduce_max3A_1087 masked %reduce_max3A_1084 : vector<16xi32>, vector<16xi1> -> vector<16xi32>
        %reduce_max3A_1089 = arith.xori %reduce_max3A_1088, %reduce_max3A_1086 : vector<16xi32>
        %reduce_max3A_1090 = vector.extract %reduce_max3A_1089[15] : i32 from vector<16xi32>
        %add3A_1091 = arith.addi %mul3A_2, %reduce_max3A_1090 : i32
        %jit3A_1092 = arith.constant 64 : i32
        %div3A_1093 = arith.divsi %add3A_1091, %jit3A_1092 : i32
        %sign3A_1094 = arith.constant 0 : i32
        %sign3A_1095 = arith.cmpi sgt, %add3A_1091, %sign3A_1094 : i32
        %sign3A_1096 = arith.extui %sign3A_1095 : i1 to i32
        %sign3A_1097 = arith.constant 0 : i32
        %sign3A_1098 = arith.cmpi slt, %add3A_1091, %sign3A_1097 : i32
        %sign3A_1099 = arith.extui %sign3A_1098 : i1 to i32
        %sign3A_1100 = arith.subi %sign3A_1096, %sign3A_1099 : i32
        %sign3A_1101 = arith.constant 0 : i32
        %sign3A_1102 = arith.cmpi sgt, %jit3A_1092, %sign3A_1101 : i32
        %sign3A_1103 = arith.extui %sign3A_1102 : i1 to i32
        %sign3A_1104 = arith.constant 0 : i32
        %sign3A_1105 = arith.cmpi slt, %jit3A_1092, %sign3A_1104 : i32
        %sign3A_1106 = arith.extui %sign3A_1105 : i1 to i32
        %sign3A_1107 = arith.subi %sign3A_1103, %sign3A_1106 : i32
        %ne3A_1108 = arith.cmpi ne, %sign3A_1100, %sign3A_1107 : i32
        %rem3A_1109 = arith.remsi %add3A_1091, %jit3A_1092 : i32
        %ne3A_1110 = arith.constant 0 : i32
        %ne3A_1111 = arith.cmpi ne, %rem3A_1109, %ne3A_1110 : i32
        %and3A_1112 = arith.andi %ne3A_1108, %ne3A_1111 : i1
        %sub3A_1113 = arith.constant 1 : i32
        %sub3A_1114 = arith.subi %div3A_1093, %sub3A_1113 : i32
        %select_n3A_1115 = arith.select %and3A_1112, %sub3A_1114, %div3A_1093 : i32
        %jit3A_1116 = arith.constant 64 : i32
        %eq3A_1117 = arith.constant 0 : i32
        %eq3A_1118 = arith.cmpi eq, %jit3A_1116, %eq3A_1117 : i32
        %jit3A_1119 = arith.constant 1 : i32
        %select_n3A_1120 = arith.select %eq3A_1118, %jit3A_1119, %jit3A_1116 : i32
        %rem3A_1121 = arith.remsi %add3A_1091, %select_n3A_1120 : i32
        %ne3A_1122 = arith.constant 0 : i32
        %ne3A_1123 = arith.cmpi ne, %rem3A_1121, %ne3A_1122 : i32
        %lt3A_1124 = arith.constant 0 : i32
        %lt3A_1125 = arith.cmpi slt, %rem3A_1121, %lt3A_1124 : i32
        %lt3A_1126 = arith.constant 0 : i32
        %lt3A_1127 = arith.cmpi slt, %select_n3A_1120, %lt3A_1126 : i32
        %ne3A_1128 = arith.xori %lt3A_1125, %lt3A_1127 : i1
        %and3A_1129 = arith.andi %ne3A_1128, %ne3A_1123 : i1
        %add3A_1130 = arith.addi %rem3A_1121, %select_n3A_1120 : i32
        %select_n3A_1131 = arith.select %and3A_1129, %add3A_1130, %rem3A_1121 : i32
        %dma_start3A_1132 = arith.constant 0 : i32
        %dma_start3A_1133 = tpu.memref_slice %arg7[%select_n3A_1115, %select_n3A_1131, %dma_start3A_1132] : memref<100x64x27648xf32, #tpu.memory_space<hbm>> -> memref<1x1x27648xf32, #tpu.memory_space<hbm>>
        %dma_start3A_1134 = tpu.memref_squeeze %dma_start3A_1133 : memref<1x1x27648xf32, #tpu.memory_space<hbm>> -> memref<1x27648xf32, #tpu.memory_space<hbm>>
        %dma_start3A_1135 = arith.constant 0 : i32
        %dma_start3A_1136 = tpu.memref_slice %arg7[%select_n3A_1115, %select_n3A_1131, %dma_start3A_1135] : memref<100x64x27648xf32, #tpu.memory_space<hbm>> -> memref<1x1x27648xf32, #tpu.memory_space<hbm>>
        %dma_start3A_1137 = tpu.memref_squeeze %dma_start3A_1136 : memref<1x1x27648xf32, #tpu.memory_space<hbm>> -> memref<1x27648xf32, #tpu.memory_space<hbm>>
        tpu.enqueue_dma source(%arg13 : memref<1x27648xf32, #tpu.memory_space<vmem>>) target(%dma_start3A_1137 : memref<1x27648xf32, #tpu.memory_space<hbm>>) target_semaphore(%arg21 : memref<!tpu.dma_semaphore, #tpu.memory_space<semaphore_mem>>)
      }
      %sub3A_611 = arith.subi %reduce_max3A_601, %reduce_max3A_542 : i32
      %add3A_612 = arith.constant 2 : i32
      %add3A_613 = arith.addi %add3A_194, %add3A_612 : i32
      %while3A_614 = arith.constant 0 : i32
      %while3A_615 = arith.constant 0 : i32
      %while3A_616 = arith.subi %sub3A_611, %while3A_615 : i32
      %while3A_617 = arith.addi %while3A_615, %while3A_616 : i32
      %while3A_618 = arith.constant 1 : i32
      %while3A_619 = arith.divsi %while3A_616, %while3A_618 : i32
      %while3A_620 = arith.muli %while3A_619, %while3A_618 : i32
      %while3A_621 = arith.addi %while3A_615, %while3A_620 : i32
      %while3A_622 = arith.constant 1 : i32
      scf.for %while3A_1033 = %while3A_615 to %while3A_621 step %while3A_622  : i32 {
        %dma_wait3A_1034 = arith.constant 0 : i32
        %dma_wait3A_1035 = arith.constant 0 : i32
        %dma_wait3A_1036 = tpu.memref_slice %arg2[%dma_wait3A_1034, %dma_wait3A_1035] : memref<100x27648xf32, #tpu.memory_space<hbm>> -> memref<1x27648xf32, #tpu.memory_space<hbm>>
        %dma_wait3A_1037 = arith.constant 0 : i32
        %dma_wait3A_1038 = arith.constant 0 : i32
        %dma_wait3A_1039 = tpu.memref_slice %arg2[%dma_wait3A_1037, %dma_wait3A_1038] : memref<100x27648xf32, #tpu.memory_space<hbm>> -> memref<1x27648xf32, #tpu.memory_space<hbm>>
        tpu.wait_dma2 semaphore(%arg21 : memref<!tpu.dma_semaphore, #tpu.memory_space<semaphore_mem>>) src(%dma_wait3A_1039 : memref<1x27648xf32, #tpu.memory_space<hbm>>) dst(%arg13 : memref<1x27648xf32, #tpu.memory_space<vmem>>)
      }
      %while3A_623 = arith.constant 1 : i32
      scf.for %while3A_1033 = %while3A_621 to %while3A_617 step %while3A_623  : i32 {
        %dma_wait3A_1034 = arith.constant 0 : i32
        %dma_wait3A_1035 = arith.constant 0 : i32
        %dma_wait3A_1036 = tpu.memref_slice %arg2[%dma_wait3A_1034, %dma_wait3A_1035] : memref<100x27648xf32, #tpu.memory_space<hbm>> -> memref<1x27648xf32, #tpu.memory_space<hbm>>
        %dma_wait3A_1037 = arith.constant 0 : i32
        %dma_wait3A_1038 = arith.constant 0 : i32
        %dma_wait3A_1039 = tpu.memref_slice %arg2[%dma_wait3A_1037, %dma_wait3A_1038] : memref<100x27648xf32, #tpu.memory_space<hbm>> -> memref<1x27648xf32, #tpu.memory_space<hbm>>
        tpu.wait_dma2 semaphore(%arg21 : memref<!tpu.dma_semaphore, #tpu.memory_space<semaphore_mem>>) src(%dma_wait3A_1039 : memref<1x27648xf32, #tpu.memory_space<hbm>>) dst(%arg13 : memref<1x27648xf32, #tpu.memory_space<vmem>>)
      }
      %add3A_624 = arith.constant 4 : i32
      %add3A_625 = arith.addi %add3A_613, %add3A_624 : i32
      %sub3A_626 = arith.constant 1 : i32
      %sub3A_627 = arith.subi %add3A_625, %sub3A_626 : i32
      %jit3A_628 = arith.constant 16 : i32
      %div3A_629 = arith.divsi %sub3A_627, %jit3A_628 : i32
      %sign3A_630 = arith.constant 0 : i32
      %sign3A_631 = arith.cmpi sgt, %sub3A_627, %sign3A_630 : i32
      %sign3A_632 = arith.extui %sign3A_631 : i1 to i32
      %sign3A_633 = arith.constant 0 : i32
      %sign3A_634 = arith.cmpi slt, %sub3A_627, %sign3A_633 : i32
      %sign3A_635 = arith.extui %sign3A_634 : i1 to i32
      %sign3A_636 = arith.subi %sign3A_632, %sign3A_635 : i32
      %sign3A_637 = arith.constant 0 : i32
      %sign3A_638 = arith.cmpi sgt, %jit3A_628, %sign3A_637 : i32
      %sign3A_639 = arith.extui %sign3A_638 : i1 to i32
      %sign3A_640 = arith.constant 0 : i32
      %sign3A_641 = arith.cmpi slt, %jit3A_628, %sign3A_640 : i32
      %sign3A_642 = arith.extui %sign3A_641 : i1 to i32
      %sign3A_643 = arith.subi %sign3A_639, %sign3A_642 : i32
      %ne3A_644 = arith.cmpi ne, %sign3A_636, %sign3A_643 : i32
      %rem3A_645 = arith.remsi %sub3A_627, %jit3A_628 : i32
      %ne3A_646 = arith.constant 0 : i32
      %ne3A_647 = arith.cmpi ne, %rem3A_645, %ne3A_646 : i32
      %and3A_648 = arith.andi %ne3A_644, %ne3A_647 : i1
      %sub3A_649 = arith.constant 1 : i32
      %sub3A_650 = arith.subi %div3A_629, %sub3A_649 : i32
      %select_n3A_651 = arith.select %and3A_648, %sub3A_650, %div3A_629 : i32
      %get3A_652 = arith.index_cast %select_n3A_651 : i32 to index
      %get3A_653 = arith.constant 0 : index
      %get3A_654 = tpu.vector_load %arg8[%get3A_652, %get3A_653] {strides = array<i32>} : memref<14x16xi32, #tpu.memory_space<vmem>>, vector<16xi32>,
      %iota3A_655 = tpu.iota {dimensions = array<i32: 0>} : vector<16xi32>
      %jit3A_656 = arith.constant 16 : i32
      %eq3A_657 = arith.constant 0 : i32
      %eq3A_658 = arith.cmpi eq, %jit3A_656, %eq3A_657 : i32
      %jit3A_659 = arith.constant 1 : i32
      %select_n3A_660 = arith.select %eq3A_658, %jit3A_659, %jit3A_656 : i32
      %rem3A_661 = arith.remsi %sub3A_627, %select_n3A_660 : i32
      %ne3A_662 = arith.constant 0 : i32
      %ne3A_663 = arith.cmpi ne, %rem3A_661, %ne3A_662 : i32
      %lt3A_664 = arith.constant 0 : i32
      %lt3A_665 = arith.cmpi slt, %rem3A_661, %lt3A_664 : i32
      %lt3A_666 = arith.constant 0 : i32
      %lt3A_667 = arith.cmpi slt, %select_n3A_660, %lt3A_666 : i32
      %ne3A_668 = arith.xori %lt3A_665, %lt3A_667 : i1
      %and3A_669 = arith.andi %ne3A_668, %ne3A_663 : i1
      %add3A_670 = arith.addi %rem3A_661, %select_n3A_660 : i32
      %select_n3A_671 = arith.select %and3A_669, %add3A_670, %rem3A_661 : i32
      %eq3A_672 = vector.broadcast %select_n3A_671 : i32 to vector<16xi32>
      %eq3A_673 = arith.cmpi eq, %iota3A_655, %eq3A_672 : vector<16xi32>
      %jit3A_674 = arith.constant 0 : i32
      %broadcast_in_dim3A_675 = vector.broadcast %jit3A_674 : i32 to vector<16xi32>
      %select_n3A_676 = arith.select %eq3A_673, %get3A_654, %broadcast_in_dim3A_675 : vector<16xi1>, vector<16xi32>
      %reduce_max3A_677 = arith.constant true
      %reduce_max3A_678 = vector.broadcast %reduce_max3A_677 : i1 to vector<16xi1>
      %reduce_max3A_679 = arith.constant -2147483648 : i32
      %reduce_max3A_680 = vector.broadcast %reduce_max3A_679 : i32 to vector<16xi32>
      %reduce_max3A_681 = arith.xori %select_n3A_676, %reduce_max3A_680 : vector<16xi32>
      %reduce_max3A_682 = tpu.scan <max>, %reduce_max3A_681 masked %reduce_max3A_678 : vector<16xi32>, vector<16xi1> -> vector<16xi32>
      %reduce_max3A_683 = arith.xori %reduce_max3A_682, %reduce_max3A_680 : vector<16xi32>
      %reduce_max3A_684 = vector.extract %reduce_max3A_683[15] : i32 from vector<16xi32>
      %dma_start3A_685 = arith.constant 0 : i32
      %dma_start3A_686 = tpu.memref_slice %arg2[%reduce_max3A_684, %dma_start3A_685] : memref<100x27648xf32, #tpu.memory_space<hbm>> -> memref<1x27648xf32, #tpu.memory_space<hbm>>
      %dma_start3A_687 = arith.constant 0 : i32
      %dma_start3A_688 = tpu.memref_slice %arg2[%reduce_max3A_684, %dma_start3A_687] : memref<100x27648xf32, #tpu.memory_space<hbm>> -> memref<1x27648xf32, #tpu.memory_space<hbm>>
      tpu.enqueue_dma source(%dma_start3A_688 : memref<1x27648xf32, #tpu.memory_space<hbm>>) target(%arg13 : memref<1x27648xf32, #tpu.memory_space<vmem>>) target_semaphore(%arg17 : memref<!tpu.dma_semaphore, #tpu.memory_space<semaphore_mem>>)
      %dma_wait3A_689 = arith.constant 0 : i32
      %dma_wait3A_690 = arith.constant 0 : i32
      %dma_wait3A_691 = tpu.memref_slice %arg2[%dma_wait3A_689, %dma_wait3A_690] : memref<100x27648xf32, #tpu.memory_space<hbm>> -> memref<1x27648xf32, #tpu.memory_space<hbm>>
      %dma_wait3A_692 = arith.constant 0 : i32
      %dma_wait3A_693 = arith.constant 0 : i32
      %dma_wait3A_694 = tpu.memref_slice %arg2[%dma_wait3A_692, %dma_wait3A_693] : memref<100x27648xf32, #tpu.memory_space<hbm>> -> memref<1x27648xf32, #tpu.memory_space<hbm>>
      tpu.wait_dma2 semaphore(%arg18 : memref<!tpu.dma_semaphore, #tpu.memory_space<semaphore_mem>>) src(%dma_wait3A_694 : memref<1x27648xf32, #tpu.memory_space<hbm>>) dst(%arg14 : memref<1x27648xf32, #tpu.memory_space<vmem>>)
      %jit3A_695 = arith.constant 16 : i32
      %div3A_696 = arith.divsi %add3A_613, %jit3A_695 : i32
      %sign3A_697 = arith.constant 0 : i32
      %sign3A_698 = arith.cmpi sgt, %add3A_613, %sign3A_697 : i32
      %sign3A_699 = arith.extui %sign3A_698 : i1 to i32
      %sign3A_700 = arith.constant 0 : i32
      %sign3A_701 = arith.cmpi slt, %add3A_613, %sign3A_700 : i32
      %sign3A_702 = arith.extui %sign3A_701 : i1 to i32
      %sign3A_703 = arith.subi %sign3A_699, %sign3A_702 : i32
      %sign3A_704 = arith.constant 0 : i32
      %sign3A_705 = arith.cmpi sgt, %jit3A_695, %sign3A_704 : i32
      %sign3A_706 = arith.extui %sign3A_705 : i1 to i32
      %sign3A_707 = arith.constant 0 : i32
      %sign3A_708 = arith.cmpi slt, %jit3A_695, %sign3A_707 : i32
      %sign3A_709 = arith.extui %sign3A_708 : i1 to i32
      %sign3A_710 = arith.subi %sign3A_706, %sign3A_709 : i32
      %ne3A_711 = arith.cmpi ne, %sign3A_703, %sign3A_710 : i32
      %rem3A_712 = arith.remsi %add3A_613, %jit3A_695 : i32
      %ne3A_713 = arith.constant 0 : i32
      %ne3A_714 = arith.cmpi ne, %rem3A_712, %ne3A_713 : i32
      %and3A_715 = arith.andi %ne3A_711, %ne3A_714 : i1
      %sub3A_716 = arith.constant 1 : i32
      %sub3A_717 = arith.subi %div3A_696, %sub3A_716 : i32
      %select_n3A_718 = arith.select %and3A_715, %sub3A_717, %div3A_696 : i32
      %get3A_719 = arith.index_cast %select_n3A_718 : i32 to index
      %get3A_720 = arith.constant 0 : index
      %get3A_721 = tpu.vector_load %arg9[%get3A_719, %get3A_720] {strides = array<i32>} : memref<14x16xi32, #tpu.memory_space<vmem>>, vector<16xi32>,
      %iota3A_722 = tpu.iota {dimensions = array<i32: 0>} : vector<16xi32>
      %jit3A_723 = arith.constant 16 : i32
      %eq3A_724 = arith.constant 0 : i32
      %eq3A_725 = arith.cmpi eq, %jit3A_723, %eq3A_724 : i32
      %jit3A_726 = arith.constant 1 : i32
      %select_n3A_727 = arith.select %eq3A_725, %jit3A_726, %jit3A_723 : i32
      %rem3A_728 = arith.remsi %add3A_613, %select_n3A_727 : i32
      %ne3A_729 = arith.constant 0 : i32
      %ne3A_730 = arith.cmpi ne, %rem3A_728, %ne3A_729 : i32
      %lt3A_731 = arith.constant 0 : i32
      %lt3A_732 = arith.cmpi slt, %rem3A_728, %lt3A_731 : i32
      %lt3A_733 = arith.constant 0 : i32
      %lt3A_734 = arith.cmpi slt, %select_n3A_727, %lt3A_733 : i32
      %ne3A_735 = arith.xori %lt3A_732, %lt3A_734 : i1
      %and3A_736 = arith.andi %ne3A_735, %ne3A_730 : i1
      %add3A_737 = arith.addi %rem3A_728, %select_n3A_727 : i32
      %select_n3A_738 = arith.select %and3A_736, %add3A_737, %rem3A_728 : i32
      %eq3A_739 = vector.broadcast %select_n3A_738 : i32 to vector<16xi32>
      %eq3A_740 = arith.cmpi eq, %iota3A_722, %eq3A_739 : vector<16xi32>
      %jit3A_741 = arith.constant 0 : i32
      %broadcast_in_dim3A_742 = vector.broadcast %jit3A_741 : i32 to vector<16xi32>
      %select_n3A_743 = arith.select %eq3A_740, %get3A_721, %broadcast_in_dim3A_742 : vector<16xi1>, vector<16xi32>
      %reduce_max3A_744 = arith.constant true
      %reduce_max3A_745 = vector.broadcast %reduce_max3A_744 : i1 to vector<16xi1>
      %reduce_max3A_746 = arith.constant -2147483648 : i32
      %reduce_max3A_747 = vector.broadcast %reduce_max3A_746 : i32 to vector<16xi32>
      %reduce_max3A_748 = arith.xori %select_n3A_743, %reduce_max3A_747 : vector<16xi32>
      %reduce_max3A_749 = tpu.scan <max>, %reduce_max3A_748 masked %reduce_max3A_745 : vector<16xi32>, vector<16xi1> -> vector<16xi32>
      %reduce_max3A_750 = arith.xori %reduce_max3A_749, %reduce_max3A_747 : vector<16xi32>
      %reduce_max3A_751 = vector.extract %reduce_max3A_750[15] : i32 from vector<16xi32>
      %add3A_752 = arith.constant 1 : i32
      %add3A_753 = arith.addi %add3A_613, %add3A_752 : i32
      %jit3A_754 = arith.constant 16 : i32
      %div3A_755 = arith.divsi %add3A_753, %jit3A_754 : i32
      %sign3A_756 = arith.constant 0 : i32
      %sign3A_757 = arith.cmpi sgt, %add3A_753, %sign3A_756 : i32
      %sign3A_758 = arith.extui %sign3A_757 : i1 to i32
      %sign3A_759 = arith.constant 0 : i32
      %sign3A_760 = arith.cmpi slt, %add3A_753, %sign3A_759 : i32
      %sign3A_761 = arith.extui %sign3A_760 : i1 to i32
      %sign3A_762 = arith.subi %sign3A_758, %sign3A_761 : i32
      %sign3A_763 = arith.constant 0 : i32
      %sign3A_764 = arith.cmpi sgt, %jit3A_754, %sign3A_763 : i32
      %sign3A_765 = arith.extui %sign3A_764 : i1 to i32
      %sign3A_766 = arith.constant 0 : i32
      %sign3A_767 = arith.cmpi slt, %jit3A_754, %sign3A_766 : i32
      %sign3A_768 = arith.extui %sign3A_767 : i1 to i32
      %sign3A_769 = arith.subi %sign3A_765, %sign3A_768 : i32
      %ne3A_770 = arith.cmpi ne, %sign3A_762, %sign3A_769 : i32
      %rem3A_771 = arith.remsi %add3A_753, %jit3A_754 : i32
      %ne3A_772 = arith.constant 0 : i32
      %ne3A_773 = arith.cmpi ne, %rem3A_771, %ne3A_772 : i32
      %and3A_774 = arith.andi %ne3A_770, %ne3A_773 : i1
      %sub3A_775 = arith.constant 1 : i32
      %sub3A_776 = arith.subi %div3A_755, %sub3A_775 : i32
      %select_n3A_777 = arith.select %and3A_774, %sub3A_776, %div3A_755 : i32
      %get3A_778 = arith.index_cast %select_n3A_777 : i32 to index
      %get3A_779 = arith.constant 0 : index
      %get3A_780 = tpu.vector_load %arg9[%get3A_778, %get3A_779] {strides = array<i32>} : memref<14x16xi32, #tpu.memory_space<vmem>>, vector<16xi32>,
      %iota3A_781 = tpu.iota {dimensions = array<i32: 0>} : vector<16xi32>
      %jit3A_782 = arith.constant 16 : i32
      %eq3A_783 = arith.constant 0 : i32
      %eq3A_784 = arith.cmpi eq, %jit3A_782, %eq3A_783 : i32
      %jit3A_785 = arith.constant 1 : i32
      %select_n3A_786 = arith.select %eq3A_784, %jit3A_785, %jit3A_782 : i32
      %rem3A_787 = arith.remsi %add3A_753, %select_n3A_786 : i32
      %ne3A_788 = arith.constant 0 : i32
      %ne3A_789 = arith.cmpi ne, %rem3A_787, %ne3A_788 : i32
      %lt3A_790 = arith.constant 0 : i32
      %lt3A_791 = arith.cmpi slt, %rem3A_787, %lt3A_790 : i32
      %lt3A_792 = arith.constant 0 : i32
      %lt3A_793 = arith.cmpi slt, %select_n3A_786, %lt3A_792 : i32
      %ne3A_794 = arith.xori %lt3A_791, %lt3A_793 : i1
      %and3A_795 = arith.andi %ne3A_794, %ne3A_789 : i1
      %add3A_796 = arith.addi %rem3A_787, %select_n3A_786 : i32
      %select_n3A_797 = arith.select %and3A_795, %add3A_796, %rem3A_787 : i32
      %eq3A_798 = vector.broadcast %select_n3A_797 : i32 to vector<16xi32>
      %eq3A_799 = arith.cmpi eq, %iota3A_781, %eq3A_798 : vector<16xi32>
      %jit3A_800 = arith.constant 0 : i32
      %broadcast_in_dim3A_801 = vector.broadcast %jit3A_800 : i32 to vector<16xi32>
      %select_n3A_802 = arith.select %eq3A_799, %get3A_780, %broadcast_in_dim3A_801 : vector<16xi1>, vector<16xi32>
      %reduce_max3A_803 = arith.constant true
      %reduce_max3A_804 = vector.broadcast %reduce_max3A_803 : i1 to vector<16xi1>
      %reduce_max3A_805 = arith.constant -2147483648 : i32
      %reduce_max3A_806 = vector.broadcast %reduce_max3A_805 : i32 to vector<16xi32>
      %reduce_max3A_807 = arith.xori %select_n3A_802, %reduce_max3A_806 : vector<16xi32>
      %reduce_max3A_808 = tpu.scan <max>, %reduce_max3A_807 masked %reduce_max3A_804 : vector<16xi32>, vector<16xi1> -> vector<16xi32>
      %reduce_max3A_809 = arith.xori %reduce_max3A_808, %reduce_max3A_806 : vector<16xi32>
      %reduce_max3A_810 = vector.extract %reduce_max3A_809[15] : i32 from vector<16xi32>
      %while3A_811 = arith.constant 0 : i32
      %while3A_812 = arith.subi %reduce_max3A_810, %reduce_max3A_751 : i32
      %while3A_813 = arith.addi %reduce_max3A_751, %while3A_812 : i32
      %while3A_814 = arith.constant 1 : i32
      %while3A_815 = arith.divsi %while3A_812, %while3A_814 : i32
      %while3A_816 = arith.muli %while3A_815, %while3A_814 : i32
      %while3A_817 = arith.addi %reduce_max3A_751, %while3A_816 : i32
      %while3A_818 = arith.constant 1 : i32
      scf.for %while3A_1033 = %reduce_max3A_751 to %while3A_817 step %while3A_818  : i32 {
        %jit3A_1034 = arith.constant 16 : i32
        %div3A_1035 = arith.divsi %while3A_1033, %jit3A_1034 : i32
        %sign3A_1036 = arith.constant 0 : i32
        %sign3A_1037 = arith.cmpi sgt, %while3A_1033, %sign3A_1036 : i32
        %sign3A_1038 = arith.extui %sign3A_1037 : i1 to i32
        %sign3A_1039 = arith.constant 0 : i32
        %sign3A_1040 = arith.cmpi slt, %while3A_1033, %sign3A_1039 : i32
        %sign3A_1041 = arith.extui %sign3A_1040 : i1 to i32
        %sign3A_1042 = arith.subi %sign3A_1038, %sign3A_1041 : i32
        %sign3A_1043 = arith.constant 0 : i32
        %sign3A_1044 = arith.cmpi sgt, %jit3A_1034, %sign3A_1043 : i32
        %sign3A_1045 = arith.extui %sign3A_1044 : i1 to i32
        %sign3A_1046 = arith.constant 0 : i32
        %sign3A_1047 = arith.cmpi slt, %jit3A_1034, %sign3A_1046 : i32
        %sign3A_1048 = arith.extui %sign3A_1047 : i1 to i32
        %sign3A_1049 = arith.subi %sign3A_1045, %sign3A_1048 : i32
        %ne3A_1050 = arith.cmpi ne, %sign3A_1042, %sign3A_1049 : i32
        %rem3A_1051 = arith.remsi %while3A_1033, %jit3A_1034 : i32
        %ne3A_1052 = arith.constant 0 : i32
        %ne3A_1053 = arith.cmpi ne, %rem3A_1051, %ne3A_1052 : i32
        %and3A_1054 = arith.andi %ne3A_1050, %ne3A_1053 : i1
        %sub3A_1055 = arith.constant 1 : i32
        %sub3A_1056 = arith.subi %div3A_1035, %sub3A_1055 : i32
        %select_n3A_1057 = arith.select %and3A_1054, %sub3A_1056, %div3A_1035 : i32
        %get3A_1058 = arith.index_cast %select_n3A_1057 : i32 to index
        %get3A_1059 = arith.constant 0 : index
        %get3A_1060 = tpu.vector_load %arg10[%get3A_1058, %get3A_1059] {strides = array<i32>} : memref<13x16xi32, #tpu.memory_space<vmem>>, vector<16xi32>,
        %iota3A_1061 = tpu.iota {dimensions = array<i32: 0>} : vector<16xi32>
        %jit3A_1062 = arith.constant 16 : i32
        %eq3A_1063 = arith.constant 0 : i32
        %eq3A_1064 = arith.cmpi eq, %jit3A_1062, %eq3A_1063 : i32
        %jit3A_1065 = arith.constant 1 : i32
        %select_n3A_1066 = arith.select %eq3A_1064, %jit3A_1065, %jit3A_1062 : i32
        %rem3A_1067 = arith.remsi %while3A_1033, %select_n3A_1066 : i32
        %ne3A_1068 = arith.constant 0 : i32
        %ne3A_1069 = arith.cmpi ne, %rem3A_1067, %ne3A_1068 : i32
        %lt3A_1070 = arith.constant 0 : i32
        %lt3A_1071 = arith.cmpi slt, %rem3A_1067, %lt3A_1070 : i32
        %lt3A_1072 = arith.constant 0 : i32
        %lt3A_1073 = arith.cmpi slt, %select_n3A_1066, %lt3A_1072 : i32
        %ne3A_1074 = arith.xori %lt3A_1071, %lt3A_1073 : i1
        %and3A_1075 = arith.andi %ne3A_1074, %ne3A_1069 : i1
        %add3A_1076 = arith.addi %rem3A_1067, %select_n3A_1066 : i32
        %select_n3A_1077 = arith.select %and3A_1075, %add3A_1076, %rem3A_1067 : i32
        %eq3A_1078 = vector.broadcast %select_n3A_1077 : i32 to vector<16xi32>
        %eq3A_1079 = arith.cmpi eq, %iota3A_1061, %eq3A_1078 : vector<16xi32>
        %jit3A_1080 = arith.constant 0 : i32
        %broadcast_in_dim3A_1081 = vector.broadcast %jit3A_1080 : i32 to vector<16xi32>
        %select_n3A_1082 = arith.select %eq3A_1079, %get3A_1060, %broadcast_in_dim3A_1081 : vector<16xi1>, vector<16xi32>
        %reduce_max3A_1083 = arith.constant true
        %reduce_max3A_1084 = vector.broadcast %reduce_max3A_1083 : i1 to vector<16xi1>
        %reduce_max3A_1085 = arith.constant -2147483648 : i32
        %reduce_max3A_1086 = vector.broadcast %reduce_max3A_1085 : i32 to vector<16xi32>
        %reduce_max3A_1087 = arith.xori %select_n3A_1082, %reduce_max3A_1086 : vector<16xi32>
        %reduce_max3A_1088 = tpu.scan <max>, %reduce_max3A_1087 masked %reduce_max3A_1084 : vector<16xi32>, vector<16xi1> -> vector<16xi32>
        %reduce_max3A_1089 = arith.xori %reduce_max3A_1088, %reduce_max3A_1086 : vector<16xi32>
        %reduce_max3A_1090 = vector.extract %reduce_max3A_1089[15] : i32 from vector<16xi32>
        %add3A_1091 = arith.addi %mul3A_2, %reduce_max3A_1090 : i32
        %jit3A_1092 = arith.constant 64 : i32
        %div3A_1093 = arith.divsi %add3A_1091, %jit3A_1092 : i32
        %sign3A_1094 = arith.constant 0 : i32
        %sign3A_1095 = arith.cmpi sgt, %add3A_1091, %sign3A_1094 : i32
        %sign3A_1096 = arith.extui %sign3A_1095 : i1 to i32
        %sign3A_1097 = arith.constant 0 : i32
        %sign3A_1098 = arith.cmpi slt, %add3A_1091, %sign3A_1097 : i32
        %sign3A_1099 = arith.extui %sign3A_1098 : i1 to i32
        %sign3A_1100 = arith.subi %sign3A_1096, %sign3A_1099 : i32
        %sign3A_1101 = arith.constant 0 : i32
        %sign3A_1102 = arith.cmpi sgt, %jit3A_1092, %sign3A_1101 : i32
        %sign3A_1103 = arith.extui %sign3A_1102 : i1 to i32
        %sign3A_1104 = arith.constant 0 : i32
        %sign3A_1105 = arith.cmpi slt, %jit3A_1092, %sign3A_1104 : i32
        %sign3A_1106 = arith.extui %sign3A_1105 : i1 to i32
        %sign3A_1107 = arith.subi %sign3A_1103, %sign3A_1106 : i32
        %ne3A_1108 = arith.cmpi ne, %sign3A_1100, %sign3A_1107 : i32
        %rem3A_1109 = arith.remsi %add3A_1091, %jit3A_1092 : i32
        %ne3A_1110 = arith.constant 0 : i32
        %ne3A_1111 = arith.cmpi ne, %rem3A_1109, %ne3A_1110 : i32
        %and3A_1112 = arith.andi %ne3A_1108, %ne3A_1111 : i1
        %sub3A_1113 = arith.constant 1 : i32
        %sub3A_1114 = arith.subi %div3A_1093, %sub3A_1113 : i32
        %select_n3A_1115 = arith.select %and3A_1112, %sub3A_1114, %div3A_1093 : i32
        %jit3A_1116 = arith.constant 64 : i32
        %eq3A_1117 = arith.constant 0 : i32
        %eq3A_1118 = arith.cmpi eq, %jit3A_1116, %eq3A_1117 : i32
        %jit3A_1119 = arith.constant 1 : i32
        %select_n3A_1120 = arith.select %eq3A_1118, %jit3A_1119, %jit3A_1116 : i32
        %rem3A_1121 = arith.remsi %add3A_1091, %select_n3A_1120 : i32
        %ne3A_1122 = arith.constant 0 : i32
        %ne3A_1123 = arith.cmpi ne, %rem3A_1121, %ne3A_1122 : i32
        %lt3A_1124 = arith.constant 0 : i32
        %lt3A_1125 = arith.cmpi slt, %rem3A_1121, %lt3A_1124 : i32
        %lt3A_1126 = arith.constant 0 : i32
        %lt3A_1127 = arith.cmpi slt, %select_n3A_1120, %lt3A_1126 : i32
        %ne3A_1128 = arith.xori %lt3A_1125, %lt3A_1127 : i1
        %and3A_1129 = arith.andi %ne3A_1128, %ne3A_1123 : i1
        %add3A_1130 = arith.addi %rem3A_1121, %select_n3A_1120 : i32
        %select_n3A_1131 = arith.select %and3A_1129, %add3A_1130, %rem3A_1121 : i32
        %dma_start3A_1132 = arith.constant 0 : i32
        %dma_start3A_1133 = tpu.memref_slice %arg7[%select_n3A_1115, %select_n3A_1131, %dma_start3A_1132] : memref<100x64x27648xf32, #tpu.memory_space<hbm>> -> memref<1x1x27648xf32, #tpu.memory_space<hbm>>
        %dma_start3A_1134 = tpu.memref_squeeze %dma_start3A_1133 : memref<1x1x27648xf32, #tpu.memory_space<hbm>> -> memref<1x27648xf32, #tpu.memory_space<hbm>>
        %dma_start3A_1135 = arith.constant 0 : i32
        %dma_start3A_1136 = tpu.memref_slice %arg7[%select_n3A_1115, %select_n3A_1131, %dma_start3A_1135] : memref<100x64x27648xf32, #tpu.memory_space<hbm>> -> memref<1x1x27648xf32, #tpu.memory_space<hbm>>
        %dma_start3A_1137 = tpu.memref_squeeze %dma_start3A_1136 : memref<1x1x27648xf32, #tpu.memory_space<hbm>> -> memref<1x27648xf32, #tpu.memory_space<hbm>>
        tpu.enqueue_dma source(%arg14 : memref<1x27648xf32, #tpu.memory_space<vmem>>) target(%dma_start3A_1137 : memref<1x27648xf32, #tpu.memory_space<hbm>>) target_semaphore(%arg22 : memref<!tpu.dma_semaphore, #tpu.memory_space<semaphore_mem>>)
      }
      %while3A_819 = arith.constant 1 : i32
      scf.for %while3A_1033 = %while3A_817 to %while3A_813 step %while3A_819  : i32 {
        %jit3A_1034 = arith.constant 16 : i32
        %div3A_1035 = arith.divsi %while3A_1033, %jit3A_1034 : i32
        %sign3A_1036 = arith.constant 0 : i32
        %sign3A_1037 = arith.cmpi sgt, %while3A_1033, %sign3A_1036 : i32
        %sign3A_1038 = arith.extui %sign3A_1037 : i1 to i32
        %sign3A_1039 = arith.constant 0 : i32
        %sign3A_1040 = arith.cmpi slt, %while3A_1033, %sign3A_1039 : i32
        %sign3A_1041 = arith.extui %sign3A_1040 : i1 to i32
        %sign3A_1042 = arith.subi %sign3A_1038, %sign3A_1041 : i32
        %sign3A_1043 = arith.constant 0 : i32
        %sign3A_1044 = arith.cmpi sgt, %jit3A_1034, %sign3A_1043 : i32
        %sign3A_1045 = arith.extui %sign3A_1044 : i1 to i32
        %sign3A_1046 = arith.constant 0 : i32
        %sign3A_1047 = arith.cmpi slt, %jit3A_1034, %sign3A_1046 : i32
        %sign3A_1048 = arith.extui %sign3A_1047 : i1 to i32
        %sign3A_1049 = arith.subi %sign3A_1045, %sign3A_1048 : i32
        %ne3A_1050 = arith.cmpi ne, %sign3A_1042, %sign3A_1049 : i32
        %rem3A_1051 = arith.remsi %while3A_1033, %jit3A_1034 : i32
        %ne3A_1052 = arith.constant 0 : i32
        %ne3A_1053 = arith.cmpi ne, %rem3A_1051, %ne3A_1052 : i32
        %and3A_1054 = arith.andi %ne3A_1050, %ne3A_1053 : i1
        %sub3A_1055 = arith.constant 1 : i32
        %sub3A_1056 = arith.subi %div3A_1035, %sub3A_1055 : i32
        %select_n3A_1057 = arith.select %and3A_1054, %sub3A_1056, %div3A_1035 : i32
        %get3A_1058 = arith.index_cast %select_n3A_1057 : i32 to index
        %get3A_1059 = arith.constant 0 : index
        %get3A_1060 = tpu.vector_load %arg10[%get3A_1058, %get3A_1059] {strides = array<i32>} : memref<13x16xi32, #tpu.memory_space<vmem>>, vector<16xi32>,
        %iota3A_1061 = tpu.iota {dimensions = array<i32: 0>} : vector<16xi32>
        %jit3A_1062 = arith.constant 16 : i32
        %eq3A_1063 = arith.constant 0 : i32
        %eq3A_1064 = arith.cmpi eq, %jit3A_1062, %eq3A_1063 : i32
        %jit3A_1065 = arith.constant 1 : i32
        %select_n3A_1066 = arith.select %eq3A_1064, %jit3A_1065, %jit3A_1062 : i32
        %rem3A_1067 = arith.remsi %while3A_1033, %select_n3A_1066 : i32
        %ne3A_1068 = arith.constant 0 : i32
        %ne3A_1069 = arith.cmpi ne, %rem3A_1067, %ne3A_1068 : i32
        %lt3A_1070 = arith.constant 0 : i32
        %lt3A_1071 = arith.cmpi slt, %rem3A_1067, %lt3A_1070 : i32
        %lt3A_1072 = arith.constant 0 : i32
        %lt3A_1073 = arith.cmpi slt, %select_n3A_1066, %lt3A_1072 : i32
        %ne3A_1074 = arith.xori %lt3A_1071, %lt3A_1073 : i1
        %and3A_1075 = arith.andi %ne3A_1074, %ne3A_1069 : i1
        %add3A_1076 = arith.addi %rem3A_1067, %select_n3A_1066 : i32
        %select_n3A_1077 = arith.select %and3A_1075, %add3A_1076, %rem3A_1067 : i32
        %eq3A_1078 = vector.broadcast %select_n3A_1077 : i32 to vector<16xi32>
        %eq3A_1079 = arith.cmpi eq, %iota3A_1061, %eq3A_1078 : vector<16xi32>
        %jit3A_1080 = arith.constant 0 : i32
        %broadcast_in_dim3A_1081 = vector.broadcast %jit3A_1080 : i32 to vector<16xi32>
        %select_n3A_1082 = arith.select %eq3A_1079, %get3A_1060, %broadcast_in_dim3A_1081 : vector<16xi1>, vector<16xi32>
        %reduce_max3A_1083 = arith.constant true
        %reduce_max3A_1084 = vector.broadcast %reduce_max3A_1083 : i1 to vector<16xi1>
        %reduce_max3A_1085 = arith.constant -2147483648 : i32
        %reduce_max3A_1086 = vector.broadcast %reduce_max3A_1085 : i32 to vector<16xi32>
        %reduce_max3A_1087 = arith.xori %select_n3A_1082, %reduce_max3A_1086 : vector<16xi32>
        %reduce_max3A_1088 = tpu.scan <max>, %reduce_max3A_1087 masked %reduce_max3A_1084 : vector<16xi32>, vector<16xi1> -> vector<16xi32>
        %reduce_max3A_1089 = arith.xori %reduce_max3A_1088, %reduce_max3A_1086 : vector<16xi32>
        %reduce_max3A_1090 = vector.extract %reduce_max3A_1089[15] : i32 from vector<16xi32>
        %add3A_1091 = arith.addi %mul3A_2, %reduce_max3A_1090 : i32
        %jit3A_1092 = arith.constant 64 : i32
        %div3A_1093 = arith.divsi %add3A_1091, %jit3A_1092 : i32
        %sign3A_1094 = arith.constant 0 : i32
        %sign3A_1095 = arith.cmpi sgt, %add3A_1091, %sign3A_1094 : i32
        %sign3A_1096 = arith.extui %sign3A_1095 : i1 to i32
        %sign3A_1097 = arith.constant 0 : i32
        %sign3A_1098 = arith.cmpi slt, %add3A_1091, %sign3A_1097 : i32
        %sign3A_1099 = arith.extui %sign3A_1098 : i1 to i32
        %sign3A_1100 = arith.subi %sign3A_1096, %sign3A_1099 : i32
        %sign3A_1101 = arith.constant 0 : i32
        %sign3A_1102 = arith.cmpi sgt, %jit3A_1092, %sign3A_1101 : i32
        %sign3A_1103 = arith.extui %sign3A_1102 : i1 to i32
        %sign3A_1104 = arith.constant 0 : i32
        %sign3A_1105 = arith.cmpi slt, %jit3A_1092, %sign3A_1104 : i32
        %sign3A_1106 = arith.extui %sign3A_1105 : i1 to i32
        %sign3A_1107 = arith.subi %sign3A_1103, %sign3A_1106 : i32
        %ne3A_1108 = arith.cmpi ne, %sign3A_1100, %sign3A_1107 : i32
        %rem3A_1109 = arith.remsi %add3A_1091, %jit3A_1092 : i32
        %ne3A_1110 = arith.constant 0 : i32
        %ne3A_1111 = arith.cmpi ne, %rem3A_1109, %ne3A_1110 : i32
        %and3A_1112 = arith.andi %ne3A_1108, %ne3A_1111 : i1
        %sub3A_1113 = arith.constant 1 : i32
        %sub3A_1114 = arith.subi %div3A_1093, %sub3A_1113 : i32
        %select_n3A_1115 = arith.select %and3A_1112, %sub3A_1114, %div3A_1093 : i32
        %jit3A_1116 = arith.constant 64 : i32
        %eq3A_1117 = arith.constant 0 : i32
        %eq3A_1118 = arith.cmpi eq, %jit3A_1116, %eq3A_1117 : i32
        %jit3A_1119 = arith.constant 1 : i32
        %select_n3A_1120 = arith.select %eq3A_1118, %jit3A_1119, %jit3A_1116 : i32
        %rem3A_1121 = arith.remsi %add3A_1091, %select_n3A_1120 : i32
        %ne3A_1122 = arith.constant 0 : i32
        %ne3A_1123 = arith.cmpi ne, %rem3A_1121, %ne3A_1122 : i32
        %lt3A_1124 = arith.constant 0 : i32
        %lt3A_1125 = arith.cmpi slt, %rem3A_1121, %lt3A_1124 : i32
        %lt3A_1126 = arith.constant 0 : i32
        %lt3A_1127 = arith.cmpi slt, %select_n3A_1120, %lt3A_1126 : i32
        %ne3A_1128 = arith.xori %lt3A_1125, %lt3A_1127 : i1
        %and3A_1129 = arith.andi %ne3A_1128, %ne3A_1123 : i1
        %add3A_1130 = arith.addi %rem3A_1121, %select_n3A_1120 : i32
        %select_n3A_1131 = arith.select %and3A_1129, %add3A_1130, %rem3A_1121 : i32
        %dma_start3A_1132 = arith.constant 0 : i32
        %dma_start3A_1133 = tpu.memref_slice %arg7[%select_n3A_1115, %select_n3A_1131, %dma_start3A_1132] : memref<100x64x27648xf32, #tpu.memory_space<hbm>> -> memref<1x1x27648xf32, #tpu.memory_space<hbm>>
        %dma_start3A_1134 = tpu.memref_squeeze %dma_start3A_1133 : memref<1x1x27648xf32, #tpu.memory_space<hbm>> -> memref<1x27648xf32, #tpu.memory_space<hbm>>
        %dma_start3A_1135 = arith.constant 0 : i32
        %dma_start3A_1136 = tpu.memref_slice %arg7[%select_n3A_1115, %select_n3A_1131, %dma_start3A_1135] : memref<100x64x27648xf32, #tpu.memory_space<hbm>> -> memref<1x1x27648xf32, #tpu.memory_space<hbm>>
        %dma_start3A_1137 = tpu.memref_squeeze %dma_start3A_1136 : memref<1x1x27648xf32, #tpu.memory_space<hbm>> -> memref<1x27648xf32, #tpu.memory_space<hbm>>
        tpu.enqueue_dma source(%arg14 : memref<1x27648xf32, #tpu.memory_space<vmem>>) target(%dma_start3A_1137 : memref<1x27648xf32, #tpu.memory_space<hbm>>) target_semaphore(%arg22 : memref<!tpu.dma_semaphore, #tpu.memory_space<semaphore_mem>>)
      }
      %sub3A_820 = arith.subi %reduce_max3A_810, %reduce_max3A_751 : i32
      %add3A_821 = arith.constant 3 : i32
      %add3A_822 = arith.addi %add3A_194, %add3A_821 : i32
      %while3A_823 = arith.constant 0 : i32
      %while3A_824 = arith.constant 0 : i32
      %while3A_825 = arith.subi %sub3A_820, %while3A_824 : i32
      %while3A_826 = arith.addi %while3A_824, %while3A_825 : i32
      %while3A_827 = arith.constant 1 : i32
      %while3A_828 = arith.divsi %while3A_825, %while3A_827 : i32
      %while3A_829 = arith.muli %while3A_828, %while3A_827 : i32
      %while3A_830 = arith.addi %while3A_824, %while3A_829 : i32
      %while3A_831 = arith.constant 1 : i32
      scf.for %while3A_1033 = %while3A_824 to %while3A_830 step %while3A_831  : i32 {
        %dma_wait3A_1034 = arith.constant 0 : i32
        %dma_wait3A_1035 = arith.constant 0 : i32
        %dma_wait3A_1036 = tpu.memref_slice %arg2[%dma_wait3A_1034, %dma_wait3A_1035] : memref<100x27648xf32, #tpu.memory_space<hbm>> -> memref<1x27648xf32, #tpu.memory_space<hbm>>
        %dma_wait3A_1037 = arith.constant 0 : i32
        %dma_wait3A_1038 = arith.constant 0 : i32
        %dma_wait3A_1039 = tpu.memref_slice %arg2[%dma_wait3A_1037, %dma_wait3A_1038] : memref<100x27648xf32, #tpu.memory_space<hbm>> -> memref<1x27648xf32, #tpu.memory_space<hbm>>
        tpu.wait_dma2 semaphore(%arg22 : memref<!tpu.dma_semaphore, #tpu.memory_space<semaphore_mem>>) src(%dma_wait3A_1039 : memref<1x27648xf32, #tpu.memory_space<hbm>>) dst(%arg14 : memref<1x27648xf32, #tpu.memory_space<vmem>>)
      }
      %while3A_832 = arith.constant 1 : i32
      scf.for %while3A_1033 = %while3A_830 to %while3A_826 step %while3A_832  : i32 {
        %dma_wait3A_1034 = arith.constant 0 : i32
        %dma_wait3A_1035 = arith.constant 0 : i32
        %dma_wait3A_1036 = tpu.memref_slice %arg2[%dma_wait3A_1034, %dma_wait3A_1035] : memref<100x27648xf32, #tpu.memory_space<hbm>> -> memref<1x27648xf32, #tpu.memory_space<hbm>>
        %dma_wait3A_1037 = arith.constant 0 : i32
        %dma_wait3A_1038 = arith.constant 0 : i32
        %dma_wait3A_1039 = tpu.memref_slice %arg2[%dma_wait3A_1037, %dma_wait3A_1038] : memref<100x27648xf32, #tpu.memory_space<hbm>> -> memref<1x27648xf32, #tpu.memory_space<hbm>>
        tpu.wait_dma2 semaphore(%arg22 : memref<!tpu.dma_semaphore, #tpu.memory_space<semaphore_mem>>) src(%dma_wait3A_1039 : memref<1x27648xf32, #tpu.memory_space<hbm>>) dst(%arg14 : memref<1x27648xf32, #tpu.memory_space<vmem>>)
      }
      %add3A_833 = arith.constant 4 : i32
      %add3A_834 = arith.addi %add3A_822, %add3A_833 : i32
      %sub3A_835 = arith.constant 1 : i32
      %sub3A_836 = arith.subi %add3A_834, %sub3A_835 : i32
      %jit3A_837 = arith.constant 16 : i32
      %div3A_838 = arith.divsi %sub3A_836, %jit3A_837 : i32
      %sign3A_839 = arith.constant 0 : i32
      %sign3A_840 = arith.cmpi sgt, %sub3A_836, %sign3A_839 : i32
      %sign3A_841 = arith.extui %sign3A_840 : i1 to i32
      %sign3A_842 = arith.constant 0 : i32
      %sign3A_843 = arith.cmpi slt, %sub3A_836, %sign3A_842 : i32
      %sign3A_844 = arith.extui %sign3A_843 : i1 to i32
      %sign3A_845 = arith.subi %sign3A_841, %sign3A_844 : i32
      %sign3A_846 = arith.constant 0 : i32
      %sign3A_847 = arith.cmpi sgt, %jit3A_837, %sign3A_846 : i32
      %sign3A_848 = arith.extui %sign3A_847 : i1 to i32
      %sign3A_849 = arith.constant 0 : i32
      %sign3A_850 = arith.cmpi slt, %jit3A_837, %sign3A_849 : i32
      %sign3A_851 = arith.extui %sign3A_850 : i1 to i32
      %sign3A_852 = arith.subi %sign3A_848, %sign3A_851 : i32
      %ne3A_853 = arith.cmpi ne, %sign3A_845, %sign3A_852 : i32
      %rem3A_854 = arith.remsi %sub3A_836, %jit3A_837 : i32
      %ne3A_855 = arith.constant 0 : i32
      %ne3A_856 = arith.cmpi ne, %rem3A_854, %ne3A_855 : i32
      %and3A_857 = arith.andi %ne3A_853, %ne3A_856 : i1
      %sub3A_858 = arith.constant 1 : i32
      %sub3A_859 = arith.subi %div3A_838, %sub3A_858 : i32
      %select_n3A_860 = arith.select %and3A_857, %sub3A_859, %div3A_838 : i32
      %get3A_861 = arith.index_cast %select_n3A_860 : i32 to index
      %get3A_862 = arith.constant 0 : index
      %get3A_863 = tpu.vector_load %arg8[%get3A_861, %get3A_862] {strides = array<i32>} : memref<14x16xi32, #tpu.memory_space<vmem>>, vector<16xi32>,
      %iota3A_864 = tpu.iota {dimensions = array<i32: 0>} : vector<16xi32>
      %jit3A_865 = arith.constant 16 : i32
      %eq3A_866 = arith.constant 0 : i32
      %eq3A_867 = arith.cmpi eq, %jit3A_865, %eq3A_866 : i32
      %jit3A_868 = arith.constant 1 : i32
      %select_n3A_869 = arith.select %eq3A_867, %jit3A_868, %jit3A_865 : i32
      %rem3A_870 = arith.remsi %sub3A_836, %select_n3A_869 : i32
      %ne3A_871 = arith.constant 0 : i32
      %ne3A_872 = arith.cmpi ne, %rem3A_870, %ne3A_871 : i32
      %lt3A_873 = arith.constant 0 : i32
      %lt3A_874 = arith.cmpi slt, %rem3A_870, %lt3A_873 : i32
      %lt3A_875 = arith.constant 0 : i32
      %lt3A_876 = arith.cmpi slt, %select_n3A_869, %lt3A_875 : i32
      %ne3A_877 = arith.xori %lt3A_874, %lt3A_876 : i1
      %and3A_878 = arith.andi %ne3A_877, %ne3A_872 : i1
      %add3A_879 = arith.addi %rem3A_870, %select_n3A_869 : i32
      %select_n3A_880 = arith.select %and3A_878, %add3A_879, %rem3A_870 : i32
      %eq3A_881 = vector.broadcast %select_n3A_880 : i32 to vector<16xi32>
      %eq3A_882 = arith.cmpi eq, %iota3A_864, %eq3A_881 : vector<16xi32>
      %jit3A_883 = arith.constant 0 : i32
      %broadcast_in_dim3A_884 = vector.broadcast %jit3A_883 : i32 to vector<16xi32>
      %select_n3A_885 = arith.select %eq3A_882, %get3A_863, %broadcast_in_dim3A_884 : vector<16xi1>, vector<16xi32>
      %reduce_max3A_886 = arith.constant true
      %reduce_max3A_887 = vector.broadcast %reduce_max3A_886 : i1 to vector<16xi1>
      %reduce_max3A_888 = arith.constant -2147483648 : i32
      %reduce_max3A_889 = vector.broadcast %reduce_max3A_888 : i32 to vector<16xi32>
      %reduce_max3A_890 = arith.xori %select_n3A_885, %reduce_max3A_889 : vector<16xi32>
      %reduce_max3A_891 = tpu.scan <max>, %reduce_max3A_890 masked %reduce_max3A_887 : vector<16xi32>, vector<16xi1> -> vector<16xi32>
      %reduce_max3A_892 = arith.xori %reduce_max3A_891, %reduce_max3A_889 : vector<16xi32>
      %reduce_max3A_893 = vector.extract %reduce_max3A_892[15] : i32 from vector<16xi32>
      %dma_start3A_894 = arith.constant 0 : i32
      %dma_start3A_895 = tpu.memref_slice %arg2[%reduce_max3A_893, %dma_start3A_894] : memref<100x27648xf32, #tpu.memory_space<hbm>> -> memref<1x27648xf32, #tpu.memory_space<hbm>>
      %dma_start3A_896 = arith.constant 0 : i32
      %dma_start3A_897 = tpu.memref_slice %arg2[%reduce_max3A_893, %dma_start3A_896] : memref<100x27648xf32, #tpu.memory_space<hbm>> -> memref<1x27648xf32, #tpu.memory_space<hbm>>
      tpu.enqueue_dma source(%dma_start3A_897 : memref<1x27648xf32, #tpu.memory_space<hbm>>) target(%arg14 : memref<1x27648xf32, #tpu.memory_space<vmem>>) target_semaphore(%arg18 : memref<!tpu.dma_semaphore, #tpu.memory_space<semaphore_mem>>)
      %dma_wait3A_898 = arith.constant 0 : i32
      %dma_wait3A_899 = arith.constant 0 : i32
      %dma_wait3A_900 = tpu.memref_slice %arg2[%dma_wait3A_898, %dma_wait3A_899] : memref<100x27648xf32, #tpu.memory_space<hbm>> -> memref<1x27648xf32, #tpu.memory_space<hbm>>
      %dma_wait3A_901 = arith.constant 0 : i32
      %dma_wait3A_902 = arith.constant 0 : i32
      %dma_wait3A_903 = tpu.memref_slice %arg2[%dma_wait3A_901, %dma_wait3A_902] : memref<100x27648xf32, #tpu.memory_space<hbm>> -> memref<1x27648xf32, #tpu.memory_space<hbm>>
      tpu.wait_dma2 semaphore(%arg19 : memref<!tpu.dma_semaphore, #tpu.memory_space<semaphore_mem>>) src(%dma_wait3A_903 : memref<1x27648xf32, #tpu.memory_space<hbm>>) dst(%arg15 : memref<1x27648xf32, #tpu.memory_space<vmem>>)
      %jit3A_904 = arith.constant 16 : i32
      %div3A_905 = arith.divsi %add3A_822, %jit3A_904 : i32
      %sign3A_906 = arith.constant 0 : i32
      %sign3A_907 = arith.cmpi sgt, %add3A_822, %sign3A_906 : i32
      %sign3A_908 = arith.extui %sign3A_907 : i1 to i32
      %sign3A_909 = arith.constant 0 : i32
      %sign3A_910 = arith.cmpi slt, %add3A_822, %sign3A_909 : i32
      %sign3A_911 = arith.extui %sign3A_910 : i1 to i32
      %sign3A_912 = arith.subi %sign3A_908, %sign3A_911 : i32
      %sign3A_913 = arith.constant 0 : i32
      %sign3A_914 = arith.cmpi sgt, %jit3A_904, %sign3A_913 : i32
      %sign3A_915 = arith.extui %sign3A_914 : i1 to i32
      %sign3A_916 = arith.constant 0 : i32
      %sign3A_917 = arith.cmpi slt, %jit3A_904, %sign3A_916 : i32
      %sign3A_918 = arith.extui %sign3A_917 : i1 to i32
      %sign3A_919 = arith.subi %sign3A_915, %sign3A_918 : i32
      %ne3A_920 = arith.cmpi ne, %sign3A_912, %sign3A_919 : i32
      %rem3A_921 = arith.remsi %add3A_822, %jit3A_904 : i32
      %ne3A_922 = arith.constant 0 : i32
      %ne3A_923 = arith.cmpi ne, %rem3A_921, %ne3A_922 : i32
      %and3A_924 = arith.andi %ne3A_920, %ne3A_923 : i1
      %sub3A_925 = arith.constant 1 : i32
      %sub3A_926 = arith.subi %div3A_905, %sub3A_925 : i32
      %select_n3A_927 = arith.select %and3A_924, %sub3A_926, %div3A_905 : i32
      %get3A_928 = arith.index_cast %select_n3A_927 : i32 to index
      %get3A_929 = arith.constant 0 : index
      %get3A_930 = tpu.vector_load %arg9[%get3A_928, %get3A_929] {strides = array<i32>} : memref<14x16xi32, #tpu.memory_space<vmem>>, vector<16xi32>,
      %iota3A_931 = tpu.iota {dimensions = array<i32: 0>} : vector<16xi32>
      %jit3A_932 = arith.constant 16 : i32
      %eq3A_933 = arith.constant 0 : i32
      %eq3A_934 = arith.cmpi eq, %jit3A_932, %eq3A_933 : i32
      %jit3A_935 = arith.constant 1 : i32
      %select_n3A_936 = arith.select %eq3A_934, %jit3A_935, %jit3A_932 : i32
      %rem3A_937 = arith.remsi %add3A_822, %select_n3A_936 : i32
      %ne3A_938 = arith.constant 0 : i32
      %ne3A_939 = arith.cmpi ne, %rem3A_937, %ne3A_938 : i32
      %lt3A_940 = arith.constant 0 : i32
      %lt3A_941 = arith.cmpi slt, %rem3A_937, %lt3A_940 : i32
      %lt3A_942 = arith.constant 0 : i32
      %lt3A_943 = arith.cmpi slt, %select_n3A_936, %lt3A_942 : i32
      %ne3A_944 = arith.xori %lt3A_941, %lt3A_943 : i1
      %and3A_945 = arith.andi %ne3A_944, %ne3A_939 : i1
      %add3A_946 = arith.addi %rem3A_937, %select_n3A_936 : i32
      %select_n3A_947 = arith.select %and3A_945, %add3A_946, %rem3A_937 : i32
      %eq3A_948 = vector.broadcast %select_n3A_947 : i32 to vector<16xi32>
      %eq3A_949 = arith.cmpi eq, %iota3A_931, %eq3A_948 : vector<16xi32>
      %jit3A_950 = arith.constant 0 : i32
      %broadcast_in_dim3A_951 = vector.broadcast %jit3A_950 : i32 to vector<16xi32>
      %select_n3A_952 = arith.select %eq3A_949, %get3A_930, %broadcast_in_dim3A_951 : vector<16xi1>, vector<16xi32>
      %reduce_max3A_953 = arith.constant true
      %reduce_max3A_954 = vector.broadcast %reduce_max3A_953 : i1 to vector<16xi1>
      %reduce_max3A_955 = arith.constant -2147483648 : i32
      %reduce_max3A_956 = vector.broadcast %reduce_max3A_955 : i32 to vector<16xi32>
      %reduce_max3A_957 = arith.xori %select_n3A_952, %reduce_max3A_956 : vector<16xi32>
      %reduce_max3A_958 = tpu.scan <max>, %reduce_max3A_957 masked %reduce_max3A_954 : vector<16xi32>, vector<16xi1> -> vector<16xi32>
      %reduce_max3A_959 = arith.xori %reduce_max3A_958, %reduce_max3A_956 : vector<16xi32>
      %reduce_max3A_960 = vector.extract %reduce_max3A_959[15] : i32 from vector<16xi32>
      %add3A_961 = arith.constant 1 : i32
      %add3A_962 = arith.addi %add3A_822, %add3A_961 : i32
      %jit3A_963 = arith.constant 16 : i32
      %div3A_964 = arith.divsi %add3A_962, %jit3A_963 : i32
      %sign3A_965 = arith.constant 0 : i32
      %sign3A_966 = arith.cmpi sgt, %add3A_962, %sign3A_965 : i32
      %sign3A_967 = arith.extui %sign3A_966 : i1 to i32
      %sign3A_968 = arith.constant 0 : i32
      %sign3A_969 = arith.cmpi slt, %add3A_962, %sign3A_968 : i32
      %sign3A_970 = arith.extui %sign3A_969 : i1 to i32
      %sign3A_971 = arith.subi %sign3A_967, %sign3A_970 : i32
      %sign3A_972 = arith.constant 0 : i32
      %sign3A_973 = arith.cmpi sgt, %jit3A_963, %sign3A_972 : i32
      %sign3A_974 = arith.extui %sign3A_973 : i1 to i32
      %sign3A_975 = arith.constant 0 : i32
      %sign3A_976 = arith.cmpi slt, %jit3A_963, %sign3A_975 : i32
      %sign3A_977 = arith.extui %sign3A_976 : i1 to i32
      %sign3A_978 = arith.subi %sign3A_974, %sign3A_977 : i32
      %ne3A_979 = arith.cmpi ne, %sign3A_971, %sign3A_978 : i32
      %rem3A_980 = arith.remsi %add3A_962, %jit3A_963 : i32
      %ne3A_981 = arith.constant 0 : i32
      %ne3A_982 = arith.cmpi ne, %rem3A_980, %ne3A_981 : i32
      %and3A_983 = arith.andi %ne3A_979, %ne3A_982 : i1
      %sub3A_984 = arith.constant 1 : i32
      %sub3A_985 = arith.subi %div3A_964, %sub3A_984 : i32
      %select_n3A_986 = arith.select %and3A_983, %sub3A_985, %div3A_964 : i32
      %get3A_987 = arith.index_cast %select_n3A_986 : i32 to index
      %get3A_988 = arith.constant 0 : index
      %get3A_989 = tpu.vector_load %arg9[%get3A_987, %get3A_988] {strides = array<i32>} : memref<14x16xi32, #tpu.memory_space<vmem>>, vector<16xi32>,
      %iota3A_990 = tpu.iota {dimensions = array<i32: 0>} : vector<16xi32>
      %jit3A_991 = arith.constant 16 : i32
      %eq3A_992 = arith.constant 0 : i32
      %eq3A_993 = arith.cmpi eq, %jit3A_991, %eq3A_992 : i32
      %jit3A_994 = arith.constant 1 : i32
      %select_n3A_995 = arith.select %eq3A_993, %jit3A_994, %jit3A_991 : i32
      %rem3A_996 = arith.remsi %add3A_962, %select_n3A_995 : i32
      %ne3A_997 = arith.constant 0 : i32
      %ne3A_998 = arith.cmpi ne, %rem3A_996, %ne3A_997 : i32
      %lt3A_999 = arith.constant 0 : i32
      %lt3A_1000 = arith.cmpi slt, %rem3A_996, %lt3A_999 : i32
      %lt3A_1001 = arith.constant 0 : i32
      %lt3A_1002 = arith.cmpi slt, %select_n3A_995, %lt3A_1001 : i32
      %ne3A_1003 = arith.xori %lt3A_1000, %lt3A_1002 : i1
      %and3A_1004 = arith.andi %ne3A_1003, %ne3A_998 : i1
      %add3A_1005 = arith.addi %rem3A_996, %select_n3A_995 : i32
      %select_n3A_1006 = arith.select %and3A_1004, %add3A_1005, %rem3A_996 : i32
      %eq3A_1007 = vector.broadcast %select_n3A_1006 : i32 to vector<16xi32>
      %eq3A_1008 = arith.cmpi eq, %iota3A_990, %eq3A_1007 : vector<16xi32>
      %jit3A_1009 = arith.constant 0 : i32
      %broadcast_in_dim3A_1010 = vector.broadcast %jit3A_1009 : i32 to vector<16xi32>
      %select_n3A_1011 = arith.select %eq3A_1008, %get3A_989, %broadcast_in_dim3A_1010 : vector<16xi1>, vector<16xi32>
      %reduce_max3A_1012 = arith.constant true
      %reduce_max3A_1013 = vector.broadcast %reduce_max3A_1012 : i1 to vector<16xi1>
      %reduce_max3A_1014 = arith.constant -2147483648 : i32
      %reduce_max3A_1015 = vector.broadcast %reduce_max3A_1014 : i32 to vector<16xi32>
      %reduce_max3A_1016 = arith.xori %select_n3A_1011, %reduce_max3A_1015 : vector<16xi32>
      %reduce_max3A_1017 = tpu.scan <max>, %reduce_max3A_1016 masked %reduce_max3A_1013 : vector<16xi32>, vector<16xi1> -> vector<16xi32>
      %reduce_max3A_1018 = arith.xori %reduce_max3A_1017, %reduce_max3A_1015 : vector<16xi32>
      %reduce_max3A_1019 = vector.extract %reduce_max3A_1018[15] : i32 from vector<16xi32>
      %while3A_1020 = arith.constant 0 : i32
      %while3A_1021 = arith.subi %reduce_max3A_1019, %reduce_max3A_960 : i32
      %while3A_1022 = arith.addi %reduce_max3A_960, %while3A_1021 : i32
      %while3A_1023 = arith.constant 1 : i32
      %while3A_1024 = arith.divsi %while3A_1021, %while3A_1023 : i32
      %while3A_1025 = arith.muli %while3A_1024, %while3A_1023 : i32
      %while3A_1026 = arith.addi %reduce_max3A_960, %while3A_1025 : i32
      %while3A_1027 = arith.constant 1 : i32
      scf.for %while3A_1033 = %reduce_max3A_960 to %while3A_1026 step %while3A_1027  : i32 {
        %jit3A_1034 = arith.constant 16 : i32
        %div3A_1035 = arith.divsi %while3A_1033, %jit3A_1034 : i32
        %sign3A_1036 = arith.constant 0 : i32
        %sign3A_1037 = arith.cmpi sgt, %while3A_1033, %sign3A_1036 : i32
        %sign3A_1038 = arith.extui %sign3A_1037 : i1 to i32
        %sign3A_1039 = arith.constant 0 : i32
        %sign3A_1040 = arith.cmpi slt, %while3A_1033, %sign3A_1039 : i32
        %sign3A_1041 = arith.extui %sign3A_1040 : i1 to i32
        %sign3A_1042 = arith.subi %sign3A_1038, %sign3A_1041 : i32
        %sign3A_1043 = arith.constant 0 : i32
        %sign3A_1044 = arith.cmpi sgt, %jit3A_1034, %sign3A_1043 : i32
        %sign3A_1045 = arith.extui %sign3A_1044 : i1 to i32
        %sign3A_1046 = arith.constant 0 : i32
        %sign3A_1047 = arith.cmpi slt, %jit3A_1034, %sign3A_1046 : i32
        %sign3A_1048 = arith.extui %sign3A_1047 : i1 to i32
        %sign3A_1049 = arith.subi %sign3A_1045, %sign3A_1048 : i32
        %ne3A_1050 = arith.cmpi ne, %sign3A_1042, %sign3A_1049 : i32
        %rem3A_1051 = arith.remsi %while3A_1033, %jit3A_1034 : i32
        %ne3A_1052 = arith.constant 0 : i32
        %ne3A_1053 = arith.cmpi ne, %rem3A_1051, %ne3A_1052 : i32
        %and3A_1054 = arith.andi %ne3A_1050, %ne3A_1053 : i1
        %sub3A_1055 = arith.constant 1 : i32
        %sub3A_1056 = arith.subi %div3A_1035, %sub3A_1055 : i32
        %select_n3A_1057 = arith.select %and3A_1054, %sub3A_1056, %div3A_1035 : i32
        %get3A_1058 = arith.index_cast %select_n3A_1057 : i32 to index
        %get3A_1059 = arith.constant 0 : index
        %get3A_1060 = tpu.vector_load %arg10[%get3A_1058, %get3A_1059] {strides = array<i32>} : memref<13x16xi32, #tpu.memory_space<vmem>>, vector<16xi32>,
        %iota3A_1061 = tpu.iota {dimensions = array<i32: 0>} : vector<16xi32>
        %jit3A_1062 = arith.constant 16 : i32
        %eq3A_1063 = arith.constant 0 : i32
        %eq3A_1064 = arith.cmpi eq, %jit3A_1062, %eq3A_1063 : i32
        %jit3A_1065 = arith.constant 1 : i32
        %select_n3A_1066 = arith.select %eq3A_1064, %jit3A_1065, %jit3A_1062 : i32
        %rem3A_1067 = arith.remsi %while3A_1033, %select_n3A_1066 : i32
        %ne3A_1068 = arith.constant 0 : i32
        %ne3A_1069 = arith.cmpi ne, %rem3A_1067, %ne3A_1068 : i32
        %lt3A_1070 = arith.constant 0 : i32
        %lt3A_1071 = arith.cmpi slt, %rem3A_1067, %lt3A_1070 : i32
        %lt3A_1072 = arith.constant 0 : i32
        %lt3A_1073 = arith.cmpi slt, %select_n3A_1066, %lt3A_1072 : i32
        %ne3A_1074 = arith.xori %lt3A_1071, %lt3A_1073 : i1
        %and3A_1075 = arith.andi %ne3A_1074, %ne3A_1069 : i1
        %add3A_1076 = arith.addi %rem3A_1067, %select_n3A_1066 : i32
        %select_n3A_1077 = arith.select %and3A_1075, %add3A_1076, %rem3A_1067 : i32
        %eq3A_1078 = vector.broadcast %select_n3A_1077 : i32 to vector<16xi32>
        %eq3A_1079 = arith.cmpi eq, %iota3A_1061, %eq3A_1078 : vector<16xi32>
        %jit3A_1080 = arith.constant 0 : i32
        %broadcast_in_dim3A_1081 = vector.broadcast %jit3A_1080 : i32 to vector<16xi32>
        %select_n3A_1082 = arith.select %eq3A_1079, %get3A_1060, %broadcast_in_dim3A_1081 : vector<16xi1>, vector<16xi32>
        %reduce_max3A_1083 = arith.constant true
        %reduce_max3A_1084 = vector.broadcast %reduce_max3A_1083 : i1 to vector<16xi1>
        %reduce_max3A_1085 = arith.constant -2147483648 : i32
        %reduce_max3A_1086 = vector.broadcast %reduce_max3A_1085 : i32 to vector<16xi32>
        %reduce_max3A_1087 = arith.xori %select_n3A_1082, %reduce_max3A_1086 : vector<16xi32>
        %reduce_max3A_1088 = tpu.scan <max>, %reduce_max3A_1087 masked %reduce_max3A_1084 : vector<16xi32>, vector<16xi1> -> vector<16xi32>
        %reduce_max3A_1089 = arith.xori %reduce_max3A_1088, %reduce_max3A_1086 : vector<16xi32>
        %reduce_max3A_1090 = vector.extract %reduce_max3A_1089[15] : i32 from vector<16xi32>
        %add3A_1091 = arith.addi %mul3A_2, %reduce_max3A_1090 : i32
        %jit3A_1092 = arith.constant 64 : i32
        %div3A_1093 = arith.divsi %add3A_1091, %jit3A_1092 : i32
        %sign3A_1094 = arith.constant 0 : i32
        %sign3A_1095 = arith.cmpi sgt, %add3A_1091, %sign3A_1094 : i32
        %sign3A_1096 = arith.extui %sign3A_1095 : i1 to i32
        %sign3A_1097 = arith.constant 0 : i32
        %sign3A_1098 = arith.cmpi slt, %add3A_1091, %sign3A_1097 : i32
        %sign3A_1099 = arith.extui %sign3A_1098 : i1 to i32
        %sign3A_1100 = arith.subi %sign3A_1096, %sign3A_1099 : i32
        %sign3A_1101 = arith.constant 0 : i32
        %sign3A_1102 = arith.cmpi sgt, %jit3A_1092, %sign3A_1101 : i32
        %sign3A_1103 = arith.extui %sign3A_1102 : i1 to i32
        %sign3A_1104 = arith.constant 0 : i32
        %sign3A_1105 = arith.cmpi slt, %jit3A_1092, %sign3A_1104 : i32
        %sign3A_1106 = arith.extui %sign3A_1105 : i1 to i32
        %sign3A_1107 = arith.subi %sign3A_1103, %sign3A_1106 : i32
        %ne3A_1108 = arith.cmpi ne, %sign3A_1100, %sign3A_1107 : i32
        %rem3A_1109 = arith.remsi %add3A_1091, %jit3A_1092 : i32
        %ne3A_1110 = arith.constant 0 : i32
        %ne3A_1111 = arith.cmpi ne, %rem3A_1109, %ne3A_1110 : i32
        %and3A_1112 = arith.andi %ne3A_1108, %ne3A_1111 : i1
        %sub3A_1113 = arith.constant 1 : i32
        %sub3A_1114 = arith.subi %div3A_1093, %sub3A_1113 : i32
        %select_n3A_1115 = arith.select %and3A_1112, %sub3A_1114, %div3A_1093 : i32
        %jit3A_1116 = arith.constant 64 : i32
        %eq3A_1117 = arith.constant 0 : i32
        %eq3A_1118 = arith.cmpi eq, %jit3A_1116, %eq3A_1117 : i32
        %jit3A_1119 = arith.constant 1 : i32
        %select_n3A_1120 = arith.select %eq3A_1118, %jit3A_1119, %jit3A_1116 : i32
        %rem3A_1121 = arith.remsi %add3A_1091, %select_n3A_1120 : i32
        %ne3A_1122 = arith.constant 0 : i32
        %ne3A_1123 = arith.cmpi ne, %rem3A_1121, %ne3A_1122 : i32
        %lt3A_1124 = arith.constant 0 : i32
        %lt3A_1125 = arith.cmpi slt, %rem3A_1121, %lt3A_1124 : i32
        %lt3A_1126 = arith.constant 0 : i32
        %lt3A_1127 = arith.cmpi slt, %select_n3A_1120, %lt3A_1126 : i32
        %ne3A_1128 = arith.xori %lt3A_1125, %lt3A_1127 : i1
        %and3A_1129 = arith.andi %ne3A_1128, %ne3A_1123 : i1
        %add3A_1130 = arith.addi %rem3A_1121, %select_n3A_1120 : i32
        %select_n3A_1131 = arith.select %and3A_1129, %add3A_1130, %rem3A_1121 : i32
        %dma_start3A_1132 = arith.constant 0 : i32
        %dma_start3A_1133 = tpu.memref_slice %arg7[%select_n3A_1115, %select_n3A_1131, %dma_start3A_1132] : memref<100x64x27648xf32, #tpu.memory_space<hbm>> -> memref<1x1x27648xf32, #tpu.memory_space<hbm>>
        %dma_start3A_1134 = tpu.memref_squeeze %dma_start3A_1133 : memref<1x1x27648xf32, #tpu.memory_space<hbm>> -> memref<1x27648xf32, #tpu.memory_space<hbm>>
        %dma_start3A_1135 = arith.constant 0 : i32
        %dma_start3A_1136 = tpu.memref_slice %arg7[%select_n3A_1115, %select_n3A_1131, %dma_start3A_1135] : memref<100x64x27648xf32, #tpu.memory_space<hbm>> -> memref<1x1x27648xf32, #tpu.memory_space<hbm>>
        %dma_start3A_1137 = tpu.memref_squeeze %dma_start3A_1136 : memref<1x1x27648xf32, #tpu.memory_space<hbm>> -> memref<1x27648xf32, #tpu.memory_space<hbm>>
        tpu.enqueue_dma source(%arg15 : memref<1x27648xf32, #tpu.memory_space<vmem>>) target(%dma_start3A_1137 : memref<1x27648xf32, #tpu.memory_space<hbm>>) target_semaphore(%arg23 : memref<!tpu.dma_semaphore, #tpu.memory_space<semaphore_mem>>)
      }
      %while3A_1028 = arith.constant 1 : i32
      scf.for %while3A_1033 = %while3A_1026 to %while3A_1022 step %while3A_1028  : i32 {
        %jit3A_1034 = arith.constant 16 : i32
        %div3A_1035 = arith.divsi %while3A_1033, %jit3A_1034 : i32
        %sign3A_1036 = arith.constant 0 : i32
        %sign3A_1037 = arith.cmpi sgt, %while3A_1033, %sign3A_1036 : i32
        %sign3A_1038 = arith.extui %sign3A_1037 : i1 to i32
        %sign3A_1039 = arith.constant 0 : i32
        %sign3A_1040 = arith.cmpi slt, %while3A_1033, %sign3A_1039 : i32
        %sign3A_1041 = arith.extui %sign3A_1040 : i1 to i32
        %sign3A_1042 = arith.subi %sign3A_1038, %sign3A_1041 : i32
        %sign3A_1043 = arith.constant 0 : i32
        %sign3A_1044 = arith.cmpi sgt, %jit3A_1034, %sign3A_1043 : i32
        %sign3A_1045 = arith.extui %sign3A_1044 : i1 to i32
        %sign3A_1046 = arith.constant 0 : i32
        %sign3A_1047 = arith.cmpi slt, %jit3A_1034, %sign3A_1046 : i32
        %sign3A_1048 = arith.extui %sign3A_1047 : i1 to i32
        %sign3A_1049 = arith.subi %sign3A_1045, %sign3A_1048 : i32
        %ne3A_1050 = arith.cmpi ne, %sign3A_1042, %sign3A_1049 : i32
        %rem3A_1051 = arith.remsi %while3A_1033, %jit3A_1034 : i32
        %ne3A_1052 = arith.constant 0 : i32
        %ne3A_1053 = arith.cmpi ne, %rem3A_1051, %ne3A_1052 : i32
        %and3A_1054 = arith.andi %ne3A_1050, %ne3A_1053 : i1
        %sub3A_1055 = arith.constant 1 : i32
        %sub3A_1056 = arith.subi %div3A_1035, %sub3A_1055 : i32
        %select_n3A_1057 = arith.select %and3A_1054, %sub3A_1056, %div3A_1035 : i32
        %get3A_1058 = arith.index_cast %select_n3A_1057 : i32 to index
        %get3A_1059 = arith.constant 0 : index
        %get3A_1060 = tpu.vector_load %arg10[%get3A_1058, %get3A_1059] {strides = array<i32>} : memref<13x16xi32, #tpu.memory_space<vmem>>, vector<16xi32>,
        %iota3A_1061 = tpu.iota {dimensions = array<i32: 0>} : vector<16xi32>
        %jit3A_1062 = arith.constant 16 : i32
        %eq3A_1063 = arith.constant 0 : i32
        %eq3A_1064 = arith.cmpi eq, %jit3A_1062, %eq3A_1063 : i32
        %jit3A_1065 = arith.constant 1 : i32
        %select_n3A_1066 = arith.select %eq3A_1064, %jit3A_1065, %jit3A_1062 : i32
        %rem3A_1067 = arith.remsi %while3A_1033, %select_n3A_1066 : i32
        %ne3A_1068 = arith.constant 0 : i32
        %ne3A_1069 = arith.cmpi ne, %rem3A_1067, %ne3A_1068 : i32
        %lt3A_1070 = arith.constant 0 : i32
        %lt3A_1071 = arith.cmpi slt, %rem3A_1067, %lt3A_1070 : i32
        %lt3A_1072 = arith.constant 0 : i32
        %lt3A_1073 = arith.cmpi slt, %select_n3A_1066, %lt3A_1072 : i32
        %ne3A_1074 = arith.xori %lt3A_1071, %lt3A_1073 : i1
        %and3A_1075 = arith.andi %ne3A_1074, %ne3A_1069 : i1
        %add3A_1076 = arith.addi %rem3A_1067, %select_n3A_1066 : i32
        %select_n3A_1077 = arith.select %and3A_1075, %add3A_1076, %rem3A_1067 : i32
        %eq3A_1078 = vector.broadcast %select_n3A_1077 : i32 to vector<16xi32>
        %eq3A_1079 = arith.cmpi eq, %iota3A_1061, %eq3A_1078 : vector<16xi32>
        %jit3A_1080 = arith.constant 0 : i32
        %broadcast_in_dim3A_1081 = vector.broadcast %jit3A_1080 : i32 to vector<16xi32>
        %select_n3A_1082 = arith.select %eq3A_1079, %get3A_1060, %broadcast_in_dim3A_1081 : vector<16xi1>, vector<16xi32>
        %reduce_max3A_1083 = arith.constant true
        %reduce_max3A_1084 = vector.broadcast %reduce_max3A_1083 : i1 to vector<16xi1>
        %reduce_max3A_1085 = arith.constant -2147483648 : i32
        %reduce_max3A_1086 = vector.broadcast %reduce_max3A_1085 : i32 to vector<16xi32>
        %reduce_max3A_1087 = arith.xori %select_n3A_1082, %reduce_max3A_1086 : vector<16xi32>
        %reduce_max3A_1088 = tpu.scan <max>, %reduce_max3A_1087 masked %reduce_max3A_1084 : vector<16xi32>, vector<16xi1> -> vector<16xi32>
        %reduce_max3A_1089 = arith.xori %reduce_max3A_1088, %reduce_max3A_1086 : vector<16xi32>
        %reduce_max3A_1090 = vector.extract %reduce_max3A_1089[15] : i32 from vector<16xi32>
        %add3A_1091 = arith.addi %mul3A_2, %reduce_max3A_1090 : i32
        %jit3A_1092 = arith.constant 64 : i32
        %div3A_1093 = arith.divsi %add3A_1091, %jit3A_1092 : i32
        %sign3A_1094 = arith.constant 0 : i32
        %sign3A_1095 = arith.cmpi sgt, %add3A_1091, %sign3A_1094 : i32
        %sign3A_1096 = arith.extui %sign3A_1095 : i1 to i32
        %sign3A_1097 = arith.constant 0 : i32
        %sign3A_1098 = arith.cmpi slt, %add3A_1091, %sign3A_1097 : i32
        %sign3A_1099 = arith.extui %sign3A_1098 : i1 to i32
        %sign3A_1100 = arith.subi %sign3A_1096, %sign3A_1099 : i32
        %sign3A_1101 = arith.constant 0 : i32
        %sign3A_1102 = arith.cmpi sgt, %jit3A_1092, %sign3A_1101 : i32
        %sign3A_1103 = arith.extui %sign3A_1102 : i1 to i32
        %sign3A_1104 = arith.constant 0 : i32
        %sign3A_1105 = arith.cmpi slt, %jit3A_1092, %sign3A_1104 : i32
        %sign3A_1106 = arith.extui %sign3A_1105 : i1 to i32
        %sign3A_1107 = arith.subi %sign3A_1103, %sign3A_1106 : i32
        %ne3A_1108 = arith.cmpi ne, %sign3A_1100, %sign3A_1107 : i32
        %rem3A_1109 = arith.remsi %add3A_1091, %jit3A_1092 : i32
        %ne3A_1110 = arith.constant 0 : i32
        %ne3A_1111 = arith.cmpi ne, %rem3A_1109, %ne3A_1110 : i32
        %and3A_1112 = arith.andi %ne3A_1108, %ne3A_1111 : i1
        %sub3A_1113 = arith.constant 1 : i32
        %sub3A_1114 = arith.subi %div3A_1093, %sub3A_1113 : i32
        %select_n3A_1115 = arith.select %and3A_1112, %sub3A_1114, %div3A_1093 : i32
        %jit3A_1116 = arith.constant 64 : i32
        %eq3A_1117 = arith.constant 0 : i32
        %eq3A_1118 = arith.cmpi eq, %jit3A_1116, %eq3A_1117 : i32
        %jit3A_1119 = arith.constant 1 : i32
        %select_n3A_1120 = arith.select %eq3A_1118, %jit3A_1119, %jit3A_1116 : i32
        %rem3A_1121 = arith.remsi %add3A_1091, %select_n3A_1120 : i32
        %ne3A_1122 = arith.constant 0 : i32
        %ne3A_1123 = arith.cmpi ne, %rem3A_1121, %ne3A_1122 : i32
        %lt3A_1124 = arith.constant 0 : i32
        %lt3A_1125 = arith.cmpi slt, %rem3A_1121, %lt3A_1124 : i32
        %lt3A_1126 = arith.constant 0 : i32
        %lt3A_1127 = arith.cmpi slt, %select_n3A_1120, %lt3A_1126 : i32
        %ne3A_1128 = arith.xori %lt3A_1125, %lt3A_1127 : i1
        %and3A_1129 = arith.andi %ne3A_1128, %ne3A_1123 : i1
        %add3A_1130 = arith.addi %rem3A_1121, %select_n3A_1120 : i32
        %select_n3A_1131 = arith.select %and3A_1129, %add3A_1130, %rem3A_1121 : i32
        %dma_start3A_1132 = arith.constant 0 : i32
        %dma_start3A_1133 = tpu.memref_slice %arg7[%select_n3A_1115, %select_n3A_1131, %dma_start3A_1132] : memref<100x64x27648xf32, #tpu.memory_space<hbm>> -> memref<1x1x27648xf32, #tpu.memory_space<hbm>>
        %dma_start3A_1134 = tpu.memref_squeeze %dma_start3A_1133 : memref<1x1x27648xf32, #tpu.memory_space<hbm>> -> memref<1x27648xf32, #tpu.memory_space<hbm>>
        %dma_start3A_1135 = arith.constant 0 : i32
        %dma_start3A_1136 = tpu.memref_slice %arg7[%select_n3A_1115, %select_n3A_1131, %dma_start3A_1135] : memref<100x64x27648xf32, #tpu.memory_space<hbm>> -> memref<1x1x27648xf32, #tpu.memory_space<hbm>>
        %dma_start3A_1137 = tpu.memref_squeeze %dma_start3A_1136 : memref<1x1x27648xf32, #tpu.memory_space<hbm>> -> memref<1x27648xf32, #tpu.memory_space<hbm>>
        tpu.enqueue_dma source(%arg15 : memref<1x27648xf32, #tpu.memory_space<vmem>>) target(%dma_start3A_1137 : memref<1x27648xf32, #tpu.memory_space<hbm>>) target_semaphore(%arg23 : memref<!tpu.dma_semaphore, #tpu.memory_space<semaphore_mem>>)
      }
      %sub3A_1029 = arith.subi %reduce_max3A_1019, %reduce_max3A_960 : i32
      %while3A_1030 = arith.constant 0 : i32
      %while3A_1031 = arith.constant 0 : i32
      %while3A_1032 = arith.constant 0 : i32
      scf.yield %while3A_1030, %while3A_1031, %while3A_1032, %sub3A_1029 : i32, i32, i32, i32
    }
    %dma_wait3A = arith.constant 0 : i32
    %dma_wait3A_131 = arith.constant 0 : i32
    %dma_wait3A_132 = tpu.memref_slice %arg2[%dma_wait3A, %dma_wait3A_131] : memref<100x27648xf32, #tpu.memory_space<hbm>> -> memref<1x27648xf32, #tpu.memory_space<hbm>>
    %dma_wait3A_133 = arith.constant 0 : i32
    %dma_wait3A_134 = arith.constant 0 : i32
    %dma_wait3A_135 = tpu.memref_slice %arg2[%dma_wait3A_133, %dma_wait3A_134] : memref<100x27648xf32, #tpu.memory_space<hbm>> -> memref<1x27648xf32, #tpu.memory_space<hbm>>
    tpu.wait_dma2 semaphore(%arg16 : memref<!tpu.dma_semaphore, #tpu.memory_space<semaphore_mem>>) src(%dma_wait3A_135 : memref<1x27648xf32, #tpu.memory_space<hbm>>) dst(%arg12 : memref<1x27648xf32, #tpu.memory_space<vmem>>)
    %dma_wait3A_136 = arith.constant 0 : i32
    %dma_wait3A_137 = arith.constant 0 : i32
    %dma_wait3A_138 = tpu.memref_slice %arg2[%dma_wait3A_136, %dma_wait3A_137] : memref<100x27648xf32, #tpu.memory_space<hbm>> -> memref<1x27648xf32, #tpu.memory_space<hbm>>
    %dma_wait3A_139 = arith.constant 0 : i32
    %dma_wait3A_140 = arith.constant 0 : i32
    %dma_wait3A_141 = tpu.memref_slice %arg2[%dma_wait3A_139, %dma_wait3A_140] : memref<100x27648xf32, #tpu.memory_space<hbm>> -> memref<1x27648xf32, #tpu.memory_space<hbm>>
    tpu.wait_dma2 semaphore(%arg17 : memref<!tpu.dma_semaphore, #tpu.memory_space<semaphore_mem>>) src(%dma_wait3A_141 : memref<1x27648xf32, #tpu.memory_space<hbm>>) dst(%arg13 : memref<1x27648xf32, #tpu.memory_space<vmem>>)
    %dma_wait3A_142 = arith.constant 0 : i32
    %dma_wait3A_143 = arith.constant 0 : i32
    %dma_wait3A_144 = tpu.memref_slice %arg2[%dma_wait3A_142, %dma_wait3A_143] : memref<100x27648xf32, #tpu.memory_space<hbm>> -> memref<1x27648xf32, #tpu.memory_space<hbm>>
    %dma_wait3A_145 = arith.constant 0 : i32
    %dma_wait3A_146 = arith.constant 0 : i32
    %dma_wait3A_147 = tpu.memref_slice %arg2[%dma_wait3A_145, %dma_wait3A_146] : memref<100x27648xf32, #tpu.memory_space<hbm>> -> memref<1x27648xf32, #tpu.memory_space<hbm>>
    tpu.wait_dma2 semaphore(%arg18 : memref<!tpu.dma_semaphore, #tpu.memory_space<semaphore_mem>>) src(%dma_wait3A_147 : memref<1x27648xf32, #tpu.memory_space<hbm>>) dst(%arg14 : memref<1x27648xf32, #tpu.memory_space<vmem>>)
    %while3A_148 = arith.constant 0 : i32
    %while3A_149 = arith.constant 0 : i32
    %while3A_150 = arith.subi %while3A_130#0, %while3A_149 : i32
    %while3A_151 = arith.addi %while3A_149, %while3A_150 : i32
    %while3A_152 = arith.constant 1 : i32
    %while3A_153 = arith.divsi %while3A_150, %while3A_152 : i32
    %while3A_154 = arith.muli %while3A_153, %while3A_152 : i32
    %while3A_155 = arith.addi %while3A_149, %while3A_154 : i32
    %while3A_156 = arith.constant 1 : i32
    scf.for %while3A_188 = %while3A_149 to %while3A_155 step %while3A_156  : i32 {
      %dma_wait3A_189 = arith.constant 0 : i32
      %dma_wait3A_190 = arith.constant 0 : i32
      %dma_wait3A_191 = tpu.memref_slice %arg2[%dma_wait3A_189, %dma_wait3A_190] : memref<100x27648xf32, #tpu.memory_space<hbm>> -> memref<1x27648xf32, #tpu.memory_space<hbm>>
      %dma_wait3A_192 = arith.constant 0 : i32
      %dma_wait3A_193 = arith.constant 0 : i32
      %dma_wait3A_194 = tpu.memref_slice %arg2[%dma_wait3A_192, %dma_wait3A_193] : memref<100x27648xf32, #tpu.memory_space<hbm>> -> memref<1x27648xf32, #tpu.memory_space<hbm>>
      tpu.wait_dma2 semaphore(%arg20 : memref<!tpu.dma_semaphore, #tpu.memory_space<semaphore_mem>>) src(%dma_wait3A_194 : memref<1x27648xf32, #tpu.memory_space<hbm>>) dst(%arg12 : memref<1x27648xf32, #tpu.memory_space<vmem>>)
    }
    %while3A_157 = arith.constant 1 : i32
    scf.for %while3A_188 = %while3A_155 to %while3A_151 step %while3A_157  : i32 {
      %dma_wait3A_189 = arith.constant 0 : i32
      %dma_wait3A_190 = arith.constant 0 : i32
      %dma_wait3A_191 = tpu.memref_slice %arg2[%dma_wait3A_189, %dma_wait3A_190] : memref<100x27648xf32, #tpu.memory_space<hbm>> -> memref<1x27648xf32, #tpu.memory_space<hbm>>
      %dma_wait3A_192 = arith.constant 0 : i32
      %dma_wait3A_193 = arith.constant 0 : i32
      %dma_wait3A_194 = tpu.memref_slice %arg2[%dma_wait3A_192, %dma_wait3A_193] : memref<100x27648xf32, #tpu.memory_space<hbm>> -> memref<1x27648xf32, #tpu.memory_space<hbm>>
      tpu.wait_dma2 semaphore(%arg20 : memref<!tpu.dma_semaphore, #tpu.memory_space<semaphore_mem>>) src(%dma_wait3A_194 : memref<1x27648xf32, #tpu.memory_space<hbm>>) dst(%arg12 : memref<1x27648xf32, #tpu.memory_space<vmem>>)
    }
    %while3A_158 = arith.constant 0 : i32
    %while3A_159 = arith.constant 0 : i32
    %while3A_160 = arith.subi %while3A_130#1, %while3A_159 : i32
    %while3A_161 = arith.addi %while3A_159, %while3A_160 : i32
    %while3A_162 = arith.constant 1 : i32
    %while3A_163 = arith.divsi %while3A_160, %while3A_162 : i32
    %while3A_164 = arith.muli %while3A_163, %while3A_162 : i32
    %while3A_165 = arith.addi %while3A_159, %while3A_164 : i32
    %while3A_166 = arith.constant 1 : i32
    scf.for %while3A_188 = %while3A_159 to %while3A_165 step %while3A_166  : i32 {
      %dma_wait3A_189 = arith.constant 0 : i32
      %dma_wait3A_190 = arith.constant 0 : i32
      %dma_wait3A_191 = tpu.memref_slice %arg2[%dma_wait3A_189, %dma_wait3A_190] : memref<100x27648xf32, #tpu.memory_space<hbm>> -> memref<1x27648xf32, #tpu.memory_space<hbm>>
      %dma_wait3A_192 = arith.constant 0 : i32
      %dma_wait3A_193 = arith.constant 0 : i32
      %dma_wait3A_194 = tpu.memref_slice %arg2[%dma_wait3A_192, %dma_wait3A_193] : memref<100x27648xf32, #tpu.memory_space<hbm>> -> memref<1x27648xf32, #tpu.memory_space<hbm>>
      tpu.wait_dma2 semaphore(%arg21 : memref<!tpu.dma_semaphore, #tpu.memory_space<semaphore_mem>>) src(%dma_wait3A_194 : memref<1x27648xf32, #tpu.memory_space<hbm>>) dst(%arg13 : memref<1x27648xf32, #tpu.memory_space<vmem>>)
    }
    %while3A_167 = arith.constant 1 : i32
    scf.for %while3A_188 = %while3A_165 to %while3A_161 step %while3A_167  : i32 {
      %dma_wait3A_189 = arith.constant 0 : i32
      %dma_wait3A_190 = arith.constant 0 : i32
      %dma_wait3A_191 = tpu.memref_slice %arg2[%dma_wait3A_189, %dma_wait3A_190] : memref<100x27648xf32, #tpu.memory_space<hbm>> -> memref<1x27648xf32, #tpu.memory_space<hbm>>
      %dma_wait3A_192 = arith.constant 0 : i32
      %dma_wait3A_193 = arith.constant 0 : i32
      %dma_wait3A_194 = tpu.memref_slice %arg2[%dma_wait3A_192, %dma_wait3A_193] : memref<100x27648xf32, #tpu.memory_space<hbm>> -> memref<1x27648xf32, #tpu.memory_space<hbm>>
      tpu.wait_dma2 semaphore(%arg21 : memref<!tpu.dma_semaphore, #tpu.memory_space<semaphore_mem>>) src(%dma_wait3A_194 : memref<1x27648xf32, #tpu.memory_space<hbm>>) dst(%arg13 : memref<1x27648xf32, #tpu.memory_space<vmem>>)
    }
    %while3A_168 = arith.constant 0 : i32
    %while3A_169 = arith.constant 0 : i32
    %while3A_170 = arith.subi %while3A_130#2, %while3A_169 : i32
    %while3A_171 = arith.addi %while3A_169, %while3A_170 : i32
    %while3A_172 = arith.constant 1 : i32
    %while3A_173 = arith.divsi %while3A_170, %while3A_172 : i32
    %while3A_174 = arith.muli %while3A_173, %while3A_172 : i32
    %while3A_175 = arith.addi %while3A_169, %while3A_174 : i32
    %while3A_176 = arith.constant 1 : i32
    scf.for %while3A_188 = %while3A_169 to %while3A_175 step %while3A_176  : i32 {
      %dma_wait3A_189 = arith.constant 0 : i32
      %dma_wait3A_190 = arith.constant 0 : i32
      %dma_wait3A_191 = tpu.memref_slice %arg2[%dma_wait3A_189, %dma_wait3A_190] : memref<100x27648xf32, #tpu.memory_space<hbm>> -> memref<1x27648xf32, #tpu.memory_space<hbm>>
      %dma_wait3A_192 = arith.constant 0 : i32
      %dma_wait3A_193 = arith.constant 0 : i32
      %dma_wait3A_194 = tpu.memref_slice %arg2[%dma_wait3A_192, %dma_wait3A_193] : memref<100x27648xf32, #tpu.memory_space<hbm>> -> memref<1x27648xf32, #tpu.memory_space<hbm>>
      tpu.wait_dma2 semaphore(%arg22 : memref<!tpu.dma_semaphore, #tpu.memory_space<semaphore_mem>>) src(%dma_wait3A_194 : memref<1x27648xf32, #tpu.memory_space<hbm>>) dst(%arg14 : memref<1x27648xf32, #tpu.memory_space<vmem>>)
    }
    %while3A_177 = arith.constant 1 : i32
    scf.for %while3A_188 = %while3A_175 to %while3A_171 step %while3A_177  : i32 {
      %dma_wait3A_189 = arith.constant 0 : i32
      %dma_wait3A_190 = arith.constant 0 : i32
      %dma_wait3A_191 = tpu.memref_slice %arg2[%dma_wait3A_189, %dma_wait3A_190] : memref<100x27648xf32, #tpu.memory_space<hbm>> -> memref<1x27648xf32, #tpu.memory_space<hbm>>
      %dma_wait3A_192 = arith.constant 0 : i32
      %dma_wait3A_193 = arith.constant 0 : i32
      %dma_wait3A_194 = tpu.memref_slice %arg2[%dma_wait3A_192, %dma_wait3A_193] : memref<100x27648xf32, #tpu.memory_space<hbm>> -> memref<1x27648xf32, #tpu.memory_space<hbm>>
      tpu.wait_dma2 semaphore(%arg22 : memref<!tpu.dma_semaphore, #tpu.memory_space<semaphore_mem>>) src(%dma_wait3A_194 : memref<1x27648xf32, #tpu.memory_space<hbm>>) dst(%arg14 : memref<1x27648xf32, #tpu.memory_space<vmem>>)
    }
    %while3A_178 = arith.constant 0 : i32
    %while3A_179 = arith.constant 0 : i32
    %while3A_180 = arith.subi %while3A_130#3, %while3A_179 : i32
    %while3A_181 = arith.addi %while3A_179, %while3A_180 : i32
    %while3A_182 = arith.constant 1 : i32
    %while3A_183 = arith.divsi %while3A_180, %while3A_182 : i32
    %while3A_184 = arith.muli %while3A_183, %while3A_182 : i32
    %while3A_185 = arith.addi %while3A_179, %while3A_184 : i32
    %while3A_186 = arith.constant 1 : i32
    scf.for %while3A_188 = %while3A_179 to %while3A_185 step %while3A_186  : i32 {
      %dma_wait3A_189 = arith.constant 0 : i32
      %dma_wait3A_190 = arith.constant 0 : i32
      %dma_wait3A_191 = tpu.memref_slice %arg2[%dma_wait3A_189, %dma_wait3A_190] : memref<100x27648xf32, #tpu.memory_space<hbm>> -> memref<1x27648xf32, #tpu.memory_space<hbm>>
      %dma_wait3A_192 = arith.constant 0 : i32
      %dma_wait3A_193 = arith.constant 0 : i32
      %dma_wait3A_194 = tpu.memref_slice %arg2[%dma_wait3A_192, %dma_wait3A_193] : memref<100x27648xf32, #tpu.memory_space<hbm>> -> memref<1x27648xf32, #tpu.memory_space<hbm>>
      tpu.wait_dma2 semaphore(%arg23 : memref<!tpu.dma_semaphore, #tpu.memory_space<semaphore_mem>>) src(%dma_wait3A_194 : memref<1x27648xf32, #tpu.memory_space<hbm>>) dst(%arg15 : memref<1x27648xf32, #tpu.memory_space<vmem>>)
    }
    %while3A_187 = arith.constant 1 : i32
    scf.for %while3A_188 = %while3A_185 to %while3A_181 step %while3A_187  : i32 {
      %dma_wait3A_189 = arith.constant 0 : i32
      %dma_wait3A_190 = arith.constant 0 : i32
      %dma_wait3A_191 = tpu.memref_slice %arg2[%dma_wait3A_189, %dma_wait3A_190] : memref<100x27648xf32, #tpu.memory_space<hbm>> -> memref<1x27648xf32, #tpu.memory_space<hbm>>
      %dma_wait3A_192 = arith.constant 0 : i32
      %dma_wait3A_193 = arith.constant 0 : i32
      %dma_wait3A_194 = tpu.memref_slice %arg2[%dma_wait3A_192, %dma_wait3A_193] : memref<100x27648xf32, #tpu.memory_space<hbm>> -> memref<1x27648xf32, #tpu.memory_space<hbm>>
      tpu.wait_dma2 semaphore(%arg23 : memref<!tpu.dma_semaphore, #tpu.memory_space<semaphore_mem>>) src(%dma_wait3A_194 : memref<1x27648xf32, #tpu.memory_space<hbm>>) dst(%arg15 : memref<1x27648xf32, #tpu.memory_space<vmem>>)
    }
    return
  }
}

</mosaic_0001>

<sc_bundles>
// kernel: kernel.3.cloned.1.call-start
scs
__scs_entry_jumppad:
0x0: {  	(pc) =	sbr.rel $0x88, $3  }
0x1: {  	(tag) =	ssettag $0x0;
	lr =	simm.s32 $0x1  }
0x2: {  	[smem:$0x3F9F] =	sst lr;
	_ =	strace $0xD0000000  }
0x3: {  	_ = 	snop  }
0x4: {  	_ = 	snop  }
0x5: {  	_ = 	snop  }
0x6: {  	_ = 	snop  }
0x7: {  	_ = 	snop  }
__scs_overlays_trampoline_lowered:
0x8: {  	[smem:$0x3FAE] =	sst s0  }
0x9: {  	[smem:$0x3FAF] =	sst s1  }
0xa: {  	[smem:$0x3FB0] =	sst s2  }
0xb: {  	[smem:$0x3FB1] =	sst s3  }
0xc: {  	[smem:$0x3FB2] =	sst s4  }
0xd: {  	[smem:$0x3FB3] =	sst s5  }
0xe: {  	[smem:$0x3FB4] =	sst s6  }
0xf: {  	[smem:$0x3FB5] =	sst s7  }
0x10: {  	[smem:$0x3FB6] =	sst s8  }
0x11: {  	[smem:$0x3FB7] =	sst s9;
	s0 =	simm.s32 @!p0 $0x0  }
0x12: {  	s1 =	sld [smem:$0x3F9D];
	s0 =	simm.s32 @p0 $0x1  }
0x13: {  	[smem:$0x3FB8] =	sst s0;
	s0 =	simm.s32 @!p1 $0x0  }
0x14: {  	s2 =	sld [smem:$0x3F9C];
	s0 =	simm.s32 @p1 $0x1  }
0x15: {  	[smem:$0x3FB9] =	sst s0;
	s0 =	simm.s32 @!p2 $0x0  }
0x16: {  	s3 =	sld [smem:$0x3FDB];
	s0 =	simm.s32 @p2 $0x1  }
0x17: {  	s4 =	simm.s32 $0x1BF5;
	[smem:$0x3FBB] =	sst s0  }
0x18: {  	s0 =	sld [smem:$0x3F9E];
	_ =	swait.ge [sflag:s4], $0x0  }
0x19: {  	s7 =	sld [smem:$0x3F9F]  }
0x1a: {  	s8 =	sadd.s32 $0xFFFFE003, lr  }
0x1b: {  	s9 =	sadd.s32 $0xFFFFFEF7, lr;
	s5 =	simm.s32 $0xFFFFFFFF;
	p2 =	slt.u32 s8, $0xFFFFF086  }
0x1c: {  	p1 =	slt.u32 s9, $0xF7A;
	s5 =	simm.s32 @!p2 $0x0  }
0x1d: {  	s5 =	simm.s32 @p1 $0x1;
	p0 =	seq.s32 s7, s2  }
0x1e: {  	s7 =	smul.u32 @!p0 $0xF7A, s2;
	p2 =	seq.s32 @!p0 s5, $0x0  }
0x1f: {  	s9 =	smul.u32 $0xF7A, s1;
	s8 =	simm.s32 @!p0 $0x1BF5;
	p2 =	por !p2, p0  }
0x20: {  	[sflag:s8] =	ssyncset.s32 @!p0 $0xFFFFF086;
	s6 =	sadd.s32 @!p0 s3, s7;
	s7 =	simm.s32 @!p0 $0x108  }
0x21: {  	s3 =	sadd.s32 s3, s9;
	s6 =	sadd.s32 @!p0 $0x88, s6;
	s7 =	simm.s32 @p2 $0x1082  }
0x22: {  	[simem:s7], [sflag:s8] =	dma.local @!p0 [hbm:s6], $0xF7A  }
0x23: {  	s9 =	sor.u32 $0xD0000000, s2;
	s6 =	simm.s32 $0x108;
	_ =	swait.ge @!p0 [sflag:s8], $0x0  }
0x24: {  	s3 =	sadd.s32 $0x88, s3;
	s6 =	simm.s32 @!p1 $0x1082;
	[sflag:s4] =	ssyncset.s32 $0xFFFFF086  }
0x25: {  	[simem:s6], [sflag:s4] =	dma.local [hbm:s3], $0xF7A  }
0x26: {  	[smem:$0x3F9F] =	sst s1;
	(tag) =	ssettag s2;
	_ =	strace s9  }
0x27: {  	s1 =	sld [smem:$0x3FAF]  }
0x28: {  	s2 =	sld [smem:$0x3FB0]  }
0x29: {  	s4 =	sld [smem:$0x3FB2]  }
0x2a: {  	p0 =	seq.s32 s5, $0x0;
	s5 =	sld [smem:$0x3FB3]  }
0x2b: {  	s6 =	sld [smem:$0x3FB4]  }
0x2c: {  	s7 =	sld [smem:$0x3FB5]  }
0x2d: {  	s3 =	simm.s32 $0x108;
	s8 =	sld [smem:$0x3FB6]  }
0x2e: {  	s3 =	simm.s32 @!p0 $0x1082;
	s9 =	sld [smem:$0x3FB7]  }
0x2f: {  	lr =	sadd.s32 s0, s3;
	s0 =	sld [smem:$0x3FAE]  }
0x30: {  	s3 =	sld [smem:$0x3FB1]  }
0x31: {  	[smem:$0x3FBA] =	sst s10  }
0x32: {  	s10 =	sld [smem:$0x3FB8];
	_ =	sdelay $0x3  }
0x33: {  	p0 =	seq.s32 s10, $0x1;
	s10 =	sld [smem:$0x3FBA];
	_ =	sdelay $0x3  }
0x34: {  	[smem:$0x3FBA] =	sst s10  }
0x35: {  	s10 =	sld [smem:$0x3FB9];
	_ =	sdelay $0x3  }
0x36: {  	p1 =	seq.s32 s10, $0x1;
	s10 =	sld [smem:$0x3FBA];
	_ =	sdelay $0x3  }
0x37: {  	[smem:$0x3FBA] =	sst s10  }
0x38: {  	s10 =	sld [smem:$0x3FBB]  }
0x39: {  	_ = 	snop;
	(pc) =	sbr.ind lr, $3  }
0x3a: {  	_ = 	snop  }
0x3b: {  	_ = 	snop  }
0x3c: {  	p2 =	seq.s32 s10, $0x1;
	s10 =	sld [smem:$0x3FBA]  }
0x3d: {  	_ =	shalt  }
0x3e: {  	_ =	shalt  }
0x3f: {  	_ =	shalt  }
0x40: {  	_ =	shalt  }
0x41: {  	_ =	shalt  }
0x42: {  	_ =	shalt  }
0x43: {  	_ =	shalt  }
0x44: {  	_ =	shalt  }
0x45: {  	_ =	shalt  }
0x46: {  	_ =	shalt  }
0x47: {  	_ =	shalt  }
0x48: {  	_ =	shalt  }
0x49: {  	_ =	shalt  }
0x4a: {  	_ =	shalt  }
0x4b: {  	_ =	shalt  }
0x4c: {  	_ =	shalt  }
0x4d: {  	_ =	shalt  }
0x4e: {  	_ =	shalt  }
0x4f: {  	_ =	shalt  }
0x50: {  	_ =	shalt  }
0x51: {  	_ =	shalt  }
0x52: {  	_ =	shalt  }
0x53: {  	_ =	shalt  }
0x54: {  	_ =	shalt  }
0x55: {  	_ =	shalt  }
0x56: {  	_ =	shalt  }
0x57: {  	_ =	shalt  }
0x58: {  	_ =	shalt  }
0x59: {  	_ =	shalt  }
0x5a: {  	_ =	shalt  }
0x5b: {  	_ =	shalt  }
0x5c: {  	_ =	shalt  }
0x5d: {  	_ =	shalt  }
0x5e: {  	_ =	shalt  }
0x5f: {  	_ =	shalt  }
0x60: {  	_ =	shalt  }
0x61: {  	_ =	shalt  }
0x62: {  	_ =	shalt  }
0x63: {  	_ =	shalt  }
0x64: {  	_ =	shalt  }
0x65: {  	_ =	shalt  }
0x66: {  	_ =	shalt  }
0x67: {  	_ =	shalt  }
0x68: {  	_ =	shalt  }
0x69: {  	_ =	shalt  }
0x6a: {  	_ =	shalt  }
0x6b: {  	_ =	shalt  }
0x6c: {  	_ =	shalt  }
0x6d: {  	_ =	shalt  }
0x6e: {  	_ =	shalt  }
0x6f: {  	_ =	shalt  }
0x70: {  	_ =	shalt  }
0x71: {  	_ =	shalt  }
0x72: {  	_ =	shalt  }
0x73: {  	_ =	shalt  }
0x74: {  	_ =	shalt  }
0x75: {  	_ =	shalt  }
0x76: {  	_ =	shalt  }
0x77: {  	_ =	shalt  }
0x78: {  	_ =	shalt  }
0x79: {  	_ =	shalt  }
0x7a: {  	_ =	shalt  }
0x7b: {  	_ =	shalt  }
0x7c: {  	_ =	shalt  }
0x7d: {  	_ =	shalt  }
0x7e: {  	_ =	shalt  }
0x7f: {  	_ =	shalt  }
0x80: {  	_ =	shalt  }
0x81: {  	_ =	shalt  }
0x82: {  	_ =	shalt  }
0x83: {  	_ =	shalt  }
0x84: {  	_ =	shalt  }
0x85: {  	_ =	shalt  }
0x86: {  	_ =	shalt  }
0x87: {  	_ =	shalt  }
.Lfunc_end0:
.L_simem_size_0:
called_computation_lowered:
.L_overlay_start_0:
0x88: {  	s2 =	sld [smem:$0x3FD9]  }
0x89: {  	s3 =	sld [smem:$0x3FFE];
	_ =	sdelay $0x1  }
0x8a: {  	s1 =	srdreg.scid  }
0x8b: {  	s0 =	sand.u32 $0x1, s1  }
0x8c: {  	s17 =	sshll.u32 s0, $0xA;
	s2 =	sadd.s32 s3, s2  }
0x8d: {  	s2 =	sadd.s32 s2, s17  }
0x8e: {  	[smem:$0x3FC6] =	sst s2  }
0x8f: {  	_ = 	snop  }
0x90: {  	s2 =	sld [smem:$0x3FC8]  }
0x91: {  	s18 =	sld [smem:$0x3FD0];
	(tm) =	ssettm $0x1  }
0x92: {  	s4 =	sld [smem:$0x3FFB];
	_ =	sdelay $0x3  }
0x93: {  	_ =	strace s4  }
0x94: {  	s4 =	sld [smem:$0x3FFC];
	_ =	sdelay $0x3  }
0x95: {  	_ =	strace s4  }
0x96: {  	s4 =	sld [smem:$0x3FFD];
	_ =	sdelay $0x3  }
0x97: {  	_ =	strace s4  }
0x98: {  	_ =	strace $0x8FFFFFFF  }
0x99: {  	s19 =	sld [smem:$0x3FDB];
	_ =	sdelay $0x1  }
0x9a: {  	s5 =	simm.s32 $_scs_section_size  }
0x9b: {  	s6 =	simm.s32 $_size__tile_overlayer_lowered;
	s7 =	simm.s32 $_tile_overlayer_lowered  }
0x9c: {  	s22 =	simm.s32 $0x1BFF;
	s21 =	sshll.u32 s7, $0x1;
	s4 =	sadd.s32 s5, s19  }
0x9d: {  	s8 =	simm.s32 $0x0;
	s20 =	sshll.u32 s6, $0x1;
	s6 =	sadd.s32 s21, s4  }
0x9e: {  	[timem:s8], [sflag:s22] =	dma.local [hbm:s6], s20  }
0x9f: {  	_ =	swait.ge [sflag:s22], s20  }
0xa0: {  	s5 =	ssub.s32 $0x0, s20;
	[sflag:s22] =	ssyncset.done $0x0  }
0xa1: {  	[sflag:s22] =	ssyncadd.s32 s5;
	_ =	sdelay $0x1  }
0xa2: {  	s23 =	simm.s32 $0x1B8B  }
0xa3: {  	_ =	swait.ge [sflag:s23], $0x1  }
0xa4: {  	[sflag:s23] =	ssyncset.done $0x0  }
0xa5: {  	s25 =	simm.s32 $0x1B8E;
	s24 =	sld [smem:$0x3FFE];
	[sflag:s23] =	ssyncadd.s32 $0xFFFFFFFF  }
0xa6: {  	s26 =	simm.s32 $execute0_lowered;
	[smem:$0x3FD2] =	sst s25  }
0xa7: {  	s6 =	sshll.u32 s26, $0x1;
	_ =	strace $0x80000046;
	[dreg:$0x1] =	wrdreg $0xFFFFFFFF  }
0xa8: {  	s28 =	simm.s32 $_size_execute0_lowered;
	s4 =	sadd.s32 s4, s6;
	[dreg:$0x0] =	wrdreg $0x0  }
0xa9: {  	s6 =	sshll.u32 s28, $0x1;
	[dreg:$0x2] =	wrdreg s4  }
0xaa: {  	[dreg:$0x3] =	wrdreg s6  }
0xab: {  	[dreg:$0x4] =	wrdreg $0xC0  }
0xac: {  	_ =	task [dreg:s8], $0x5FFFF  }
0xad: {  	[dreg:$0x1] =	wrdreg $0xFFFFFFFF  }
0xae: {  	[dreg:$0x0] =	wrdreg $0x60  }
0xaf: {  	[dreg:$0x2] =	wrdreg s2  }
0xb0: {  	[dreg:$0x3] =	wrdreg s24  }
0xb1: {  	[dreg:$0x4] =	wrdreg s18  }
0xb2: {  	[dreg:$0x5] =	wrdreg $0x9  }
0xb3: {  	_ =	task.clear_ibuf [dreg:s8], $0x6FFFF;
	_ =	strace $0x90000046  }
0xb4: {  	s29 =	simm.s32 $0x9;
	_ =	strace $0x80000048  }
0xb5: {  	_ =	swait.ge [sflag:s29], $0x1  }
0xb6: {  	[sflag:s29] =	ssyncadd.s32 $0xFFFFFFFF  }
0xb7: {  	_ =	strace $0x90000048  }
0xb8: {  	_ =	sfence  }
0xb9: {  	s30 =	sld [smem:$0x0];
	_ =	sdelay $0x2  }
0xba: {  	s31 =	sshll.u32 s1, $0xD;
	s1 =	sshrl.u32 s1, $0x2  }
0xbb: {  	s3 =	sand.u32 $0x4000, s31;
	s1 =	sadd.s32 s1, s30  }
0xbc: {  	s0 =	sor.u32 s3, s0;
	s1 =	sshll.u32 s1, $0x11  }
0xbd: {  	s0 =	sor.u32 s1, s0  }
0xbe: {  	s0 =	sadd.s32 $0x8F2B, s0  }
0xbf: {  	[sflag:s0] =	ssyncadd.remote.s32 $0x1  }
0xc0: {  	_ =	sfence.sel $0xFFFF  }
0xc1: {  	[dreg:$0x0] =	wrdreg $0xFFFFFFFF;
	(pc) =	sbr.abs _section_cstart, $3  }
0xc2: {  	[dreg:$0x1] =	wrdreg $0xFFFFFFFF  }
0xc3: {  	_ =	task.clear_ibuf [dreg:s8], $0x2FFFF;
	_ =	strace $0x9FFFFFFF  }
0xc4: {  	(tm) =	ssettm $0x7FFFFFFF  }
0xc5: {  	_ =	shalt  }
tec
execute0_lowered:
.L_overlay_start_1:
0x0: {  	(tag) =	ssettag $0x1  }
0x1: {  	s1 =	rddreg [dreg:$0x0]  }
0x2: {  	s0 =	rddreg [dreg:$0x1];
	s2 =	srdreg.scid  }
0x3: {  	s4 =	stileid.u32;
	s3 =	rddreg [dreg:$0x2];
	s5 =	simm.s32 $0x0  }
0x4: {  	s16 =	simm.s32 $0x80;
	s17 =	simm.s32 $0x400;
	s18 =	simm.s32 $0x1880  }
0x5: {  	s19 =	simm.s32 $0x8480;
	s20 =	simm.s32 $0xF080;
	s21 =	simm.s32 $0x8  }
0x6: {  	s22 =	simm.s32 $0x15C80;
	s23 =	simm.s32 $0x5;
	s24 =	simm.s32 $0x2  }
0x7: {  	s25 =	simm.s32 $0x6;
	s2 =	sand.u32 $0x1, s2;
	s4 =	sshll.u32 s4, $0x1  }
0x8: {  	[smem:$0x7FF] =	sst s5;
	s4 =	sor.u32 s2, s4;
	s2 =	ssub.s32 $0x2, s2  }
0x9: {  	s26 =	sshll.u32 s4, $0x8;
	s5 =	smul.u32 $0xC8, s4;
	s4 =	sshll.u32 s4, $0x4  }
0xa: {  	_ =	strace $0x80000047;
	s6 =	sadd.s32 s26, s0;
	s0 =	sadd.s32 s0, s4  }
.Ltmp0:
0xb: {  	s7 =	sadd.s32 $0x200, s6;
	[dreg:$0x7] =	wrdreg s0;
	(pc) =	sbr.rel .LBB2_1-.Ltmp0, $4  }
0xc: {  	s29 =	sshrl.u32 s2, $0x1;
	s30 =	sadd.s32 $0x2200, s6;
	[dreg:$0x4] =	wrdreg s7  }
0xd: {  	s2 =	ssub.s32 s2, s29;
	s6 =	sadd.s32 $0x4200, s6;
	[dreg:$0x5] =	wrdreg s30  }
0xe: {  	vm0 =	vmmov $0x1;
	s28 =	simm.s32 $0x7;
	s31 =	smax.u32 s2, $0x1;
	[dreg:$0x6] =	wrdreg s6  }
0xf: {  	vm1 =	vcmask $0x308;
	vm2 =	vcmask $0x70C;
	v0 =	vlaneseq.u32;
	s26 =	simm.s32 $0x3;
	s2 =	simm.s32 $0x0;
	[dreg:$0x8] =	wrdreg s31  }
.LBB2_39:
0x10: {  	[sflag:s21] =	ssyncadd.s32 $0xFFFF9400  }
.LBB2_40:
0x11: {  	s2 =	sadd.s32 $0x1, s2;
	s0 =	rddreg [dreg:$0x8]  }
0x12: {  	p0 =	sne.s32 s2, s0  }
.Ltmp1:
0x13: {  	_ = 	snop;
	(pc) =	sbr.rel @!p0 .LBB2_41-.Ltmp1, $1  }
0x14: {  	_ =	sdelay $0x3  }
.LBB2_1:
0x15: {  	[dreg:$0x9] =	wrdreg s2  }
0x16: {  	s0 =	simm.s32 $0x0;
	s15 =	rddreg [dreg:$0x4];
	s4 =	simm.s32 $0x9  }
0x17: {  	[tilespmem:s0], [sflag:$0x9] =	stream.linear.gather [hbm4b:s15+s0], $0x700, $0x38;
	[tilespmem:$0x1C880] =	vst v63  }
0x18: {  	_ =	swait.ge [sflag:s4], $0x700  }
0x19: {  	[sflag:s4] =	ssyncset.done $0x0  }
0x1a: {  	s6 =	simm.s32 $0x800;
	s29 =	rddreg [dreg:$0x5];
	[sflag:s4] =	ssyncadd.s32 $0xFFFFF900  }
0x1b: {  	[tilespmem:s6], [sflag:$0x9] =	stream.linear.gather [hbm4b:s29+s0], $0x700, $0x38;
	[tilespmem:$0x1C880] =	vst v63  }
0x1c: {  	_ =	swait.ge [sflag:s4], $0x700  }
0x1d: {  	[sflag:s4] =	ssyncset.done $0x0  }
0x1e: {  	s31 =	simm.s32 $0x1000;
	s30 =	rddreg [dreg:$0x6];
	[sflag:s4] =	ssyncadd.s32 $0xFFFFF900  }
0x1f: {  	[tilespmem:s31], [sflag:$0x9] =	stream.linear.gather [hbm4b:s30+s0], $0x680, $0x38;
	[tilespmem:$0x1C880] =	vst v63  }
0x20: {  	_ =	swait.ge [sflag:s4], $0x680  }
0x21: {  	[sflag:s4] =	ssyncset.done $0x0  }
0x22: {  	s7 =	simm.s32 $0x1800;
	s6 =	rddreg [dreg:$0x7];
	[sflag:s4] =	ssyncadd.s32 $0xFFFFF980  }
0x23: {  	[tilespmem:s7], [sflag:$0x9] =	stream.linear.gather [hbm4b:s6+s0], $0x80, $0x38;
	[tilespmem:$0x1C880] =	vst v63  }
0x24: {  	_ =	swait.ge [sflag:s4], $0x80  }
0x25: {  	[sflag:s4] =	ssyncset.done $0x0  }
0x26: {  	[sflag:s4] =	ssyncadd.s32 $0xFFFFFF80  }
0x27: {  	v1 =	vld [tilespmem:$0x1800]  }
0x28: {  	v2 =	vld [tilespmem:$0x0];
	_ =	sdelay $0x3  }
0x29: {  	v1 =	vnsel vm0, $0x0, v1  }
0x2a: {  	v2 =	vnsel vm0, $0x0, v2;
	v1 =	vxor.u32 $0x80000000, v1  }
0x2b: {  	(xrf0) =	vmax.scan.msk.u32 $0xffff, v1;
	v1 =	vxor.u32 $0x80000000, v2  }
0x2c: {  	(xrf0) =	vmax.scan.msk.u32 $0xffff, v1;
	_ =	sdelay $0x4  }
0x2d: {  	v1, _, _ =	vpop (xrf0)  }
0x2e: {  	(v2sf) =	vpush v1, $0xF;
	v1, _, _ =	vpop (xrf0)  }
0x2f: {  	(v2sf) =	vpush v1, $0xF;
	_ =	sdelay $0xd  }
0x30: {  	s8 =	spop (v2sf)  }
0x31: {  	s9 =	spop (v2sf)  }
0x32: {  	s10 =	sshrl.u32 s9, $0x3  }
0x33: {  	s2 =	sshll.u32 s9, $0x7;
	s4 =	smul.u32 $0x36000, s10  }
0x34: {  	s2 =	sand.u32 $0x380, s2  }
0x35: {  	s2 =	sor.u32 s2, s4  }
0x36: {  	s2 =	sshrl.u32 s2, $0x3  }
0x37: {  	s2 =	sadd.s32 s1, s2  }
0x38: {  	[tilespmem:s18], [sflag:$0x1] =	stream.strided.gather [hbm4b:s2+s16], $0x6C00, s17, s16, $0x38;
	[tilespmem:$0x1C880] =	vst v63  }
0x39: {  	v1 =	vld [tilespmem:$0x0];
	_ =	sdelay $0x4  }
0x3a: {  	v1 =	vsel vm1, $0x0, v1  }
0x3b: {  	v1 =	vxor.u32 $0x80000000, v1  }
0x3c: {  	(xrf0) =	vmax.scan.msk.u32 $0xffff, v1;
	_ =	sdelay $0x5  }
0x3d: {  	v1, _, _ =	vpop (xrf0)  }
0x3e: {  	(v2sf) =	vpush v1, $0xF;
	_ =	sdelay $0xe  }
0x3f: {  	s11 =	spop (v2sf)  }
0x40: {  	s12 =	sshrl.u32 s11, $0x3  }
0x41: {  	s2 =	sshll.u32 s11, $0x7;
	s4 =	smul.u32 $0x36000, s12  }
0x42: {  	s2 =	sand.u32 $0x380, s2  }
0x43: {  	s2 =	sor.u32 s2, s4  }
0x44: {  	s2 =	sshrl.u32 s2, $0x3  }
0x45: {  	s2 =	sadd.s32 s1, s2  }
0x46: {  	[tilespmem:s19], [sflag:$0x2] =	stream.strided.gather [hbm4b:s2+s16], $0x6C00, s17, s16, $0x38;
	[tilespmem:$0x1C880] =	vst v63  }
0x47: {  	v1 =	vld [tilespmem:$0x0];
	_ =	sdelay $0x4  }
0x48: {  	v1 =	vsel vm2, $0x0, v1  }
0x49: {  	v1 =	vxor.u32 $0x80000000, v1  }
0x4a: {  	(xrf0) =	vmax.scan.msk.u32 $0xffff, v1;
	_ =	sdelay $0x5  }
0x4b: {  	v1, _, _ =	vpop (xrf0)  }
0x4c: {  	(v2sf) =	vpush v1, $0xF;
	_ =	sdelay $0x9  }
0x4d: {  	s0 =	sadd.s32 $0x80000003, s8  }
0x4e: {  	s14 =	sand.u32 $0x3, s0  }
0x4f: {  	s13 =	sshra.s32 s0, $0x1F;
	p0 =	slt.s32 s0, $0x1;
	p1 =	sne.s32 s14, $0x0  }
0x50: {  	p0 =	por !p0, !p1;
	s2 =	sshrl.u32 s13, $0x1E  }
0x51: {  	s6 =	simm.s32 $0x1;
	p0 =	por !p0, !p0;
	s2 =	sadd.s32 s2, s0  }
0x52: {  	s6 =	simm.s32 @!p0 $0x0;
	s2 =	sshra.s32 s2, $0x2;
	s15 =	spop (v2sf)  }
0x53: {  	s2 =	ssub.s32 s2, s6;
	s29 =	sshrl.u32 s15, $0x3  }
0x54: {  	s31 =	sshll.u32 s2, $0x2;
	s30 =	sshll.u32 s15, $0x7;
	s0 =	smul.u32 $0x36000, s29  }
0x55: {  	p0 =	slt.s32 s31, $0x1;
	s4 =	sand.u32 $0x380, s30  }
.Ltmp2:
0x56: {  	s0 =	sor.u32 s4, s0;
	(pc) =	sbr.rel @p0 .LBB2_36-.Ltmp2, $4  }
0x57: {  	s0 =	sshrl.u32 s0, $0x3  }
0x58: {  	s0 =	sadd.s32 s1, s0  }
0x59: {  	[tilespmem:s20], [sflag:$0x3] =	stream.strided.gather [hbm4b:s0+s16], $0x6C00, s17, s16, $0x38;
	[tilespmem:$0x1C880] =	vst v63  }
0x5a: {  	s0 =	simm.s32 $0x0  }
.Ltmp3:
0x5b: {  	(pc) =	sbr.rel .LBB2_3-.Ltmp3, $4  }
0x5c: {  	_ = 	snop  }
0x5d: {  	s0 =	sand.u32 $0x3FFFFFFF, s2  }
0x5e: {  	s0 =	smax.u32 s0, $0x1  }
0x5f: {  	s2 =	simm.s32 $0x0;
	[dreg:$0xa] =	wrdreg s0;
	s0 =	simm.s32 $0x0  }
.LBB2_34:
0x60: {  	s7 =	sshrl.u32 s10, $0x1A  }
0x61: {  	s7 =	sadd.s32 s7, s4  }
0x62: {  	s8 =	sand.u32 $0xFFFFFFC0, s7  }
0x63: {  	p0 =	slt.s32 s4, $0x1;
	p1 =	sne.s32 s4, s8  }
0x64: {  	p0 =	por !p0, !p1  }
0x65: {  	s29 =	sshrl.u32 s4, $0x3;
	s8 =	simm.s32 $0x1;
	p0 =	por !p0, !p0  }
0x66: {  	s7 =	sshrl.u32 s7, $0x6;
	s4 =	sand.u32 $0x7, s29;
	s8 =	simm.s32 @!p0 $0x0  }
0x67: {  	s4 =	smul.u32 $0x36000, s4;
	s7 =	ssub.s32 s7, s8  }
0x68: {  	s30 =	sshll.u32 s9, $0x7;
	s7 =	smul.u32 $0x1B0000, s7  }
0x69: {  	s8 =	sadd.s32 $0x2000, s30  }
0x6a: {  	s31 =	sand.u32 $0x380, s8;
	s4 =	sadd.s32 s4, s7  }
0x6b: {  	s4 =	sor.u32 s31, s4  }
0x6c: {  	s4 =	sshrl.u32 s4, $0x3  }
0x6d: {  	s4 =	sadd.s32 s3, s4  }
0x6e: {  	[hbm4b:s4+s16] =	stream.strided.scatter [tilespmem:s22], [sflag:$0x8], $0x6C00, s17, s16, $0x38;
	[tilespmem:$0x1C880] =	vst v63  }
.LBB2_35:
0x6f: {  	s2 =	sadd.s32 $0x1, s2;
	s4 =	rddreg [dreg:$0xa]  }
0x70: {  	p0 =	sne.s32 s2, s4  }
.Ltmp4:
0x71: {  	_ = 	snop;
	(pc) =	sbr.rel @!p0 .LBB2_36-.Ltmp4, $2  }
0x72: {  	_ =	sdelay $0x2  }
0x73: {  	s0 =	ssub.s32 s6, s0  }
.LBB2_3:
0x74: {  	p0 =	slt.s32 s0, $0x1  }
.Ltmp5:
0x75: {  	_ = 	snop;
	(pc) =	sbr.rel @p0 .LBB2_7-.Ltmp5, $1  }
0x76: {  	_ =	sdelay $0x3  }
0x77: {  	p0 =	sne.s32 s0, $0x1  }
.Ltmp6:
0x78: {  	_ = 	snop;
	(pc) =	sbr.rel @!p0 .LBB2_6-.Ltmp6, $3  }
0x79: {  	_ =	sdelay $0x1  }
0x7a: {  	_ =	swait.ge [sflag:s21], $0x6C00  }
0x7b: {  	s0 =	sadd.s32 $0xFFFFFFFF, s0;
	[sflag:s21] =	ssyncset.done $0x0  }
.LBB2_5:
0x7c: {  	p0 =	sne.s32 s0, $0x1;
	s0 =	sadd.s32 $0xFFFFFFFF, s0;
	[sflag:s21] =	ssyncadd.s32 $0xFFFF9400  }
.Ltmp7:
0x7d: {  	(pc) =	sbr.rel @p0 .LBB2_5-.Ltmp7, $3  }
0x7e: {  	_ =	sdelay $0x1  }
0x7f: {  	_ =	swait.ge [sflag:s21], $0x6C00  }
0x80: {  	[sflag:s21] =	ssyncset.done $0x0  }
.LBB2_6:
0x81: {  	[sflag:s21] =	ssyncadd.s32 $0xFFFF9400  }
.LBB2_7:
0x82: {  	s12 =	sshll.u32 s2, $0x2  }
0x83: {  	s4 =	sshrl.u32 s12, $0x4;
	s0 =	sshra.s32 s12, $0x1F  }
0x84: {  	s7 =	sadd.s32 s0, s4  }
0x85: {  	s0 =	sshll.u32 s7, $0x7  }
0x86: {  	v1 =	vld [tilespmem:s0+$0x0];
	_ =	sdelay $0x1  }
0x87: {  	s6 =	sand.u32 $0xC, s12  }
0x88: {  	s8 =	sor.u32 $0x3, s6  }
0x89: {  	v2 =	vmov s8  }
0x8a: {  	vm3 =	veq.s32 v2, v0;
	v1 =	vxor.u32 $0x80000000, v1  }
0x8b: {  	v1 =	vnsel vm3, $0x80000000, v1  }
0x8c: {  	(xrf0) =	vmax.scan.msk.u32 $0xffff, v1;
	_ =	sdelay $0x5  }
0x8d: {  	v1, _, _ =	vpop (xrf0)  }
0x8e: {  	(v2sf) =	vpush v1, $0xF;
	_ =	sdelay $0xe  }
0x8f: {  	s29 =	spop (v2sf)  }
0x90: {  	s9 =	sshrl.u32 s29, $0x3  }
0x91: {  	s8 =	sshll.u32 s29, $0x7;
	s9 =	smul.u32 $0x36000, s9  }
0x92: {  	s8 =	sand.u32 $0x380, s8  }
0x93: {  	s8 =	sor.u32 s8, s9  }
0x94: {  	s8 =	sshrl.u32 s8, $0x3  }
0x95: {  	s30 =	simm.s32 $0x1;
	s8 =	sadd.s32 s1, s8  }
0x96: {  	[tilespmem:s22], [sflag:$0x4] =	stream.strided.gather [hbm4b:s8+s16], $0x6C00, s17, s16, $0x38;
	[tilespmem:$0x1C880] =	vst v63  }
0x97: {  	_ =	swait.ge [sflag:s30], $0x6C00  }
0x98: {  	s4 =	sshll.u32 s4, $0x9;
	[sflag:s30] =	ssyncset.done $0x0  }
0x99: {  	s4 =	sshra.s32 s4, $0x2;
	s7 =	sshll.u32 s7, $0x9;
	[sflag:s30] =	ssyncadd.s32 $0xFFFF9400  }
0x9a: {  	s14 =	sshra.s32 s7, $0x2;
	v1 =	vld [tilespmem:s4+$0x800]  }
0x9b: {  	v2 =	vld [tilespmem:s14+$0x800];
	_ =	sdelay $0x2  }
0x9c: {  	v3 =	vmov s6;
	s31 =	sor.u32 $0x1, s6  }
0x9d: {  	vm4 =	veq.s32 v3, v0;
	v3 =	vmov s31;
	v1 =	vxor.u32 $0x80000000, v1  }
0x9e: {  	vm5 =	veq.s32 v3, v0;
	v2 =	vxor.u32 $0x80000000, v2;
	v1 =	vnsel vm4, $0x80000000, v1  }
0x9f: {  	(xrf0) =	vmax.scan.msk.u32 $0xffff, v1;
	v1 =	vnsel vm5, $0x80000000, v2  }
0xa0: {  	(xrf0) =	vmax.scan.msk.u32 $0xffff, v1;
	_ =	sdelay $0x4  }
0xa1: {  	v1, _, _ =	vpop (xrf0)  }
0xa2: {  	(v2sf) =	vpush v1, $0xF;
	v1, _, _ =	vpop (xrf0)  }
0xa3: {  	(v2sf) =	vpush v1, $0xF;
	_ =	sdelay $0xd  }
0xa4: {  	s4 =	spop (v2sf)  }
0xa5: {  	s8 =	spop (v2sf)  }
0xa6: {  	s13 =	sxor.u32 $0x80000000, s4;
	s7 =	sxor.u32 $0x80000000, s8  }
0xa7: {  	p0 =	sle.s32 s7, s13  }
.Ltmp8:
0xa8: {  	_ = 	snop;
	(pc) =	sbr.rel @p0 .LBB2_11-.Ltmp8, $1  }
0xa9: {  	_ =	sdelay $0x3  }
0xaa: {  	s9 =	sadd.s32 $0x80000000, s4  }
0xab: {  	s10 =	sshra.s32 s9, $0x1F  }
0xac: {  	s10 =	sshrl.u32 s10, $0x1C  }
0xad: {  	s10 =	sadd.s32 s10, s9  }
0xae: {  	s11 =	sand.u32 $0xFFFFFFF0, s10  }
0xaf: {  	p0 =	slt.s32 s9, $0x1;
	p1 =	sne.s32 s9, s11  }
0xb0: {  	p0 =	por !p0, !p1  }
0xb1: {  	s11 =	simm.s32 $0x1;
	p0 =	por !p0, !p0  }
0xb2: {  	s10 =	sshrl.u32 s10, $0x4;
	s11 =	simm.s32 @!p0 $0x0  }
0xb3: {  	s10 =	ssub.s32 s10, s11  }
0xb4: {  	s10 =	sshll.u32 s10, $0x9  }
0xb5: {  	s10 =	sshra.s32 s10, $0x2  }
0xb6: {  	v1 =	vld [tilespmem:s10+$0x1000];
	_ =	sdelay $0x2  }
0xb7: {  	s9 =	sand.u32 $0xF, s9  }
0xb8: {  	v2 =	vmov s9  }
0xb9: {  	vm4 =	veq.s32 v2, v0;
	v1 =	vxor.u32 $0x80000000, v1  }
0xba: {  	v1 =	vnsel vm4, $0x80000000, v1  }
0xbb: {  	(xrf0) =	vmax.scan.msk.u32 $0xffff, v1;
	_ =	sdelay $0x5  }
0xbc: {  	v1, _, _ =	vpop (xrf0)  }
0xbd: {  	(v2sf) =	vpush v1, $0xF;
	_ =	sdelay $0xb  }
0xbe: {  	s9 =	sadd.s32 $0x1, s4  }
0xbf: {  	p0 =	sne.s32 s8, s9  }
.Ltmp9:
0xc0: {  	_ = 	snop;
	(pc) =	sbr.rel @!p0 .LBB2_10-.Ltmp9, $4  }
0xc1: {  	s31 =	spop (v2sf)  }
0xc2: {  	s10 =	sadd.s32 s31, s5  }
0xc3: {  	s4 =	sadd.s32 $0x80000000, s10  }
0xc4: {  	s11 =	sshra.s32 s4, $0x1F  }
.LBB2_9:
0xc5: {  	s30 =	sadd.s32 $0x80000000, s9;
	s11 =	sshrl.u32 s11, $0x1A;
	s9 =	sadd.s32 $0x1, s9  }
0xc6: {  	p2 =	slt.s32 s4, $0x1;
	s31 =	sshra.s32 s30, $0x1F;
	s11 =	sadd.s32 s11, s4  }
0xc7: {  	p1 =	slt.s32 s30, $0x1;
	s31 =	sshrl.u32 s31, $0x1C;
	s29 =	sand.u32 $0xFFFFFFC0, s11  }
0xc8: {  	s15 =	simm.s32 $0x1;
	s10 =	sshll.u32 s10, $0x7;
	p3 =	sne.s32 s4, s29  }
0xc9: {  	p0 =	sne.s32 s8, s9;
	s29 =	sadd.s32 s31, s30;
	p2 =	por !p2, !p3  }
0xca: {  	s4 =	sshrl.u32 s4, $0x3;
	s31 =	sand.u32 $0xFFFFFFF0, s29;
	p2 =	por !p2, !p2  }
0xcb: {  	s11 =	sshrl.u32 s11, $0x6;
	s4 =	sand.u32 $0x7, s4;
	s15 =	simm.s32 @!p2 $0x0  }
0xcc: {  	s4 =	smul.u32 $0x36000, s4;
	p2 =	sne.s32 s30, s31;
	s11 =	ssub.s32 s11, s15  }
0xcd: {  	s10 =	sadd.s32 $0x2000, s10;
	p1 =	por !p1, !p2;
	s11 =	smul.u32 $0x1B0000, s11  }
0xce: {  	s15 =	sshrl.u32 s29, $0x4;
	s29 =	simm.s32 $0x1;
	p1 =	por !p1, !p1  }
0xcf: {  	s10 =	sand.u32 $0x380, s10;
	s29 =	simm.s32 @!p1 $0x0;
	s4 =	sadd.s32 s4, s11  }
0xd0: {  	s11 =	ssub.s32 s15, s29;
	s4 =	sor.u32 s10, s4  }
0xd1: {  	s10 =	sshll.u32 s11, $0x9;
	s4 =	sshrl.u32 s4, $0x3  }
0xd2: {  	s10 =	sshra.s32 s10, $0x2;
	s4 =	sadd.s32 s3, s4  }
0xd3: {  	[hbm4b:s4+s16] =	stream.strided.scatter [tilespmem:s18], [sflag:$0x5], $0x6C00, s17, s16, $0x38;
	[tilespmem:$0x1C880] =	vst v63  }
0xd4: {  	v1 =	vld [tilespmem:s10+$0x1000];
	_ =	sdelay $0x2  }
0xd5: {  	s4 =	sand.u32 $0xF, s30  }
0xd6: {  	v2 =	vmov s4  }
0xd7: {  	vm4 =	veq.s32 v2, v0;
	v1 =	vxor.u32 $0x80000000, v1  }
0xd8: {  	v1 =	vnsel vm4, $0x80000000, v1  }
0xd9: {  	(xrf0) =	vmax.scan.msk.u32 $0xffff, v1;
	_ =	sdelay $0x5  }
0xda: {  	v1, _, _ =	vpop (xrf0)  }
0xdb: {  	(v2sf) =	vpush v1, $0xF;
	_ =	sdelay $0xd  }
.Ltmp10:
0xdc: {  	(pc) =	sbr.rel @p0 .LBB2_9-.Ltmp10, $4  }
0xdd: {  	s4 =	spop (v2sf)  }
0xde: {  	s10 =	sadd.s32 s4, s5  }
0xdf: {  	s4 =	sadd.s32 $0x80000000, s10  }
0xe0: {  	s11 =	sshra.s32 s4, $0x1F  }
.LBB2_10:
0xe1: {  	s8 =	sshrl.u32 s11, $0x1A  }
0xe2: {  	s8 =	sadd.s32 s8, s4  }
0xe3: {  	s9 =	sand.u32 $0xFFFFFFC0, s8  }
0xe4: {  	p0 =	slt.s32 s4, $0x1;
	p1 =	sne.s32 s4, s9  }
0xe5: {  	p0 =	por !p0, !p1  }
0xe6: {  	s29 =	sshrl.u32 s4, $0x3;
	s9 =	simm.s32 $0x1;
	p0 =	por !p0, !p0  }
0xe7: {  	s8 =	sshrl.u32 s8, $0x6;
	s4 =	sand.u32 $0x7, s29;
	s9 =	simm.s32 @!p0 $0x0  }
0xe8: {  	s4 =	smul.u32 $0x36000, s4;
	s8 =	ssub.s32 s8, s9  }
0xe9: {  	s30 =	sshll.u32 s10, $0x7;
	s8 =	smul.u32 $0x1B0000, s8  }
0xea: {  	s9 =	sadd.s32 $0x2000, s30  }
0xeb: {  	s31 =	sand.u32 $0x380, s9;
	s4 =	sadd.s32 s4, s8  }
0xec: {  	s4 =	sor.u32 s31, s4  }
0xed: {  	s4 =	sshrl.u32 s4, $0x3  }
0xee: {  	s4 =	sadd.s32 s3, s4  }
0xef: {  	[hbm4b:s4+s16] =	stream.strided.scatter [tilespmem:s18], [sflag:$0x5], $0x6C00, s17, s16, $0x38;
	[tilespmem:$0x1C880] =	vst v63  }
.LBB2_11:
0xf0: {  	s4 =	ssub.s32 s7, s13  }
0xf1: {  	p0 =	slt.s32 s4, $0x1  }
.Ltmp11:
0xf2: {  	_ = 	snop;
	(pc) =	sbr.rel @p0 .LBB2_15-.Ltmp11, $1  }
0xf3: {  	_ =	sdelay $0x3  }
0xf4: {  	p0 =	sne.s32 s4, $0x1  }
.Ltmp12:
0xf5: {  	_ = 	snop;
	(pc) =	sbr.rel @!p0 .LBB2_14-.Ltmp12, $3  }
0xf6: {  	_ =	sdelay $0x1  }
0xf7: {  	_ =	swait.ge [sflag:s23], $0x6C00  }
0xf8: {  	s4 =	sadd.s32 $0xFFFFFFFF, s4;
	[sflag:s23] =	ssyncset.done $0x0  }
.LBB2_13:
0xf9: {  	p0 =	sne.s32 s4, $0x1;
	s4 =	sadd.s32 $0xFFFFFFFF, s4;
	[sflag:s23] =	ssyncadd.s32 $0xFFFF9400  }
.Ltmp13:
0xfa: {  	(pc) =	sbr.rel @p0 .LBB2_13-.Ltmp13, $3  }
0xfb: {  	_ =	sdelay $0x1  }
0xfc: {  	_ =	swait.ge [sflag:s23], $0x6C00  }
0xfd: {  	[sflag:s23] =	ssyncset.done $0x0  }
.LBB2_14:
0xfe: {  	[sflag:s23] =	ssyncadd.s32 $0xFFFF9400  }
.LBB2_15:
0xff: {  	s4 =	sadd.s32 $0x4, s12  }
0x100: {  	s7 =	sshll.u32 s4, $0x3  }
0x101: {  	s13 =	sand.u32 $0xFFFFFF80, s7  }
0x102: {  	v1 =	vld [tilespmem:s13+$0x0];
	_ =	sdelay $0x2  }
0x103: {  	s4 =	sand.u32 $0xC, s4  }
0x104: {  	v2 =	vmov s4  }
0x105: {  	vm4 =	veq.s32 v2, v0;
	v1 =	vxor.u32 $0x80000000, v1  }
0x106: {  	v1 =	vnsel vm4, $0x80000000, v1  }
0x107: {  	(xrf0) =	vmax.scan.msk.u32 $0xffff, v1;
	_ =	sdelay $0x5  }
0x108: {  	v1, _, _ =	vpop (xrf0)  }
0x109: {  	(v2sf) =	vpush v1, $0xF;
	_ =	sdelay $0xe  }
0x10a: {  	s29 =	spop (v2sf)  }
0x10b: {  	s30 =	sshrl.u32 s29, $0x3  }
0x10c: {  	s4 =	sshll.u32 s29, $0x7;
	s7 =	smul.u32 $0x36000, s30  }
0x10d: {  	s4 =	sand.u32 $0x380, s4  }
0x10e: {  	s4 =	sor.u32 s4, s7  }
0x10f: {  	s4 =	sshrl.u32 s4, $0x3  }
0x110: {  	s4 =	sadd.s32 s1, s4  }
0x111: {  	[tilespmem:s18], [sflag:$0x1] =	stream.strided.gather [hbm4b:s4+s16], $0x6C00, s17, s16, $0x38;
	[tilespmem:$0x1C880] =	vst v63  }
0x112: {  	_ =	swait.ge [sflag:s24], $0x6C00  }
0x113: {  	[sflag:s24] =	ssyncset.done $0x0  }
0x114: {  	[sflag:s24] =	ssyncadd.s32 $0xFFFF9400  }
0x115: {  	v1 =	vld [tilespmem:s14+$0x800];
	_ =	sdelay $0x3  }
0x116: {  	s31 =	sor.u32 $0x2, s6  }
0x117: {  	v2 =	vmov s31;
	v1 =	vxor.u32 $0x80000000, v1  }
0x118: {  	v3 =	vnsel vm5, $0x80000000, v1;
	vm5 =	veq.s32 v2, v0  }
0x119: {  	(xrf0) =	vmax.scan.msk.u32 $0xffff, v3;
	v1 =	vnsel vm5, $0x80000000, v1  }
0x11a: {  	(xrf0) =	vmax.scan.msk.u32 $0xffff, v1;
	_ =	sdelay $0x4  }
0x11b: {  	v1, _, _ =	vpop (xrf0)  }
0x11c: {  	(v2sf) =	vpush v1, $0xF;
	v1, _, _ =	vpop (xrf0)  }
0x11d: {  	(v2sf) =	vpush v1, $0xF;
	_ =	sdelay $0xd  }
0x11e: {  	s4 =	spop (v2sf)  }
0x11f: {  	s8 =	spop (v2sf)  }
0x120: {  	s6 =	sxor.u32 $0x80000000, s4;
	s7 =	sxor.u32 $0x80000000, s8  }
0x121: {  	p0 =	sle.s32 s7, s6  }
.Ltmp14:
0x122: {  	_ = 	snop;
	(pc) =	sbr.rel @p0 .LBB2_19-.Ltmp14, $1  }
0x123: {  	_ =	sdelay $0x3  }
0x124: {  	s9 =	sadd.s32 $0x80000000, s4  }
0x125: {  	s10 =	sshra.s32 s9, $0x1F  }
0x126: {  	s10 =	sshrl.u32 s10, $0x1C  }
0x127: {  	s10 =	sadd.s32 s10, s9  }
0x128: {  	s11 =	sand.u32 $0xFFFFFFF0, s10  }
0x129: {  	p0 =	slt.s32 s9, $0x1;
	p1 =	sne.s32 s9, s11  }
0x12a: {  	p0 =	por !p0, !p1  }
0x12b: {  	s11 =	simm.s32 $0x1;
	p0 =	por !p0, !p0  }
0x12c: {  	s10 =	sshrl.u32 s10, $0x4;
	s11 =	simm.s32 @!p0 $0x0  }
0x12d: {  	s10 =	ssub.s32 s10, s11  }
0x12e: {  	s10 =	sshll.u32 s10, $0x9  }
0x12f: {  	s10 =	sshra.s32 s10, $0x2  }
0x130: {  	v1 =	vld [tilespmem:s10+$0x1000];
	_ =	sdelay $0x2  }
0x131: {  	s9 =	sand.u32 $0xF, s9  }
0x132: {  	v2 =	vmov s9  }
0x133: {  	vm6 =	veq.s32 v2, v0;
	v1 =	vxor.u32 $0x80000000, v1  }
0x134: {  	v1 =	vnsel vm6, $0x80000000, v1  }
0x135: {  	(xrf0) =	vmax.scan.msk.u32 $0xffff, v1;
	_ =	sdelay $0x5  }
0x136: {  	v1, _, _ =	vpop (xrf0)  }
0x137: {  	(v2sf) =	vpush v1, $0xF;
	_ =	sdelay $0xb  }
0x138: {  	s9 =	sadd.s32 $0x1, s4  }
0x139: {  	p0 =	sne.s32 s8, s9  }
.Ltmp15:
0x13a: {  	_ = 	snop;
	(pc) =	sbr.rel @!p0 .LBB2_18-.Ltmp15, $4  }
0x13b: {  	s31 =	spop (v2sf)  }
0x13c: {  	s10 =	sadd.s32 s31, s5  }
0x13d: {  	s4 =	sadd.s32 $0x80000000, s10  }
0x13e: {  	s11 =	sshra.s32 s4, $0x1F  }
.LBB2_17:
0x13f: {  	s15 =	sadd.s32 $0x80000000, s9;
	s11 =	sshrl.u32 s11, $0x1A;
	s9 =	sadd.s32 $0x1, s9  }
0x140: {  	p2 =	slt.s32 s4, $0x1;
	s29 =	sshra.s32 s15, $0x1F;
	s11 =	sadd.s32 s11, s4  }
0x141: {  	p1 =	slt.s32 s15, $0x1;
	s29 =	sshrl.u32 s29, $0x1C;
	s30 =	sand.u32 $0xFFFFFFC0, s11  }
0x142: {  	s31 =	simm.s32 $0x1;
	s10 =	sshll.u32 s10, $0x7;
	p3 =	sne.s32 s4, s30  }
0x143: {  	p0 =	sne.s32 s8, s9;
	s29 =	sadd.s32 s29, s15;
	p2 =	por !p2, !p3  }
0x144: {  	s4 =	sshrl.u32 s4, $0x3;
	s30 =	sand.u32 $0xFFFFFFF0, s29;
	p2 =	por !p2, !p2  }
0x145: {  	s11 =	sshrl.u32 s11, $0x6;
	s4 =	sand.u32 $0x7, s4;
	s31 =	simm.s32 @!p2 $0x0  }
0x146: {  	s4 =	smul.u32 $0x36000, s4;
	p2 =	sne.s32 s15, s30;
	s11 =	ssub.s32 s11, s31  }
0x147: {  	s10 =	sadd.s32 $0x2000, s10;
	p1 =	por !p1, !p2;
	s11 =	smul.u32 $0x1B0000, s11  }
0x148: {  	s29 =	sshrl.u32 s29, $0x4;
	s30 =	simm.s32 $0x1;
	p1 =	por !p1, !p1  }
0x149: {  	s10 =	sand.u32 $0x380, s10;
	s30 =	simm.s32 @!p1 $0x0;
	s4 =	sadd.s32 s4, s11  }
0x14a: {  	s11 =	ssub.s32 s29, s30;
	s4 =	sor.u32 s10, s4  }
0x14b: {  	s10 =	sshll.u32 s11, $0x9;
	s4 =	sshrl.u32 s4, $0x3  }
0x14c: {  	s10 =	sshra.s32 s10, $0x2;
	s4 =	sadd.s32 s3, s4  }
0x14d: {  	[hbm4b:s4+s16] =	stream.strided.scatter [tilespmem:s19], [sflag:$0x6], $0x6C00, s17, s16, $0x38;
	[tilespmem:$0x1C880] =	vst v63  }
0x14e: {  	v1 =	vld [tilespmem:s10+$0x1000];
	_ =	sdelay $0x2  }
0x14f: {  	s4 =	sand.u32 $0xF, s15  }
0x150: {  	v2 =	vmov s4  }
0x151: {  	vm6 =	veq.s32 v2, v0;
	v1 =	vxor.u32 $0x80000000, v1  }
0x152: {  	v1 =	vnsel vm6, $0x80000000, v1  }
0x153: {  	(xrf0) =	vmax.scan.msk.u32 $0xffff, v1;
	_ =	sdelay $0x5  }
0x154: {  	v1, _, _ =	vpop (xrf0)  }
0x155: {  	(v2sf) =	vpush v1, $0xF;
	_ =	sdelay $0xd  }
.Ltmp16:
0x156: {  	(pc) =	sbr.rel @p0 .LBB2_17-.Ltmp16, $4  }
0x157: {  	s4 =	spop (v2sf)  }
0x158: {  	s10 =	sadd.s32 s4, s5  }
0x159: {  	s4 =	sadd.s32 $0x80000000, s10  }
0x15a: {  	s11 =	sshra.s32 s4, $0x1F  }
.LBB2_18:
0x15b: {  	s8 =	sshrl.u32 s11, $0x1A  }
0x15c: {  	s8 =	sadd.s32 s8, s4  }
0x15d: {  	s9 =	sand.u32 $0xFFFFFFC0, s8  }
0x15e: {  	p0 =	slt.s32 s4, $0x1;
	p1 =	sne.s32 s4, s9  }
0x15f: {  	p0 =	por !p0, !p1  }
0x160: {  	s29 =	sshrl.u32 s4, $0x3;
	s9 =	simm.s32 $0x1;
	p0 =	por !p0, !p0  }
0x161: {  	s8 =	sshrl.u32 s8, $0x6;
	s4 =	sand.u32 $0x7, s29;
	s9 =	simm.s32 @!p0 $0x0  }
0x162: {  	s4 =	smul.u32 $0x36000, s4;
	s8 =	ssub.s32 s8, s9  }
0x163: {  	s30 =	sshll.u32 s10, $0x7;
	s8 =	smul.u32 $0x1B0000, s8  }
0x164: {  	s9 =	sadd.s32 $0x2000, s30  }
0x165: {  	s31 =	sand.u32 $0x380, s9;
	s4 =	sadd.s32 s4, s8  }
0x166: {  	s4 =	sor.u32 s31, s4  }
0x167: {  	s4 =	sshrl.u32 s4, $0x3  }
0x168: {  	s4 =	sadd.s32 s3, s4  }
0x169: {  	[hbm4b:s4+s16] =	stream.strided.scatter [tilespmem:s19], [sflag:$0x6], $0x6C00, s17, s16, $0x38;
	[tilespmem:$0x1C880] =	vst v63  }
.LBB2_19:
0x16a: {  	s4 =	ssub.s32 s7, s6  }
0x16b: {  	p0 =	slt.s32 s4, $0x1  }
.Ltmp17:
0x16c: {  	_ = 	snop;
	(pc) =	sbr.rel @p0 .LBB2_23-.Ltmp17, $1  }
0x16d: {  	_ =	sdelay $0x3  }
0x16e: {  	p0 =	sne.s32 s4, $0x1  }
.Ltmp18:
0x16f: {  	_ = 	snop;
	(pc) =	sbr.rel @!p0 .LBB2_22-.Ltmp18, $3  }
0x170: {  	_ =	sdelay $0x1  }
0x171: {  	_ =	swait.ge [sflag:s25], $0x6C00  }
0x172: {  	s4 =	sadd.s32 $0xFFFFFFFF, s4;
	[sflag:s25] =	ssyncset.done $0x0  }
.LBB2_21:
0x173: {  	p0 =	sne.s32 s4, $0x1;
	s4 =	sadd.s32 $0xFFFFFFFF, s4;
	[sflag:s25] =	ssyncadd.s32 $0xFFFF9400  }
.Ltmp19:
0x174: {  	(pc) =	sbr.rel @p0 .LBB2_21-.Ltmp19, $3  }
0x175: {  	_ =	sdelay $0x1  }
0x176: {  	_ =	swait.ge [sflag:s25], $0x6C00  }
0x177: {  	[sflag:s25] =	ssyncset.done $0x0  }
.LBB2_22:
0x178: {  	[sflag:s25] =	ssyncadd.s32 $0xFFFF9400  }
.LBB2_23:
0x179: {  	s4 =	sadd.s32 $0x5, s12  }
0x17a: {  	s6 =	sshrl.u32 s4, $0x4;
	s7 =	sshra.s32 s4, $0x1F  }
0x17b: {  	s6 =	sadd.s32 s7, s6  }
0x17c: {  	s6 =	sshll.u32 s6, $0x9  }
0x17d: {  	s6 =	sshra.s32 s6, $0x2  }
0x17e: {  	v1 =	vld [tilespmem:s6+$0x0];
	_ =	sdelay $0x2  }
0x17f: {  	s4 =	sand.u32 $0xD, s4  }
0x180: {  	v2 =	vmov s4  }
0x181: {  	vm6 =	veq.s32 v2, v0;
	v1 =	vxor.u32 $0x80000000, v1  }
0x182: {  	v1 =	vnsel vm6, $0x80000000, v1  }
0x183: {  	(xrf0) =	vmax.scan.msk.u32 $0xffff, v1;
	_ =	sdelay $0x5  }
0x184: {  	v1, _, _ =	vpop (xrf0)  }
0x185: {  	(v2sf) =	vpush v1, $0xF;
	_ =	sdelay $0xe  }
0x186: {  	s30 =	spop (v2sf)  }
0x187: {  	s31 =	sshrl.u32 s30, $0x3  }
0x188: {  	s4 =	sshll.u32 s30, $0x7;
	s6 =	smul.u32 $0x36000, s31  }
0x189: {  	s4 =	sand.u32 $0x380, s4  }
0x18a: {  	s4 =	sor.u32 s4, s6  }
0x18b: {  	s4 =	sshrl.u32 s4, $0x3  }
0x18c: {  	s4 =	sadd.s32 s1, s4  }
0x18d: {  	[tilespmem:s19], [sflag:$0x2] =	stream.strided.gather [hbm4b:s4+s16], $0x6C00, s17, s16, $0x38;
	[tilespmem:$0x1C880] =	vst v63  }
0x18e: {  	_ =	swait.ge [sflag:s26], $0x6C00  }
0x18f: {  	[sflag:s26] =	ssyncset.done $0x0  }
0x190: {  	[sflag:s26] =	ssyncadd.s32 $0xFFFF9400  }
0x191: {  	v1 =	vld [tilespmem:s14+$0x800];
	_ =	sdelay $0x4  }
0x192: {  	v1 =	vxor.u32 $0x80000000, v1  }
0x193: {  	v2 =	vnsel vm5, $0x80000000, v1  }
0x194: {  	v1 =	vnsel vm3, $0x80000000, v1;
	(xrf0) =	vmax.scan.msk.u32 $0xffff, v2  }
0x195: {  	(xrf0) =	vmax.scan.msk.u32 $0xffff, v1;
	_ =	sdelay $0x4  }
0x196: {  	v1, _, _ =	vpop (xrf0)  }
0x197: {  	(v2sf) =	vpush v1, $0xF;
	v1, _, _ =	vpop (xrf0)  }
0x198: {  	(v2sf) =	vpush v1, $0xF;
	_ =	sdelay $0xd  }
0x199: {  	s4 =	spop (v2sf)  }
0x19a: {  	s8 =	spop (v2sf)  }
0x19b: {  	s6 =	sxor.u32 $0x80000000, s4;
	s7 =	sxor.u32 $0x80000000, s8  }
0x19c: {  	p0 =	sle.s32 s7, s6  }
.Ltmp20:
0x19d: {  	_ = 	snop;
	(pc) =	sbr.rel @p0 .LBB2_27-.Ltmp20, $1  }
0x19e: {  	_ =	sdelay $0x3  }
0x19f: {  	s9 =	sadd.s32 $0x80000000, s4  }
0x1a0: {  	s10 =	sshra.s32 s9, $0x1F  }
0x1a1: {  	s10 =	sshrl.u32 s10, $0x1C  }
0x1a2: {  	s10 =	sadd.s32 s10, s9  }
0x1a3: {  	s11 =	sand.u32 $0xFFFFFFF0, s10  }
0x1a4: {  	p0 =	slt.s32 s9, $0x1;
	p1 =	sne.s32 s9, s11  }
0x1a5: {  	p0 =	por !p0, !p1  }
0x1a6: {  	s11 =	simm.s32 $0x1;
	p0 =	por !p0, !p0  }
0x1a7: {  	s10 =	sshrl.u32 s10, $0x4;
	s11 =	simm.s32 @!p0 $0x0  }
0x1a8: {  	s10 =	ssub.s32 s10, s11  }
0x1a9: {  	s10 =	sshll.u32 s10, $0x9  }
0x1aa: {  	s10 =	sshra.s32 s10, $0x2  }
0x1ab: {  	v1 =	vld [tilespmem:s10+$0x1000];
	_ =	sdelay $0x2  }
0x1ac: {  	s9 =	sand.u32 $0xF, s9  }
0x1ad: {  	v2 =	vmov s9  }
0x1ae: {  	vm5 =	veq.s32 v2, v0;
	v1 =	vxor.u32 $0x80000000, v1  }
0x1af: {  	v1 =	vnsel vm5, $0x80000000, v1  }
0x1b0: {  	(xrf0) =	vmax.scan.msk.u32 $0xffff, v1;
	_ =	sdelay $0x5  }
0x1b1: {  	v1, _, _ =	vpop (xrf0)  }
0x1b2: {  	(v2sf) =	vpush v1, $0xF;
	_ =	sdelay $0xb  }
0x1b3: {  	s9 =	sadd.s32 $0x1, s4  }
0x1b4: {  	p0 =	sne.s32 s8, s9  }
.Ltmp21:
0x1b5: {  	_ = 	snop;
	(pc) =	sbr.rel @!p0 .LBB2_26-.Ltmp21, $4  }
0x1b6: {  	s31 =	spop (v2sf)  }
0x1b7: {  	s10 =	sadd.s32 s31, s5  }
0x1b8: {  	s4 =	sadd.s32 $0x80000000, s10  }
0x1b9: {  	s11 =	sshra.s32 s4, $0x1F  }
.LBB2_25:
0x1ba: {  	s14 =	sadd.s32 $0x80000000, s9;
	s11 =	sshrl.u32 s11, $0x1A;
	s9 =	sadd.s32 $0x1, s9  }
0x1bb: {  	p2 =	slt.s32 s4, $0x1;
	s15 =	sshra.s32 s14, $0x1F;
	s11 =	sadd.s32 s11, s4  }
0x1bc: {  	p1 =	slt.s32 s14, $0x1;
	s15 =	sshrl.u32 s15, $0x1C;
	s29 =	sand.u32 $0xFFFFFFC0, s11  }
0x1bd: {  	s30 =	simm.s32 $0x1;
	s10 =	sshll.u32 s10, $0x7;
	p3 =	sne.s32 s4, s29  }
0x1be: {  	p0 =	sne.s32 s8, s9;
	s15 =	sadd.s32 s15, s14;
	p2 =	por !p2, !p3  }
0x1bf: {  	s4 =	sshrl.u32 s4, $0x3;
	s29 =	sand.u32 $0xFFFFFFF0, s15;
	p2 =	por !p2, !p2  }
0x1c0: {  	s11 =	sshrl.u32 s11, $0x6;
	s4 =	sand.u32 $0x7, s4;
	s30 =	simm.s32 @!p2 $0x0  }
0x1c1: {  	s4 =	smul.u32 $0x36000, s4;
	p2 =	sne.s32 s14, s29;
	s11 =	ssub.s32 s11, s30  }
0x1c2: {  	s10 =	sadd.s32 $0x2000, s10;
	p1 =	por !p1, !p2;
	s11 =	smul.u32 $0x1B0000, s11  }
0x1c3: {  	s15 =	sshrl.u32 s15, $0x4;
	s29 =	simm.s32 $0x1;
	p1 =	por !p1, !p1  }
0x1c4: {  	s10 =	sand.u32 $0x380, s10;
	s29 =	simm.s32 @!p1 $0x0;
	s4 =	sadd.s32 s4, s11  }
0x1c5: {  	s11 =	ssub.s32 s15, s29;
	s4 =	sor.u32 s10, s4  }
0x1c6: {  	s10 =	sshll.u32 s11, $0x9;
	s4 =	sshrl.u32 s4, $0x3  }
0x1c7: {  	s10 =	sshra.s32 s10, $0x2;
	s4 =	sadd.s32 s3, s4  }
0x1c8: {  	[hbm4b:s4+s16] =	stream.strided.scatter [tilespmem:s20], [sflag:$0x7], $0x6C00, s17, s16, $0x38;
	[tilespmem:$0x1C880] =	vst v63  }
0x1c9: {  	v1 =	vld [tilespmem:s10+$0x1000];
	_ =	sdelay $0x2  }
0x1ca: {  	s4 =	sand.u32 $0xF, s14  }
0x1cb: {  	v2 =	vmov s4  }
0x1cc: {  	vm5 =	veq.s32 v2, v0;
	v1 =	vxor.u32 $0x80000000, v1  }
0x1cd: {  	v1 =	vnsel vm5, $0x80000000, v1  }
0x1ce: {  	(xrf0) =	vmax.scan.msk.u32 $0xffff, v1;
	_ =	sdelay $0x5  }
0x1cf: {  	v1, _, _ =	vpop (xrf0)  }
0x1d0: {  	(v2sf) =	vpush v1, $0xF;
	_ =	sdelay $0xd  }
.Ltmp22:
0x1d1: {  	(pc) =	sbr.rel @p0 .LBB2_25-.Ltmp22, $4  }
0x1d2: {  	s4 =	spop (v2sf)  }
0x1d3: {  	s10 =	sadd.s32 s4, s5  }
0x1d4: {  	s4 =	sadd.s32 $0x80000000, s10  }
0x1d5: {  	s11 =	sshra.s32 s4, $0x1F  }
.LBB2_26:
0x1d6: {  	s8 =	sshrl.u32 s11, $0x1A  }
0x1d7: {  	s8 =	sadd.s32 s8, s4  }
0x1d8: {  	s9 =	sand.u32 $0xFFFFFFC0, s8  }
0x1d9: {  	p0 =	slt.s32 s4, $0x1;
	p1 =	sne.s32 s4, s9  }
0x1da: {  	p0 =	por !p0, !p1  }
0x1db: {  	s29 =	sshrl.u32 s4, $0x3;
	s9 =	simm.s32 $0x1;
	p0 =	por !p0, !p0  }
0x1dc: {  	s8 =	sshrl.u32 s8, $0x6;
	s4 =	sand.u32 $0x7, s29;
	s9 =	simm.s32 @!p0 $0x0  }
0x1dd: {  	s4 =	smul.u32 $0x36000, s4;
	s8 =	ssub.s32 s8, s9  }
0x1de: {  	s30 =	sshll.u32 s10, $0x7;
	s8 =	smul.u32 $0x1B0000, s8  }
0x1df: {  	s9 =	sadd.s32 $0x2000, s30  }
0x1e0: {  	s31 =	sand.u32 $0x380, s9;
	s4 =	sadd.s32 s4, s8  }
0x1e1: {  	s4 =	sor.u32 s31, s4  }
0x1e2: {  	s4 =	sshrl.u32 s4, $0x3  }
0x1e3: {  	s4 =	sadd.s32 s3, s4  }
0x1e4: {  	[hbm4b:s4+s16] =	stream.strided.scatter [tilespmem:s20], [sflag:$0x7], $0x6C00, s17, s16, $0x38;
	[tilespmem:$0x1C880] =	vst v63  }
.LBB2_27:
0x1e5: {  	s4 =	ssub.s32 s7, s6  }
0x1e6: {  	p0 =	slt.s32 s4, $0x1  }
.Ltmp23:
0x1e7: {  	_ = 	snop;
	(pc) =	sbr.rel @p0 .LBB2_31-.Ltmp23, $1  }
0x1e8: {  	_ =	sdelay $0x3  }
0x1e9: {  	p0 =	sne.s32 s4, $0x1  }
.Ltmp24:
0x1ea: {  	_ = 	snop;
	(pc) =	sbr.rel @!p0 .LBB2_30-.Ltmp24, $3  }
0x1eb: {  	_ =	sdelay $0x1  }
0x1ec: {  	_ =	swait.ge [sflag:s28], $0x6C00  }
0x1ed: {  	s4 =	sadd.s32 $0xFFFFFFFF, s4;
	[sflag:s28] =	ssyncset.done $0x0  }
.LBB2_29:
0x1ee: {  	p0 =	sne.s32 s4, $0x1;
	s4 =	sadd.s32 $0xFFFFFFFF, s4;
	[sflag:s28] =	ssyncadd.s32 $0xFFFF9400  }
.Ltmp25:
0x1ef: {  	(pc) =	sbr.rel @p0 .LBB2_29-.Ltmp25, $3  }
0x1f0: {  	_ =	sdelay $0x1  }
0x1f1: {  	_ =	swait.ge [sflag:s28], $0x6C00  }
0x1f2: {  	[sflag:s28] =	ssyncset.done $0x0  }
.LBB2_30:
0x1f3: {  	[sflag:s28] =	ssyncadd.s32 $0xFFFF9400  }
.LBB2_31:
0x1f4: {  	s4 =	sadd.s32 $0x6, s12  }
0x1f5: {  	s6 =	sshrl.u32 s4, $0x4;
	s7 =	sshra.s32 s4, $0x1F  }
0x1f6: {  	s6 =	sadd.s32 s7, s6  }
0x1f7: {  	s6 =	sshll.u32 s6, $0x9  }
0x1f8: {  	s6 =	sshra.s32 s6, $0x2  }
0x1f9: {  	v1 =	vld [tilespmem:s6+$0x0];
	_ =	sdelay $0x2  }
0x1fa: {  	s4 =	sand.u32 $0xE, s4  }
0x1fb: {  	v2 =	vmov s4  }
0x1fc: {  	vm5 =	veq.s32 v2, v0;
	v1 =	vxor.u32 $0x80000000, v1  }
0x1fd: {  	v1 =	vnsel vm5, $0x80000000, v1  }
0x1fe: {  	(xrf0) =	vmax.scan.msk.u32 $0xffff, v1;
	_ =	sdelay $0x5  }
0x1ff: {  	v1, _, _ =	vpop (xrf0)  }
0x200: {  	(v2sf) =	vpush v1, $0xF;
	_ =	sdelay $0xe  }
0x201: {  	s29 =	spop (v2sf)  }
0x202: {  	s30 =	sshrl.u32 s29, $0x3  }
0x203: {  	s4 =	sshll.u32 s29, $0x7;
	s6 =	smul.u32 $0x36000, s30  }
0x204: {  	s4 =	sand.u32 $0x380, s4  }
0x205: {  	s4 =	sor.u32 s4, s6  }
0x206: {  	s4 =	sshrl.u32 s4, $0x3  }
0x207: {  	s31 =	simm.s32 $0x4;
	s4 =	sadd.s32 s1, s4  }
0x208: {  	[tilespmem:s20], [sflag:$0x3] =	stream.strided.gather [hbm4b:s4+s16], $0x6C00, s17, s16, $0x38;
	[tilespmem:$0x1C880] =	vst v63  }
0x209: {  	_ =	swait.ge [sflag:s31], $0x6C00  }
0x20a: {  	[sflag:s31] =	ssyncset.done $0x0  }
0x20b: {  	[sflag:s31] =	ssyncadd.s32 $0xFFFF9400  }
0x20c: {  	v1 =	vld [tilespmem:s0+$0x800]  }
0x20d: {  	v2 =	vld [tilespmem:s13+$0x800];
	_ =	sdelay $0x3  }
0x20e: {  	v1 =	vxor.u32 $0x80000000, v1  }
0x20f: {  	v2 =	vxor.u32 $0x80000000, v2;
	v1 =	vnsel vm3, $0x80000000, v1  }
0x210: {  	(xrf0) =	vmax.scan.msk.u32 $0xffff, v1;
	v1 =	vnsel vm4, $0x80000000, v2  }
0x211: {  	(xrf0) =	vmax.scan.msk.u32 $0xffff, v1;
	_ =	sdelay $0x4  }
0x212: {  	v1, _, _ =	vpop (xrf0)  }
0x213: {  	(v2sf) =	vpush v1, $0xF;
	v1, _, _ =	vpop (xrf0)  }
0x214: {  	(v2sf) =	vpush v1, $0xF;
	_ =	sdelay $0xd  }
0x215: {  	s4 =	spop (v2sf)  }
0x216: {  	s7 =	spop (v2sf)  }
0x217: {  	s0 =	sxor.u32 $0x80000000, s4;
	s6 =	sxor.u32 $0x80000000, s7  }
0x218: {  	p0 =	sle.s32 s6, s0  }
.Ltmp26:
0x219: {  	_ = 	snop;
	(pc) =	sbr.rel @p0 .LBB2_35-.Ltmp26, $1  }
0x21a: {  	_ =	sdelay $0x3  }
0x21b: {  	s8 =	sadd.s32 $0x80000000, s4  }
0x21c: {  	s9 =	sshra.s32 s8, $0x1F  }
0x21d: {  	s9 =	sshrl.u32 s9, $0x1C  }
0x21e: {  	s9 =	sadd.s32 s9, s8  }
0x21f: {  	s10 =	sand.u32 $0xFFFFFFF0, s9  }
0x220: {  	p0 =	slt.s32 s8, $0x1;
	p1 =	sne.s32 s8, s10  }
0x221: {  	p0 =	por !p0, !p1  }
0x222: {  	s10 =	simm.s32 $0x1;
	p0 =	por !p0, !p0  }
0x223: {  	s9 =	sshrl.u32 s9, $0x4;
	s10 =	simm.s32 @!p0 $0x0  }
0x224: {  	s9 =	ssub.s32 s9, s10  }
0x225: {  	s9 =	sshll.u32 s9, $0x9  }
0x226: {  	s9 =	sshra.s32 s9, $0x2  }
0x227: {  	v1 =	vld [tilespmem:s9+$0x1000];
	_ =	sdelay $0x2  }
0x228: {  	s8 =	sand.u32 $0xF, s8  }
0x229: {  	v2 =	vmov s8  }
0x22a: {  	vm3 =	veq.s32 v2, v0;
	v1 =	vxor.u32 $0x80000000, v1  }
0x22b: {  	v1 =	vnsel vm3, $0x80000000, v1  }
0x22c: {  	(xrf0) =	vmax.scan.msk.u32 $0xffff, v1;
	_ =	sdelay $0x5  }
0x22d: {  	v1, _, _ =	vpop (xrf0)  }
0x22e: {  	(v2sf) =	vpush v1, $0xF;
	_ =	sdelay $0xb  }
0x22f: {  	s8 =	sadd.s32 $0x1, s4  }
0x230: {  	p0 =	sne.s32 s7, s8  }
.Ltmp27:
0x231: {  	_ = 	snop;
	(pc) =	sbr.rel @!p0 .LBB2_34-.Ltmp27, $4  }
0x232: {  	s31 =	spop (v2sf)  }
0x233: {  	s9 =	sadd.s32 s31, s5  }
0x234: {  	s4 =	sadd.s32 $0x80000000, s9  }
0x235: {  	s10 =	sshra.s32 s4, $0x1F  }
.LBB2_33:
0x236: {  	s11 =	sadd.s32 $0x80000000, s8;
	s10 =	sshrl.u32 s10, $0x1A;
	s8 =	sadd.s32 $0x1, s8  }
0x237: {  	p2 =	slt.s32 s4, $0x1;
	s12 =	sshra.s32 s11, $0x1F;
	s10 =	sadd.s32 s10, s4  }
0x238: {  	p1 =	slt.s32 s11, $0x1;
	s12 =	sshrl.u32 s12, $0x1C;
	s13 =	sand.u32 $0xFFFFFFC0, s10  }
0x239: {  	s14 =	simm.s32 $0x1;
	s9 =	sshll.u32 s9, $0x7;
	p3 =	sne.s32 s4, s13  }
0x23a: {  	p0 =	sne.s32 s7, s8;
	s12 =	sadd.s32 s12, s11;
	p2 =	por !p2, !p3  }
0x23b: {  	s4 =	sshrl.u32 s4, $0x3;
	s13 =	sand.u32 $0xFFFFFFF0, s12;
	p2 =	por !p2, !p2  }
0x23c: {  	s10 =	sshrl.u32 s10, $0x6;
	s4 =	sand.u32 $0x7, s4;
	s14 =	simm.s32 @!p2 $0x0  }
0x23d: {  	s4 =	smul.u32 $0x36000, s4;
	p2 =	sne.s32 s11, s13;
	s10 =	ssub.s32 s10, s14  }
0x23e: {  	s9 =	sadd.s32 $0x2000, s9;
	p1 =	por !p1, !p2;
	s10 =	smul.u32 $0x1B0000, s10  }
0x23f: {  	s12 =	sshrl.u32 s12, $0x4;
	s13 =	simm.s32 $0x1;
	p1 =	por !p1, !p1  }
0x240: {  	s9 =	sand.u32 $0x380, s9;
	s13 =	simm.s32 @!p1 $0x0;
	s4 =	sadd.s32 s4, s10  }
0x241: {  	s10 =	ssub.s32 s12, s13;
	s4 =	sor.u32 s9, s4  }
0x242: {  	s9 =	sshll.u32 s10, $0x9;
	s4 =	sshrl.u32 s4, $0x3  }
0x243: {  	s9 =	sshra.s32 s9, $0x2;
	s4 =	sadd.s32 s3, s4  }
0x244: {  	[hbm4b:s4+s16] =	stream.strided.scatter [tilespmem:s22], [sflag:$0x8], $0x6C00, s17, s16, $0x38;
	[tilespmem:$0x1C880] =	vst v63  }
0x245: {  	v1 =	vld [tilespmem:s9+$0x1000];
	_ =	sdelay $0x2  }
0x246: {  	s4 =	sand.u32 $0xF, s11  }
0x247: {  	v2 =	vmov s4  }
0x248: {  	vm3 =	veq.s32 v2, v0;
	v1 =	vxor.u32 $0x80000000, v1  }
0x249: {  	v1 =	vnsel vm3, $0x80000000, v1  }
0x24a: {  	(xrf0) =	vmax.scan.msk.u32 $0xffff, v1;
	_ =	sdelay $0x5  }
0x24b: {  	v1, _, _ =	vpop (xrf0)  }
0x24c: {  	(v2sf) =	vpush v1, $0xF;
	_ =	sdelay $0xd  }
.Ltmp28:
0x24d: {  	(pc) =	sbr.rel @p0 .LBB2_33-.Ltmp28, $4  }
0x24e: {  	s4 =	spop (v2sf)  }
0x24f: {  	s9 =	sadd.s32 s4, s5  }
0x250: {  	s4 =	sadd.s32 $0x80000000, s9  }
0x251: {  	s10 =	sshra.s32 s4, $0x1F  }
.Ltmp29:
0x252: {  	_ = 	snop;
	(pc) =	sbr.rel .LBB2_34-.Ltmp29, $1  }
0x253: {  	_ =	sdelay $0x3  }
.LBB2_36:
0x254: {  	s2 =	simm.s32 $0x1  }
0x255: {  	_ =	swait.ge [sflag:s2], $0x6C00  }
0x256: {  	[sflag:s2] =	ssyncset.done $0x0  }
0x257: {  	[sflag:s2] =	ssyncadd.s32 $0xFFFF9400  }
0x258: {  	p0 =	slt.s32 s0, $0x1;
	_ =	swait.ge [sflag:s24], $0x6C00  }
.Ltmp30:
0x259: {  	[sflag:s24] =	ssyncset.done $0x0;
	(pc) =	sbr.rel @p0 .LBB2_40-.Ltmp30, $4  }
0x25a: {  	[sflag:s24] =	ssyncadd.s32 $0xFFFF9400  }
0x25b: {  	_ =	swait.ge [sflag:s26], $0x6C00  }
0x25c: {  	[sflag:s26] =	ssyncset.done $0x0  }
0x25d: {  	s2 =	rddreg [dreg:$0x9];
	[sflag:s26] =	ssyncadd.s32 $0xFFFF9400  }
0x25e: {  	p0 =	sne.s32 s0, $0x1  }
.Ltmp31:
0x25f: {  	_ = 	snop;
	(pc) =	sbr.rel @!p0 .LBB2_39-.Ltmp31, $3  }
0x260: {  	_ =	sdelay $0x1  }
0x261: {  	_ =	swait.ge [sflag:s21], $0x6C00  }
0x262: {  	s0 =	sadd.s32 $0xFFFFFFFF, s0;
	[sflag:s21] =	ssyncset.done $0x0  }
.LBB2_38:
0x263: {  	p0 =	sne.s32 s0, $0x1;
	s0 =	sadd.s32 $0xFFFFFFFF, s0;
	[sflag:s21] =	ssyncadd.s32 $0xFFFF9400  }
.Ltmp32:
0x264: {  	(pc) =	sbr.rel @p0 .LBB2_38-.Ltmp32, $3  }
0x265: {  	_ =	sdelay $0x1  }
0x266: {  	_ =	swait.ge [sflag:s21], $0x6C00  }
0x267: {  	[sflag:s21] =	ssyncset.done $0x0  }
.Ltmp33:
0x268: {  	_ = 	snop;
	(pc) =	sbr.rel .LBB2_39-.Ltmp33, $1  }
0x269: {  	_ =	sdelay $0x3  }
.LBB2_41:
0x26a: {  	_ =	sfence.sel $0x180000  }
0x26b: {  	[bflag:$0x0] =	sbarrier.arrive $0xFFFF  }
0x26c: {  	_ =	strace $0x90000047  }
0x26d: {  	s0 =	stileid.u32;
	[bflag:$0x2] =	sbarrier.arrive $0xFFFF  }
0x26e: {  	p0 =	sne.s32 s0, $0x0;
	s0 =	rddreg [dreg:$0x3]  }
0x26f: {  	s0 =	sadd.s32 @!p0 $0x100000, s0  }
0x270: {  	[sflag:s0] =	ssyncadd.tile.s32 @!p0 $0x1;
	_ =	shalt  }
.Lfunc_end2:
_tile_overlayer_lowered:
.L_overlay_start_2:
0x271: {  	(tag) =	ssettag $0x2  }
0x272: {  	s0 =	rddreg [dreg:$0x0];
	s2 =	stileid.u32  }
0x273: {  	s1 =	rddreg [dreg:$0x1];
	p0 =	sne.s32 s2, $0x0  }
0x274: {  	s3 =	rddreg [dreg:$0x2];
	[bflag:$0x3] =	sbarrier.arrive $0xFFFF;
	s2 =	simm.s32 @!p0 $0x1C09  }
0x275: {  	[timem:s3], [sflag:s2] =	dma.local @!p0 [hbm:s0], s1  }
0x276: {  	s0 =	simm.s32 @!p0 $0x9  }
0x277: {  	_ =	swait.ge @!p0 [sflag:s0], s1  }
0x278: {  	s1 =	ssub.s32 @!p0 $0x0, s1;
	[sflag:s0] =	ssyncset.done @!p0 $0x0  }
0x279: {  	[sflag:s0] =	ssyncadd.s32 @!p0 s1  }
0x27a: {  	[bflag:$0x3] =	sbarrier.arrive $0xFFFF  }
0x27b: {  	_ =	shalt  }

</sc_bundles>
